<compile_context>
chip_gen: v7x
topology: tpu7x:2x2x1
jax: 0.10.2.dev20260603
libtpu: 0.0.44.dev20260713+nightly
codegen_flags: <defaults>
</compile_context>

<pallas_src>
import functools
import math

import jax
import jax.numpy as jnp
from jax import lax
from jax.experimental import pallas as pl
from jax.experimental.pallas import tpu as pltpu
from jax.experimental.pallas import tpu_sc as plsc

_INV_SQRT_PI = 1.0 / math.sqrt(math.pi)
_CUT2 = 9.0

_ROWS = 8192
_COLS = 4096

_NC = 2
_NS = 16
_NW = _NC * _NS
_LANES = 16
_SC_CH = 4
_UNROLL = 8


def _sc_compute(bm_v, bv_v, c_v, o_v):
    for r in range(_SC_CH):
        c_b = c_v[r, :]
        nc2 = -(c_b * c_b)
        k_out = c_b * jnp.float32(_INV_SQRT_PI)
        k_cut = jnp.float32(_CUT2) / (c_b * c_b)

        def col_body(j, carry, r=r, nc2=nc2, k_out=k_out, k_cut=k_cut):
            base = j * (_UNROLL * _LANES)
            for u in range(_UNROLL):
                s0 = base + u * _LANES
                d = bm_v[r, pl.ds(s0, _LANES)] - bv_v[r, pl.ds(s0, _LANES)]
                s = d * d
                val = jnp.exp(s * nc2) * k_out
                o_v[r, pl.ds(s0, _LANES)] = jnp.where(
                    s <= k_cut, val, jnp.float32(0.0))
            return carry

        lax.fori_loop(0, _COLS // (_UNROLL * _LANES), col_body, 0)


def _make_sc(rows):
    rpw = rows // _NW
    nchunks = rpw // _SC_CH
    npairs = nchunks // 2
    mesh = plsc.VectorSubcoreMesh(core_axis_name="c", subcore_axis_name="s")

    buf = lambda: pltpu.VMEM((_SC_CH, _COLS), jnp.float32)
    cbuf = lambda: pltpu.VMEM((_SC_CH, _LANES), jnp.float32)

    @functools.partial(
        pl.kernel,
        mesh=mesh,
        out_type=jax.ShapeDtypeStruct((rows, _COLS), jnp.float32),
        scratch_types=[
            buf(), buf(), cbuf(), buf(),
            buf(), buf(), cbuf(), buf(),
            pltpu.SemaphoreType.DMA,
            pltpu.SemaphoreType.DMA,
            pltpu.SemaphoreType.DMA,
            pltpu.SemaphoreType.DMA,
        ],
    )
    def sc_kernel(bm_hbm, c_hbm, bv_hbm, out_hbm,
                  bm_a, bv_a, c_a, o_a, bm_b, bv_b, c_b, o_b,
                  sem_ia, sem_ib, sem_oa, sem_ob):
        wid = lax.axis_index("s") * _NC + lax.axis_index("c")
        base_row = wid * rpw

        def start_in(chunk, bm_v, bv_v, c_v, sem):
            row0 = base_row + chunk * _SC_CH
            pltpu.async_copy(bm_hbm.at[pl.ds(row0, _SC_CH)], bm_v, sem)
            pltpu.async_copy(bv_hbm.at[pl.ds(row0, _SC_CH)], bv_v, sem)
            pltpu.async_copy(c_hbm.at[pl.ds(row0, _SC_CH)], c_v, sem)

        def wait_in(bm_v, bv_v, c_v, sem):
            pltpu.make_async_copy(bm_hbm.at[pl.ds(base_row, _SC_CH)], bm_v,
                                  sem).wait()
            pltpu.make_async_copy(bv_hbm.at[pl.ds(base_row, _SC_CH)], bv_v,
                                  sem).wait()
            pltpu.make_async_copy(c_hbm.at[pl.ds(base_row, _SC_CH)], c_v,
                                  sem).wait()

        def start_out(chunk, o_v, sem):
            row0 = base_row + chunk * _SC_CH
            pltpu.async_copy(o_v, out_hbm.at[pl.ds(row0, _SC_CH)], sem)

        def wait_out(o_v, sem):
            pltpu.make_async_copy(o_v, out_hbm.at[pl.ds(base_row, _SC_CH)],
                                  sem).wait()

        start_in(0, bm_a, bv_a, c_a, sem_ia)

        def pair_body(g, carry):
            ch0 = 2 * g
            start_in(ch0 + 1, bm_b, bv_b, c_b, sem_ib)
            wait_in(bm_a, bv_a, c_a, sem_ia)

            @pl.when(g > 0)
            def _():
                wait_out(o_a, sem_oa)

            _sc_compute(bm_a, bv_a, c_a, o_a)
            start_out(ch0, o_a, sem_oa)

            @pl.when(g < npairs - 1)
            def _():
                start_in(ch0 + 2, bm_a, bv_a, c_a, sem_ia)

            wait_in(bm_b, bv_b, c_b, sem_ib)

            @pl.when(g > 0)
            def _():
                wait_out(o_b, sem_ob)

            _sc_compute(bm_b, bv_b, c_b, o_b)
            start_out(ch0 + 1, o_b, sem_ob)
            return carry

        lax.fori_loop(0, npairs, pair_body, 0)
        wait_out(o_a, sem_oa)
        wait_out(o_b, sem_ob)

    return sc_kernel


_TC_BLOCK_ROWS = 256


def _tc_body(bm_ref, c_ref, bv_ref, o_ref):
    c = c_ref[...]
    arg = (bm_ref[...] - bv_ref[...]) * c
    absorption = jnp.exp(-(arg * arg)) * (c * jnp.float32(_INV_SQRT_PI))
    o_ref[...] = jnp.where(jnp.abs(arg) <= jnp.float32(3.0), absorption,
                           jnp.float32(0.0))


def _tc_call(B_mean, c_extended, B_val, row_start, n_rows):
    blk0 = row_start // _TC_BLOCK_ROWS
    grid = (n_rows // _TC_BLOCK_ROWS,)
    return pl.pallas_call(
        _tc_body,
        grid=grid,
        in_specs=[
            pl.BlockSpec((_TC_BLOCK_ROWS, _COLS), lambda i: (i + blk0, 0)),
            pl.BlockSpec((_TC_BLOCK_ROWS, 1), lambda i: (i + blk0, 0)),
            pl.BlockSpec((_TC_BLOCK_ROWS, _COLS), lambda i: (i + blk0, 0)),
        ],
        out_specs=pl.BlockSpec((_TC_BLOCK_ROWS, _COLS),
                               lambda i: (i + blk0, 0)),
        out_shape=jax.ShapeDtypeStruct((_ROWS, _COLS), jnp.float32),
    )(B_mean, c_extended, B_val)


_M_CH = 64


_NBUF = 8


def _tc_manual_body(row_start, bm_hbm, c_hbm, bv_hbm, o_hbm, c_all, *rest):
    bufs = rest[:3 * _NBUF]
    sems = rest[3 * _NBUF:]
    sem_c = sems[0]
    sem_in = sems[1:1 + _NBUF]
    sem_out = sems[1 + _NBUF:1 + 2 * _NBUF]
    bm_bufs = bufs[0::3]
    bv_bufs = bufs[1::3]
    o_bufs = bufs[2::3]

    nchunks = (_ROWS - row_start) // _M_CH
    ngroups = nchunks // _NBUF

    cp_c = pltpu.make_async_copy(c_hbm, c_all, sem_c)
    cp_c.start()

    def start_in(chunk, s):
        r0 = row_start + chunk * _M_CH
        pltpu.make_async_copy(bm_hbm.at[pl.ds(r0, _M_CH)], bm_bufs[s],
                              sem_in[s]).start()
        pltpu.make_async_copy(bv_hbm.at[pl.ds(r0, _M_CH)], bv_bufs[s],
                              sem_in[s]).start()

    def wait_in(s):
        pltpu.make_async_copy(bm_hbm.at[pl.ds(0, _M_CH)], bm_bufs[s],
                              sem_in[s]).wait()
        pltpu.make_async_copy(bv_hbm.at[pl.ds(0, _M_CH)], bv_bufs[s],
                              sem_in[s]).wait()

    def start_out(chunk, s):
        r0 = row_start + chunk * _M_CH
        pltpu.make_async_copy(o_bufs[s], o_hbm.at[pl.ds(r0, _M_CH)],
                              sem_out[s]).start()

    def wait_out(s):
        pltpu.make_async_copy(o_bufs[s], o_hbm.at[pl.ds(0, _M_CH)],
                              sem_out[s]).wait()

    def compute(chunk, s):
        r0 = row_start + chunk * _M_CH
        c = c_all[pl.ds(r0, _M_CH), :]
        arg = (bm_bufs[s][...] - bv_bufs[s][...]) * c
        absorption = jnp.exp(-(arg * arg)) * (c * jnp.float32(_INV_SQRT_PI))
        o_bufs[s][...] = jnp.where(jnp.abs(arg) <= jnp.float32(3.0),
                                   absorption, jnp.float32(0.0))

    for s in range(_NBUF - 1):
        start_in(s, s)
    cp_c.wait()

    def group_body(g, carry):
        ch0 = g * _NBUF
        for s in range(_NBUF):
            chunk = ch0 + s

            @pl.when(chunk + _NBUF - 1 < nchunks)
            def _(chunk=chunk, s=s):
                start_in(chunk + _NBUF - 1, (s + _NBUF - 1) % _NBUF)

            wait_in(s)

            @pl.when(g > 0)
            def _(s=s):
                wait_out(s)

            compute(chunk, s)
            start_out(chunk, s)
        return carry

    lax.fori_loop(0, ngroups, group_body, 0)
    for s in range(_NBUF):
        wait_out(s)


def _tc_manual(B_mean, c_extended, B_val, row_start=0):
    buf = lambda: pltpu.VMEM((_M_CH, _COLS), jnp.float32)
    return pl.pallas_call(
        functools.partial(_tc_manual_body, row_start),
        in_specs=[
            pl.BlockSpec(memory_space=pltpu.MemorySpace.HBM),
            pl.BlockSpec(memory_space=pltpu.MemorySpace.HBM),
            pl.BlockSpec(memory_space=pltpu.MemorySpace.HBM),
        ],
        out_specs=pl.BlockSpec(memory_space=pltpu.MemorySpace.HBM),
        out_shape=jax.ShapeDtypeStruct((_ROWS, _COLS), jnp.float32),
        scratch_shapes=(
            [pltpu.VMEM((_ROWS, 1), jnp.float32)]
            + [buf() for _ in range(3 * _NBUF)]
            + [pltpu.SemaphoreType.DMA] * (1 + 2 * _NBUF)
        ),
    )(B_mean, c_extended, B_val)


_SC_ROWS = 512


@jax.jit
def kernel(B_mean, c_extended, B_val):
    c16 = jnp.broadcast_to(c_extended, (_ROWS, _LANES))
    sc_out = _make_sc(_SC_ROWS)(B_mean, c16, B_val)
    tc_out = _tc_manual(B_mean, c_extended, B_val, row_start=_SC_ROWS)
    return lax.dynamic_update_slice(tc_out, sc_out, (0, 0))

# --- scband reference (transcript-rebuilt; emitter-appended) ---
"""Pipeline reference for scband-zero-order-integrand-28724741275991 (READ-ONLY COPY).

The authoritative reference and input builder live on the scoring server;
editing this copy changes nothing except your own understanding.
"""

import jax, jax.numpy as jnp
import numpy as np
import math

PI_SQRT = math.sqrt(math.pi)
CUTOFF = 3.0


def setup_inputs(seed: int = 0) -> dict:
    key = jax.random.key(seed)
    k1, k2, k3 = jax.random.split(key, 3)
    B_mean = jax.random.normal(k1, (8192, 4096), dtype=jnp.float32)
    c_extended = jax.random.uniform(k2, (8192, 1), dtype=jnp.float32)
    B_val = jax.random.normal(k3, (8192, 4096), dtype=jnp.float32)
    return {"B_mean": B_mean, "c_extended": c_extended, "B_val": B_val}


def reference(B_mean, c_extended, B_val):
    # harmonic == 0 -> absorption branch
    arg = (B_mean - B_val) * c_extended
    c_exp = jnp.broadcast_to(c_extended, arg.shape)
    mask = jnp.abs(arg) <= CUTOFF
    absorption = jnp.exp(-jnp.square(arg)) * c_exp / jnp.float32(PI_SQRT)
    out = jnp.where(mask, absorption, jnp.float32(0.0))
    return out

if __name__ == "__main__":
    import jax
    _d = setup_inputs()
    print(jax.jit(kernel)(*tuple(_d.values())))

</pallas_src>

<mosaic_0001>
#map = affine_map<(d0, d1) -> (0, 0)>
module attributes {stable_mosaic.version = 14 : i64} {
  func.func @sc_kernel(%arg0: i32, %arg1: i32, %arg2: memref<8192x4096xf32, #tpu.memory_space<hbm>>, %arg3: memref<8192x16xf32, #tpu.memory_space<hbm>>, %arg4: memref<8192x4096xf32, #tpu.memory_space<hbm>>, %arg5: memref<512x4096xf32, #tpu.memory_space<hbm>>, %arg6: memref<4x4096xf32, #tpu.memory_space<vmem>>, %arg7: memref<4x4096xf32, #tpu.memory_space<vmem>>, %arg8: memref<4x16xf32, #tpu.memory_space<vmem>>, %arg9: memref<4x4096xf32, #tpu.memory_space<vmem>>, %arg10: memref<4x4096xf32, #tpu.memory_space<vmem>>, %arg11: memref<4x4096xf32, #tpu.memory_space<vmem>>, %arg12: memref<4x16xf32, #tpu.memory_space<vmem>>, %arg13: memref<4x4096xf32, #tpu.memory_space<vmem>>, %arg14: memref<!tpu.dma_semaphore, #tpu.memory_space<semaphore_mem>>, %arg15: memref<!tpu.dma_semaphore, #tpu.memory_space<semaphore_mem>>, %arg16: memref<!tpu.dma_semaphore, #tpu.memory_space<semaphore_mem>>, %arg17: memref<!tpu.dma_semaphore, #tpu.memory_space<semaphore_mem>>) attributes {dimension_semantics = [#tpu.dimension_semantics<core_parallel>, #tpu.dimension_semantics<subcore_parallel>], iteration_bounds = array<i64: 2, 16>, scalar_prefetch = 0 : i64, scratch_operands = 12 : i64, tpu.core_type = #tpu.core_type<sc_vector_subcore>, window_params = [{transform_indices = #map}, {transform_indices = #map}, {transform_indices = #map}, {transform_indices = #map}]} {
    %mul3A = arith.constant 2 : i32
    %mul3A_0 = arith.muli %arg1, %mul3A : i32
    %add3A = arith.addi %mul3A_0, %arg0 : i32
    %mul3A_1 = arith.constant 16 : i32
    %mul3A_2 = arith.muli %add3A, %mul3A_1 : i32
    %add3A_3 = arith.constant 0 : i32
    %add3A_4 = arith.addi %mul3A_2, %add3A_3 : i32
    %dma_start3A = arith.constant 0 : i32
    %dma_start3A_5 = tpu.memref_slice %arg2[%add3A_4, %dma_start3A] : memref<8192x4096xf32, #tpu.memory_space<hbm>> -> memref<4x4096xf32, #tpu.memory_space<hbm>>
    %dma_start3A_6 = arith.constant 0 : i32
    %dma_start3A_7 = tpu.memref_slice %arg2[%add3A_4, %dma_start3A_6] : memref<8192x4096xf32, #tpu.memory_space<hbm>> -> memref<4x4096xf32, #tpu.memory_space<hbm>>
    tpu.enqueue_dma source(%dma_start3A_7 : memref<4x4096xf32, #tpu.memory_space<hbm>>) target(%arg6 : memref<4x4096xf32, #tpu.memory_space<vmem>>) target_semaphore(%arg14 : memref<!tpu.dma_semaphore, #tpu.memory_space<semaphore_mem>>)
    %dma_start3A_8 = arith.constant 0 : i32
    %dma_start3A_9 = tpu.memref_slice %arg4[%add3A_4, %dma_start3A_8] : memref<8192x4096xf32, #tpu.memory_space<hbm>> -> memref<4x4096xf32, #tpu.memory_space<hbm>>
    %dma_start3A_10 = arith.constant 0 : i32
    %dma_start3A_11 = tpu.memref_slice %arg4[%add3A_4, %dma_start3A_10] : memref<8192x4096xf32, #tpu.memory_space<hbm>> -> memref<4x4096xf32, #tpu.memory_space<hbm>>
    tpu.enqueue_dma source(%dma_start3A_11 : memref<4x4096xf32, #tpu.memory_space<hbm>>) target(%arg7 : memref<4x4096xf32, #tpu.memory_space<vmem>>) target_semaphore(%arg14 : memref<!tpu.dma_semaphore, #tpu.memory_space<semaphore_mem>>)
    %dma_start3A_12 = arith.constant 0 : i32
    %dma_start3A_13 = tpu.memref_slice %arg3[%add3A_4, %dma_start3A_12] : memref<8192x16xf32, #tpu.memory_space<hbm>> -> memref<4x16xf32, #tpu.memory_space<hbm>>
    %dma_start3A_14 = arith.constant 0 : i32
    %dma_start3A_15 = tpu.memref_slice %arg3[%add3A_4, %dma_start3A_14] : memref<8192x16xf32, #tpu.memory_space<hbm>> -> memref<4x16xf32, #tpu.memory_space<hbm>>
    tpu.enqueue_dma source(%dma_start3A_15 : memref<4x16xf32, #tpu.memory_space<hbm>>) target(%arg8 : memref<4x16xf32, #tpu.memory_space<vmem>>) target_semaphore(%arg14 : memref<!tpu.dma_semaphore, #tpu.memory_space<semaphore_mem>>)
    %scan3A = arith.constant 0 : i32
    %scan3A_16 = arith.constant 0 : i32
    %scan3A_17 = arith.constant 2 : i32
    %scan3A_18 = arith.addi %scan3A_16, %scan3A_17 : i32
    %scan3A_19 = arith.constant 1 : i32
    scf.for %scan3A_28 = %scan3A_16 to %scan3A_18 step %scan3A_19  : i32 {
      %mul3A_29 = arith.constant 2 : i32
      %mul3A_30 = arith.muli %mul3A_29, %scan3A_28 : i32
      %add3A_31 = arith.constant 1 : i32
      %add3A_32 = arith.addi %mul3A_30, %add3A_31 : i32
      %mul3A_33 = arith.constant 4 : i32
      %mul3A_34 = arith.muli %add3A_32, %mul3A_33 : i32
      %add3A_35 = arith.addi %mul3A_2, %mul3A_34 : i32
      %dma_start3A_36 = arith.constant 0 : i32
      %dma_start3A_37 = tpu.memref_slice %arg2[%add3A_35, %dma_start3A_36] : memref<8192x4096xf32, #tpu.memory_space<hbm>> -> memref<4x4096xf32, #tpu.memory_space<hbm>>
      %dma_start3A_38 = arith.constant 0 : i32
      %dma_start3A_39 = tpu.memref_slice %arg2[%add3A_35, %dma_start3A_38] : memref<8192x4096xf32, #tpu.memory_space<hbm>> -> memref<4x4096xf32, #tpu.memory_space<hbm>>
      tpu.enqueue_dma source(%dma_start3A_39 : memref<4x4096xf32, #tpu.memory_space<hbm>>) target(%arg10 : memref<4x4096xf32, #tpu.memory_space<vmem>>) target_semaphore(%arg15 : memref<!tpu.dma_semaphore, #tpu.memory_space<semaphore_mem>>)
      %dma_start3A_40 = arith.constant 0 : i32
      %dma_start3A_41 = tpu.memref_slice %arg4[%add3A_35, %dma_start3A_40] : memref<8192x4096xf32, #tpu.memory_space<hbm>> -> memref<4x4096xf32, #tpu.memory_space<hbm>>
      %dma_start3A_42 = arith.constant 0 : i32
      %dma_start3A_43 = tpu.memref_slice %arg4[%add3A_35, %dma_start3A_42] : memref<8192x4096xf32, #tpu.memory_space<hbm>> -> memref<4x4096xf32, #tpu.memory_space<hbm>>
      tpu.enqueue_dma source(%dma_start3A_43 : memref<4x4096xf32, #tpu.memory_space<hbm>>) target(%arg11 : memref<4x4096xf32, #tpu.memory_space<vmem>>) target_semaphore(%arg15 : memref<!tpu.dma_semaphore, #tpu.memory_space<semaphore_mem>>)
      %dma_start3A_44 = arith.constant 0 : i32
      %dma_start3A_45 = tpu.memref_slice %arg3[%add3A_35, %dma_start3A_44] : memref<8192x16xf32, #tpu.memory_space<hbm>> -> memref<4x16xf32, #tpu.memory_space<hbm>>
      %dma_start3A_46 = arith.constant 0 : i32
      %dma_start3A_47 = tpu.memref_slice %arg3[%add3A_35, %dma_start3A_46] : memref<8192x16xf32, #tpu.memory_space<hbm>> -> memref<4x16xf32, #tpu.memory_space<hbm>>
      tpu.enqueue_dma source(%dma_start3A_47 : memref<4x16xf32, #tpu.memory_space<hbm>>) target(%arg12 : memref<4x16xf32, #tpu.memory_space<vmem>>) target_semaphore(%arg15 : memref<!tpu.dma_semaphore, #tpu.memory_space<semaphore_mem>>)
      %dma_wait3A_48 = arith.constant 0 : i32
      %dma_wait3A_49 = tpu.memref_slice %arg2[%mul3A_2, %dma_wait3A_48] : memref<8192x4096xf32, #tpu.memory_space<hbm>> -> memref<4x4096xf32, #tpu.memory_space<hbm>>
      %dma_wait3A_50 = arith.constant 0 : i32
      %dma_wait3A_51 = tpu.memref_slice %arg2[%mul3A_2, %dma_wait3A_50] : memref<8192x4096xf32, #tpu.memory_space<hbm>> -> memref<4x4096xf32, #tpu.memory_space<hbm>>
      tpu.wait_dma2 semaphore(%arg14 : memref<!tpu.dma_semaphore, #tpu.memory_space<semaphore_mem>>) src(%dma_wait3A_51 : memref<4x4096xf32, #tpu.memory_space<hbm>>) dst(%arg6 : memref<4x4096xf32, #tpu.memory_space<vmem>>)
      %dma_wait3A_52 = arith.constant 0 : i32
      %dma_wait3A_53 = tpu.memref_slice %arg4[%mul3A_2, %dma_wait3A_52] : memref<8192x4096xf32, #tpu.memory_space<hbm>> -> memref<4x4096xf32, #tpu.memory_space<hbm>>
      %dma_wait3A_54 = arith.constant 0 : i32
      %dma_wait3A_55 = tpu.memref_slice %arg4[%mul3A_2, %dma_wait3A_54] : memref<8192x4096xf32, #tpu.memory_space<hbm>> -> memref<4x4096xf32, #tpu.memory_space<hbm>>
      tpu.wait_dma2 semaphore(%arg14 : memref<!tpu.dma_semaphore, #tpu.memory_space<semaphore_mem>>) src(%dma_wait3A_55 : memref<4x4096xf32, #tpu.memory_space<hbm>>) dst(%arg7 : memref<4x4096xf32, #tpu.memory_space<vmem>>)
      %dma_wait3A_56 = arith.constant 0 : i32
      %dma_wait3A_57 = tpu.memref_slice %arg3[%mul3A_2, %dma_wait3A_56] : memref<8192x16xf32, #tpu.memory_space<hbm>> -> memref<4x16xf32, #tpu.memory_space<hbm>>
      %dma_wait3A_58 = arith.constant 0 : i32
      %dma_wait3A_59 = tpu.memref_slice %arg3[%mul3A_2, %dma_wait3A_58] : memref<8192x16xf32, #tpu.memory_space<hbm>> -> memref<4x16xf32, #tpu.memory_space<hbm>>
      tpu.wait_dma2 semaphore(%arg14 : memref<!tpu.dma_semaphore, #tpu.memory_space<semaphore_mem>>) src(%dma_wait3A_59 : memref<4x16xf32, #tpu.memory_space<hbm>>) dst(%arg8 : memref<4x16xf32, #tpu.memory_space<vmem>>)
      %gt3A = arith.constant 0 : i32
      %gt3A_60 = arith.cmpi sgt, %scan3A_28, %gt3A : i32
      %convert_element_type3A = arith.extui %gt3A_60 : i1 to i32
      %cond3A = arith.constant 0 : i32
      %cond3A_61 = arith.cmpi ne, %convert_element_type3A, %cond3A : i32
      scf.if %cond3A_61 {
        %dma_wait3A_272 = arith.constant 0 : i32
        %dma_wait3A_273 = tpu.memref_slice %arg5[%mul3A_2, %dma_wait3A_272] : memref<512x4096xf32, #tpu.memory_space<hbm>> -> memref<4x4096xf32, #tpu.memory_space<hbm>>
        %dma_wait3A_274 = arith.constant 0 : i32
        %dma_wait3A_275 = tpu.memref_slice %arg5[%mul3A_2, %dma_wait3A_274] : memref<512x4096xf32, #tpu.memory_space<hbm>> -> memref<4x4096xf32, #tpu.memory_space<hbm>>
        tpu.wait_dma2 semaphore(%arg16 : memref<!tpu.dma_semaphore, #tpu.memory_space<semaphore_mem>>) src(%arg9 : memref<4x4096xf32, #tpu.memory_space<vmem>>) dst(%dma_wait3A_275 : memref<4x4096xf32, #tpu.memory_space<hbm>>)
      } else {
      }
      %get3A = arith.constant 0 : i32
      %get3A_62 = arith.index_cast %get3A : i32 to index
      %get3A_63 = arith.constant 0 : index
      %get3A_64 = tpu.vector_load %arg8[%get3A_62, %get3A_63] {strides = array<i32>} : memref<4x16xf32, #tpu.memory_space<vmem>>, vector<1x16xf32>,
      %get3A_65 = vector.shape_cast %get3A_64 : vector<1x16xf32> to vector<16xf32>
      %mul3A_66 = arith.mulf %get3A_65, %get3A_65 : vector<16xf32>
      %neg3A = arith.constant 0.000000e+00 : f32
      %neg3A_67 = vector.broadcast %neg3A : f32 to vector<16xf32>
      %neg3A_68 = arith.subf %neg3A_67, %mul3A_66 : vector<16xf32>
      %mul3A_69 = arith.constant 0.564189613 : f32
      %mul3A_70 = vector.broadcast %mul3A_69 : f32 to vector<16xf32>
      %mul3A_71 = arith.mulf %get3A_65, %mul3A_70 : vector<16xf32>
      %mul3A_72 = arith.mulf %get3A_65, %get3A_65 : vector<16xf32>
      %div3A = arith.constant 9.000000e+00 : f32
      %div3A_73 = vector.broadcast %div3A : f32 to vector<16xf32>
      %div3A_74 = arith.divf %div3A_73, %mul3A_72 : vector<16xf32>
      %scan3A_75 = arith.constant 0 : i32
      %scan3A_76 = arith.constant 0 : i32
      %scan3A_77 = arith.constant 32 : i32
      %scan3A_78 = arith.addi %scan3A_76, %scan3A_77 : i32
      %scan3A_79 = arith.constant 1 : i32
      scf.for %scan3A_272 = %scan3A_76 to %scan3A_78 step %scan3A_79  : i32 {
        %mul3A_273 = arith.constant 128 : i32
        %mul3A_274 = arith.muli %scan3A_272, %mul3A_273 : i32
        %add3A_275 = arith.constant 0 : i32
        %add3A_276 = arith.addi %mul3A_274, %add3A_275 : i32
        %get3A_277 = arith.constant 0 : i32
        %get3A_278 = arith.index_cast %get3A_277 : i32 to index
        %get3A_279 = arith.index_cast %add3A_276 : i32 to index
        %get3A_280 = tpu.vector_load %arg6[%get3A_278, %get3A_279] {strides = array<i32>} : memref<4x4096xf32, #tpu.memory_space<vmem>>, vector<1x16xf32>,
        %get3A_281 = vector.shape_cast %get3A_280 : vector<1x16xf32> to vector<16xf32>
        %get3A_282 = arith.constant 0 : i32
        %get3A_283 = arith.index_cast %get3A_282 : i32 to index
        %get3A_284 = arith.index_cast %add3A_276 : i32 to index
        %get3A_285 = tpu.vector_load %arg7[%get3A_283, %get3A_284] {strides = array<i32>} : memref<4x4096xf32, #tpu.memory_space<vmem>>, vector<1x16xf32>,
        %get3A_286 = vector.shape_cast %get3A_285 : vector<1x16xf32> to vector<16xf32>
        %sub3A = arith.subf %get3A_281, %get3A_286 : vector<16xf32>
        %mul3A_287 = arith.mulf %sub3A, %sub3A : vector<16xf32>
        %mul3A_288 = arith.mulf %mul3A_287, %neg3A_68 : vector<16xf32>
        %exp3A = math.exp %mul3A_288 : vector<16xf32>
        %mul3A_289 = arith.mulf %exp3A, %mul3A_71 : vector<16xf32>
        %le3A = arith.cmpf ole, %mul3A_287, %div3A_74 : vector<16xf32>
        %jit3A = arith.constant 0.000000e+00 : f32
        %broadcast_in_dim3A = vector.broadcast %jit3A : f32 to vector<16xf32>
        %select_n3A = arith.select %le3A, %mul3A_289, %broadcast_in_dim3A : vector<16xi1>, vector<16xf32>
        %swap3A = arith.constant 0 : i32
        %swap3A_290 = arith.index_cast %swap3A : i32 to index
        %swap3A_291 = arith.index_cast %add3A_276 : i32 to index
        %swap3A_292 = tpu.vector_load %arg9[%swap3A_290, %swap3A_291] {strides = array<i32>} : memref<4x4096xf32, #tpu.memory_space<vmem>>, vector<1x16xf32>,
        %swap3A_293 = vector.shape_cast %swap3A_292 : vector<1x16xf32> to vector<16xf32>
        %swap3A_294 = vector.shape_cast %select_n3A : vector<16xf32> to vector<1x16xf32>
        tpu.vector_store %arg9[%swap3A_290, %swap3A_291], %swap3A_294 {strides = array<i32>} : memref<4x4096xf32, #tpu.memory_space<vmem>>, vector<1x16xf32>,
        %add3A_295 = arith.constant 16 : i32
        %add3A_296 = arith.addi %mul3A_274, %add3A_295 : i32
        %get3A_297 = arith.constant 0 : i32
        %get3A_298 = arith.index_cast %get3A_297 : i32 to index
        %get3A_299 = arith.index_cast %add3A_296 : i32 to index
        %get3A_300 = tpu.vector_load %arg6[%get3A_298, %get3A_299] {strides = array<i32>} : memref<4x4096xf32, #tpu.memory_space<vmem>>, vector<1x16xf32>,
        %get3A_301 = vector.shape_cast %get3A_300 : vector<1x16xf32> to vector<16xf32>
        %get3A_302 = arith.constant 0 : i32
        %get3A_303 = arith.index_cast %get3A_302 : i32 to index
        %get3A_304 = arith.index_cast %add3A_296 : i32 to index
        %get3A_305 = tpu.vector_load %arg7[%get3A_303, %get3A_304] {strides = array<i32>} : memref<4x4096xf32, #tpu.memory_space<vmem>>, vector<1x16xf32>,
        %get3A_306 = vector.shape_cast %get3A_305 : vector<1x16xf32> to vector<16xf32>
        %sub3A_307 = arith.subf %get3A_301, %get3A_306 : vector<16xf32>
        %mul3A_308 = arith.mulf %sub3A_307, %sub3A_307 : vector<16xf32>
        %mul3A_309 = arith.mulf %mul3A_308, %neg3A_68 : vector<16xf32>
        %exp3A_310 = math.exp %mul3A_309 : vector<16xf32>
        %mul3A_311 = arith.mulf %exp3A_310, %mul3A_71 : vector<16xf32>
        %le3A_312 = arith.cmpf ole, %mul3A_308, %div3A_74 : vector<16xf32>
        %jit3A_313 = arith.constant 0.000000e+00 : f32
        %broadcast_in_dim3A_314 = vector.broadcast %jit3A_313 : f32 to vector<16xf32>
        %select_n3A_315 = arith.select %le3A_312, %mul3A_311, %broadcast_in_dim3A_314 : vector<16xi1>, vector<16xf32>
        %swap3A_316 = arith.constant 0 : i32
        %swap3A_317 = arith.index_cast %swap3A_316 : i32 to index
        %swap3A_318 = arith.index_cast %add3A_296 : i32 to index
        %swap3A_319 = tpu.vector_load %arg9[%swap3A_317, %swap3A_318] {strides = array<i32>} : memref<4x4096xf32, #tpu.memory_space<vmem>>, vector<1x16xf32>,
        %swap3A_320 = vector.shape_cast %swap3A_319 : vector<1x16xf32> to vector<16xf32>
        %swap3A_321 = vector.shape_cast %select_n3A_315 : vector<16xf32> to vector<1x16xf32>
        tpu.vector_store %arg9[%swap3A_317, %swap3A_318], %swap3A_321 {strides = array<i32>} : memref<4x4096xf32, #tpu.memory_space<vmem>>, vector<1x16xf32>,
        %add3A_322 = arith.constant 32 : i32
        %add3A_323 = arith.addi %mul3A_274, %add3A_322 : i32
        %get3A_324 = arith.constant 0 : i32
        %get3A_325 = arith.index_cast %get3A_324 : i32 to index
        %get3A_326 = arith.index_cast %add3A_323 : i32 to index
        %get3A_327 = tpu.vector_load %arg6[%get3A_325, %get3A_326] {strides = array<i32>} : memref<4x4096xf32, #tpu.memory_space<vmem>>, vector<1x16xf32>,
        %get3A_328 = vector.shape_cast %get3A_327 : vector<1x16xf32> to vector<16xf32>
        %get3A_329 = arith.constant 0 : i32
        %get3A_330 = arith.index_cast %get3A_329 : i32 to index
        %get3A_331 = arith.index_cast %add3A_323 : i32 to index
        %get3A_332 = tpu.vector_load %arg7[%get3A_330, %get3A_331] {strides = array<i32>} : memref<4x4096xf32, #tpu.memory_space<vmem>>, vector<1x16xf32>,
        %get3A_333 = vector.shape_cast %get3A_332 : vector<1x16xf32> to vector<16xf32>
        %sub3A_334 = arith.subf %get3A_328, %get3A_333 : vector<16xf32>
        %mul3A_335 = arith.mulf %sub3A_334, %sub3A_334 : vector<16xf32>
        %mul3A_336 = arith.mulf %mul3A_335, %neg3A_68 : vector<16xf32>
        %exp3A_337 = math.exp %mul3A_336 : vector<16xf32>
        %mul3A_338 = arith.mulf %exp3A_337, %mul3A_71 : vector<16xf32>
        %le3A_339 = arith.cmpf ole, %mul3A_335, %div3A_74 : vector<16xf32>
        %jit3A_340 = arith.constant 0.000000e+00 : f32
        %broadcast_in_dim3A_341 = vector.broadcast %jit3A_340 : f32 to vector<16xf32>
        %select_n3A_342 = arith.select %le3A_339, %mul3A_338, %broadcast_in_dim3A_341 : vector<16xi1>, vector<16xf32>
        %swap3A_343 = arith.constant 0 : i32
        %swap3A_344 = arith.index_cast %swap3A_343 : i32 to index
        %swap3A_345 = arith.index_cast %add3A_323 : i32 to index
        %swap3A_346 = tpu.vector_load %arg9[%swap3A_344, %swap3A_345] {strides = array<i32>} : memref<4x4096xf32, #tpu.memory_space<vmem>>, vector<1x16xf32>,
        %swap3A_347 = vector.shape_cast %swap3A_346 : vector<1x16xf32> to vector<16xf32>
        %swap3A_348 = vector.shape_cast %select_n3A_342 : vector<16xf32> to vector<1x16xf32>
        tpu.vector_store %arg9[%swap3A_344, %swap3A_345], %swap3A_348 {strides = array<i32>} : memref<4x4096xf32, #tpu.memory_space<vmem>>, vector<1x16xf32>,
        %add3A_349 = arith.constant 48 : i32
        %add3A_350 = arith.addi %mul3A_274, %add3A_349 : i32
        %get3A_351 = arith.constant 0 : i32
        %get3A_352 = arith.index_cast %get3A_351 : i32 to index
        %get3A_353 = arith.index_cast %add3A_350 : i32 to index
        %get3A_354 = tpu.vector_load %arg6[%get3A_352, %get3A_353] {strides = array<i32>} : memref<4x4096xf32, #tpu.memory_space<vmem>>, vector<1x16xf32>,
        %get3A_355 = vector.shape_cast %get3A_354 : vector<1x16xf32> to vector<16xf32>
        %get3A_356 = arith.constant 0 : i32
        %get3A_357 = arith.index_cast %get3A_356 : i32 to index
        %get3A_358 = arith.index_cast %add3A_350 : i32 to index
        %get3A_359 = tpu.vector_load %arg7[%get3A_357, %get3A_358] {strides = array<i32>} : memref<4x4096xf32, #tpu.memory_space<vmem>>, vector<1x16xf32>,
        %get3A_360 = vector.shape_cast %get3A_359 : vector<1x16xf32> to vector<16xf32>
        %sub3A_361 = arith.subf %get3A_355, %get3A_360 : vector<16xf32>
        %mul3A_362 = arith.mulf %sub3A_361, %sub3A_361 : vector<16xf32>
        %mul3A_363 = arith.mulf %mul3A_362, %neg3A_68 : vector<16xf32>
        %exp3A_364 = math.exp %mul3A_363 : vector<16xf32>
        %mul3A_365 = arith.mulf %exp3A_364, %mul3A_71 : vector<16xf32>
        %le3A_366 = arith.cmpf ole, %mul3A_362, %div3A_74 : vector<16xf32>
        %jit3A_367 = arith.constant 0.000000e+00 : f32
        %broadcast_in_dim3A_368 = vector.broadcast %jit3A_367 : f32 to vector<16xf32>
        %select_n3A_369 = arith.select %le3A_366, %mul3A_365, %broadcast_in_dim3A_368 : vector<16xi1>, vector<16xf32>
        %swap3A_370 = arith.constant 0 : i32
        %swap3A_371 = arith.index_cast %swap3A_370 : i32 to index
        %swap3A_372 = arith.index_cast %add3A_350 : i32 to index
        %swap3A_373 = tpu.vector_load %arg9[%swap3A_371, %swap3A_372] {strides = array<i32>} : memref<4x4096xf32, #tpu.memory_space<vmem>>, vector<1x16xf32>,
        %swap3A_374 = vector.shape_cast %swap3A_373 : vector<1x16xf32> to vector<16xf32>
        %swap3A_375 = vector.shape_cast %select_n3A_369 : vector<16xf32> to vector<1x16xf32>
        tpu.vector_store %arg9[%swap3A_371, %swap3A_372], %swap3A_375 {strides = array<i32>} : memref<4x4096xf32, #tpu.memory_space<vmem>>, vector<1x16xf32>,
        %add3A_376 = arith.constant 64 : i32
        %add3A_377 = arith.addi %mul3A_274, %add3A_376 : i32
        %get3A_378 = arith.constant 0 : i32
        %get3A_379 = arith.index_cast %get3A_378 : i32 to index
        %get3A_380 = arith.index_cast %add3A_377 : i32 to index
        %get3A_381 = tpu.vector_load %arg6[%get3A_379, %get3A_380] {strides = array<i32>} : memref<4x4096xf32, #tpu.memory_space<vmem>>, vector<1x16xf32>,
        %get3A_382 = vector.shape_cast %get3A_381 : vector<1x16xf32> to vector<16xf32>
        %get3A_383 = arith.constant 0 : i32
        %get3A_384 = arith.index_cast %get3A_383 : i32 to index
        %get3A_385 = arith.index_cast %add3A_377 : i32 to index
        %get3A_386 = tpu.vector_load %arg7[%get3A_384, %get3A_385] {strides = array<i32>} : memref<4x4096xf32, #tpu.memory_space<vmem>>, vector<1x16xf32>,
        %get3A_387 = vector.shape_cast %get3A_386 : vector<1x16xf32> to vector<16xf32>
        %sub3A_388 = arith.subf %get3A_382, %get3A_387 : vector<16xf32>
        %mul3A_389 = arith.mulf %sub3A_388, %sub3A_388 : vector<16xf32>
        %mul3A_390 = arith.mulf %mul3A_389, %neg3A_68 : vector<16xf32>
        %exp3A_391 = math.exp %mul3A_390 : vector<16xf32>
        %mul3A_392 = arith.mulf %exp3A_391, %mul3A_71 : vector<16xf32>
        %le3A_393 = arith.cmpf ole, %mul3A_389, %div3A_74 : vector<16xf32>
        %jit3A_394 = arith.constant 0.000000e+00 : f32
        %broadcast_in_dim3A_395 = vector.broadcast %jit3A_394 : f32 to vector<16xf32>
        %select_n3A_396 = arith.select %le3A_393, %mul3A_392, %broadcast_in_dim3A_395 : vector<16xi1>, vector<16xf32>
        %swap3A_397 = arith.constant 0 : i32
        %swap3A_398 = arith.index_cast %swap3A_397 : i32 to index
        %swap3A_399 = arith.index_cast %add3A_377 : i32 to index
        %swap3A_400 = tpu.vector_load %arg9[%swap3A_398, %swap3A_399] {strides = array<i32>} : memref<4x4096xf32, #tpu.memory_space<vmem>>, vector<1x16xf32>,
        %swap3A_401 = vector.shape_cast %swap3A_400 : vector<1x16xf32> to vector<16xf32>
        %swap3A_402 = vector.shape_cast %select_n3A_396 : vector<16xf32> to vector<1x16xf32>
        tpu.vector_store %arg9[%swap3A_398, %swap3A_399], %swap3A_402 {strides = array<i32>} : memref<4x4096xf32, #tpu.memory_space<vmem>>, vector<1x16xf32>,
        %add3A_403 = arith.constant 80 : i32
        %add3A_404 = arith.addi %mul3A_274, %add3A_403 : i32
        %get3A_405 = arith.constant 0 : i32
        %get3A_406 = arith.index_cast %get3A_405 : i32 to index
        %get3A_407 = arith.index_cast %add3A_404 : i32 to index
        %get3A_408 = tpu.vector_load %arg6[%get3A_406, %get3A_407] {strides = array<i32>} : memref<4x4096xf32, #tpu.memory_space<vmem>>, vector<1x16xf32>,
        %get3A_409 = vector.shape_cast %get3A_408 : vector<1x16xf32> to vector<16xf32>
        %get3A_410 = arith.constant 0 : i32
        %get3A_411 = arith.index_cast %get3A_410 : i32 to index
        %get3A_412 = arith.index_cast %add3A_404 : i32 to index
        %get3A_413 = tpu.vector_load %arg7[%get3A_411, %get3A_412] {strides = array<i32>} : memref<4x4096xf32, #tpu.memory_space<vmem>>, vector<1x16xf32>,
        %get3A_414 = vector.shape_cast %get3A_413 : vector<1x16xf32> to vector<16xf32>
        %sub3A_415 = arith.subf %get3A_409, %get3A_414 : vector<16xf32>
        %mul3A_416 = arith.mulf %sub3A_415, %sub3A_415 : vector<16xf32>
        %mul3A_417 = arith.mulf %mul3A_416, %neg3A_68 : vector<16xf32>
        %exp3A_418 = math.exp %mul3A_417 : vector<16xf32>
        %mul3A_419 = arith.mulf %exp3A_418, %mul3A_71 : vector<16xf32>
        %le3A_420 = arith.cmpf ole, %mul3A_416, %div3A_74 : vector<16xf32>
        %jit3A_421 = arith.constant 0.000000e+00 : f32
        %broadcast_in_dim3A_422 = vector.broadcast %jit3A_421 : f32 to vector<16xf32>
        %select_n3A_423 = arith.select %le3A_420, %mul3A_419, %broadcast_in_dim3A_422 : vector<16xi1>, vector<16xf32>
        %swap3A_424 = arith.constant 0 : i32
        %swap3A_425 = arith.index_cast %swap3A_424 : i32 to index
        %swap3A_426 = arith.index_cast %add3A_404 : i32 to index
        %swap3A_427 = tpu.vector_load %arg9[%swap3A_425, %swap3A_426] {strides = array<i32>} : memref<4x4096xf32, #tpu.memory_space<vmem>>, vector<1x16xf32>,
        %swap3A_428 = vector.shape_cast %swap3A_427 : vector<1x16xf32> to vector<16xf32>
        %swap3A_429 = vector.shape_cast %select_n3A_423 : vector<16xf32> to vector<1x16xf32>
        tpu.vector_store %arg9[%swap3A_425, %swap3A_426], %swap3A_429 {strides = array<i32>} : memref<4x4096xf32, #tpu.memory_space<vmem>>, vector<1x16xf32>,
        %add3A_430 = arith.constant 96 : i32
        %add3A_431 = arith.addi %mul3A_274, %add3A_430 : i32
        %get3A_432 = arith.constant 0 : i32
        %get3A_433 = arith.index_cast %get3A_432 : i32 to index
        %get3A_434 = arith.index_cast %add3A_431 : i32 to index
        %get3A_435 = tpu.vector_load %arg6[%get3A_433, %get3A_434] {strides = array<i32>} : memref<4x4096xf32, #tpu.memory_space<vmem>>, vector<1x16xf32>,
        %get3A_436 = vector.shape_cast %get3A_435 : vector<1x16xf32> to vector<16xf32>
        %get3A_437 = arith.constant 0 : i32
        %get3A_438 = arith.index_cast %get3A_437 : i32 to index
        %get3A_439 = arith.index_cast %add3A_431 : i32 to index
        %get3A_440 = tpu.vector_load %arg7[%get3A_438, %get3A_439] {strides = array<i32>} : memref<4x4096xf32, #tpu.memory_space<vmem>>, vector<1x16xf32>,
        %get3A_441 = vector.shape_cast %get3A_440 : vector<1x16xf32> to vector<16xf32>
        %sub3A_442 = arith.subf %get3A_436, %get3A_441 : vector<16xf32>
        %mul3A_443 = arith.mulf %sub3A_442, %sub3A_442 : vector<16xf32>
        %mul3A_444 = arith.mulf %mul3A_443, %neg3A_68 : vector<16xf32>
        %exp3A_445 = math.exp %mul3A_444 : vector<16xf32>
        %mul3A_446 = arith.mulf %exp3A_445, %mul3A_71 : vector<16xf32>
        %le3A_447 = arith.cmpf ole, %mul3A_443, %div3A_74 : vector<16xf32>
        %jit3A_448 = arith.constant 0.000000e+00 : f32
        %broadcast_in_dim3A_449 = vector.broadcast %jit3A_448 : f32 to vector<16xf32>
        %select_n3A_450 = arith.select %le3A_447, %mul3A_446, %broadcast_in_dim3A_449 : vector<16xi1>, vector<16xf32>
        %swap3A_451 = arith.constant 0 : i32
        %swap3A_452 = arith.index_cast %swap3A_451 : i32 to index
        %swap3A_453 = arith.index_cast %add3A_431 : i32 to index
        %swap3A_454 = tpu.vector_load %arg9[%swap3A_452, %swap3A_453] {strides = array<i32>} : memref<4x4096xf32, #tpu.memory_space<vmem>>, vector<1x16xf32>,
        %swap3A_455 = vector.shape_cast %swap3A_454 : vector<1x16xf32> to vector<16xf32>
        %swap3A_456 = vector.shape_cast %select_n3A_450 : vector<16xf32> to vector<1x16xf32>
        tpu.vector_store %arg9[%swap3A_452, %swap3A_453], %swap3A_456 {strides = array<i32>} : memref<4x4096xf32, #tpu.memory_space<vmem>>, vector<1x16xf32>,
        %add3A_457 = arith.constant 112 : i32
        %add3A_458 = arith.addi %mul3A_274, %add3A_457 : i32
        %get3A_459 = arith.constant 0 : i32
        %get3A_460 = arith.index_cast %get3A_459 : i32 to index
        %get3A_461 = arith.index_cast %add3A_458 : i32 to index
        %get3A_462 = tpu.vector_load %arg6[%get3A_460, %get3A_461] {strides = array<i32>} : memref<4x4096xf32, #tpu.memory_space<vmem>>, vector<1x16xf32>,
        %get3A_463 = vector.shape_cast %get3A_462 : vector<1x16xf32> to vector<16xf32>
        %get3A_464 = arith.constant 0 : i32
        %get3A_465 = arith.index_cast %get3A_464 : i32 to index
        %get3A_466 = arith.index_cast %add3A_458 : i32 to index
        %get3A_467 = tpu.vector_load %arg7[%get3A_465, %get3A_466] {strides = array<i32>} : memref<4x4096xf32, #tpu.memory_space<vmem>>, vector<1x16xf32>,
        %get3A_468 = vector.shape_cast %get3A_467 : vector<1x16xf32> to vector<16xf32>
        %sub3A_469 = arith.subf %get3A_463, %get3A_468 : vector<16xf32>
        %mul3A_470 = arith.mulf %sub3A_469, %sub3A_469 : vector<16xf32>
        %mul3A_471 = arith.mulf %mul3A_470, %neg3A_68 : vector<16xf32>
        %exp3A_472 = math.exp %mul3A_471 : vector<16xf32>
        %mul3A_473 = arith.mulf %exp3A_472, %mul3A_71 : vector<16xf32>
        %le3A_474 = arith.cmpf ole, %mul3A_470, %div3A_74 : vector<16xf32>
        %jit3A_475 = arith.constant 0.000000e+00 : f32
        %broadcast_in_dim3A_476 = vector.broadcast %jit3A_475 : f32 to vector<16xf32>
        %select_n3A_477 = arith.select %le3A_474, %mul3A_473, %broadcast_in_dim3A_476 : vector<16xi1>, vector<16xf32>
        %swap3A_478 = arith.constant 0 : i32
        %swap3A_479 = arith.index_cast %swap3A_478 : i32 to index
        %swap3A_480 = arith.index_cast %add3A_458 : i32 to index
        %swap3A_481 = tpu.vector_load %arg9[%swap3A_479, %swap3A_480] {strides = array<i32>} : memref<4x4096xf32, #tpu.memory_space<vmem>>, vector<1x16xf32>,
        %swap3A_482 = vector.shape_cast %swap3A_481 : vector<1x16xf32> to vector<16xf32>
        %swap3A_483 = vector.shape_cast %select_n3A_477 : vector<16xf32> to vector<1x16xf32>
        tpu.vector_store %arg9[%swap3A_479, %swap3A_480], %swap3A_483 {strides = array<i32>} : memref<4x4096xf32, #tpu.memory_space<vmem>>, vector<1x16xf32>,
      }
      %scan3A_80 = arith.constant 32 : i32
      %get3A_81 = arith.constant 1 : i32
      %get3A_82 = arith.index_cast %get3A_81 : i32 to index
      %get3A_83 = arith.constant 0 : index
      %get3A_84 = tpu.vector_load %arg8[%get3A_82, %get3A_83] {strides = array<i32>} : memref<4x16xf32, #tpu.memory_space<vmem>>, vector<1x16xf32>,
      %get3A_85 = vector.shape_cast %get3A_84 : vector<1x16xf32> to vector<16xf32>
      %mul3A_86 = arith.mulf %get3A_85, %get3A_85 : vector<16xf32>
      %neg3A_87 = arith.constant 0.000000e+00 : f32
      %neg3A_88 = vector.broadcast %neg3A_87 : f32 to vector<16xf32>
      %neg3A_89 = arith.subf %neg3A_88, %mul3A_86 : vector<16xf32>
      %mul3A_90 = arith.constant 0.564189613 : f32
      %mul3A_91 = vector.broadcast %mul3A_90 : f32 to vector<16xf32>
      %mul3A_92 = arith.mulf %get3A_85, %mul3A_91 : vector<16xf32>
      %mul3A_93 = arith.mulf %get3A_85, %get3A_85 : vector<16xf32>
      %div3A_94 = arith.constant 9.000000e+00 : f32
      %div3A_95 = vector.broadcast %div3A_94 : f32 to vector<16xf32>
      %div3A_96 = arith.divf %div3A_95, %mul3A_93 : vector<16xf32>
      %scan3A_97 = arith.constant 0 : i32
      %scan3A_98 = arith.constant 0 : i32
      %scan3A_99 = arith.constant 32 : i32
      %scan3A_100 = arith.addi %scan3A_98, %scan3A_99 : i32
      %scan3A_101 = arith.constant 1 : i32
      scf.for %scan3A_272 = %scan3A_98 to %scan3A_100 step %scan3A_101  : i32 {
        %mul3A_273 = arith.constant 128 : i32
        %mul3A_274 = arith.muli %scan3A_272, %mul3A_273 : i32
        %add3A_275 = arith.constant 0 : i32
        %add3A_276 = arith.addi %mul3A_274, %add3A_275 : i32
        %get3A_277 = arith.constant 1 : i32
        %get3A_278 = arith.index_cast %get3A_277 : i32 to index
        %get3A_279 = arith.index_cast %add3A_276 : i32 to index
        %get3A_280 = tpu.vector_load %arg6[%get3A_278, %get3A_279] {strides = array<i32>} : memref<4x4096xf32, #tpu.memory_space<vmem>>, vector<1x16xf32>,
        %get3A_281 = vector.shape_cast %get3A_280 : vector<1x16xf32> to vector<16xf32>
        %get3A_282 = arith.constant 1 : i32
        %get3A_283 = arith.index_cast %get3A_282 : i32 to index
        %get3A_284 = arith.index_cast %add3A_276 : i32 to index
        %get3A_285 = tpu.vector_load %arg7[%get3A_283, %get3A_284] {strides = array<i32>} : memref<4x4096xf32, #tpu.memory_space<vmem>>, vector<1x16xf32>,
        %get3A_286 = vector.shape_cast %get3A_285 : vector<1x16xf32> to vector<16xf32>
        %sub3A = arith.subf %get3A_281, %get3A_286 : vector<16xf32>
        %mul3A_287 = arith.mulf %sub3A, %sub3A : vector<16xf32>
        %mul3A_288 = arith.mulf %mul3A_287, %neg3A_89 : vector<16xf32>
        %exp3A = math.exp %mul3A_288 : vector<16xf32>
        %mul3A_289 = arith.mulf %exp3A, %mul3A_92 : vector<16xf32>
        %le3A = arith.cmpf ole, %mul3A_287, %div3A_96 : vector<16xf32>
        %jit3A = arith.constant 0.000000e+00 : f32
        %broadcast_in_dim3A = vector.broadcast %jit3A : f32 to vector<16xf32>
        %select_n3A = arith.select %le3A, %mul3A_289, %broadcast_in_dim3A : vector<16xi1>, vector<16xf32>
        %swap3A = arith.constant 1 : i32
        %swap3A_290 = arith.index_cast %swap3A : i32 to index
        %swap3A_291 = arith.index_cast %add3A_276 : i32 to index
        %swap3A_292 = tpu.vector_load %arg9[%swap3A_290, %swap3A_291] {strides = array<i32>} : memref<4x4096xf32, #tpu.memory_space<vmem>>, vector<1x16xf32>,
        %swap3A_293 = vector.shape_cast %swap3A_292 : vector<1x16xf32> to vector<16xf32>
        %swap3A_294 = vector.shape_cast %select_n3A : vector<16xf32> to vector<1x16xf32>
        tpu.vector_store %arg9[%swap3A_290, %swap3A_291], %swap3A_294 {strides = array<i32>} : memref<4x4096xf32, #tpu.memory_space<vmem>>, vector<1x16xf32>,
        %add3A_295 = arith.constant 16 : i32
        %add3A_296 = arith.addi %mul3A_274, %add3A_295 : i32
        %get3A_297 = arith.constant 1 : i32
        %get3A_298 = arith.index_cast %get3A_297 : i32 to index
        %get3A_299 = arith.index_cast %add3A_296 : i32 to index
        %get3A_300 = tpu.vector_load %arg6[%get3A_298, %get3A_299] {strides = array<i32>} : memref<4x4096xf32, #tpu.memory_space<vmem>>, vector<1x16xf32>,
        %get3A_301 = vector.shape_cast %get3A_300 : vector<1x16xf32> to vector<16xf32>
        %get3A_302 = arith.constant 1 : i32
        %get3A_303 = arith.index_cast %get3A_302 : i32 to index
        %get3A_304 = arith.index_cast %add3A_296 : i32 to index
        %get3A_305 = tpu.vector_load %arg7[%get3A_303, %get3A_304] {strides = array<i32>} : memref<4x4096xf32, #tpu.memory_space<vmem>>, vector<1x16xf32>,
        %get3A_306 = vector.shape_cast %get3A_305 : vector<1x16xf32> to vector<16xf32>
        %sub3A_307 = arith.subf %get3A_301, %get3A_306 : vector<16xf32>
        %mul3A_308 = arith.mulf %sub3A_307, %sub3A_307 : vector<16xf32>
        %mul3A_309 = arith.mulf %mul3A_308, %neg3A_89 : vector<16xf32>
        %exp3A_310 = math.exp %mul3A_309 : vector<16xf32>
        %mul3A_311 = arith.mulf %exp3A_310, %mul3A_92 : vector<16xf32>
        %le3A_312 = arith.cmpf ole, %mul3A_308, %div3A_96 : vector<16xf32>
        %jit3A_313 = arith.constant 0.000000e+00 : f32
        %broadcast_in_dim3A_314 = vector.broadcast %jit3A_313 : f32 to vector<16xf32>
        %select_n3A_315 = arith.select %le3A_312, %mul3A_311, %broadcast_in_dim3A_314 : vector<16xi1>, vector<16xf32>
        %swap3A_316 = arith.constant 1 : i32
        %swap3A_317 = arith.index_cast %swap3A_316 : i32 to index
        %swap3A_318 = arith.index_cast %add3A_296 : i32 to index
        %swap3A_319 = tpu.vector_load %arg9[%swap3A_317, %swap3A_318] {strides = array<i32>} : memref<4x4096xf32, #tpu.memory_space<vmem>>, vector<1x16xf32>,
        %swap3A_320 = vector.shape_cast %swap3A_319 : vector<1x16xf32> to vector<16xf32>
        %swap3A_321 = vector.shape_cast %select_n3A_315 : vector<16xf32> to vector<1x16xf32>
        tpu.vector_store %arg9[%swap3A_317, %swap3A_318], %swap3A_321 {strides = array<i32>} : memref<4x4096xf32, #tpu.memory_space<vmem>>, vector<1x16xf32>,
        %add3A_322 = arith.constant 32 : i32
        %add3A_323 = arith.addi %mul3A_274, %add3A_322 : i32
        %get3A_324 = arith.constant 1 : i32
        %get3A_325 = arith.index_cast %get3A_324 : i32 to index
        %get3A_326 = arith.index_cast %add3A_323 : i32 to index
        %get3A_327 = tpu.vector_load %arg6[%get3A_325, %get3A_326] {strides = array<i32>} : memref<4x4096xf32, #tpu.memory_space<vmem>>, vector<1x16xf32>,
        %get3A_328 = vector.shape_cast %get3A_327 : vector<1x16xf32> to vector<16xf32>
        %get3A_329 = arith.constant 1 : i32
        %get3A_330 = arith.index_cast %get3A_329 : i32 to index
        %get3A_331 = arith.index_cast %add3A_323 : i32 to index
        %get3A_332 = tpu.vector_load %arg7[%get3A_330, %get3A_331] {strides = array<i32>} : memref<4x4096xf32, #tpu.memory_space<vmem>>, vector<1x16xf32>,
        %get3A_333 = vector.shape_cast %get3A_332 : vector<1x16xf32> to vector<16xf32>
        %sub3A_334 = arith.subf %get3A_328, %get3A_333 : vector<16xf32>
        %mul3A_335 = arith.mulf %sub3A_334, %sub3A_334 : vector<16xf32>
        %mul3A_336 = arith.mulf %mul3A_335, %neg3A_89 : vector<16xf32>
        %exp3A_337 = math.exp %mul3A_336 : vector<16xf32>
        %mul3A_338 = arith.mulf %exp3A_337, %mul3A_92 : vector<16xf32>
        %le3A_339 = arith.cmpf ole, %mul3A_335, %div3A_96 : vector<16xf32>
        %jit3A_340 = arith.constant 0.000000e+00 : f32
        %broadcast_in_dim3A_341 = vector.broadcast %jit3A_340 : f32 to vector<16xf32>
        %select_n3A_342 = arith.select %le3A_339, %mul3A_338, %broadcast_in_dim3A_341 : vector<16xi1>, vector<16xf32>
        %swap3A_343 = arith.constant 1 : i32
        %swap3A_344 = arith.index_cast %swap3A_343 : i32 to index
        %swap3A_345 = arith.index_cast %add3A_323 : i32 to index
        %swap3A_346 = tpu.vector_load %arg9[%swap3A_344, %swap3A_345] {strides = array<i32>} : memref<4x4096xf32, #tpu.memory_space<vmem>>, vector<1x16xf32>,
        %swap3A_347 = vector.shape_cast %swap3A_346 : vector<1x16xf32> to vector<16xf32>
        %swap3A_348 = vector.shape_cast %select_n3A_342 : vector<16xf32> to vector<1x16xf32>
        tpu.vector_store %arg9[%swap3A_344, %swap3A_345], %swap3A_348 {strides = array<i32>} : memref<4x4096xf32, #tpu.memory_space<vmem>>, vector<1x16xf32>,
        %add3A_349 = arith.constant 48 : i32
        %add3A_350 = arith.addi %mul3A_274, %add3A_349 : i32
        %get3A_351 = arith.constant 1 : i32
        %get3A_352 = arith.index_cast %get3A_351 : i32 to index
        %get3A_353 = arith.index_cast %add3A_350 : i32 to index
        %get3A_354 = tpu.vector_load %arg6[%get3A_352, %get3A_353] {strides = array<i32>} : memref<4x4096xf32, #tpu.memory_space<vmem>>, vector<1x16xf32>,
        %get3A_355 = vector.shape_cast %get3A_354 : vector<1x16xf32> to vector<16xf32>
        %get3A_356 = arith.constant 1 : i32
        %get3A_357 = arith.index_cast %get3A_356 : i32 to index
        %get3A_358 = arith.index_cast %add3A_350 : i32 to index
        %get3A_359 = tpu.vector_load %arg7[%get3A_357, %get3A_358] {strides = array<i32>} : memref<4x4096xf32, #tpu.memory_space<vmem>>, vector<1x16xf32>,
        %get3A_360 = vector.shape_cast %get3A_359 : vector<1x16xf32> to vector<16xf32>
        %sub3A_361 = arith.subf %get3A_355, %get3A_360 : vector<16xf32>
        %mul3A_362 = arith.mulf %sub3A_361, %sub3A_361 : vector<16xf32>
        %mul3A_363 = arith.mulf %mul3A_362, %neg3A_89 : vector<16xf32>
        %exp3A_364 = math.exp %mul3A_363 : vector<16xf32>
        %mul3A_365 = arith.mulf %exp3A_364, %mul3A_92 : vector<16xf32>
        %le3A_366 = arith.cmpf ole, %mul3A_362, %div3A_96 : vector<16xf32>
        %jit3A_367 = arith.constant 0.000000e+00 : f32
        %broadcast_in_dim3A_368 = vector.broadcast %jit3A_367 : f32 to vector<16xf32>
        %select_n3A_369 = arith.select %le3A_366, %mul3A_365, %broadcast_in_dim3A_368 : vector<16xi1>, vector<16xf32>
        %swap3A_370 = arith.constant 1 : i32
        %swap3A_371 = arith.index_cast %swap3A_370 : i32 to index
        %swap3A_372 = arith.index_cast %add3A_350 : i32 to index
        %swap3A_373 = tpu.vector_load %arg9[%swap3A_371, %swap3A_372] {strides = array<i32>} : memref<4x4096xf32, #tpu.memory_space<vmem>>, vector<1x16xf32>,
        %swap3A_374 = vector.shape_cast %swap3A_373 : vector<1x16xf32> to vector<16xf32>
        %swap3A_375 = vector.shape_cast %select_n3A_369 : vector<16xf32> to vector<1x16xf32>
        tpu.vector_store %arg9[%swap3A_371, %swap3A_372], %swap3A_375 {strides = array<i32>} : memref<4x4096xf32, #tpu.memory_space<vmem>>, vector<1x16xf32>,
        %add3A_376 = arith.constant 64 : i32
        %add3A_377 = arith.addi %mul3A_274, %add3A_376 : i32
        %get3A_378 = arith.constant 1 : i32
        %get3A_379 = arith.index_cast %get3A_378 : i32 to index
        %get3A_380 = arith.index_cast %add3A_377 : i32 to index
        %get3A_381 = tpu.vector_load %arg6[%get3A_379, %get3A_380] {strides = array<i32>} : memref<4x4096xf32, #tpu.memory_space<vmem>>, vector<1x16xf32>,
        %get3A_382 = vector.shape_cast %get3A_381 : vector<1x16xf32> to vector<16xf32>
        %get3A_383 = arith.constant 1 : i32
        %get3A_384 = arith.index_cast %get3A_383 : i32 to index
        %get3A_385 = arith.index_cast %add3A_377 : i32 to index
        %get3A_386 = tpu.vector_load %arg7[%get3A_384, %get3A_385] {strides = array<i32>} : memref<4x4096xf32, #tpu.memory_space<vmem>>, vector<1x16xf32>,
        %get3A_387 = vector.shape_cast %get3A_386 : vector<1x16xf32> to vector<16xf32>
        %sub3A_388 = arith.subf %get3A_382, %get3A_387 : vector<16xf32>
        %mul3A_389 = arith.mulf %sub3A_388, %sub3A_388 : vector<16xf32>
        %mul3A_390 = arith.mulf %mul3A_389, %neg3A_89 : vector<16xf32>
        %exp3A_391 = math.exp %mul3A_390 : vector<16xf32>
        %mul3A_392 = arith.mulf %exp3A_391, %mul3A_92 : vector<16xf32>
        %le3A_393 = arith.cmpf ole, %mul3A_389, %div3A_96 : vector<16xf32>
        %jit3A_394 = arith.constant 0.000000e+00 : f32
        %broadcast_in_dim3A_395 = vector.broadcast %jit3A_394 : f32 to vector<16xf32>
        %select_n3A_396 = arith.select %le3A_393, %mul3A_392, %broadcast_in_dim3A_395 : vector<16xi1>, vector<16xf32>
        %swap3A_397 = arith.constant 1 : i32
        %swap3A_398 = arith.index_cast %swap3A_397 : i32 to index
        %swap3A_399 = arith.index_cast %add3A_377 : i32 to index
        %swap3A_400 = tpu.vector_load %arg9[%swap3A_398, %swap3A_399] {strides = array<i32>} : memref<4x4096xf32, #tpu.memory_space<vmem>>, vector<1x16xf32>,
        %swap3A_401 = vector.shape_cast %swap3A_400 : vector<1x16xf32> to vector<16xf32>
        %swap3A_402 = vector.shape_cast %select_n3A_396 : vector<16xf32> to vector<1x16xf32>
        tpu.vector_store %arg9[%swap3A_398, %swap3A_399], %swap3A_402 {strides = array<i32>} : memref<4x4096xf32, #tpu.memory_space<vmem>>, vector<1x16xf32>,
        %add3A_403 = arith.constant 80 : i32
        %add3A_404 = arith.addi %mul3A_274, %add3A_403 : i32
        %get3A_405 = arith.constant 1 : i32
        %get3A_406 = arith.index_cast %get3A_405 : i32 to index
        %get3A_407 = arith.index_cast %add3A_404 : i32 to index
        %get3A_408 = tpu.vector_load %arg6[%get3A_406, %get3A_407] {strides = array<i32>} : memref<4x4096xf32, #tpu.memory_space<vmem>>, vector<1x16xf32>,
        %get3A_409 = vector.shape_cast %get3A_408 : vector<1x16xf32> to vector<16xf32>
        %get3A_410 = arith.constant 1 : i32
        %get3A_411 = arith.index_cast %get3A_410 : i32 to index
        %get3A_412 = arith.index_cast %add3A_404 : i32 to index
        %get3A_413 = tpu.vector_load %arg7[%get3A_411, %get3A_412] {strides = array<i32>} : memref<4x4096xf32, #tpu.memory_space<vmem>>, vector<1x16xf32>,
        %get3A_414 = vector.shape_cast %get3A_413 : vector<1x16xf32> to vector<16xf32>
        %sub3A_415 = arith.subf %get3A_409, %get3A_414 : vector<16xf32>
        %mul3A_416 = arith.mulf %sub3A_415, %sub3A_415 : vector<16xf32>
        %mul3A_417 = arith.mulf %mul3A_416, %neg3A_89 : vector<16xf32>
        %exp3A_418 = math.exp %mul3A_417 : vector<16xf32>
        %mul3A_419 = arith.mulf %exp3A_418, %mul3A_92 : vector<16xf32>
        %le3A_420 = arith.cmpf ole, %mul3A_416, %div3A_96 : vector<16xf32>
        %jit3A_421 = arith.constant 0.000000e+00 : f32
        %broadcast_in_dim3A_422 = vector.broadcast %jit3A_421 : f32 to vector<16xf32>
        %select_n3A_423 = arith.select %le3A_420, %mul3A_419, %broadcast_in_dim3A_422 : vector<16xi1>, vector<16xf32>
        %swap3A_424 = arith.constant 1 : i32
        %swap3A_425 = arith.index_cast %swap3A_424 : i32 to index
        %swap3A_426 = arith.index_cast %add3A_404 : i32 to index
        %swap3A_427 = tpu.vector_load %arg9[%swap3A_425, %swap3A_426] {strides = array<i32>} : memref<4x4096xf32, #tpu.memory_space<vmem>>, vector<1x16xf32>,
        %swap3A_428 = vector.shape_cast %swap3A_427 : vector<1x16xf32> to vector<16xf32>
        %swap3A_429 = vector.shape_cast %select_n3A_423 : vector<16xf32> to vector<1x16xf32>
        tpu.vector_store %arg9[%swap3A_425, %swap3A_426], %swap3A_429 {strides = array<i32>} : memref<4x4096xf32, #tpu.memory_space<vmem>>, vector<1x16xf32>,
        %add3A_430 = arith.constant 96 : i32
        %add3A_431 = arith.addi %mul3A_274, %add3A_430 : i32
        %get3A_432 = arith.constant 1 : i32
        %get3A_433 = arith.index_cast %get3A_432 : i32 to index
        %get3A_434 = arith.index_cast %add3A_431 : i32 to index
        %get3A_435 = tpu.vector_load %arg6[%get3A_433, %get3A_434] {strides = array<i32>} : memref<4x4096xf32, #tpu.memory_space<vmem>>, vector<1x16xf32>,
        %get3A_436 = vector.shape_cast %get3A_435 : vector<1x16xf32> to vector<16xf32>
        %get3A_437 = arith.constant 1 : i32
        %get3A_438 = arith.index_cast %get3A_437 : i32 to index
        %get3A_439 = arith.index_cast %add3A_431 : i32 to index
        %get3A_440 = tpu.vector_load %arg7[%get3A_438, %get3A_439] {strides = array<i32>} : memref<4x4096xf32, #tpu.memory_space<vmem>>, vector<1x16xf32>,
        %get3A_441 = vector.shape_cast %get3A_440 : vector<1x16xf32> to vector<16xf32>
        %sub3A_442 = arith.subf %get3A_436, %get3A_441 : vector<16xf32>
        %mul3A_443 = arith.mulf %sub3A_442, %sub3A_442 : vector<16xf32>
        %mul3A_444 = arith.mulf %mul3A_443, %neg3A_89 : vector<16xf32>
        %exp3A_445 = math.exp %mul3A_444 : vector<16xf32>
        %mul3A_446 = arith.mulf %exp3A_445, %mul3A_92 : vector<16xf32>
        %le3A_447 = arith.cmpf ole, %mul3A_443, %div3A_96 : vector<16xf32>
        %jit3A_448 = arith.constant 0.000000e+00 : f32
        %broadcast_in_dim3A_449 = vector.broadcast %jit3A_448 : f32 to vector<16xf32>
        %select_n3A_450 = arith.select %le3A_447, %mul3A_446, %broadcast_in_dim3A_449 : vector<16xi1>, vector<16xf32>
        %swap3A_451 = arith.constant 1 : i32
        %swap3A_452 = arith.index_cast %swap3A_451 : i32 to index
        %swap3A_453 = arith.index_cast %add3A_431 : i32 to index
        %swap3A_454 = tpu.vector_load %arg9[%swap3A_452, %swap3A_453] {strides = array<i32>} : memref<4x4096xf32, #tpu.memory_space<vmem>>, vector<1x16xf32>,
        %swap3A_455 = vector.shape_cast %swap3A_454 : vector<1x16xf32> to vector<16xf32>
        %swap3A_456 = vector.shape_cast %select_n3A_450 : vector<16xf32> to vector<1x16xf32>
        tpu.vector_store %arg9[%swap3A_452, %swap3A_453], %swap3A_456 {strides = array<i32>} : memref<4x4096xf32, #tpu.memory_space<vmem>>, vector<1x16xf32>,
        %add3A_457 = arith.constant 112 : i32
        %add3A_458 = arith.addi %mul3A_274, %add3A_457 : i32
        %get3A_459 = arith.constant 1 : i32
        %get3A_460 = arith.index_cast %get3A_459 : i32 to index
        %get3A_461 = arith.index_cast %add3A_458 : i32 to index
        %get3A_462 = tpu.vector_load %arg6[%get3A_460, %get3A_461] {strides = array<i32>} : memref<4x4096xf32, #tpu.memory_space<vmem>>, vector<1x16xf32>,
        %get3A_463 = vector.shape_cast %get3A_462 : vector<1x16xf32> to vector<16xf32>
        %get3A_464 = arith.constant 1 : i32
        %get3A_465 = arith.index_cast %get3A_464 : i32 to index
        %get3A_466 = arith.index_cast %add3A_458 : i32 to index
        %get3A_467 = tpu.vector_load %arg7[%get3A_465, %get3A_466] {strides = array<i32>} : memref<4x4096xf32, #tpu.memory_space<vmem>>, vector<1x16xf32>,
        %get3A_468 = vector.shape_cast %get3A_467 : vector<1x16xf32> to vector<16xf32>
        %sub3A_469 = arith.subf %get3A_463, %get3A_468 : vector<16xf32>
        %mul3A_470 = arith.mulf %sub3A_469, %sub3A_469 : vector<16xf32>
        %mul3A_471 = arith.mulf %mul3A_470, %neg3A_89 : vector<16xf32>
        %exp3A_472 = math.exp %mul3A_471 : vector<16xf32>
        %mul3A_473 = arith.mulf %exp3A_472, %mul3A_92 : vector<16xf32>
        %le3A_474 = arith.cmpf ole, %mul3A_470, %div3A_96 : vector<16xf32>
        %jit3A_475 = arith.constant 0.000000e+00 : f32
        %broadcast_in_dim3A_476 = vector.broadcast %jit3A_475 : f32 to vector<16xf32>
        %select_n3A_477 = arith.select %le3A_474, %mul3A_473, %broadcast_in_dim3A_476 : vector<16xi1>, vector<16xf32>
        %swap3A_478 = arith.constant 1 : i32
        %swap3A_479 = arith.index_cast %swap3A_478 : i32 to index
        %swap3A_480 = arith.index_cast %add3A_458 : i32 to index
        %swap3A_481 = tpu.vector_load %arg9[%swap3A_479, %swap3A_480] {strides = array<i32>} : memref<4x4096xf32, #tpu.memory_space<vmem>>, vector<1x16xf32>,
        %swap3A_482 = vector.shape_cast %swap3A_481 : vector<1x16xf32> to vector<16xf32>
        %swap3A_483 = vector.shape_cast %select_n3A_477 : vector<16xf32> to vector<1x16xf32>
        tpu.vector_store %arg9[%swap3A_479, %swap3A_480], %swap3A_483 {strides = array<i32>} : memref<4x4096xf32, #tpu.memory_space<vmem>>, vector<1x16xf32>,
      }
      %scan3A_102 = arith.constant 32 : i32
      %get3A_103 = arith.constant 2 : i32
      %get3A_104 = arith.index_cast %get3A_103 : i32 to index
      %get3A_105 = arith.constant 0 : index
      %get3A_106 = tpu.vector_load %arg8[%get3A_104, %get3A_105] {strides = array<i32>} : memref<4x16xf32, #tpu.memory_space<vmem>>, vector<1x16xf32>,
      %get3A_107 = vector.shape_cast %get3A_106 : vector<1x16xf32> to vector<16xf32>
      %mul3A_108 = arith.mulf %get3A_107, %get3A_107 : vector<16xf32>
      %neg3A_109 = arith.constant 0.000000e+00 : f32
      %neg3A_110 = vector.broadcast %neg3A_109 : f32 to vector<16xf32>
      %neg3A_111 = arith.subf %neg3A_110, %mul3A_108 : vector<16xf32>
      %mul3A_112 = arith.constant 0.564189613 : f32
      %mul3A_113 = vector.broadcast %mul3A_112 : f32 to vector<16xf32>
      %mul3A_114 = arith.mulf %get3A_107, %mul3A_113 : vector<16xf32>
      %mul3A_115 = arith.mulf %get3A_107, %get3A_107 : vector<16xf32>
      %div3A_116 = arith.constant 9.000000e+00 : f32
      %div3A_117 = vector.broadcast %div3A_116 : f32 to vector<16xf32>
      %div3A_118 = arith.divf %div3A_117, %mul3A_115 : vector<16xf32>
      %scan3A_119 = arith.constant 0 : i32
      %scan3A_120 = arith.constant 0 : i32
      %scan3A_121 = arith.constant 32 : i32
      %scan3A_122 = arith.addi %scan3A_120, %scan3A_121 : i32
      %scan3A_123 = arith.constant 1 : i32
      scf.for %scan3A_272 = %scan3A_120 to %scan3A_122 step %scan3A_123  : i32 {
        %mul3A_273 = arith.constant 128 : i32
        %mul3A_274 = arith.muli %scan3A_272, %mul3A_273 : i32
        %add3A_275 = arith.constant 0 : i32
        %add3A_276 = arith.addi %mul3A_274, %add3A_275 : i32
        %get3A_277 = arith.constant 2 : i32
        %get3A_278 = arith.index_cast %get3A_277 : i32 to index
        %get3A_279 = arith.index_cast %add3A_276 : i32 to index
        %get3A_280 = tpu.vector_load %arg6[%get3A_278, %get3A_279] {strides = array<i32>} : memref<4x4096xf32, #tpu.memory_space<vmem>>, vector<1x16xf32>,
        %get3A_281 = vector.shape_cast %get3A_280 : vector<1x16xf32> to vector<16xf32>
        %get3A_282 = arith.constant 2 : i32
        %get3A_283 = arith.index_cast %get3A_282 : i32 to index
        %get3A_284 = arith.index_cast %add3A_276 : i32 to index
        %get3A_285 = tpu.vector_load %arg7[%get3A_283, %get3A_284] {strides = array<i32>} : memref<4x4096xf32, #tpu.memory_space<vmem>>, vector<1x16xf32>,
        %get3A_286 = vector.shape_cast %get3A_285 : vector<1x16xf32> to vector<16xf32>
        %sub3A = arith.subf %get3A_281, %get3A_286 : vector<16xf32>
        %mul3A_287 = arith.mulf %sub3A, %sub3A : vector<16xf32>
        %mul3A_288 = arith.mulf %mul3A_287, %neg3A_111 : vector<16xf32>
        %exp3A = math.exp %mul3A_288 : vector<16xf32>
        %mul3A_289 = arith.mulf %exp3A, %mul3A_114 : vector<16xf32>
        %le3A = arith.cmpf ole, %mul3A_287, %div3A_118 : vector<16xf32>
        %jit3A = arith.constant 0.000000e+00 : f32
        %broadcast_in_dim3A = vector.broadcast %jit3A : f32 to vector<16xf32>
        %select_n3A = arith.select %le3A, %mul3A_289, %broadcast_in_dim3A : vector<16xi1>, vector<16xf32>
        %swap3A = arith.constant 2 : i32
        %swap3A_290 = arith.index_cast %swap3A : i32 to index
        %swap3A_291 = arith.index_cast %add3A_276 : i32 to index
        %swap3A_292 = tpu.vector_load %arg9[%swap3A_290, %swap3A_291] {strides = array<i32>} : memref<4x4096xf32, #tpu.memory_space<vmem>>, vector<1x16xf32>,
        %swap3A_293 = vector.shape_cast %swap3A_292 : vector<1x16xf32> to vector<16xf32>
        %swap3A_294 = vector.shape_cast %select_n3A : vector<16xf32> to vector<1x16xf32>
        tpu.vector_store %arg9[%swap3A_290, %swap3A_291], %swap3A_294 {strides = array<i32>} : memref<4x4096xf32, #tpu.memory_space<vmem>>, vector<1x16xf32>,
        %add3A_295 = arith.constant 16 : i32
        %add3A_296 = arith.addi %mul3A_274, %add3A_295 : i32
        %get3A_297 = arith.constant 2 : i32
        %get3A_298 = arith.index_cast %get3A_297 : i32 to index
        %get3A_299 = arith.index_cast %add3A_296 : i32 to index
        %get3A_300 = tpu.vector_load %arg6[%get3A_298, %get3A_299] {strides = array<i32>} : memref<4x4096xf32, #tpu.memory_space<vmem>>, vector<1x16xf32>,
        %get3A_301 = vector.shape_cast %get3A_300 : vector<1x16xf32> to vector<16xf32>
        %get3A_302 = arith.constant 2 : i32
        %get3A_303 = arith.index_cast %get3A_302 : i32 to index
        %get3A_304 = arith.index_cast %add3A_296 : i32 to index
        %get3A_305 = tpu.vector_load %arg7[%get3A_303, %get3A_304] {strides = array<i32>} : memref<4x4096xf32, #tpu.memory_space<vmem>>, vector<1x16xf32>,
        %get3A_306 = vector.shape_cast %get3A_305 : vector<1x16xf32> to vector<16xf32>
        %sub3A_307 = arith.subf %get3A_301, %get3A_306 : vector<16xf32>
        %mul3A_308 = arith.mulf %sub3A_307, %sub3A_307 : vector<16xf32>
        %mul3A_309 = arith.mulf %mul3A_308, %neg3A_111 : vector<16xf32>
        %exp3A_310 = math.exp %mul3A_309 : vector<16xf32>
        %mul3A_311 = arith.mulf %exp3A_310, %mul3A_114 : vector<16xf32>
        %le3A_312 = arith.cmpf ole, %mul3A_308, %div3A_118 : vector<16xf32>
        %jit3A_313 = arith.constant 0.000000e+00 : f32
        %broadcast_in_dim3A_314 = vector.broadcast %jit3A_313 : f32 to vector<16xf32>
        %select_n3A_315 = arith.select %le3A_312, %mul3A_311, %broadcast_in_dim3A_314 : vector<16xi1>, vector<16xf32>
        %swap3A_316 = arith.constant 2 : i32
        %swap3A_317 = arith.index_cast %swap3A_316 : i32 to index
        %swap3A_318 = arith.index_cast %add3A_296 : i32 to index
        %swap3A_319 = tpu.vector_load %arg9[%swap3A_317, %swap3A_318] {strides = array<i32>} : memref<4x4096xf32, #tpu.memory_space<vmem>>, vector<1x16xf32>,
        %swap3A_320 = vector.shape_cast %swap3A_319 : vector<1x16xf32> to vector<16xf32>
        %swap3A_321 = vector.shape_cast %select_n3A_315 : vector<16xf32> to vector<1x16xf32>
        tpu.vector_store %arg9[%swap3A_317, %swap3A_318], %swap3A_321 {strides = array<i32>} : memref<4x4096xf32, #tpu.memory_space<vmem>>, vector<1x16xf32>,
        %add3A_322 = arith.constant 32 : i32
        %add3A_323 = arith.addi %mul3A_274, %add3A_322 : i32
        %get3A_324 = arith.constant 2 : i32
        %get3A_325 = arith.index_cast %get3A_324 : i32 to index
        %get3A_326 = arith.index_cast %add3A_323 : i32 to index
        %get3A_327 = tpu.vector_load %arg6[%get3A_325, %get3A_326] {strides = array<i32>} : memref<4x4096xf32, #tpu.memory_space<vmem>>, vector<1x16xf32>,
        %get3A_328 = vector.shape_cast %get3A_327 : vector<1x16xf32> to vector<16xf32>
        %get3A_329 = arith.constant 2 : i32
        %get3A_330 = arith.index_cast %get3A_329 : i32 to index
        %get3A_331 = arith.index_cast %add3A_323 : i32 to index
        %get3A_332 = tpu.vector_load %arg7[%get3A_330, %get3A_331] {strides = array<i32>} : memref<4x4096xf32, #tpu.memory_space<vmem>>, vector<1x16xf32>,
        %get3A_333 = vector.shape_cast %get3A_332 : vector<1x16xf32> to vector<16xf32>
        %sub3A_334 = arith.subf %get3A_328, %get3A_333 : vector<16xf32>
        %mul3A_335 = arith.mulf %sub3A_334, %sub3A_334 : vector<16xf32>
        %mul3A_336 = arith.mulf %mul3A_335, %neg3A_111 : vector<16xf32>
        %exp3A_337 = math.exp %mul3A_336 : vector<16xf32>
        %mul3A_338 = arith.mulf %exp3A_337, %mul3A_114 : vector<16xf32>
        %le3A_339 = arith.cmpf ole, %mul3A_335, %div3A_118 : vector<16xf32>
        %jit3A_340 = arith.constant 0.000000e+00 : f32
        %broadcast_in_dim3A_341 = vector.broadcast %jit3A_340 : f32 to vector<16xf32>
        %select_n3A_342 = arith.select %le3A_339, %mul3A_338, %broadcast_in_dim3A_341 : vector<16xi1>, vector<16xf32>
        %swap3A_343 = arith.constant 2 : i32
        %swap3A_344 = arith.index_cast %swap3A_343 : i32 to index
        %swap3A_345 = arith.index_cast %add3A_323 : i32 to index
        %swap3A_346 = tpu.vector_load %arg9[%swap3A_344, %swap3A_345] {strides = array<i32>} : memref<4x4096xf32, #tpu.memory_space<vmem>>, vector<1x16xf32>,
        %swap3A_347 = vector.shape_cast %swap3A_346 : vector<1x16xf32> to vector<16xf32>
        %swap3A_348 = vector.shape_cast %select_n3A_342 : vector<16xf32> to vector<1x16xf32>
        tpu.vector_store %arg9[%swap3A_344, %swap3A_345], %swap3A_348 {strides = array<i32>} : memref<4x4096xf32, #tpu.memory_space<vmem>>, vector<1x16xf32>,
        %add3A_349 = arith.constant 48 : i32
        %add3A_350 = arith.addi %mul3A_274, %add3A_349 : i32
        %get3A_351 = arith.constant 2 : i32
        %get3A_352 = arith.index_cast %get3A_351 : i32 to index
        %get3A_353 = arith.index_cast %add3A_350 : i32 to index
        %get3A_354 = tpu.vector_load %arg6[%get3A_352, %get3A_353] {strides = array<i32>} : memref<4x4096xf32, #tpu.memory_space<vmem>>, vector<1x16xf32>,
        %get3A_355 = vector.shape_cast %get3A_354 : vector<1x16xf32> to vector<16xf32>
        %get3A_356 = arith.constant 2 : i32
        %get3A_357 = arith.index_cast %get3A_356 : i32 to index
        %get3A_358 = arith.index_cast %add3A_350 : i32 to index
        %get3A_359 = tpu.vector_load %arg7[%get3A_357, %get3A_358] {strides = array<i32>} : memref<4x4096xf32, #tpu.memory_space<vmem>>, vector<1x16xf32>,
        %get3A_360 = vector.shape_cast %get3A_359 : vector<1x16xf32> to vector<16xf32>
        %sub3A_361 = arith.subf %get3A_355, %get3A_360 : vector<16xf32>
        %mul3A_362 = arith.mulf %sub3A_361, %sub3A_361 : vector<16xf32>
        %mul3A_363 = arith.mulf %mul3A_362, %neg3A_111 : vector<16xf32>
        %exp3A_364 = math.exp %mul3A_363 : vector<16xf32>
        %mul3A_365 = arith.mulf %exp3A_364, %mul3A_114 : vector<16xf32>
        %le3A_366 = arith.cmpf ole, %mul3A_362, %div3A_118 : vector<16xf32>
        %jit3A_367 = arith.constant 0.000000e+00 : f32
        %broadcast_in_dim3A_368 = vector.broadcast %jit3A_367 : f32 to vector<16xf32>
        %select_n3A_369 = arith.select %le3A_366, %mul3A_365, %broadcast_in_dim3A_368 : vector<16xi1>, vector<16xf32>
        %swap3A_370 = arith.constant 2 : i32
        %swap3A_371 = arith.index_cast %swap3A_370 : i32 to index
        %swap3A_372 = arith.index_cast %add3A_350 : i32 to index
        %swap3A_373 = tpu.vector_load %arg9[%swap3A_371, %swap3A_372] {strides = array<i32>} : memref<4x4096xf32, #tpu.memory_space<vmem>>, vector<1x16xf32>,
        %swap3A_374 = vector.shape_cast %swap3A_373 : vector<1x16xf32> to vector<16xf32>
        %swap3A_375 = vector.shape_cast %select_n3A_369 : vector<16xf32> to vector<1x16xf32>
        tpu.vector_store %arg9[%swap3A_371, %swap3A_372], %swap3A_375 {strides = array<i32>} : memref<4x4096xf32, #tpu.memory_space<vmem>>, vector<1x16xf32>,
        %add3A_376 = arith.constant 64 : i32
        %add3A_377 = arith.addi %mul3A_274, %add3A_376 : i32
        %get3A_378 = arith.constant 2 : i32
        %get3A_379 = arith.index_cast %get3A_378 : i32 to index
        %get3A_380 = arith.index_cast %add3A_377 : i32 to index
        %get3A_381 = tpu.vector_load %arg6[%get3A_379, %get3A_380] {strides = array<i32>} : memref<4x4096xf32, #tpu.memory_space<vmem>>, vector<1x16xf32>,
        %get3A_382 = vector.shape_cast %get3A_381 : vector<1x16xf32> to vector<16xf32>
        %get3A_383 = arith.constant 2 : i32
        %get3A_384 = arith.index_cast %get3A_383 : i32 to index
        %get3A_385 = arith.index_cast %add3A_377 : i32 to index
        %get3A_386 = tpu.vector_load %arg7[%get3A_384, %get3A_385] {strides = array<i32>} : memref<4x4096xf32, #tpu.memory_space<vmem>>, vector<1x16xf32>,
        %get3A_387 = vector.shape_cast %get3A_386 : vector<1x16xf32> to vector<16xf32>
        %sub3A_388 = arith.subf %get3A_382, %get3A_387 : vector<16xf32>
        %mul3A_389 = arith.mulf %sub3A_388, %sub3A_388 : vector<16xf32>
        %mul3A_390 = arith.mulf %mul3A_389, %neg3A_111 : vector<16xf32>
        %exp3A_391 = math.exp %mul3A_390 : vector<16xf32>
        %mul3A_392 = arith.mulf %exp3A_391, %mul3A_114 : vector<16xf32>
        %le3A_393 = arith.cmpf ole, %mul3A_389, %div3A_118 : vector<16xf32>
        %jit3A_394 = arith.constant 0.000000e+00 : f32
        %broadcast_in_dim3A_395 = vector.broadcast %jit3A_394 : f32 to vector<16xf32>
        %select_n3A_396 = arith.select %le3A_393, %mul3A_392, %broadcast_in_dim3A_395 : vector<16xi1>, vector<16xf32>
        %swap3A_397 = arith.constant 2 : i32
        %swap3A_398 = arith.index_cast %swap3A_397 : i32 to index
        %swap3A_399 = arith.index_cast %add3A_377 : i32 to index
        %swap3A_400 = tpu.vector_load %arg9[%swap3A_398, %swap3A_399] {strides = array<i32>} : memref<4x4096xf32, #tpu.memory_space<vmem>>, vector<1x16xf32>,
        %swap3A_401 = vector.shape_cast %swap3A_400 : vector<1x16xf32> to vector<16xf32>
        %swap3A_402 = vector.shape_cast %select_n3A_396 : vector<16xf32> to vector<1x16xf32>
        tpu.vector_store %arg9[%swap3A_398, %swap3A_399], %swap3A_402 {strides = array<i32>} : memref<4x4096xf32, #tpu.memory_space<vmem>>, vector<1x16xf32>,
        %add3A_403 = arith.constant 80 : i32
        %add3A_404 = arith.addi %mul3A_274, %add3A_403 : i32
        %get3A_405 = arith.constant 2 : i32
        %get3A_406 = arith.index_cast %get3A_405 : i32 to index
        %get3A_407 = arith.index_cast %add3A_404 : i32 to index
        %get3A_408 = tpu.vector_load %arg6[%get3A_406, %get3A_407] {strides = array<i32>} : memref<4x4096xf32, #tpu.memory_space<vmem>>, vector<1x16xf32>,
        %get3A_409 = vector.shape_cast %get3A_408 : vector<1x16xf32> to vector<16xf32>
        %get3A_410 = arith.constant 2 : i32
        %get3A_411 = arith.index_cast %get3A_410 : i32 to index
        %get3A_412 = arith.index_cast %add3A_404 : i32 to index
        %get3A_413 = tpu.vector_load %arg7[%get3A_411, %get3A_412] {strides = array<i32>} : memref<4x4096xf32, #tpu.memory_space<vmem>>, vector<1x16xf32>,
        %get3A_414 = vector.shape_cast %get3A_413 : vector<1x16xf32> to vector<16xf32>
        %sub3A_415 = arith.subf %get3A_409, %get3A_414 : vector<16xf32>
        %mul3A_416 = arith.mulf %sub3A_415, %sub3A_415 : vector<16xf32>
        %mul3A_417 = arith.mulf %mul3A_416, %neg3A_111 : vector<16xf32>
        %exp3A_418 = math.exp %mul3A_417 : vector<16xf32>
        %mul3A_419 = arith.mulf %exp3A_418, %mul3A_114 : vector<16xf32>
        %le3A_420 = arith.cmpf ole, %mul3A_416, %div3A_118 : vector<16xf32>
        %jit3A_421 = arith.constant 0.000000e+00 : f32
        %broadcast_in_dim3A_422 = vector.broadcast %jit3A_421 : f32 to vector<16xf32>
        %select_n3A_423 = arith.select %le3A_420, %mul3A_419, %broadcast_in_dim3A_422 : vector<16xi1>, vector<16xf32>
        %swap3A_424 = arith.constant 2 : i32
        %swap3A_425 = arith.index_cast %swap3A_424 : i32 to index
        %swap3A_426 = arith.index_cast %add3A_404 : i32 to index
        %swap3A_427 = tpu.vector_load %arg9[%swap3A_425, %swap3A_426] {strides = array<i32>} : memref<4x4096xf32, #tpu.memory_space<vmem>>, vector<1x16xf32>,
        %swap3A_428 = vector.shape_cast %swap3A_427 : vector<1x16xf32> to vector<16xf32>
        %swap3A_429 = vector.shape_cast %select_n3A_423 : vector<16xf32> to vector<1x16xf32>
        tpu.vector_store %arg9[%swap3A_425, %swap3A_426], %swap3A_429 {strides = array<i32>} : memref<4x4096xf32, #tpu.memory_space<vmem>>, vector<1x16xf32>,
        %add3A_430 = arith.constant 96 : i32
        %add3A_431 = arith.addi %mul3A_274, %add3A_430 : i32
        %get3A_432 = arith.constant 2 : i32
        %get3A_433 = arith.index_cast %get3A_432 : i32 to index
        %get3A_434 = arith.index_cast %add3A_431 : i32 to index
        %get3A_435 = tpu.vector_load %arg6[%get3A_433, %get3A_434] {strides = array<i32>} : memref<4x4096xf32, #tpu.memory_space<vmem>>, vector<1x16xf32>,
        %get3A_436 = vector.shape_cast %get3A_435 : vector<1x16xf32> to vector<16xf32>
        %get3A_437 = arith.constant 2 : i32
        %get3A_438 = arith.index_cast %get3A_437 : i32 to index
        %get3A_439 = arith.index_cast %add3A_431 : i32 to index
        %get3A_440 = tpu.vector_load %arg7[%get3A_438, %get3A_439] {strides = array<i32>} : memref<4x4096xf32, #tpu.memory_space<vmem>>, vector<1x16xf32>,
        %get3A_441 = vector.shape_cast %get3A_440 : vector<1x16xf32> to vector<16xf32>
        %sub3A_442 = arith.subf %get3A_436, %get3A_441 : vector<16xf32>
        %mul3A_443 = arith.mulf %sub3A_442, %sub3A_442 : vector<16xf32>
        %mul3A_444 = arith.mulf %mul3A_443, %neg3A_111 : vector<16xf32>
        %exp3A_445 = math.exp %mul3A_444 : vector<16xf32>
        %mul3A_446 = arith.mulf %exp3A_445, %mul3A_114 : vector<16xf32>
        %le3A_447 = arith.cmpf ole, %mul3A_443, %div3A_118 : vector<16xf32>
        %jit3A_448 = arith.constant 0.000000e+00 : f32
        %broadcast_in_dim3A_449 = vector.broadcast %jit3A_448 : f32 to vector<16xf32>
        %select_n3A_450 = arith.select %le3A_447, %mul3A_446, %broadcast_in_dim3A_449 : vector<16xi1>, vector<16xf32>
        %swap3A_451 = arith.constant 2 : i32
        %swap3A_452 = arith.index_cast %swap3A_451 : i32 to index
        %swap3A_453 = arith.index_cast %add3A_431 : i32 to index
        %swap3A_454 = tpu.vector_load %arg9[%swap3A_452, %swap3A_453] {strides = array<i32>} : memref<4x4096xf32, #tpu.memory_space<vmem>>, vector<1x16xf32>,
        %swap3A_455 = vector.shape_cast %swap3A_454 : vector<1x16xf32> to vector<16xf32>
        %swap3A_456 = vector.shape_cast %select_n3A_450 : vector<16xf32> to vector<1x16xf32>
        tpu.vector_store %arg9[%swap3A_452, %swap3A_453], %swap3A_456 {strides = array<i32>} : memref<4x4096xf32, #tpu.memory_space<vmem>>, vector<1x16xf32>,
        %add3A_457 = arith.constant 112 : i32
        %add3A_458 = arith.addi %mul3A_274, %add3A_457 : i32
        %get3A_459 = arith.constant 2 : i32
        %get3A_460 = arith.index_cast %get3A_459 : i32 to index
        %get3A_461 = arith.index_cast %add3A_458 : i32 to index
        %get3A_462 = tpu.vector_load %arg6[%get3A_460, %get3A_461] {strides = array<i32>} : memref<4x4096xf32, #tpu.memory_space<vmem>>, vector<1x16xf32>,
        %get3A_463 = vector.shape_cast %get3A_462 : vector<1x16xf32> to vector<16xf32>
        %get3A_464 = arith.constant 2 : i32
        %get3A_465 = arith.index_cast %get3A_464 : i32 to index
        %get3A_466 = arith.index_cast %add3A_458 : i32 to index
        %get3A_467 = tpu.vector_load %arg7[%get3A_465, %get3A_466] {strides = array<i32>} : memref<4x4096xf32, #tpu.memory_space<vmem>>, vector<1x16xf32>,
        %get3A_468 = vector.shape_cast %get3A_467 : vector<1x16xf32> to vector<16xf32>
        %sub3A_469 = arith.subf %get3A_463, %get3A_468 : vector<16xf32>
        %mul3A_470 = arith.mulf %sub3A_469, %sub3A_469 : vector<16xf32>
        %mul3A_471 = arith.mulf %mul3A_470, %neg3A_111 : vector<16xf32>
        %exp3A_472 = math.exp %mul3A_471 : vector<16xf32>
        %mul3A_473 = arith.mulf %exp3A_472, %mul3A_114 : vector<16xf32>
        %le3A_474 = arith.cmpf ole, %mul3A_470, %div3A_118 : vector<16xf32>
        %jit3A_475 = arith.constant 0.000000e+00 : f32
        %broadcast_in_dim3A_476 = vector.broadcast %jit3A_475 : f32 to vector<16xf32>
        %select_n3A_477 = arith.select %le3A_474, %mul3A_473, %broadcast_in_dim3A_476 : vector<16xi1>, vector<16xf32>
        %swap3A_478 = arith.constant 2 : i32
        %swap3A_479 = arith.index_cast %swap3A_478 : i32 to index
        %swap3A_480 = arith.index_cast %add3A_458 : i32 to index
        %swap3A_481 = tpu.vector_load %arg9[%swap3A_479, %swap3A_480] {strides = array<i32>} : memref<4x4096xf32, #tpu.memory_space<vmem>>, vector<1x16xf32>,
        %swap3A_482 = vector.shape_cast %swap3A_481 : vector<1x16xf32> to vector<16xf32>
        %swap3A_483 = vector.shape_cast %select_n3A_477 : vector<16xf32> to vector<1x16xf32>
        tpu.vector_store %arg9[%swap3A_479, %swap3A_480], %swap3A_483 {strides = array<i32>} : memref<4x4096xf32, #tpu.memory_space<vmem>>, vector<1x16xf32>,
      }
      %scan3A_124 = arith.constant 32 : i32
      %get3A_125 = arith.constant 3 : i32
      %get3A_126 = arith.index_cast %get3A_125 : i32 to index
      %get3A_127 = arith.constant 0 : index
      %get3A_128 = tpu.vector_load %arg8[%get3A_126, %get3A_127] {strides = array<i32>} : memref<4x16xf32, #tpu.memory_space<vmem>>, vector<1x16xf32>,
      %get3A_129 = vector.shape_cast %get3A_128 : vector<1x16xf32> to vector<16xf32>
      %mul3A_130 = arith.mulf %get3A_129, %get3A_129 : vector<16xf32>
      %neg3A_131 = arith.constant 0.000000e+00 : f32
      %neg3A_132 = vector.broadcast %neg3A_131 : f32 to vector<16xf32>
      %neg3A_133 = arith.subf %neg3A_132, %mul3A_130 : vector<16xf32>
      %mul3A_134 = arith.constant 0.564189613 : f32
      %mul3A_135 = vector.broadcast %mul3A_134 : f32 to vector<16xf32>
      %mul3A_136 = arith.mulf %get3A_129, %mul3A_135 : vector<16xf32>
      %mul3A_137 = arith.mulf %get3A_129, %get3A_129 : vector<16xf32>
      %div3A_138 = arith.constant 9.000000e+00 : f32
      %div3A_139 = vector.broadcast %div3A_138 : f32 to vector<16xf32>
      %div3A_140 = arith.divf %div3A_139, %mul3A_137 : vector<16xf32>
      %scan3A_141 = arith.constant 0 : i32
      %scan3A_142 = arith.constant 0 : i32
      %scan3A_143 = arith.constant 32 : i32
      %scan3A_144 = arith.addi %scan3A_142, %scan3A_143 : i32
      %scan3A_145 = arith.constant 1 : i32
      scf.for %scan3A_272 = %scan3A_142 to %scan3A_144 step %scan3A_145  : i32 {
        %mul3A_273 = arith.constant 128 : i32
        %mul3A_274 = arith.muli %scan3A_272, %mul3A_273 : i32
        %add3A_275 = arith.constant 0 : i32
        %add3A_276 = arith.addi %mul3A_274, %add3A_275 : i32
        %get3A_277 = arith.constant 3 : i32
        %get3A_278 = arith.index_cast %get3A_277 : i32 to index
        %get3A_279 = arith.index_cast %add3A_276 : i32 to index
        %get3A_280 = tpu.vector_load %arg6[%get3A_278, %get3A_279] {strides = array<i32>} : memref<4x4096xf32, #tpu.memory_space<vmem>>, vector<1x16xf32>,
        %get3A_281 = vector.shape_cast %get3A_280 : vector<1x16xf32> to vector<16xf32>
        %get3A_282 = arith.constant 3 : i32
        %get3A_283 = arith.index_cast %get3A_282 : i32 to index
        %get3A_284 = arith.index_cast %add3A_276 : i32 to index
        %get3A_285 = tpu.vector_load %arg7[%get3A_283, %get3A_284] {strides = array<i32>} : memref<4x4096xf32, #tpu.memory_space<vmem>>, vector<1x16xf32>,
        %get3A_286 = vector.shape_cast %get3A_285 : vector<1x16xf32> to vector<16xf32>
        %sub3A = arith.subf %get3A_281, %get3A_286 : vector<16xf32>
        %mul3A_287 = arith.mulf %sub3A, %sub3A : vector<16xf32>
        %mul3A_288 = arith.mulf %mul3A_287, %neg3A_133 : vector<16xf32>
        %exp3A = math.exp %mul3A_288 : vector<16xf32>
        %mul3A_289 = arith.mulf %exp3A, %mul3A_136 : vector<16xf32>
        %le3A = arith.cmpf ole, %mul3A_287, %div3A_140 : vector<16xf32>
        %jit3A = arith.constant 0.000000e+00 : f32
        %broadcast_in_dim3A = vector.broadcast %jit3A : f32 to vector<16xf32>
        %select_n3A = arith.select %le3A, %mul3A_289, %broadcast_in_dim3A : vector<16xi1>, vector<16xf32>
        %swap3A = arith.constant 3 : i32
        %swap3A_290 = arith.index_cast %swap3A : i32 to index
        %swap3A_291 = arith.index_cast %add3A_276 : i32 to index
        %swap3A_292 = tpu.vector_load %arg9[%swap3A_290, %swap3A_291] {strides = array<i32>} : memref<4x4096xf32, #tpu.memory_space<vmem>>, vector<1x16xf32>,
        %swap3A_293 = vector.shape_cast %swap3A_292 : vector<1x16xf32> to vector<16xf32>
        %swap3A_294 = vector.shape_cast %select_n3A : vector<16xf32> to vector<1x16xf32>
        tpu.vector_store %arg9[%swap3A_290, %swap3A_291], %swap3A_294 {strides = array<i32>} : memref<4x4096xf32, #tpu.memory_space<vmem>>, vector<1x16xf32>,
        %add3A_295 = arith.constant 16 : i32
        %add3A_296 = arith.addi %mul3A_274, %add3A_295 : i32
        %get3A_297 = arith.constant 3 : i32
        %get3A_298 = arith.index_cast %get3A_297 : i32 to index
        %get3A_299 = arith.index_cast %add3A_296 : i32 to index
        %get3A_300 = tpu.vector_load %arg6[%get3A_298, %get3A_299] {strides = array<i32>} : memref<4x4096xf32, #tpu.memory_space<vmem>>, vector<1x16xf32>,
        %get3A_301 = vector.shape_cast %get3A_300 : vector<1x16xf32> to vector<16xf32>
        %get3A_302 = arith.constant 3 : i32
        %get3A_303 = arith.index_cast %get3A_302 : i32 to index
        %get3A_304 = arith.index_cast %add3A_296 : i32 to index
        %get3A_305 = tpu.vector_load %arg7[%get3A_303, %get3A_304] {strides = array<i32>} : memref<4x4096xf32, #tpu.memory_space<vmem>>, vector<1x16xf32>,
        %get3A_306 = vector.shape_cast %get3A_305 : vector<1x16xf32> to vector<16xf32>
        %sub3A_307 = arith.subf %get3A_301, %get3A_306 : vector<16xf32>
        %mul3A_308 = arith.mulf %sub3A_307, %sub3A_307 : vector<16xf32>
        %mul3A_309 = arith.mulf %mul3A_308, %neg3A_133 : vector<16xf32>
        %exp3A_310 = math.exp %mul3A_309 : vector<16xf32>
        %mul3A_311 = arith.mulf %exp3A_310, %mul3A_136 : vector<16xf32>
        %le3A_312 = arith.cmpf ole, %mul3A_308, %div3A_140 : vector<16xf32>
        %jit3A_313 = arith.constant 0.000000e+00 : f32
        %broadcast_in_dim3A_314 = vector.broadcast %jit3A_313 : f32 to vector<16xf32>
        %select_n3A_315 = arith.select %le3A_312, %mul3A_311, %broadcast_in_dim3A_314 : vector<16xi1>, vector<16xf32>
        %swap3A_316 = arith.constant 3 : i32
        %swap3A_317 = arith.index_cast %swap3A_316 : i32 to index
        %swap3A_318 = arith.index_cast %add3A_296 : i32 to index
        %swap3A_319 = tpu.vector_load %arg9[%swap3A_317, %swap3A_318] {strides = array<i32>} : memref<4x4096xf32, #tpu.memory_space<vmem>>, vector<1x16xf32>,
        %swap3A_320 = vector.shape_cast %swap3A_319 : vector<1x16xf32> to vector<16xf32>
        %swap3A_321 = vector.shape_cast %select_n3A_315 : vector<16xf32> to vector<1x16xf32>
        tpu.vector_store %arg9[%swap3A_317, %swap3A_318], %swap3A_321 {strides = array<i32>} : memref<4x4096xf32, #tpu.memory_space<vmem>>, vector<1x16xf32>,
        %add3A_322 = arith.constant 32 : i32
        %add3A_323 = arith.addi %mul3A_274, %add3A_322 : i32
        %get3A_324 = arith.constant 3 : i32
        %get3A_325 = arith.index_cast %get3A_324 : i32 to index
        %get3A_326 = arith.index_cast %add3A_323 : i32 to index
        %get3A_327 = tpu.vector_load %arg6[%get3A_325, %get3A_326] {strides = array<i32>} : memref<4x4096xf32, #tpu.memory_space<vmem>>, vector<1x16xf32>,
        %get3A_328 = vector.shape_cast %get3A_327 : vector<1x16xf32> to vector<16xf32>
        %get3A_329 = arith.constant 3 : i32
        %get3A_330 = arith.index_cast %get3A_329 : i32 to index
        %get3A_331 = arith.index_cast %add3A_323 : i32 to index
        %get3A_332 = tpu.vector_load %arg7[%get3A_330, %get3A_331] {strides = array<i32>} : memref<4x4096xf32, #tpu.memory_space<vmem>>, vector<1x16xf32>,
        %get3A_333 = vector.shape_cast %get3A_332 : vector<1x16xf32> to vector<16xf32>
        %sub3A_334 = arith.subf %get3A_328, %get3A_333 : vector<16xf32>
        %mul3A_335 = arith.mulf %sub3A_334, %sub3A_334 : vector<16xf32>
        %mul3A_336 = arith.mulf %mul3A_335, %neg3A_133 : vector<16xf32>
        %exp3A_337 = math.exp %mul3A_336 : vector<16xf32>
        %mul3A_338 = arith.mulf %exp3A_337, %mul3A_136 : vector<16xf32>
        %le3A_339 = arith.cmpf ole, %mul3A_335, %div3A_140 : vector<16xf32>
        %jit3A_340 = arith.constant 0.000000e+00 : f32
        %broadcast_in_dim3A_341 = vector.broadcast %jit3A_340 : f32 to vector<16xf32>
        %select_n3A_342 = arith.select %le3A_339, %mul3A_338, %broadcast_in_dim3A_341 : vector<16xi1>, vector<16xf32>
        %swap3A_343 = arith.constant 3 : i32
        %swap3A_344 = arith.index_cast %swap3A_343 : i32 to index
        %swap3A_345 = arith.index_cast %add3A_323 : i32 to index
        %swap3A_346 = tpu.vector_load %arg9[%swap3A_344, %swap3A_345] {strides = array<i32>} : memref<4x4096xf32, #tpu.memory_space<vmem>>, vector<1x16xf32>,
        %swap3A_347 = vector.shape_cast %swap3A_346 : vector<1x16xf32> to vector<16xf32>
        %swap3A_348 = vector.shape_cast %select_n3A_342 : vector<16xf32> to vector<1x16xf32>
        tpu.vector_store %arg9[%swap3A_344, %swap3A_345], %swap3A_348 {strides = array<i32>} : memref<4x4096xf32, #tpu.memory_space<vmem>>, vector<1x16xf32>,
        %add3A_349 = arith.constant 48 : i32
        %add3A_350 = arith.addi %mul3A_274, %add3A_349 : i32
        %get3A_351 = arith.constant 3 : i32
        %get3A_352 = arith.index_cast %get3A_351 : i32 to index
        %get3A_353 = arith.index_cast %add3A_350 : i32 to index
        %get3A_354 = tpu.vector_load %arg6[%get3A_352, %get3A_353] {strides = array<i32>} : memref<4x4096xf32, #tpu.memory_space<vmem>>, vector<1x16xf32>,
        %get3A_355 = vector.shape_cast %get3A_354 : vector<1x16xf32> to vector<16xf32>
        %get3A_356 = arith.constant 3 : i32
        %get3A_357 = arith.index_cast %get3A_356 : i32 to index
        %get3A_358 = arith.index_cast %add3A_350 : i32 to index
        %get3A_359 = tpu.vector_load %arg7[%get3A_357, %get3A_358] {strides = array<i32>} : memref<4x4096xf32, #tpu.memory_space<vmem>>, vector<1x16xf32>,
        %get3A_360 = vector.shape_cast %get3A_359 : vector<1x16xf32> to vector<16xf32>
        %sub3A_361 = arith.subf %get3A_355, %get3A_360 : vector<16xf32>
        %mul3A_362 = arith.mulf %sub3A_361, %sub3A_361 : vector<16xf32>
        %mul3A_363 = arith.mulf %mul3A_362, %neg3A_133 : vector<16xf32>
        %exp3A_364 = math.exp %mul3A_363 : vector<16xf32>
        %mul3A_365 = arith.mulf %exp3A_364, %mul3A_136 : vector<16xf32>
        %le3A_366 = arith.cmpf ole, %mul3A_362, %div3A_140 : vector<16xf32>
        %jit3A_367 = arith.constant 0.000000e+00 : f32
        %broadcast_in_dim3A_368 = vector.broadcast %jit3A_367 : f32 to vector<16xf32>
        %select_n3A_369 = arith.select %le3A_366, %mul3A_365, %broadcast_in_dim3A_368 : vector<16xi1>, vector<16xf32>
        %swap3A_370 = arith.constant 3 : i32
        %swap3A_371 = arith.index_cast %swap3A_370 : i32 to index
        %swap3A_372 = arith.index_cast %add3A_350 : i32 to index
        %swap3A_373 = tpu.vector_load %arg9[%swap3A_371, %swap3A_372] {strides = array<i32>} : memref<4x4096xf32, #tpu.memory_space<vmem>>, vector<1x16xf32>,
        %swap3A_374 = vector.shape_cast %swap3A_373 : vector<1x16xf32> to vector<16xf32>
        %swap3A_375 = vector.shape_cast %select_n3A_369 : vector<16xf32> to vector<1x16xf32>
        tpu.vector_store %arg9[%swap3A_371, %swap3A_372], %swap3A_375 {strides = array<i32>} : memref<4x4096xf32, #tpu.memory_space<vmem>>, vector<1x16xf32>,
        %add3A_376 = arith.constant 64 : i32
        %add3A_377 = arith.addi %mul3A_274, %add3A_376 : i32
        %get3A_378 = arith.constant 3 : i32
        %get3A_379 = arith.index_cast %get3A_378 : i32 to index
        %get3A_380 = arith.index_cast %add3A_377 : i32 to index
        %get3A_381 = tpu.vector_load %arg6[%get3A_379, %get3A_380] {strides = array<i32>} : memref<4x4096xf32, #tpu.memory_space<vmem>>, vector<1x16xf32>,
        %get3A_382 = vector.shape_cast %get3A_381 : vector<1x16xf32> to vector<16xf32>
        %get3A_383 = arith.constant 3 : i32
        %get3A_384 = arith.index_cast %get3A_383 : i32 to index
        %get3A_385 = arith.index_cast %add3A_377 : i32 to index
        %get3A_386 = tpu.vector_load %arg7[%get3A_384, %get3A_385] {strides = array<i32>} : memref<4x4096xf32, #tpu.memory_space<vmem>>, vector<1x16xf32>,
        %get3A_387 = vector.shape_cast %get3A_386 : vector<1x16xf32> to vector<16xf32>
        %sub3A_388 = arith.subf %get3A_382, %get3A_387 : vector<16xf32>
        %mul3A_389 = arith.mulf %sub3A_388, %sub3A_388 : vector<16xf32>
        %mul3A_390 = arith.mulf %mul3A_389, %neg3A_133 : vector<16xf32>
        %exp3A_391 = math.exp %mul3A_390 : vector<16xf32>
        %mul3A_392 = arith.mulf %exp3A_391, %mul3A_136 : vector<16xf32>
        %le3A_393 = arith.cmpf ole, %mul3A_389, %div3A_140 : vector<16xf32>
        %jit3A_394 = arith.constant 0.000000e+00 : f32
        %broadcast_in_dim3A_395 = vector.broadcast %jit3A_394 : f32 to vector<16xf32>
        %select_n3A_396 = arith.select %le3A_393, %mul3A_392, %broadcast_in_dim3A_395 : vector<16xi1>, vector<16xf32>
        %swap3A_397 = arith.constant 3 : i32
        %swap3A_398 = arith.index_cast %swap3A_397 : i32 to index
        %swap3A_399 = arith.index_cast %add3A_377 : i32 to index
        %swap3A_400 = tpu.vector_load %arg9[%swap3A_398, %swap3A_399] {strides = array<i32>} : memref<4x4096xf32, #tpu.memory_space<vmem>>, vector<1x16xf32>,
        %swap3A_401 = vector.shape_cast %swap3A_400 : vector<1x16xf32> to vector<16xf32>
        %swap3A_402 = vector.shape_cast %select_n3A_396 : vector<16xf32> to vector<1x16xf32>
        tpu.vector_store %arg9[%swap3A_398, %swap3A_399], %swap3A_402 {strides = array<i32>} : memref<4x4096xf32, #tpu.memory_space<vmem>>, vector<1x16xf32>,
        %add3A_403 = arith.constant 80 : i32
        %add3A_404 = arith.addi %mul3A_274, %add3A_403 : i32
        %get3A_405 = arith.constant 3 : i32
        %get3A_406 = arith.index_cast %get3A_405 : i32 to index
        %get3A_407 = arith.index_cast %add3A_404 : i32 to index
        %get3A_408 = tpu.vector_load %arg6[%get3A_406, %get3A_407] {strides = array<i32>} : memref<4x4096xf32, #tpu.memory_space<vmem>>, vector<1x16xf32>,
        %get3A_409 = vector.shape_cast %get3A_408 : vector<1x16xf32> to vector<16xf32>
        %get3A_410 = arith.constant 3 : i32
        %get3A_411 = arith.index_cast %get3A_410 : i32 to index
        %get3A_412 = arith.index_cast %add3A_404 : i32 to index
        %get3A_413 = tpu.vector_load %arg7[%get3A_411, %get3A_412] {strides = array<i32>} : memref<4x4096xf32, #tpu.memory_space<vmem>>, vector<1x16xf32>,
        %get3A_414 = vector.shape_cast %get3A_413 : vector<1x16xf32> to vector<16xf32>
        %sub3A_415 = arith.subf %get3A_409, %get3A_414 : vector<16xf32>
        %mul3A_416 = arith.mulf %sub3A_415, %sub3A_415 : vector<16xf32>
        %mul3A_417 = arith.mulf %mul3A_416, %neg3A_133 : vector<16xf32>
        %exp3A_418 = math.exp %mul3A_417 : vector<16xf32>
        %mul3A_419 = arith.mulf %exp3A_418, %mul3A_136 : vector<16xf32>
        %le3A_420 = arith.cmpf ole, %mul3A_416, %div3A_140 : vector<16xf32>
        %jit3A_421 = arith.constant 0.000000e+00 : f32
        %broadcast_in_dim3A_422 = vector.broadcast %jit3A_421 : f32 to vector<16xf32>
        %select_n3A_423 = arith.select %le3A_420, %mul3A_419, %broadcast_in_dim3A_422 : vector<16xi1>, vector<16xf32>
        %swap3A_424 = arith.constant 3 : i32
        %swap3A_425 = arith.index_cast %swap3A_424 : i32 to index
        %swap3A_426 = arith.index_cast %add3A_404 : i32 to index
        %swap3A_427 = tpu.vector_load %arg9[%swap3A_425, %swap3A_426] {strides = array<i32>} : memref<4x4096xf32, #tpu.memory_space<vmem>>, vector<1x16xf32>,
        %swap3A_428 = vector.shape_cast %swap3A_427 : vector<1x16xf32> to vector<16xf32>
        %swap3A_429 = vector.shape_cast %select_n3A_423 : vector<16xf32> to vector<1x16xf32>
        tpu.vector_store %arg9[%swap3A_425, %swap3A_426], %swap3A_429 {strides = array<i32>} : memref<4x4096xf32, #tpu.memory_space<vmem>>, vector<1x16xf32>,
        %add3A_430 = arith.constant 96 : i32
        %add3A_431 = arith.addi %mul3A_274, %add3A_430 : i32
        %get3A_432 = arith.constant 3 : i32
        %get3A_433 = arith.index_cast %get3A_432 : i32 to index
        %get3A_434 = arith.index_cast %add3A_431 : i32 to index
        %get3A_435 = tpu.vector_load %arg6[%get3A_433, %get3A_434] {strides = array<i32>} : memref<4x4096xf32, #tpu.memory_space<vmem>>, vector<1x16xf32>,
        %get3A_436 = vector.shape_cast %get3A_435 : vector<1x16xf32> to vector<16xf32>
        %get3A_437 = arith.constant 3 : i32
        %get3A_438 = arith.index_cast %get3A_437 : i32 to index
        %get3A_439 = arith.index_cast %add3A_431 : i32 to index
        %get3A_440 = tpu.vector_load %arg7[%get3A_438, %get3A_439] {strides = array<i32>} : memref<4x4096xf32, #tpu.memory_space<vmem>>, vector<1x16xf32>,
        %get3A_441 = vector.shape_cast %get3A_440 : vector<1x16xf32> to vector<16xf32>
        %sub3A_442 = arith.subf %get3A_436, %get3A_441 : vector<16xf32>
        %mul3A_443 = arith.mulf %sub3A_442, %sub3A_442 : vector<16xf32>
        %mul3A_444 = arith.mulf %mul3A_443, %neg3A_133 : vector<16xf32>
        %exp3A_445 = math.exp %mul3A_444 : vector<16xf32>
        %mul3A_446 = arith.mulf %exp3A_445, %mul3A_136 : vector<16xf32>
        %le3A_447 = arith.cmpf ole, %mul3A_443, %div3A_140 : vector<16xf32>
        %jit3A_448 = arith.constant 0.000000e+00 : f32
        %broadcast_in_dim3A_449 = vector.broadcast %jit3A_448 : f32 to vector<16xf32>
        %select_n3A_450 = arith.select %le3A_447, %mul3A_446, %broadcast_in_dim3A_449 : vector<16xi1>, vector<16xf32>
        %swap3A_451 = arith.constant 3 : i32
        %swap3A_452 = arith.index_cast %swap3A_451 : i32 to index
        %swap3A_453 = arith.index_cast %add3A_431 : i32 to index
        %swap3A_454 = tpu.vector_load %arg9[%swap3A_452, %swap3A_453] {strides = array<i32>} : memref<4x4096xf32, #tpu.memory_space<vmem>>, vector<1x16xf32>,
        %swap3A_455 = vector.shape_cast %swap3A_454 : vector<1x16xf32> to vector<16xf32>
        %swap3A_456 = vector.shape_cast %select_n3A_450 : vector<16xf32> to vector<1x16xf32>
        tpu.vector_store %arg9[%swap3A_452, %swap3A_453], %swap3A_456 {strides = array<i32>} : memref<4x4096xf32, #tpu.memory_space<vmem>>, vector<1x16xf32>,
        %add3A_457 = arith.constant 112 : i32
        %add3A_458 = arith.addi %mul3A_274, %add3A_457 : i32
        %get3A_459 = arith.constant 3 : i32
        %get3A_460 = arith.index_cast %get3A_459 : i32 to index
        %get3A_461 = arith.index_cast %add3A_458 : i32 to index
        %get3A_462 = tpu.vector_load %arg6[%get3A_460, %get3A_461] {strides = array<i32>} : memref<4x4096xf32, #tpu.memory_space<vmem>>, vector<1x16xf32>,
        %get3A_463 = vector.shape_cast %get3A_462 : vector<1x16xf32> to vector<16xf32>
        %get3A_464 = arith.constant 3 : i32
        %get3A_465 = arith.index_cast %get3A_464 : i32 to index
        %get3A_466 = arith.index_cast %add3A_458 : i32 to index
        %get3A_467 = tpu.vector_load %arg7[%get3A_465, %get3A_466] {strides = array<i32>} : memref<4x4096xf32, #tpu.memory_space<vmem>>, vector<1x16xf32>,
        %get3A_468 = vector.shape_cast %get3A_467 : vector<1x16xf32> to vector<16xf32>
        %sub3A_469 = arith.subf %get3A_463, %get3A_468 : vector<16xf32>
        %mul3A_470 = arith.mulf %sub3A_469, %sub3A_469 : vector<16xf32>
        %mul3A_471 = arith.mulf %mul3A_470, %neg3A_133 : vector<16xf32>
        %exp3A_472 = math.exp %mul3A_471 : vector<16xf32>
        %mul3A_473 = arith.mulf %exp3A_472, %mul3A_136 : vector<16xf32>
        %le3A_474 = arith.cmpf ole, %mul3A_470, %div3A_140 : vector<16xf32>
        %jit3A_475 = arith.constant 0.000000e+00 : f32
        %broadcast_in_dim3A_476 = vector.broadcast %jit3A_475 : f32 to vector<16xf32>
        %select_n3A_477 = arith.select %le3A_474, %mul3A_473, %broadcast_in_dim3A_476 : vector<16xi1>, vector<16xf32>
        %swap3A_478 = arith.constant 3 : i32
        %swap3A_479 = arith.index_cast %swap3A_478 : i32 to index
        %swap3A_480 = arith.index_cast %add3A_458 : i32 to index
        %swap3A_481 = tpu.vector_load %arg9[%swap3A_479, %swap3A_480] {strides = array<i32>} : memref<4x4096xf32, #tpu.memory_space<vmem>>, vector<1x16xf32>,
        %swap3A_482 = vector.shape_cast %swap3A_481 : vector<1x16xf32> to vector<16xf32>
        %swap3A_483 = vector.shape_cast %select_n3A_477 : vector<16xf32> to vector<1x16xf32>
        tpu.vector_store %arg9[%swap3A_479, %swap3A_480], %swap3A_483 {strides = array<i32>} : memref<4x4096xf32, #tpu.memory_space<vmem>>, vector<1x16xf32>,
      }
      %scan3A_146 = arith.constant 32 : i32
      %mul3A_147 = arith.constant 4 : i32
      %mul3A_148 = arith.muli %mul3A_30, %mul3A_147 : i32
      %add3A_149 = arith.addi %mul3A_2, %mul3A_148 : i32
      %dma_start3A_150 = arith.constant 0 : i32
      %dma_start3A_151 = tpu.memref_slice %arg5[%add3A_149, %dma_start3A_150] : memref<512x4096xf32, #tpu.memory_space<hbm>> -> memref<4x4096xf32, #tpu.memory_space<hbm>>
      %dma_start3A_152 = arith.constant 0 : i32
      %dma_start3A_153 = tpu.memref_slice %arg5[%add3A_149, %dma_start3A_152] : memref<512x4096xf32, #tpu.memory_space<hbm>> -> memref<4x4096xf32, #tpu.memory_space<hbm>>
      tpu.enqueue_dma source(%arg9 : memref<4x4096xf32, #tpu.memory_space<vmem>>) target(%dma_start3A_153 : memref<4x4096xf32, #tpu.memory_space<hbm>>) target_semaphore(%arg16 : memref<!tpu.dma_semaphore, #tpu.memory_space<semaphore_mem>>)
      %lt3A = arith.constant 1 : i32
      %lt3A_154 = arith.cmpi slt, %scan3A_28, %lt3A : i32
      %convert_element_type3A_155 = arith.extui %lt3A_154 : i1 to i32
      %cond3A_156 = arith.constant 0 : i32
      %cond3A_157 = arith.cmpi ne, %convert_element_type3A_155, %cond3A_156 : i32
      scf.if %cond3A_157 {
        %add3A_272 = arith.constant 2 : i32
        %add3A_273 = arith.addi %mul3A_30, %add3A_272 : i32
        %mul3A_274 = arith.constant 4 : i32
        %mul3A_275 = arith.muli %add3A_273, %mul3A_274 : i32
        %add3A_276 = arith.addi %mul3A_2, %mul3A_275 : i32
        %dma_start3A_277 = arith.constant 0 : i32
        %dma_start3A_278 = tpu.memref_slice %arg2[%add3A_276, %dma_start3A_277] : memref<8192x4096xf32, #tpu.memory_space<hbm>> -> memref<4x4096xf32, #tpu.memory_space<hbm>>
        %dma_start3A_279 = arith.constant 0 : i32
        %dma_start3A_280 = tpu.memref_slice %arg2[%add3A_276, %dma_start3A_279] : memref<8192x4096xf32, #tpu.memory_space<hbm>> -> memref<4x4096xf32, #tpu.memory_space<hbm>>
        tpu.enqueue_dma source(%dma_start3A_280 : memref<4x4096xf32, #tpu.memory_space<hbm>>) target(%arg6 : memref<4x4096xf32, #tpu.memory_space<vmem>>) target_semaphore(%arg14 : memref<!tpu.dma_semaphore, #tpu.memory_space<semaphore_mem>>)
        %dma_start3A_281 = arith.constant 0 : i32
        %dma_start3A_282 = tpu.memref_slice %arg4[%add3A_276, %dma_start3A_281] : memref<8192x4096xf32, #tpu.memory_space<hbm>> -> memref<4x4096xf32, #tpu.memory_space<hbm>>
        %dma_start3A_283 = arith.constant 0 : i32
        %dma_start3A_284 = tpu.memref_slice %arg4[%add3A_276, %dma_start3A_283] : memref<8192x4096xf32, #tpu.memory_space<hbm>> -> memref<4x4096xf32, #tpu.memory_space<hbm>>
        tpu.enqueue_dma source(%dma_start3A_284 : memref<4x4096xf32, #tpu.memory_space<hbm>>) target(%arg7 : memref<4x4096xf32, #tpu.memory_space<vmem>>) target_semaphore(%arg14 : memref<!tpu.dma_semaphore, #tpu.memory_space<semaphore_mem>>)
        %dma_start3A_285 = arith.constant 0 : i32
        %dma_start3A_286 = tpu.memref_slice %arg3[%add3A_276, %dma_start3A_285] : memref<8192x16xf32, #tpu.memory_space<hbm>> -> memref<4x16xf32, #tpu.memory_space<hbm>>
        %dma_start3A_287 = arith.constant 0 : i32
        %dma_start3A_288 = tpu.memref_slice %arg3[%add3A_276, %dma_start3A_287] : memref<8192x16xf32, #tpu.memory_space<hbm>> -> memref<4x16xf32, #tpu.memory_space<hbm>>
        tpu.enqueue_dma source(%dma_start3A_288 : memref<4x16xf32, #tpu.memory_space<hbm>>) target(%arg8 : memref<4x16xf32, #tpu.memory_space<vmem>>) target_semaphore(%arg14 : memref<!tpu.dma_semaphore, #tpu.memory_space<semaphore_mem>>)
      } else {
      }
      %dma_wait3A_158 = arith.constant 0 : i32
      %dma_wait3A_159 = tpu.memref_slice %arg2[%mul3A_2, %dma_wait3A_158] : memref<8192x4096xf32, #tpu.memory_space<hbm>> -> memref<4x4096xf32, #tpu.memory_space<hbm>>
      %dma_wait3A_160 = arith.constant 0 : i32
      %dma_wait3A_161 = tpu.memref_slice %arg2[%mul3A_2, %dma_wait3A_160] : memref<8192x4096xf32, #tpu.memory_space<hbm>> -> memref<4x4096xf32, #tpu.memory_space<hbm>>
      tpu.wait_dma2 semaphore(%arg15 : memref<!tpu.dma_semaphore, #tpu.memory_space<semaphore_mem>>) src(%dma_wait3A_161 : memref<4x4096xf32, #tpu.memory_space<hbm>>) dst(%arg10 : memref<4x4096xf32, #tpu.memory_space<vmem>>)
      %dma_wait3A_162 = arith.constant 0 : i32
      %dma_wait3A_163 = tpu.memref_slice %arg4[%mul3A_2, %dma_wait3A_162] : memref<8192x4096xf32, #tpu.memory_space<hbm>> -> memref<4x4096xf32, #tpu.memory_space<hbm>>
      %dma_wait3A_164 = arith.constant 0 : i32
      %dma_wait3A_165 = tpu.memref_slice %arg4[%mul3A_2, %dma_wait3A_164] : memref<8192x4096xf32, #tpu.memory_space<hbm>> -> memref<4x4096xf32, #tpu.memory_space<hbm>>
      tpu.wait_dma2 semaphore(%arg15 : memref<!tpu.dma_semaphore, #tpu.memory_space<semaphore_mem>>) src(%dma_wait3A_165 : memref<4x4096xf32, #tpu.memory_space<hbm>>) dst(%arg11 : memref<4x4096xf32, #tpu.memory_space<vmem>>)
      %dma_wait3A_166 = arith.constant 0 : i32
      %dma_wait3A_167 = tpu.memref_slice %arg3[%mul3A_2, %dma_wait3A_166] : memref<8192x16xf32, #tpu.memory_space<hbm>> -> memref<4x16xf32, #tpu.memory_space<hbm>>
      %dma_wait3A_168 = arith.constant 0 : i32
      %dma_wait3A_169 = tpu.memref_slice %arg3[%mul3A_2, %dma_wait3A_168] : memref<8192x16xf32, #tpu.memory_space<hbm>> -> memref<4x16xf32, #tpu.memory_space<hbm>>
      tpu.wait_dma2 semaphore(%arg15 : memref<!tpu.dma_semaphore, #tpu.memory_space<semaphore_mem>>) src(%dma_wait3A_169 : memref<4x16xf32, #tpu.memory_space<hbm>>) dst(%arg12 : memref<4x16xf32, #tpu.memory_space<vmem>>)
      %gt3A_170 = arith.constant 0 : i32
      %gt3A_171 = arith.cmpi sgt, %scan3A_28, %gt3A_170 : i32
      %convert_element_type3A_172 = arith.extui %gt3A_171 : i1 to i32
      %cond3A_173 = arith.constant 0 : i32
      %cond3A_174 = arith.cmpi ne, %convert_element_type3A_172, %cond3A_173 : i32
      scf.if %cond3A_174 {
        %dma_wait3A_272 = arith.constant 0 : i32
        %dma_wait3A_273 = tpu.memref_slice %arg5[%mul3A_2, %dma_wait3A_272] : memref<512x4096xf32, #tpu.memory_space<hbm>> -> memref<4x4096xf32, #tpu.memory_space<hbm>>
        %dma_wait3A_274 = arith.constant 0 : i32
        %dma_wait3A_275 = tpu.memref_slice %arg5[%mul3A_2, %dma_wait3A_274] : memref<512x4096xf32, #tpu.memory_space<hbm>> -> memref<4x4096xf32, #tpu.memory_space<hbm>>
        tpu.wait_dma2 semaphore(%arg17 : memref<!tpu.dma_semaphore, #tpu.memory_space<semaphore_mem>>) src(%arg13 : memref<4x4096xf32, #tpu.memory_space<vmem>>) dst(%dma_wait3A_275 : memref<4x4096xf32, #tpu.memory_space<hbm>>)
      } else {
      }
      %get3A_175 = arith.constant 0 : i32
      %get3A_176 = arith.index_cast %get3A_175 : i32 to index
      %get3A_177 = arith.constant 0 : index
      %get3A_178 = tpu.vector_load %arg12[%get3A_176, %get3A_177] {strides = array<i32>} : memref<4x16xf32, #tpu.memory_space<vmem>>, vector<1x16xf32>,
      %get3A_179 = vector.shape_cast %get3A_178 : vector<1x16xf32> to vector<16xf32>
      %mul3A_180 = arith.mulf %get3A_179, %get3A_179 : vector<16xf32>
      %neg3A_181 = arith.constant 0.000000e+00 : f32
      %neg3A_182 = vector.broadcast %neg3A_181 : f32 to vector<16xf32>
      %neg3A_183 = arith.subf %neg3A_182, %mul3A_180 : vector<16xf32>
      %mul3A_184 = arith.constant 0.564189613 : f32
      %mul3A_185 = vector.broadcast %mul3A_184 : f32 to vector<16xf32>
      %mul3A_186 = arith.mulf %get3A_179, %mul3A_185 : vector<16xf32>
      %mul3A_187 = arith.mulf %get3A_179, %get3A_179 : vector<16xf32>
      %div3A_188 = arith.constant 9.000000e+00 : f32
      %div3A_189 = vector.broadcast %div3A_188 : f32 to vector<16xf32>
      %div3A_190 = arith.divf %div3A_189, %mul3A_187 : vector<16xf32>
      %scan3A_191 = arith.constant 0 : i32
      %scan3A_192 = arith.constant 0 : i32
      %scan3A_193 = arith.constant 32 : i32
      %scan3A_194 = arith.addi %scan3A_192, %scan3A_193 : i32
      %scan3A_195 = arith.constant 1 : i32
      scf.for %scan3A_272 = %scan3A_192 to %scan3A_194 step %scan3A_195  : i32 {
        %mul3A_273 = arith.constant 128 : i32
        %mul3A_274 = arith.muli %scan3A_272, %mul3A_273 : i32
        %add3A_275 = arith.constant 0 : i32
        %add3A_276 = arith.addi %mul3A_274, %add3A_275 : i32
        %get3A_277 = arith.constant 0 : i32
        %get3A_278 = arith.index_cast %get3A_277 : i32 to index
        %get3A_279 = arith.index_cast %add3A_276 : i32 to index
        %get3A_280 = tpu.vector_load %arg10[%get3A_278, %get3A_279] {strides = array<i32>} : memref<4x4096xf32, #tpu.memory_space<vmem>>, vector<1x16xf32>,
        %get3A_281 = vector.shape_cast %get3A_280 : vector<1x16xf32> to vector<16xf32>
        %get3A_282 = arith.constant 0 : i32
        %get3A_283 = arith.index_cast %get3A_282 : i32 to index
        %get3A_284 = arith.index_cast %add3A_276 : i32 to index
        %get3A_285 = tpu.vector_load %arg11[%get3A_283, %get3A_284] {strides = array<i32>} : memref<4x4096xf32, #tpu.memory_space<vmem>>, vector<1x16xf32>,
        %get3A_286 = vector.shape_cast %get3A_285 : vector<1x16xf32> to vector<16xf32>
        %sub3A = arith.subf %get3A_281, %get3A_286 : vector<16xf32>
        %mul3A_287 = arith.mulf %sub3A, %sub3A : vector<16xf32>
        %mul3A_288 = arith.mulf %mul3A_287, %neg3A_183 : vector<16xf32>
        %exp3A = math.exp %mul3A_288 : vector<16xf32>
        %mul3A_289 = arith.mulf %exp3A, %mul3A_186 : vector<16xf32>
        %le3A = arith.cmpf ole, %mul3A_287, %div3A_190 : vector<16xf32>
        %jit3A = arith.constant 0.000000e+00 : f32
        %broadcast_in_dim3A = vector.broadcast %jit3A : f32 to vector<16xf32>
        %select_n3A = arith.select %le3A, %mul3A_289, %broadcast_in_dim3A : vector<16xi1>, vector<16xf32>
        %swap3A = arith.constant 0 : i32
        %swap3A_290 = arith.index_cast %swap3A : i32 to index
        %swap3A_291 = arith.index_cast %add3A_276 : i32 to index
        %swap3A_292 = tpu.vector_load %arg13[%swap3A_290, %swap3A_291] {strides = array<i32>} : memref<4x4096xf32, #tpu.memory_space<vmem>>, vector<1x16xf32>,
        %swap3A_293 = vector.shape_cast %swap3A_292 : vector<1x16xf32> to vector<16xf32>
        %swap3A_294 = vector.shape_cast %select_n3A : vector<16xf32> to vector<1x16xf32>
        tpu.vector_store %arg13[%swap3A_290, %swap3A_291], %swap3A_294 {strides = array<i32>} : memref<4x4096xf32, #tpu.memory_space<vmem>>, vector<1x16xf32>,
        %add3A_295 = arith.constant 16 : i32
        %add3A_296 = arith.addi %mul3A_274, %add3A_295 : i32
        %get3A_297 = arith.constant 0 : i32
        %get3A_298 = arith.index_cast %get3A_297 : i32 to index
        %get3A_299 = arith.index_cast %add3A_296 : i32 to index
        %get3A_300 = tpu.vector_load %arg10[%get3A_298, %get3A_299] {strides = array<i32>} : memref<4x4096xf32, #tpu.memory_space<vmem>>, vector<1x16xf32>,
        %get3A_301 = vector.shape_cast %get3A_300 : vector<1x16xf32> to vector<16xf32>
        %get3A_302 = arith.constant 0 : i32
        %get3A_303 = arith.index_cast %get3A_302 : i32 to index
        %get3A_304 = arith.index_cast %add3A_296 : i32 to index
        %get3A_305 = tpu.vector_load %arg11[%get3A_303, %get3A_304] {strides = array<i32>} : memref<4x4096xf32, #tpu.memory_space<vmem>>, vector<1x16xf32>,
        %get3A_306 = vector.shape_cast %get3A_305 : vector<1x16xf32> to vector<16xf32>
        %sub3A_307 = arith.subf %get3A_301, %get3A_306 : vector<16xf32>
        %mul3A_308 = arith.mulf %sub3A_307, %sub3A_307 : vector<16xf32>
        %mul3A_309 = arith.mulf %mul3A_308, %neg3A_183 : vector<16xf32>
        %exp3A_310 = math.exp %mul3A_309 : vector<16xf32>
        %mul3A_311 = arith.mulf %exp3A_310, %mul3A_186 : vector<16xf32>
        %le3A_312 = arith.cmpf ole, %mul3A_308, %div3A_190 : vector<16xf32>
        %jit3A_313 = arith.constant 0.000000e+00 : f32
        %broadcast_in_dim3A_314 = vector.broadcast %jit3A_313 : f32 to vector<16xf32>
        %select_n3A_315 = arith.select %le3A_312, %mul3A_311, %broadcast_in_dim3A_314 : vector<16xi1>, vector<16xf32>
        %swap3A_316 = arith.constant 0 : i32
        %swap3A_317 = arith.index_cast %swap3A_316 : i32 to index
        %swap3A_318 = arith.index_cast %add3A_296 : i32 to index
        %swap3A_319 = tpu.vector_load %arg13[%swap3A_317, %swap3A_318] {strides = array<i32>} : memref<4x4096xf32, #tpu.memory_space<vmem>>, vector<1x16xf32>,
        %swap3A_320 = vector.shape_cast %swap3A_319 : vector<1x16xf32> to vector<16xf32>
        %swap3A_321 = vector.shape_cast %select_n3A_315 : vector<16xf32> to vector<1x16xf32>
        tpu.vector_store %arg13[%swap3A_317, %swap3A_318], %swap3A_321 {strides = array<i32>} : memref<4x4096xf32, #tpu.memory_space<vmem>>, vector<1x16xf32>,
        %add3A_322 = arith.constant 32 : i32
        %add3A_323 = arith.addi %mul3A_274, %add3A_322 : i32
        %get3A_324 = arith.constant 0 : i32
        %get3A_325 = arith.index_cast %get3A_324 : i32 to index
        %get3A_326 = arith.index_cast %add3A_323 : i32 to index
        %get3A_327 = tpu.vector_load %arg10[%get3A_325, %get3A_326] {strides = array<i32>} : memref<4x4096xf32, #tpu.memory_space<vmem>>, vector<1x16xf32>,
        %get3A_328 = vector.shape_cast %get3A_327 : vector<1x16xf32> to vector<16xf32>
        %get3A_329 = arith.constant 0 : i32
        %get3A_330 = arith.index_cast %get3A_329 : i32 to index
        %get3A_331 = arith.index_cast %add3A_323 : i32 to index
        %get3A_332 = tpu.vector_load %arg11[%get3A_330, %get3A_331] {strides = array<i32>} : memref<4x4096xf32, #tpu.memory_space<vmem>>, vector<1x16xf32>,
        %get3A_333 = vector.shape_cast %get3A_332 : vector<1x16xf32> to vector<16xf32>
        %sub3A_334 = arith.subf %get3A_328, %get3A_333 : vector<16xf32>
        %mul3A_335 = arith.mulf %sub3A_334, %sub3A_334 : vector<16xf32>
        %mul3A_336 = arith.mulf %mul3A_335, %neg3A_183 : vector<16xf32>
        %exp3A_337 = math.exp %mul3A_336 : vector<16xf32>
        %mul3A_338 = arith.mulf %exp3A_337, %mul3A_186 : vector<16xf32>
        %le3A_339 = arith.cmpf ole, %mul3A_335, %div3A_190 : vector<16xf32>
        %jit3A_340 = arith.constant 0.000000e+00 : f32
        %broadcast_in_dim3A_341 = vector.broadcast %jit3A_340 : f32 to vector<16xf32>
        %select_n3A_342 = arith.select %le3A_339, %mul3A_338, %broadcast_in_dim3A_341 : vector<16xi1>, vector<16xf32>
        %swap3A_343 = arith.constant 0 : i32
        %swap3A_344 = arith.index_cast %swap3A_343 : i32 to index
        %swap3A_345 = arith.index_cast %add3A_323 : i32 to index
        %swap3A_346 = tpu.vector_load %arg13[%swap3A_344, %swap3A_345] {strides = array<i32>} : memref<4x4096xf32, #tpu.memory_space<vmem>>, vector<1x16xf32>,
        %swap3A_347 = vector.shape_cast %swap3A_346 : vector<1x16xf32> to vector<16xf32>
        %swap3A_348 = vector.shape_cast %select_n3A_342 : vector<16xf32> to vector<1x16xf32>
        tpu.vector_store %arg13[%swap3A_344, %swap3A_345], %swap3A_348 {strides = array<i32>} : memref<4x4096xf32, #tpu.memory_space<vmem>>, vector<1x16xf32>,
        %add3A_349 = arith.constant 48 : i32
        %add3A_350 = arith.addi %mul3A_274, %add3A_349 : i32
        %get3A_351 = arith.constant 0 : i32
        %get3A_352 = arith.index_cast %get3A_351 : i32 to index
        %get3A_353 = arith.index_cast %add3A_350 : i32 to index
        %get3A_354 = tpu.vector_load %arg10[%get3A_352, %get3A_353] {strides = array<i32>} : memref<4x4096xf32, #tpu.memory_space<vmem>>, vector<1x16xf32>,
        %get3A_355 = vector.shape_cast %get3A_354 : vector<1x16xf32> to vector<16xf32>
        %get3A_356 = arith.constant 0 : i32
        %get3A_357 = arith.index_cast %get3A_356 : i32 to index
        %get3A_358 = arith.index_cast %add3A_350 : i32 to index
        %get3A_359 = tpu.vector_load %arg11[%get3A_357, %get3A_358] {strides = array<i32>} : memref<4x4096xf32, #tpu.memory_space<vmem>>, vector<1x16xf32>,
        %get3A_360 = vector.shape_cast %get3A_359 : vector<1x16xf32> to vector<16xf32>
        %sub3A_361 = arith.subf %get3A_355, %get3A_360 : vector<16xf32>
        %mul3A_362 = arith.mulf %sub3A_361, %sub3A_361 : vector<16xf32>
        %mul3A_363 = arith.mulf %mul3A_362, %neg3A_183 : vector<16xf32>
        %exp3A_364 = math.exp %mul3A_363 : vector<16xf32>
        %mul3A_365 = arith.mulf %exp3A_364, %mul3A_186 : vector<16xf32>
        %le3A_366 = arith.cmpf ole, %mul3A_362, %div3A_190 : vector<16xf32>
        %jit3A_367 = arith.constant 0.000000e+00 : f32
        %broadcast_in_dim3A_368 = vector.broadcast %jit3A_367 : f32 to vector<16xf32>
        %select_n3A_369 = arith.select %le3A_366, %mul3A_365, %broadcast_in_dim3A_368 : vector<16xi1>, vector<16xf32>
        %swap3A_370 = arith.constant 0 : i32
        %swap3A_371 = arith.index_cast %swap3A_370 : i32 to index
        %swap3A_372 = arith.index_cast %add3A_350 : i32 to index
        %swap3A_373 = tpu.vector_load %arg13[%swap3A_371, %swap3A_372] {strides = array<i32>} : memref<4x4096xf32, #tpu.memory_space<vmem>>, vector<1x16xf32>,
        %swap3A_374 = vector.shape_cast %swap3A_373 : vector<1x16xf32> to vector<16xf32>
        %swap3A_375 = vector.shape_cast %select_n3A_369 : vector<16xf32> to vector<1x16xf32>
        tpu.vector_store %arg13[%swap3A_371, %swap3A_372], %swap3A_375 {strides = array<i32>} : memref<4x4096xf32, #tpu.memory_space<vmem>>, vector<1x16xf32>,
        %add3A_376 = arith.constant 64 : i32
        %add3A_377 = arith.addi %mul3A_274, %add3A_376 : i32
        %get3A_378 = arith.constant 0 : i32
        %get3A_379 = arith.index_cast %get3A_378 : i32 to index
        %get3A_380 = arith.index_cast %add3A_377 : i32 to index
        %get3A_381 = tpu.vector_load %arg10[%get3A_379, %get3A_380] {strides = array<i32>} : memref<4x4096xf32, #tpu.memory_space<vmem>>, vector<1x16xf32>,
        %get3A_382 = vector.shape_cast %get3A_381 : vector<1x16xf32> to vector<16xf32>
        %get3A_383 = arith.constant 0 : i32
        %get3A_384 = arith.index_cast %get3A_383 : i32 to index
        %get3A_385 = arith.index_cast %add3A_377 : i32 to index
        %get3A_386 = tpu.vector_load %arg11[%get3A_384, %get3A_385] {strides = array<i32>} : memref<4x4096xf32, #tpu.memory_space<vmem>>, vector<1x16xf32>,
        %get3A_387 = vector.shape_cast %get3A_386 : vector<1x16xf32> to vector<16xf32>
        %sub3A_388 = arith.subf %get3A_382, %get3A_387 : vector<16xf32>
        %mul3A_389 = arith.mulf %sub3A_388, %sub3A_388 : vector<16xf32>
        %mul3A_390 = arith.mulf %mul3A_389, %neg3A_183 : vector<16xf32>
        %exp3A_391 = math.exp %mul3A_390 : vector<16xf32>
        %mul3A_392 = arith.mulf %exp3A_391, %mul3A_186 : vector<16xf32>
        %le3A_393 = arith.cmpf ole, %mul3A_389, %div3A_190 : vector<16xf32>
        %jit3A_394 = arith.constant 0.000000e+00 : f32
        %broadcast_in_dim3A_395 = vector.broadcast %jit3A_394 : f32 to vector<16xf32>
        %select_n3A_396 = arith.select %le3A_393, %mul3A_392, %broadcast_in_dim3A_395 : vector<16xi1>, vector<16xf32>
        %swap3A_397 = arith.constant 0 : i32
        %swap3A_398 = arith.index_cast %swap3A_397 : i32 to index
        %swap3A_399 = arith.index_cast %add3A_377 : i32 to index
        %swap3A_400 = tpu.vector_load %arg13[%swap3A_398, %swap3A_399] {strides = array<i32>} : memref<4x4096xf32, #tpu.memory_space<vmem>>, vector<1x16xf32>,
        %swap3A_401 = vector.shape_cast %swap3A_400 : vector<1x16xf32> to vector<16xf32>
        %swap3A_402 = vector.shape_cast %select_n3A_396 : vector<16xf32> to vector<1x16xf32>
        tpu.vector_store %arg13[%swap3A_398, %swap3A_399], %swap3A_402 {strides = array<i32>} : memref<4x4096xf32, #tpu.memory_space<vmem>>, vector<1x16xf32>,
        %add3A_403 = arith.constant 80 : i32
        %add3A_404 = arith.addi %mul3A_274, %add3A_403 : i32
        %get3A_405 = arith.constant 0 : i32
        %get3A_406 = arith.index_cast %get3A_405 : i32 to index
        %get3A_407 = arith.index_cast %add3A_404 : i32 to index
        %get3A_408 = tpu.vector_load %arg10[%get3A_406, %get3A_407] {strides = array<i32>} : memref<4x4096xf32, #tpu.memory_space<vmem>>, vector<1x16xf32>,
        %get3A_409 = vector.shape_cast %get3A_408 : vector<1x16xf32> to vector<16xf32>
        %get3A_410 = arith.constant 0 : i32
        %get3A_411 = arith.index_cast %get3A_410 : i32 to index
        %get3A_412 = arith.index_cast %add3A_404 : i32 to index
        %get3A_413 = tpu.vector_load %arg11[%get3A_411, %get3A_412] {strides = array<i32>} : memref<4x4096xf32, #tpu.memory_space<vmem>>, vector<1x16xf32>,
        %get3A_414 = vector.shape_cast %get3A_413 : vector<1x16xf32> to vector<16xf32>
        %sub3A_415 = arith.subf %get3A_409, %get3A_414 : vector<16xf32>
        %mul3A_416 = arith.mulf %sub3A_415, %sub3A_415 : vector<16xf32>
        %mul3A_417 = arith.mulf %mul3A_416, %neg3A_183 : vector<16xf32>
        %exp3A_418 = math.exp %mul3A_417 : vector<16xf32>
        %mul3A_419 = arith.mulf %exp3A_418, %mul3A_186 : vector<16xf32>
        %le3A_420 = arith.cmpf ole, %mul3A_416, %div3A_190 : vector<16xf32>
        %jit3A_421 = arith.constant 0.000000e+00 : f32
        %broadcast_in_dim3A_422 = vector.broadcast %jit3A_421 : f32 to vector<16xf32>
        %select_n3A_423 = arith.select %le3A_420, %mul3A_419, %broadcast_in_dim3A_422 : vector<16xi1>, vector<16xf32>
        %swap3A_424 = arith.constant 0 : i32
        %swap3A_425 = arith.index_cast %swap3A_424 : i32 to index
        %swap3A_426 = arith.index_cast %add3A_404 : i32 to index
        %swap3A_427 = tpu.vector_load %arg13[%swap3A_425, %swap3A_426] {strides = array<i32>} : memref<4x4096xf32, #tpu.memory_space<vmem>>, vector<1x16xf32>,
        %swap3A_428 = vector.shape_cast %swap3A_427 : vector<1x16xf32> to vector<16xf32>
        %swap3A_429 = vector.shape_cast %select_n3A_423 : vector<16xf32> to vector<1x16xf32>
        tpu.vector_store %arg13[%swap3A_425, %swap3A_426], %swap3A_429 {strides = array<i32>} : memref<4x4096xf32, #tpu.memory_space<vmem>>, vector<1x16xf32>,
        %add3A_430 = arith.constant 96 : i32
        %add3A_431 = arith.addi %mul3A_274, %add3A_430 : i32
        %get3A_432 = arith.constant 0 : i32
        %get3A_433 = arith.index_cast %get3A_432 : i32 to index
        %get3A_434 = arith.index_cast %add3A_431 : i32 to index
        %get3A_435 = tpu.vector_load %arg10[%get3A_433, %get3A_434] {strides = array<i32>} : memref<4x4096xf32, #tpu.memory_space<vmem>>, vector<1x16xf32>,
        %get3A_436 = vector.shape_cast %get3A_435 : vector<1x16xf32> to vector<16xf32>
        %get3A_437 = arith.constant 0 : i32
        %get3A_438 = arith.index_cast %get3A_437 : i32 to index
        %get3A_439 = arith.index_cast %add3A_431 : i32 to index
        %get3A_440 = tpu.vector_load %arg11[%get3A_438, %get3A_439] {strides = array<i32>} : memref<4x4096xf32, #tpu.memory_space<vmem>>, vector<1x16xf32>,
        %get3A_441 = vector.shape_cast %get3A_440 : vector<1x16xf32> to vector<16xf32>
        %sub3A_442 = arith.subf %get3A_436, %get3A_441 : vector<16xf32>
        %mul3A_443 = arith.mulf %sub3A_442, %sub3A_442 : vector<16xf32>
        %mul3A_444 = arith.mulf %mul3A_443, %neg3A_183 : vector<16xf32>
        %exp3A_445 = math.exp %mul3A_444 : vector<16xf32>
        %mul3A_446 = arith.mulf %exp3A_445, %mul3A_186 : vector<16xf32>
        %le3A_447 = arith.cmpf ole, %mul3A_443, %div3A_190 : vector<16xf32>
        %jit3A_448 = arith.constant 0.000000e+00 : f32
        %broadcast_in_dim3A_449 = vector.broadcast %jit3A_448 : f32 to vector<16xf32>
        %select_n3A_450 = arith.select %le3A_447, %mul3A_446, %broadcast_in_dim3A_449 : vector<16xi1>, vector<16xf32>
        %swap3A_451 = arith.constant 0 : i32
        %swap3A_452 = arith.index_cast %swap3A_451 : i32 to index
        %swap3A_453 = arith.index_cast %add3A_431 : i32 to index
        %swap3A_454 = tpu.vector_load %arg13[%swap3A_452, %swap3A_453] {strides = array<i32>} : memref<4x4096xf32, #tpu.memory_space<vmem>>, vector<1x16xf32>,
        %swap3A_455 = vector.shape_cast %swap3A_454 : vector<1x16xf32> to vector<16xf32>
        %swap3A_456 = vector.shape_cast %select_n3A_450 : vector<16xf32> to vector<1x16xf32>
        tpu.vector_store %arg13[%swap3A_452, %swap3A_453], %swap3A_456 {strides = array<i32>} : memref<4x4096xf32, #tpu.memory_space<vmem>>, vector<1x16xf32>,
        %add3A_457 = arith.constant 112 : i32
        %add3A_458 = arith.addi %mul3A_274, %add3A_457 : i32
        %get3A_459 = arith.constant 0 : i32
        %get3A_460 = arith.index_cast %get3A_459 : i32 to index
        %get3A_461 = arith.index_cast %add3A_458 : i32 to index
        %get3A_462 = tpu.vector_load %arg10[%get3A_460, %get3A_461] {strides = array<i32>} : memref<4x4096xf32, #tpu.memory_space<vmem>>, vector<1x16xf32>,
        %get3A_463 = vector.shape_cast %get3A_462 : vector<1x16xf32> to vector<16xf32>
        %get3A_464 = arith.constant 0 : i32
        %get3A_465 = arith.index_cast %get3A_464 : i32 to index
        %get3A_466 = arith.index_cast %add3A_458 : i32 to index
        %get3A_467 = tpu.vector_load %arg11[%get3A_465, %get3A_466] {strides = array<i32>} : memref<4x4096xf32, #tpu.memory_space<vmem>>, vector<1x16xf32>,
        %get3A_468 = vector.shape_cast %get3A_467 : vector<1x16xf32> to vector<16xf32>
        %sub3A_469 = arith.subf %get3A_463, %get3A_468 : vector<16xf32>
        %mul3A_470 = arith.mulf %sub3A_469, %sub3A_469 : vector<16xf32>
        %mul3A_471 = arith.mulf %mul3A_470, %neg3A_183 : vector<16xf32>
        %exp3A_472 = math.exp %mul3A_471 : vector<16xf32>
        %mul3A_473 = arith.mulf %exp3A_472, %mul3A_186 : vector<16xf32>
        %le3A_474 = arith.cmpf ole, %mul3A_470, %div3A_190 : vector<16xf32>
        %jit3A_475 = arith.constant 0.000000e+00 : f32
        %broadcast_in_dim3A_476 = vector.broadcast %jit3A_475 : f32 to vector<16xf32>
        %select_n3A_477 = arith.select %le3A_474, %mul3A_473, %broadcast_in_dim3A_476 : vector<16xi1>, vector<16xf32>
        %swap3A_478 = arith.constant 0 : i32
        %swap3A_479 = arith.index_cast %swap3A_478 : i32 to index
        %swap3A_480 = arith.index_cast %add3A_458 : i32 to index
        %swap3A_481 = tpu.vector_load %arg13[%swap3A_479, %swap3A_480] {strides = array<i32>} : memref<4x4096xf32, #tpu.memory_space<vmem>>, vector<1x16xf32>,
        %swap3A_482 = vector.shape_cast %swap3A_481 : vector<1x16xf32> to vector<16xf32>
        %swap3A_483 = vector.shape_cast %select_n3A_477 : vector<16xf32> to vector<1x16xf32>
        tpu.vector_store %arg13[%swap3A_479, %swap3A_480], %swap3A_483 {strides = array<i32>} : memref<4x4096xf32, #tpu.memory_space<vmem>>, vector<1x16xf32>,
      }
      %scan3A_196 = arith.constant 32 : i32
      %get3A_197 = arith.constant 1 : i32
      %get3A_198 = arith.index_cast %get3A_197 : i32 to index
      %get3A_199 = arith.constant 0 : index
      %get3A_200 = tpu.vector_load %arg12[%get3A_198, %get3A_199] {strides = array<i32>} : memref<4x16xf32, #tpu.memory_space<vmem>>, vector<1x16xf32>,
      %get3A_201 = vector.shape_cast %get3A_200 : vector<1x16xf32> to vector<16xf32>
      %mul3A_202 = arith.mulf %get3A_201, %get3A_201 : vector<16xf32>
      %neg3A_203 = arith.constant 0.000000e+00 : f32
      %neg3A_204 = vector.broadcast %neg3A_203 : f32 to vector<16xf32>
      %neg3A_205 = arith.subf %neg3A_204, %mul3A_202 : vector<16xf32>
      %mul3A_206 = arith.constant 0.564189613 : f32
      %mul3A_207 = vector.broadcast %mul3A_206 : f32 to vector<16xf32>
      %mul3A_208 = arith.mulf %get3A_201, %mul3A_207 : vector<16xf32>
      %mul3A_209 = arith.mulf %get3A_201, %get3A_201 : vector<16xf32>
      %div3A_210 = arith.constant 9.000000e+00 : f32
      %div3A_211 = vector.broadcast %div3A_210 : f32 to vector<16xf32>
      %div3A_212 = arith.divf %div3A_211, %mul3A_209 : vector<16xf32>
      %scan3A_213 = arith.constant 0 : i32
      %scan3A_214 = arith.constant 0 : i32
      %scan3A_215 = arith.constant 32 : i32
      %scan3A_216 = arith.addi %scan3A_214, %scan3A_215 : i32
      %scan3A_217 = arith.constant 1 : i32
      scf.for %scan3A_272 = %scan3A_214 to %scan3A_216 step %scan3A_217  : i32 {
        %mul3A_273 = arith.constant 128 : i32
        %mul3A_274 = arith.muli %scan3A_272, %mul3A_273 : i32
        %add3A_275 = arith.constant 0 : i32
        %add3A_276 = arith.addi %mul3A_274, %add3A_275 : i32
        %get3A_277 = arith.constant 1 : i32
        %get3A_278 = arith.index_cast %get3A_277 : i32 to index
        %get3A_279 = arith.index_cast %add3A_276 : i32 to index
        %get3A_280 = tpu.vector_load %arg10[%get3A_278, %get3A_279] {strides = array<i32>} : memref<4x4096xf32, #tpu.memory_space<vmem>>, vector<1x16xf32>,
        %get3A_281 = vector.shape_cast %get3A_280 : vector<1x16xf32> to vector<16xf32>
        %get3A_282 = arith.constant 1 : i32
        %get3A_283 = arith.index_cast %get3A_282 : i32 to index
        %get3A_284 = arith.index_cast %add3A_276 : i32 to index
        %get3A_285 = tpu.vector_load %arg11[%get3A_283, %get3A_284] {strides = array<i32>} : memref<4x4096xf32, #tpu.memory_space<vmem>>, vector<1x16xf32>,
        %get3A_286 = vector.shape_cast %get3A_285 : vector<1x16xf32> to vector<16xf32>
        %sub3A = arith.subf %get3A_281, %get3A_286 : vector<16xf32>
        %mul3A_287 = arith.mulf %sub3A, %sub3A : vector<16xf32>
        %mul3A_288 = arith.mulf %mul3A_287, %neg3A_205 : vector<16xf32>
        %exp3A = math.exp %mul3A_288 : vector<16xf32>
        %mul3A_289 = arith.mulf %exp3A, %mul3A_208 : vector<16xf32>
        %le3A = arith.cmpf ole, %mul3A_287, %div3A_212 : vector<16xf32>
        %jit3A = arith.constant 0.000000e+00 : f32
        %broadcast_in_dim3A = vector.broadcast %jit3A : f32 to vector<16xf32>
        %select_n3A = arith.select %le3A, %mul3A_289, %broadcast_in_dim3A : vector<16xi1>, vector<16xf32>
        %swap3A = arith.constant 1 : i32
        %swap3A_290 = arith.index_cast %swap3A : i32 to index
        %swap3A_291 = arith.index_cast %add3A_276 : i32 to index
        %swap3A_292 = tpu.vector_load %arg13[%swap3A_290, %swap3A_291] {strides = array<i32>} : memref<4x4096xf32, #tpu.memory_space<vmem>>, vector<1x16xf32>,
        %swap3A_293 = vector.shape_cast %swap3A_292 : vector<1x16xf32> to vector<16xf32>
        %swap3A_294 = vector.shape_cast %select_n3A : vector<16xf32> to vector<1x16xf32>
        tpu.vector_store %arg13[%swap3A_290, %swap3A_291], %swap3A_294 {strides = array<i32>} : memref<4x4096xf32, #tpu.memory_space<vmem>>, vector<1x16xf32>,
        %add3A_295 = arith.constant 16 : i32
        %add3A_296 = arith.addi %mul3A_274, %add3A_295 : i32
        %get3A_297 = arith.constant 1 : i32
        %get3A_298 = arith.index_cast %get3A_297 : i32 to index
        %get3A_299 = arith.index_cast %add3A_296 : i32 to index
        %get3A_300 = tpu.vector_load %arg10[%get3A_298, %get3A_299] {strides = array<i32>} : memref<4x4096xf32, #tpu.memory_space<vmem>>, vector<1x16xf32>,
        %get3A_301 = vector.shape_cast %get3A_300 : vector<1x16xf32> to vector<16xf32>
        %get3A_302 = arith.constant 1 : i32
        %get3A_303 = arith.index_cast %get3A_302 : i32 to index
        %get3A_304 = arith.index_cast %add3A_296 : i32 to index
        %get3A_305 = tpu.vector_load %arg11[%get3A_303, %get3A_304] {strides = array<i32>} : memref<4x4096xf32, #tpu.memory_space<vmem>>, vector<1x16xf32>,
        %get3A_306 = vector.shape_cast %get3A_305 : vector<1x16xf32> to vector<16xf32>
        %sub3A_307 = arith.subf %get3A_301, %get3A_306 : vector<16xf32>
        %mul3A_308 = arith.mulf %sub3A_307, %sub3A_307 : vector<16xf32>
        %mul3A_309 = arith.mulf %mul3A_308, %neg3A_205 : vector<16xf32>
        %exp3A_310 = math.exp %mul3A_309 : vector<16xf32>
        %mul3A_311 = arith.mulf %exp3A_310, %mul3A_208 : vector<16xf32>
        %le3A_312 = arith.cmpf ole, %mul3A_308, %div3A_212 : vector<16xf32>
        %jit3A_313 = arith.constant 0.000000e+00 : f32
        %broadcast_in_dim3A_314 = vector.broadcast %jit3A_313 : f32 to vector<16xf32>
        %select_n3A_315 = arith.select %le3A_312, %mul3A_311, %broadcast_in_dim3A_314 : vector<16xi1>, vector<16xf32>
        %swap3A_316 = arith.constant 1 : i32
        %swap3A_317 = arith.index_cast %swap3A_316 : i32 to index
        %swap3A_318 = arith.index_cast %add3A_296 : i32 to index
        %swap3A_319 = tpu.vector_load %arg13[%swap3A_317, %swap3A_318] {strides = array<i32>} : memref<4x4096xf32, #tpu.memory_space<vmem>>, vector<1x16xf32>,
        %swap3A_320 = vector.shape_cast %swap3A_319 : vector<1x16xf32> to vector<16xf32>
        %swap3A_321 = vector.shape_cast %select_n3A_315 : vector<16xf32> to vector<1x16xf32>
        tpu.vector_store %arg13[%swap3A_317, %swap3A_318], %swap3A_321 {strides = array<i32>} : memref<4x4096xf32, #tpu.memory_space<vmem>>, vector<1x16xf32>,
        %add3A_322 = arith.constant 32 : i32
        %add3A_323 = arith.addi %mul3A_274, %add3A_322 : i32
        %get3A_324 = arith.constant 1 : i32
        %get3A_325 = arith.index_cast %get3A_324 : i32 to index
        %get3A_326 = arith.index_cast %add3A_323 : i32 to index
        %get3A_327 = tpu.vector_load %arg10[%get3A_325, %get3A_326] {strides = array<i32>} : memref<4x4096xf32, #tpu.memory_space<vmem>>, vector<1x16xf32>,
        %get3A_328 = vector.shape_cast %get3A_327 : vector<1x16xf32> to vector<16xf32>
        %get3A_329 = arith.constant 1 : i32
        %get3A_330 = arith.index_cast %get3A_329 : i32 to index
        %get3A_331 = arith.index_cast %add3A_323 : i32 to index
        %get3A_332 = tpu.vector_load %arg11[%get3A_330, %get3A_331] {strides = array<i32>} : memref<4x4096xf32, #tpu.memory_space<vmem>>, vector<1x16xf32>,
        %get3A_333 = vector.shape_cast %get3A_332 : vector<1x16xf32> to vector<16xf32>
        %sub3A_334 = arith.subf %get3A_328, %get3A_333 : vector<16xf32>
        %mul3A_335 = arith.mulf %sub3A_334, %sub3A_334 : vector<16xf32>
        %mul3A_336 = arith.mulf %mul3A_335, %neg3A_205 : vector<16xf32>
        %exp3A_337 = math.exp %mul3A_336 : vector<16xf32>
        %mul3A_338 = arith.mulf %exp3A_337, %mul3A_208 : vector<16xf32>
        %le3A_339 = arith.cmpf ole, %mul3A_335, %div3A_212 : vector<16xf32>
        %jit3A_340 = arith.constant 0.000000e+00 : f32
        %broadcast_in_dim3A_341 = vector.broadcast %jit3A_340 : f32 to vector<16xf32>
        %select_n3A_342 = arith.select %le3A_339, %mul3A_338, %broadcast_in_dim3A_341 : vector<16xi1>, vector<16xf32>
        %swap3A_343 = arith.constant 1 : i32
        %swap3A_344 = arith.index_cast %swap3A_343 : i32 to index
        %swap3A_345 = arith.index_cast %add3A_323 : i32 to index
        %swap3A_346 = tpu.vector_load %arg13[%swap3A_344, %swap3A_345] {strides = array<i32>} : memref<4x4096xf32, #tpu.memory_space<vmem>>, vector<1x16xf32>,
        %swap3A_347 = vector.shape_cast %swap3A_346 : vector<1x16xf32> to vector<16xf32>
        %swap3A_348 = vector.shape_cast %select_n3A_342 : vector<16xf32> to vector<1x16xf32>
        tpu.vector_store %arg13[%swap3A_344, %swap3A_345], %swap3A_348 {strides = array<i32>} : memref<4x4096xf32, #tpu.memory_space<vmem>>, vector<1x16xf32>,
        %add3A_349 = arith.constant 48 : i32
        %add3A_350 = arith.addi %mul3A_274, %add3A_349 : i32
        %get3A_351 = arith.constant 1 : i32
        %get3A_352 = arith.index_cast %get3A_351 : i32 to index
        %get3A_353 = arith.index_cast %add3A_350 : i32 to index
        %get3A_354 = tpu.vector_load %arg10[%get3A_352, %get3A_353] {strides = array<i32>} : memref<4x4096xf32, #tpu.memory_space<vmem>>, vector<1x16xf32>,
        %get3A_355 = vector.shape_cast %get3A_354 : vector<1x16xf32> to vector<16xf32>
        %get3A_356 = arith.constant 1 : i32
        %get3A_357 = arith.index_cast %get3A_356 : i32 to index
        %get3A_358 = arith.index_cast %add3A_350 : i32 to index
        %get3A_359 = tpu.vector_load %arg11[%get3A_357, %get3A_358] {strides = array<i32>} : memref<4x4096xf32, #tpu.memory_space<vmem>>, vector<1x16xf32>,
        %get3A_360 = vector.shape_cast %get3A_359 : vector<1x16xf32> to vector<16xf32>
        %sub3A_361 = arith.subf %get3A_355, %get3A_360 : vector<16xf32>
        %mul3A_362 = arith.mulf %sub3A_361, %sub3A_361 : vector<16xf32>
        %mul3A_363 = arith.mulf %mul3A_362, %neg3A_205 : vector<16xf32>
        %exp3A_364 = math.exp %mul3A_363 : vector<16xf32>
        %mul3A_365 = arith.mulf %exp3A_364, %mul3A_208 : vector<16xf32>
        %le3A_366 = arith.cmpf ole, %mul3A_362, %div3A_212 : vector<16xf32>
        %jit3A_367 = arith.constant 0.000000e+00 : f32
        %broadcast_in_dim3A_368 = vector.broadcast %jit3A_367 : f32 to vector<16xf32>
        %select_n3A_369 = arith.select %le3A_366, %mul3A_365, %broadcast_in_dim3A_368 : vector<16xi1>, vector<16xf32>
        %swap3A_370 = arith.constant 1 : i32
        %swap3A_371 = arith.index_cast %swap3A_370 : i32 to index
        %swap3A_372 = arith.index_cast %add3A_350 : i32 to index
        %swap3A_373 = tpu.vector_load %arg13[%swap3A_371, %swap3A_372] {strides = array<i32>} : memref<4x4096xf32, #tpu.memory_space<vmem>>, vector<1x16xf32>,
        %swap3A_374 = vector.shape_cast %swap3A_373 : vector<1x16xf32> to vector<16xf32>
        %swap3A_375 = vector.shape_cast %select_n3A_369 : vector<16xf32> to vector<1x16xf32>
        tpu.vector_store %arg13[%swap3A_371, %swap3A_372], %swap3A_375 {strides = array<i32>} : memref<4x4096xf32, #tpu.memory_space<vmem>>, vector<1x16xf32>,
        %add3A_376 = arith.constant 64 : i32
        %add3A_377 = arith.addi %mul3A_274, %add3A_376 : i32
        %get3A_378 = arith.constant 1 : i32
        %get3A_379 = arith.index_cast %get3A_378 : i32 to index
        %get3A_380 = arith.index_cast %add3A_377 : i32 to index
        %get3A_381 = tpu.vector_load %arg10[%get3A_379, %get3A_380] {strides = array<i32>} : memref<4x4096xf32, #tpu.memory_space<vmem>>, vector<1x16xf32>,
        %get3A_382 = vector.shape_cast %get3A_381 : vector<1x16xf32> to vector<16xf32>
        %get3A_383 = arith.constant 1 : i32
        %get3A_384 = arith.index_cast %get3A_383 : i32 to index
        %get3A_385 = arith.index_cast %add3A_377 : i32 to index
        %get3A_386 = tpu.vector_load %arg11[%get3A_384, %get3A_385] {strides = array<i32>} : memref<4x4096xf32, #tpu.memory_space<vmem>>, vector<1x16xf32>,
        %get3A_387 = vector.shape_cast %get3A_386 : vector<1x16xf32> to vector<16xf32>
        %sub3A_388 = arith.subf %get3A_382, %get3A_387 : vector<16xf32>
        %mul3A_389 = arith.mulf %sub3A_388, %sub3A_388 : vector<16xf32>
        %mul3A_390 = arith.mulf %mul3A_389, %neg3A_205 : vector<16xf32>
        %exp3A_391 = math.exp %mul3A_390 : vector<16xf32>
        %mul3A_392 = arith.mulf %exp3A_391, %mul3A_208 : vector<16xf32>
        %le3A_393 = arith.cmpf ole, %mul3A_389, %div3A_212 : vector<16xf32>
        %jit3A_394 = arith.constant 0.000000e+00 : f32
        %broadcast_in_dim3A_395 = vector.broadcast %jit3A_394 : f32 to vector<16xf32>
        %select_n3A_396 = arith.select %le3A_393, %mul3A_392, %broadcast_in_dim3A_395 : vector<16xi1>, vector<16xf32>
        %swap3A_397 = arith.constant 1 : i32
        %swap3A_398 = arith.index_cast %swap3A_397 : i32 to index
        %swap3A_399 = arith.index_cast %add3A_377 : i32 to index
        %swap3A_400 = tpu.vector_load %arg13[%swap3A_398, %swap3A_399] {strides = array<i32>} : memref<4x4096xf32, #tpu.memory_space<vmem>>, vector<1x16xf32>,
        %swap3A_401 = vector.shape_cast %swap3A_400 : vector<1x16xf32> to vector<16xf32>
        %swap3A_402 = vector.shape_cast %select_n3A_396 : vector<16xf32> to vector<1x16xf32>
        tpu.vector_store %arg13[%swap3A_398, %swap3A_399], %swap3A_402 {strides = array<i32>} : memref<4x4096xf32, #tpu.memory_space<vmem>>, vector<1x16xf32>,
        %add3A_403 = arith.constant 80 : i32
        %add3A_404 = arith.addi %mul3A_274, %add3A_403 : i32
        %get3A_405 = arith.constant 1 : i32
        %get3A_406 = arith.index_cast %get3A_405 : i32 to index
        %get3A_407 = arith.index_cast %add3A_404 : i32 to index
        %get3A_408 = tpu.vector_load %arg10[%get3A_406, %get3A_407] {strides = array<i32>} : memref<4x4096xf32, #tpu.memory_space<vmem>>, vector<1x16xf32>,
        %get3A_409 = vector.shape_cast %get3A_408 : vector<1x16xf32> to vector<16xf32>
        %get3A_410 = arith.constant 1 : i32
        %get3A_411 = arith.index_cast %get3A_410 : i32 to index
        %get3A_412 = arith.index_cast %add3A_404 : i32 to index
        %get3A_413 = tpu.vector_load %arg11[%get3A_411, %get3A_412] {strides = array<i32>} : memref<4x4096xf32, #tpu.memory_space<vmem>>, vector<1x16xf32>,
        %get3A_414 = vector.shape_cast %get3A_413 : vector<1x16xf32> to vector<16xf32>
        %sub3A_415 = arith.subf %get3A_409, %get3A_414 : vector<16xf32>
        %mul3A_416 = arith.mulf %sub3A_415, %sub3A_415 : vector<16xf32>
        %mul3A_417 = arith.mulf %mul3A_416, %neg3A_205 : vector<16xf32>
        %exp3A_418 = math.exp %mul3A_417 : vector<16xf32>
        %mul3A_419 = arith.mulf %exp3A_418, %mul3A_208 : vector<16xf32>
        %le3A_420 = arith.cmpf ole, %mul3A_416, %div3A_212 : vector<16xf32>
        %jit3A_421 = arith.constant 0.000000e+00 : f32
        %broadcast_in_dim3A_422 = vector.broadcast %jit3A_421 : f32 to vector<16xf32>
        %select_n3A_423 = arith.select %le3A_420, %mul3A_419, %broadcast_in_dim3A_422 : vector<16xi1>, vector<16xf32>
        %swap3A_424 = arith.constant 1 : i32
        %swap3A_425 = arith.index_cast %swap3A_424 : i32 to index
        %swap3A_426 = arith.index_cast %add3A_404 : i32 to index
        %swap3A_427 = tpu.vector_load %arg13[%swap3A_425, %swap3A_426] {strides = array<i32>} : memref<4x4096xf32, #tpu.memory_space<vmem>>, vector<1x16xf32>,
        %swap3A_428 = vector.shape_cast %swap3A_427 : vector<1x16xf32> to vector<16xf32>
        %swap3A_429 = vector.shape_cast %select_n3A_423 : vector<16xf32> to vector<1x16xf32>
        tpu.vector_store %arg13[%swap3A_425, %swap3A_426], %swap3A_429 {strides = array<i32>} : memref<4x4096xf32, #tpu.memory_space<vmem>>, vector<1x16xf32>,
        %add3A_430 = arith.constant 96 : i32
        %add3A_431 = arith.addi %mul3A_274, %add3A_430 : i32
        %get3A_432 = arith.constant 1 : i32
        %get3A_433 = arith.index_cast %get3A_432 : i32 to index
        %get3A_434 = arith.index_cast %add3A_431 : i32 to index
        %get3A_435 = tpu.vector_load %arg10[%get3A_433, %get3A_434] {strides = array<i32>} : memref<4x4096xf32, #tpu.memory_space<vmem>>, vector<1x16xf32>,
        %get3A_436 = vector.shape_cast %get3A_435 : vector<1x16xf32> to vector<16xf32>
        %get3A_437 = arith.constant 1 : i32
        %get3A_438 = arith.index_cast %get3A_437 : i32 to index
        %get3A_439 = arith.index_cast %add3A_431 : i32 to index
        %get3A_440 = tpu.vector_load %arg11[%get3A_438, %get3A_439] {strides = array<i32>} : memref<4x4096xf32, #tpu.memory_space<vmem>>, vector<1x16xf32>,
        %get3A_441 = vector.shape_cast %get3A_440 : vector<1x16xf32> to vector<16xf32>
        %sub3A_442 = arith.subf %get3A_436, %get3A_441 : vector<16xf32>
        %mul3A_443 = arith.mulf %sub3A_442, %sub3A_442 : vector<16xf32>
        %mul3A_444 = arith.mulf %mul3A_443, %neg3A_205 : vector<16xf32>
        %exp3A_445 = math.exp %mul3A_444 : vector<16xf32>
        %mul3A_446 = arith.mulf %exp3A_445, %mul3A_208 : vector<16xf32>
        %le3A_447 = arith.cmpf ole, %mul3A_443, %div3A_212 : vector<16xf32>
        %jit3A_448 = arith.constant 0.000000e+00 : f32
        %broadcast_in_dim3A_449 = vector.broadcast %jit3A_448 : f32 to vector<16xf32>
        %select_n3A_450 = arith.select %le3A_447, %mul3A_446, %broadcast_in_dim3A_449 : vector<16xi1>, vector<16xf32>
        %swap3A_451 = arith.constant 1 : i32
        %swap3A_452 = arith.index_cast %swap3A_451 : i32 to index
        %swap3A_453 = arith.index_cast %add3A_431 : i32 to index
        %swap3A_454 = tpu.vector_load %arg13[%swap3A_452, %swap3A_453] {strides = array<i32>} : memref<4x4096xf32, #tpu.memory_space<vmem>>, vector<1x16xf32>,
        %swap3A_455 = vector.shape_cast %swap3A_454 : vector<1x16xf32> to vector<16xf32>
        %swap3A_456 = vector.shape_cast %select_n3A_450 : vector<16xf32> to vector<1x16xf32>
        tpu.vector_store %arg13[%swap3A_452, %swap3A_453], %swap3A_456 {strides = array<i32>} : memref<4x4096xf32, #tpu.memory_space<vmem>>, vector<1x16xf32>,
        %add3A_457 = arith.constant 112 : i32
        %add3A_458 = arith.addi %mul3A_274, %add3A_457 : i32
        %get3A_459 = arith.constant 1 : i32
        %get3A_460 = arith.index_cast %get3A_459 : i32 to index
        %get3A_461 = arith.index_cast %add3A_458 : i32 to index
        %get3A_462 = tpu.vector_load %arg10[%get3A_460, %get3A_461] {strides = array<i32>} : memref<4x4096xf32, #tpu.memory_space<vmem>>, vector<1x16xf32>,
        %get3A_463 = vector.shape_cast %get3A_462 : vector<1x16xf32> to vector<16xf32>
        %get3A_464 = arith.constant 1 : i32
        %get3A_465 = arith.index_cast %get3A_464 : i32 to index
        %get3A_466 = arith.index_cast %add3A_458 : i32 to index
        %get3A_467 = tpu.vector_load %arg11[%get3A_465, %get3A_466] {strides = array<i32>} : memref<4x4096xf32, #tpu.memory_space<vmem>>, vector<1x16xf32>,
        %get3A_468 = vector.shape_cast %get3A_467 : vector<1x16xf32> to vector<16xf32>
        %sub3A_469 = arith.subf %get3A_463, %get3A_468 : vector<16xf32>
        %mul3A_470 = arith.mulf %sub3A_469, %sub3A_469 : vector<16xf32>
        %mul3A_471 = arith.mulf %mul3A_470, %neg3A_205 : vector<16xf32>
        %exp3A_472 = math.exp %mul3A_471 : vector<16xf32>
        %mul3A_473 = arith.mulf %exp3A_472, %mul3A_208 : vector<16xf32>
        %le3A_474 = arith.cmpf ole, %mul3A_470, %div3A_212 : vector<16xf32>
        %jit3A_475 = arith.constant 0.000000e+00 : f32
        %broadcast_in_dim3A_476 = vector.broadcast %jit3A_475 : f32 to vector<16xf32>
        %select_n3A_477 = arith.select %le3A_474, %mul3A_473, %broadcast_in_dim3A_476 : vector<16xi1>, vector<16xf32>
        %swap3A_478 = arith.constant 1 : i32
        %swap3A_479 = arith.index_cast %swap3A_478 : i32 to index
        %swap3A_480 = arith.index_cast %add3A_458 : i32 to index
        %swap3A_481 = tpu.vector_load %arg13[%swap3A_479, %swap3A_480] {strides = array<i32>} : memref<4x4096xf32, #tpu.memory_space<vmem>>, vector<1x16xf32>,
        %swap3A_482 = vector.shape_cast %swap3A_481 : vector<1x16xf32> to vector<16xf32>
        %swap3A_483 = vector.shape_cast %select_n3A_477 : vector<16xf32> to vector<1x16xf32>
        tpu.vector_store %arg13[%swap3A_479, %swap3A_480], %swap3A_483 {strides = array<i32>} : memref<4x4096xf32, #tpu.memory_space<vmem>>, vector<1x16xf32>,
      }
      %scan3A_218 = arith.constant 32 : i32
      %get3A_219 = arith.constant 2 : i32
      %get3A_220 = arith.index_cast %get3A_219 : i32 to index
      %get3A_221 = arith.constant 0 : index
      %get3A_222 = tpu.vector_load %arg12[%get3A_220, %get3A_221] {strides = array<i32>} : memref<4x16xf32, #tpu.memory_space<vmem>>, vector<1x16xf32>,
      %get3A_223 = vector.shape_cast %get3A_222 : vector<1x16xf32> to vector<16xf32>
      %mul3A_224 = arith.mulf %get3A_223, %get3A_223 : vector<16xf32>
      %neg3A_225 = arith.constant 0.000000e+00 : f32
      %neg3A_226 = vector.broadcast %neg3A_225 : f32 to vector<16xf32>
      %neg3A_227 = arith.subf %neg3A_226, %mul3A_224 : vector<16xf32>
      %mul3A_228 = arith.constant 0.564189613 : f32
      %mul3A_229 = vector.broadcast %mul3A_228 : f32 to vector<16xf32>
      %mul3A_230 = arith.mulf %get3A_223, %mul3A_229 : vector<16xf32>
      %mul3A_231 = arith.mulf %get3A_223, %get3A_223 : vector<16xf32>
      %div3A_232 = arith.constant 9.000000e+00 : f32
      %div3A_233 = vector.broadcast %div3A_232 : f32 to vector<16xf32>
      %div3A_234 = arith.divf %div3A_233, %mul3A_231 : vector<16xf32>
      %scan3A_235 = arith.constant 0 : i32
      %scan3A_236 = arith.constant 0 : i32
      %scan3A_237 = arith.constant 32 : i32
      %scan3A_238 = arith.addi %scan3A_236, %scan3A_237 : i32
      %scan3A_239 = arith.constant 1 : i32
      scf.for %scan3A_272 = %scan3A_236 to %scan3A_238 step %scan3A_239  : i32 {
        %mul3A_273 = arith.constant 128 : i32
        %mul3A_274 = arith.muli %scan3A_272, %mul3A_273 : i32
        %add3A_275 = arith.constant 0 : i32
        %add3A_276 = arith.addi %mul3A_274, %add3A_275 : i32
        %get3A_277 = arith.constant 2 : i32
        %get3A_278 = arith.index_cast %get3A_277 : i32 to index
        %get3A_279 = arith.index_cast %add3A_276 : i32 to index
        %get3A_280 = tpu.vector_load %arg10[%get3A_278, %get3A_279] {strides = array<i32>} : memref<4x4096xf32, #tpu.memory_space<vmem>>, vector<1x16xf32>,
        %get3A_281 = vector.shape_cast %get3A_280 : vector<1x16xf32> to vector<16xf32>
        %get3A_282 = arith.constant 2 : i32
        %get3A_283 = arith.index_cast %get3A_282 : i32 to index
        %get3A_284 = arith.index_cast %add3A_276 : i32 to index
        %get3A_285 = tpu.vector_load %arg11[%get3A_283, %get3A_284] {strides = array<i32>} : memref<4x4096xf32, #tpu.memory_space<vmem>>, vector<1x16xf32>,
        %get3A_286 = vector.shape_cast %get3A_285 : vector<1x16xf32> to vector<16xf32>
        %sub3A = arith.subf %get3A_281, %get3A_286 : vector<16xf32>
        %mul3A_287 = arith.mulf %sub3A, %sub3A : vector<16xf32>
        %mul3A_288 = arith.mulf %mul3A_287, %neg3A_227 : vector<16xf32>
        %exp3A = math.exp %mul3A_288 : vector<16xf32>
        %mul3A_289 = arith.mulf %exp3A, %mul3A_230 : vector<16xf32>
        %le3A = arith.cmpf ole, %mul3A_287, %div3A_234 : vector<16xf32>
        %jit3A = arith.constant 0.000000e+00 : f32
        %broadcast_in_dim3A = vector.broadcast %jit3A : f32 to vector<16xf32>
        %select_n3A = arith.select %le3A, %mul3A_289, %broadcast_in_dim3A : vector<16xi1>, vector<16xf32>
        %swap3A = arith.constant 2 : i32
        %swap3A_290 = arith.index_cast %swap3A : i32 to index
        %swap3A_291 = arith.index_cast %add3A_276 : i32 to index
        %swap3A_292 = tpu.vector_load %arg13[%swap3A_290, %swap3A_291] {strides = array<i32>} : memref<4x4096xf32, #tpu.memory_space<vmem>>, vector<1x16xf32>,
        %swap3A_293 = vector.shape_cast %swap3A_292 : vector<1x16xf32> to vector<16xf32>
        %swap3A_294 = vector.shape_cast %select_n3A : vector<16xf32> to vector<1x16xf32>
        tpu.vector_store %arg13[%swap3A_290, %swap3A_291], %swap3A_294 {strides = array<i32>} : memref<4x4096xf32, #tpu.memory_space<vmem>>, vector<1x16xf32>,
        %add3A_295 = arith.constant 16 : i32
        %add3A_296 = arith.addi %mul3A_274, %add3A_295 : i32
        %get3A_297 = arith.constant 2 : i32
        %get3A_298 = arith.index_cast %get3A_297 : i32 to index
        %get3A_299 = arith.index_cast %add3A_296 : i32 to index
        %get3A_300 = tpu.vector_load %arg10[%get3A_298, %get3A_299] {strides = array<i32>} : memref<4x4096xf32, #tpu.memory_space<vmem>>, vector<1x16xf32>,
        %get3A_301 = vector.shape_cast %get3A_300 : vector<1x16xf32> to vector<16xf32>
        %get3A_302 = arith.constant 2 : i32
        %get3A_303 = arith.index_cast %get3A_302 : i32 to index
        %get3A_304 = arith.index_cast %add3A_296 : i32 to index
        %get3A_305 = tpu.vector_load %arg11[%get3A_303, %get3A_304] {strides = array<i32>} : memref<4x4096xf32, #tpu.memory_space<vmem>>, vector<1x16xf32>,
        %get3A_306 = vector.shape_cast %get3A_305 : vector<1x16xf32> to vector<16xf32>
        %sub3A_307 = arith.subf %get3A_301, %get3A_306 : vector<16xf32>
        %mul3A_308 = arith.mulf %sub3A_307, %sub3A_307 : vector<16xf32>
        %mul3A_309 = arith.mulf %mul3A_308, %neg3A_227 : vector<16xf32>
        %exp3A_310 = math.exp %mul3A_309 : vector<16xf32>
        %mul3A_311 = arith.mulf %exp3A_310, %mul3A_230 : vector<16xf32>
        %le3A_312 = arith.cmpf ole, %mul3A_308, %div3A_234 : vector<16xf32>
        %jit3A_313 = arith.constant 0.000000e+00 : f32
        %broadcast_in_dim3A_314 = vector.broadcast %jit3A_313 : f32 to vector<16xf32>
        %select_n3A_315 = arith.select %le3A_312, %mul3A_311, %broadcast_in_dim3A_314 : vector<16xi1>, vector<16xf32>
        %swap3A_316 = arith.constant 2 : i32
        %swap3A_317 = arith.index_cast %swap3A_316 : i32 to index
        %swap3A_318 = arith.index_cast %add3A_296 : i32 to index
        %swap3A_319 = tpu.vector_load %arg13[%swap3A_317, %swap3A_318] {strides = array<i32>} : memref<4x4096xf32, #tpu.memory_space<vmem>>, vector<1x16xf32>,
        %swap3A_320 = vector.shape_cast %swap3A_319 : vector<1x16xf32> to vector<16xf32>
        %swap3A_321 = vector.shape_cast %select_n3A_315 : vector<16xf32> to vector<1x16xf32>
        tpu.vector_store %arg13[%swap3A_317, %swap3A_318], %swap3A_321 {strides = array<i32>} : memref<4x4096xf32, #tpu.memory_space<vmem>>, vector<1x16xf32>,
        %add3A_322 = arith.constant 32 : i32
        %add3A_323 = arith.addi %mul3A_274, %add3A_322 : i32
        %get3A_324 = arith.constant 2 : i32
        %get3A_325 = arith.index_cast %get3A_324 : i32 to index
        %get3A_326 = arith.index_cast %add3A_323 : i32 to index
        %get3A_327 = tpu.vector_load %arg10[%get3A_325, %get3A_326] {strides = array<i32>} : memref<4x4096xf32, #tpu.memory_space<vmem>>, vector<1x16xf32>,
        %get3A_328 = vector.shape_cast %get3A_327 : vector<1x16xf32> to vector<16xf32>
        %get3A_329 = arith.constant 2 : i32
        %get3A_330 = arith.index_cast %get3A_329 : i32 to index
        %get3A_331 = arith.index_cast %add3A_323 : i32 to index
        %get3A_332 = tpu.vector_load %arg11[%get3A_330, %get3A_331] {strides = array<i32>} : memref<4x4096xf32, #tpu.memory_space<vmem>>, vector<1x16xf32>,
        %get3A_333 = vector.shape_cast %get3A_332 : vector<1x16xf32> to vector<16xf32>
        %sub3A_334 = arith.subf %get3A_328, %get3A_333 : vector<16xf32>
        %mul3A_335 = arith.mulf %sub3A_334, %sub3A_334 : vector<16xf32>
        %mul3A_336 = arith.mulf %mul3A_335, %neg3A_227 : vector<16xf32>
        %exp3A_337 = math.exp %mul3A_336 : vector<16xf32>
        %mul3A_338 = arith.mulf %exp3A_337, %mul3A_230 : vector<16xf32>
        %le3A_339 = arith.cmpf ole, %mul3A_335, %div3A_234 : vector<16xf32>
        %jit3A_340 = arith.constant 0.000000e+00 : f32
        %broadcast_in_dim3A_341 = vector.broadcast %jit3A_340 : f32 to vector<16xf32>
        %select_n3A_342 = arith.select %le3A_339, %mul3A_338, %broadcast_in_dim3A_341 : vector<16xi1>, vector<16xf32>
        %swap3A_343 = arith.constant 2 : i32
        %swap3A_344 = arith.index_cast %swap3A_343 : i32 to index
        %swap3A_345 = arith.index_cast %add3A_323 : i32 to index
        %swap3A_346 = tpu.vector_load %arg13[%swap3A_344, %swap3A_345] {strides = array<i32>} : memref<4x4096xf32, #tpu.memory_space<vmem>>, vector<1x16xf32>,
        %swap3A_347 = vector.shape_cast %swap3A_346 : vector<1x16xf32> to vector<16xf32>
        %swap3A_348 = vector.shape_cast %select_n3A_342 : vector<16xf32> to vector<1x16xf32>
        tpu.vector_store %arg13[%swap3A_344, %swap3A_345], %swap3A_348 {strides = array<i32>} : memref<4x4096xf32, #tpu.memory_space<vmem>>, vector<1x16xf32>,
        %add3A_349 = arith.constant 48 : i32
        %add3A_350 = arith.addi %mul3A_274, %add3A_349 : i32
        %get3A_351 = arith.constant 2 : i32
        %get3A_352 = arith.index_cast %get3A_351 : i32 to index
        %get3A_353 = arith.index_cast %add3A_350 : i32 to index
        %get3A_354 = tpu.vector_load %arg10[%get3A_352, %get3A_353] {strides = array<i32>} : memref<4x4096xf32, #tpu.memory_space<vmem>>, vector<1x16xf32>,
        %get3A_355 = vector.shape_cast %get3A_354 : vector<1x16xf32> to vector<16xf32>
        %get3A_356 = arith.constant 2 : i32
        %get3A_357 = arith.index_cast %get3A_356 : i32 to index
        %get3A_358 = arith.index_cast %add3A_350 : i32 to index
        %get3A_359 = tpu.vector_load %arg11[%get3A_357, %get3A_358] {strides = array<i32>} : memref<4x4096xf32, #tpu.memory_space<vmem>>, vector<1x16xf32>,
        %get3A_360 = vector.shape_cast %get3A_359 : vector<1x16xf32> to vector<16xf32>
        %sub3A_361 = arith.subf %get3A_355, %get3A_360 : vector<16xf32>
        %mul3A_362 = arith.mulf %sub3A_361, %sub3A_361 : vector<16xf32>
        %mul3A_363 = arith.mulf %mul3A_362, %neg3A_227 : vector<16xf32>
        %exp3A_364 = math.exp %mul3A_363 : vector<16xf32>
        %mul3A_365 = arith.mulf %exp3A_364, %mul3A_230 : vector<16xf32>
        %le3A_366 = arith.cmpf ole, %mul3A_362, %div3A_234 : vector<16xf32>
        %jit3A_367 = arith.constant 0.000000e+00 : f32
        %broadcast_in_dim3A_368 = vector.broadcast %jit3A_367 : f32 to vector<16xf32>
        %select_n3A_369 = arith.select %le3A_366, %mul3A_365, %broadcast_in_dim3A_368 : vector<16xi1>, vector<16xf32>
        %swap3A_370 = arith.constant 2 : i32
        %swap3A_371 = arith.index_cast %swap3A_370 : i32 to index
        %swap3A_372 = arith.index_cast %add3A_350 : i32 to index
        %swap3A_373 = tpu.vector_load %arg13[%swap3A_371, %swap3A_372] {strides = array<i32>} : memref<4x4096xf32, #tpu.memory_space<vmem>>, vector<1x16xf32>,
        %swap3A_374 = vector.shape_cast %swap3A_373 : vector<1x16xf32> to vector<16xf32>
        %swap3A_375 = vector.shape_cast %select_n3A_369 : vector<16xf32> to vector<1x16xf32>
        tpu.vector_store %arg13[%swap3A_371, %swap3A_372], %swap3A_375 {strides = array<i32>} : memref<4x4096xf32, #tpu.memory_space<vmem>>, vector<1x16xf32>,
        %add3A_376 = arith.constant 64 : i32
        %add3A_377 = arith.addi %mul3A_274, %add3A_376 : i32
        %get3A_378 = arith.constant 2 : i32
        %get3A_379 = arith.index_cast %get3A_378 : i32 to index
        %get3A_380 = arith.index_cast %add3A_377 : i32 to index
        %get3A_381 = tpu.vector_load %arg10[%get3A_379, %get3A_380] {strides = array<i32>} : memref<4x4096xf32, #tpu.memory_space<vmem>>, vector<1x16xf32>,
        %get3A_382 = vector.shape_cast %get3A_381 : vector<1x16xf32> to vector<16xf32>
        %get3A_383 = arith.constant 2 : i32
        %get3A_384 = arith.index_cast %get3A_383 : i32 to index
        %get3A_385 = arith.index_cast %add3A_377 : i32 to index
        %get3A_386 = tpu.vector_load %arg11[%get3A_384, %get3A_385] {strides = array<i32>} : memref<4x4096xf32, #tpu.memory_space<vmem>>, vector<1x16xf32>,
        %get3A_387 = vector.shape_cast %get3A_386 : vector<1x16xf32> to vector<16xf32>
        %sub3A_388 = arith.subf %get3A_382, %get3A_387 : vector<16xf32>
        %mul3A_389 = arith.mulf %sub3A_388, %sub3A_388 : vector<16xf32>
        %mul3A_390 = arith.mulf %mul3A_389, %neg3A_227 : vector<16xf32>
        %exp3A_391 = math.exp %mul3A_390 : vector<16xf32>
        %mul3A_392 = arith.mulf %exp3A_391, %mul3A_230 : vector<16xf32>
        %le3A_393 = arith.cmpf ole, %mul3A_389, %div3A_234 : vector<16xf32>
        %jit3A_394 = arith.constant 0.000000e+00 : f32
        %broadcast_in_dim3A_395 = vector.broadcast %jit3A_394 : f32 to vector<16xf32>
        %select_n3A_396 = arith.select %le3A_393, %mul3A_392, %broadcast_in_dim3A_395 : vector<16xi1>, vector<16xf32>
        %swap3A_397 = arith.constant 2 : i32
        %swap3A_398 = arith.index_cast %swap3A_397 : i32 to index
        %swap3A_399 = arith.index_cast %add3A_377 : i32 to index
        %swap3A_400 = tpu.vector_load %arg13[%swap3A_398, %swap3A_399] {strides = array<i32>} : memref<4x4096xf32, #tpu.memory_space<vmem>>, vector<1x16xf32>,
        %swap3A_401 = vector.shape_cast %swap3A_400 : vector<1x16xf32> to vector<16xf32>
        %swap3A_402 = vector.shape_cast %select_n3A_396 : vector<16xf32> to vector<1x16xf32>
        tpu.vector_store %arg13[%swap3A_398, %swap3A_399], %swap3A_402 {strides = array<i32>} : memref<4x4096xf32, #tpu.memory_space<vmem>>, vector<1x16xf32>,
        %add3A_403 = arith.constant 80 : i32
        %add3A_404 = arith.addi %mul3A_274, %add3A_403 : i32
        %get3A_405 = arith.constant 2 : i32
        %get3A_406 = arith.index_cast %get3A_405 : i32 to index
        %get3A_407 = arith.index_cast %add3A_404 : i32 to index
        %get3A_408 = tpu.vector_load %arg10[%get3A_406, %get3A_407] {strides = array<i32>} : memref<4x4096xf32, #tpu.memory_space<vmem>>, vector<1x16xf32>,
        %get3A_409 = vector.shape_cast %get3A_408 : vector<1x16xf32> to vector<16xf32>
        %get3A_410 = arith.constant 2 : i32
        %get3A_411 = arith.index_cast %get3A_410 : i32 to index
        %get3A_412 = arith.index_cast %add3A_404 : i32 to index
        %get3A_413 = tpu.vector_load %arg11[%get3A_411, %get3A_412] {strides = array<i32>} : memref<4x4096xf32, #tpu.memory_space<vmem>>, vector<1x16xf32>,
        %get3A_414 = vector.shape_cast %get3A_413 : vector<1x16xf32> to vector<16xf32>
        %sub3A_415 = arith.subf %get3A_409, %get3A_414 : vector<16xf32>
        %mul3A_416 = arith.mulf %sub3A_415, %sub3A_415 : vector<16xf32>
        %mul3A_417 = arith.mulf %mul3A_416, %neg3A_227 : vector<16xf32>
        %exp3A_418 = math.exp %mul3A_417 : vector<16xf32>
        %mul3A_419 = arith.mulf %exp3A_418, %mul3A_230 : vector<16xf32>
        %le3A_420 = arith.cmpf ole, %mul3A_416, %div3A_234 : vector<16xf32>
        %jit3A_421 = arith.constant 0.000000e+00 : f32
        %broadcast_in_dim3A_422 = vector.broadcast %jit3A_421 : f32 to vector<16xf32>
        %select_n3A_423 = arith.select %le3A_420, %mul3A_419, %broadcast_in_dim3A_422 : vector<16xi1>, vector<16xf32>
        %swap3A_424 = arith.constant 2 : i32
        %swap3A_425 = arith.index_cast %swap3A_424 : i32 to index
        %swap3A_426 = arith.index_cast %add3A_404 : i32 to index
        %swap3A_427 = tpu.vector_load %arg13[%swap3A_425, %swap3A_426] {strides = array<i32>} : memref<4x4096xf32, #tpu.memory_space<vmem>>, vector<1x16xf32>,
        %swap3A_428 = vector.shape_cast %swap3A_427 : vector<1x16xf32> to vector<16xf32>
        %swap3A_429 = vector.shape_cast %select_n3A_423 : vector<16xf32> to vector<1x16xf32>
        tpu.vector_store %arg13[%swap3A_425, %swap3A_426], %swap3A_429 {strides = array<i32>} : memref<4x4096xf32, #tpu.memory_space<vmem>>, vector<1x16xf32>,
        %add3A_430 = arith.constant 96 : i32
        %add3A_431 = arith.addi %mul3A_274, %add3A_430 : i32
        %get3A_432 = arith.constant 2 : i32
        %get3A_433 = arith.index_cast %get3A_432 : i32 to index
        %get3A_434 = arith.index_cast %add3A_431 : i32 to index
        %get3A_435 = tpu.vector_load %arg10[%get3A_433, %get3A_434] {strides = array<i32>} : memref<4x4096xf32, #tpu.memory_space<vmem>>, vector<1x16xf32>,
        %get3A_436 = vector.shape_cast %get3A_435 : vector<1x16xf32> to vector<16xf32>
        %get3A_437 = arith.constant 2 : i32
        %get3A_438 = arith.index_cast %get3A_437 : i32 to index
        %get3A_439 = arith.index_cast %add3A_431 : i32 to index
        %get3A_440 = tpu.vector_load %arg11[%get3A_438, %get3A_439] {strides = array<i32>} : memref<4x4096xf32, #tpu.memory_space<vmem>>, vector<1x16xf32>,
        %get3A_441 = vector.shape_cast %get3A_440 : vector<1x16xf32> to vector<16xf32>
        %sub3A_442 = arith.subf %get3A_436, %get3A_441 : vector<16xf32>
        %mul3A_443 = arith.mulf %sub3A_442, %sub3A_442 : vector<16xf32>
        %mul3A_444 = arith.mulf %mul3A_443, %neg3A_227 : vector<16xf32>
        %exp3A_445 = math.exp %mul3A_444 : vector<16xf32>
        %mul3A_446 = arith.mulf %exp3A_445, %mul3A_230 : vector<16xf32>
        %le3A_447 = arith.cmpf ole, %mul3A_443, %div3A_234 : vector<16xf32>
        %jit3A_448 = arith.constant 0.000000e+00 : f32
        %broadcast_in_dim3A_449 = vector.broadcast %jit3A_448 : f32 to vector<16xf32>
        %select_n3A_450 = arith.select %le3A_447, %mul3A_446, %broadcast_in_dim3A_449 : vector<16xi1>, vector<16xf32>
        %swap3A_451 = arith.constant 2 : i32
        %swap3A_452 = arith.index_cast %swap3A_451 : i32 to index
        %swap3A_453 = arith.index_cast %add3A_431 : i32 to index
        %swap3A_454 = tpu.vector_load %arg13[%swap3A_452, %swap3A_453] {strides = array<i32>} : memref<4x4096xf32, #tpu.memory_space<vmem>>, vector<1x16xf32>,
        %swap3A_455 = vector.shape_cast %swap3A_454 : vector<1x16xf32> to vector<16xf32>
        %swap3A_456 = vector.shape_cast %select_n3A_450 : vector<16xf32> to vector<1x16xf32>
        tpu.vector_store %arg13[%swap3A_452, %swap3A_453], %swap3A_456 {strides = array<i32>} : memref<4x4096xf32, #tpu.memory_space<vmem>>, vector<1x16xf32>,
        %add3A_457 = arith.constant 112 : i32
        %add3A_458 = arith.addi %mul3A_274, %add3A_457 : i32
        %get3A_459 = arith.constant 2 : i32
        %get3A_460 = arith.index_cast %get3A_459 : i32 to index
        %get3A_461 = arith.index_cast %add3A_458 : i32 to index
        %get3A_462 = tpu.vector_load %arg10[%get3A_460, %get3A_461] {strides = array<i32>} : memref<4x4096xf32, #tpu.memory_space<vmem>>, vector<1x16xf32>,
        %get3A_463 = vector.shape_cast %get3A_462 : vector<1x16xf32> to vector<16xf32>
        %get3A_464 = arith.constant 2 : i32
        %get3A_465 = arith.index_cast %get3A_464 : i32 to index
        %get3A_466 = arith.index_cast %add3A_458 : i32 to index
        %get3A_467 = tpu.vector_load %arg11[%get3A_465, %get3A_466] {strides = array<i32>} : memref<4x4096xf32, #tpu.memory_space<vmem>>, vector<1x16xf32>,
        %get3A_468 = vector.shape_cast %get3A_467 : vector<1x16xf32> to vector<16xf32>
        %sub3A_469 = arith.subf %get3A_463, %get3A_468 : vector<16xf32>
        %mul3A_470 = arith.mulf %sub3A_469, %sub3A_469 : vector<16xf32>
        %mul3A_471 = arith.mulf %mul3A_470, %neg3A_227 : vector<16xf32>
        %exp3A_472 = math.exp %mul3A_471 : vector<16xf32>
        %mul3A_473 = arith.mulf %exp3A_472, %mul3A_230 : vector<16xf32>
        %le3A_474 = arith.cmpf ole, %mul3A_470, %div3A_234 : vector<16xf32>
        %jit3A_475 = arith.constant 0.000000e+00 : f32
        %broadcast_in_dim3A_476 = vector.broadcast %jit3A_475 : f32 to vector<16xf32>
        %select_n3A_477 = arith.select %le3A_474, %mul3A_473, %broadcast_in_dim3A_476 : vector<16xi1>, vector<16xf32>
        %swap3A_478 = arith.constant 2 : i32
        %swap3A_479 = arith.index_cast %swap3A_478 : i32 to index
        %swap3A_480 = arith.index_cast %add3A_458 : i32 to index
        %swap3A_481 = tpu.vector_load %arg13[%swap3A_479, %swap3A_480] {strides = array<i32>} : memref<4x4096xf32, #tpu.memory_space<vmem>>, vector<1x16xf32>,
        %swap3A_482 = vector.shape_cast %swap3A_481 : vector<1x16xf32> to vector<16xf32>
        %swap3A_483 = vector.shape_cast %select_n3A_477 : vector<16xf32> to vector<1x16xf32>
        tpu.vector_store %arg13[%swap3A_479, %swap3A_480], %swap3A_483 {strides = array<i32>} : memref<4x4096xf32, #tpu.memory_space<vmem>>, vector<1x16xf32>,
      }
      %scan3A_240 = arith.constant 32 : i32
      %get3A_241 = arith.constant 3 : i32
      %get3A_242 = arith.index_cast %get3A_241 : i32 to index
      %get3A_243 = arith.constant 0 : index
      %get3A_244 = tpu.vector_load %arg12[%get3A_242, %get3A_243] {strides = array<i32>} : memref<4x16xf32, #tpu.memory_space<vmem>>, vector<1x16xf32>,
      %get3A_245 = vector.shape_cast %get3A_244 : vector<1x16xf32> to vector<16xf32>
      %mul3A_246 = arith.mulf %get3A_245, %get3A_245 : vector<16xf32>
      %neg3A_247 = arith.constant 0.000000e+00 : f32
      %neg3A_248 = vector.broadcast %neg3A_247 : f32 to vector<16xf32>
      %neg3A_249 = arith.subf %neg3A_248, %mul3A_246 : vector<16xf32>
      %mul3A_250 = arith.constant 0.564189613 : f32
      %mul3A_251 = vector.broadcast %mul3A_250 : f32 to vector<16xf32>
      %mul3A_252 = arith.mulf %get3A_245, %mul3A_251 : vector<16xf32>
      %mul3A_253 = arith.mulf %get3A_245, %get3A_245 : vector<16xf32>
      %div3A_254 = arith.constant 9.000000e+00 : f32
      %div3A_255 = vector.broadcast %div3A_254 : f32 to vector<16xf32>
      %div3A_256 = arith.divf %div3A_255, %mul3A_253 : vector<16xf32>
      %scan3A_257 = arith.constant 0 : i32
      %scan3A_258 = arith.constant 0 : i32
      %scan3A_259 = arith.constant 32 : i32
      %scan3A_260 = arith.addi %scan3A_258, %scan3A_259 : i32
      %scan3A_261 = arith.constant 1 : i32
      scf.for %scan3A_272 = %scan3A_258 to %scan3A_260 step %scan3A_261  : i32 {
        %mul3A_273 = arith.constant 128 : i32
        %mul3A_274 = arith.muli %scan3A_272, %mul3A_273 : i32
        %add3A_275 = arith.constant 0 : i32
        %add3A_276 = arith.addi %mul3A_274, %add3A_275 : i32
        %get3A_277 = arith.constant 3 : i32
        %get3A_278 = arith.index_cast %get3A_277 : i32 to index
        %get3A_279 = arith.index_cast %add3A_276 : i32 to index
        %get3A_280 = tpu.vector_load %arg10[%get3A_278, %get3A_279] {strides = array<i32>} : memref<4x4096xf32, #tpu.memory_space<vmem>>, vector<1x16xf32>,
        %get3A_281 = vector.shape_cast %get3A_280 : vector<1x16xf32> to vector<16xf32>
        %get3A_282 = arith.constant 3 : i32
        %get3A_283 = arith.index_cast %get3A_282 : i32 to index
        %get3A_284 = arith.index_cast %add3A_276 : i32 to index
        %get3A_285 = tpu.vector_load %arg11[%get3A_283, %get3A_284] {strides = array<i32>} : memref<4x4096xf32, #tpu.memory_space<vmem>>, vector<1x16xf32>,
        %get3A_286 = vector.shape_cast %get3A_285 : vector<1x16xf32> to vector<16xf32>
        %sub3A = arith.subf %get3A_281, %get3A_286 : vector<16xf32>
        %mul3A_287 = arith.mulf %sub3A, %sub3A : vector<16xf32>
        %mul3A_288 = arith.mulf %mul3A_287, %neg3A_249 : vector<16xf32>
        %exp3A = math.exp %mul3A_288 : vector<16xf32>
        %mul3A_289 = arith.mulf %exp3A, %mul3A_252 : vector<16xf32>
        %le3A = arith.cmpf ole, %mul3A_287, %div3A_256 : vector<16xf32>
        %jit3A = arith.constant 0.000000e+00 : f32
        %broadcast_in_dim3A = vector.broadcast %jit3A : f32 to vector<16xf32>
        %select_n3A = arith.select %le3A, %mul3A_289, %broadcast_in_dim3A : vector<16xi1>, vector<16xf32>
        %swap3A = arith.constant 3 : i32
        %swap3A_290 = arith.index_cast %swap3A : i32 to index
        %swap3A_291 = arith.index_cast %add3A_276 : i32 to index
        %swap3A_292 = tpu.vector_load %arg13[%swap3A_290, %swap3A_291] {strides = array<i32>} : memref<4x4096xf32, #tpu.memory_space<vmem>>, vector<1x16xf32>,
        %swap3A_293 = vector.shape_cast %swap3A_292 : vector<1x16xf32> to vector<16xf32>
        %swap3A_294 = vector.shape_cast %select_n3A : vector<16xf32> to vector<1x16xf32>
        tpu.vector_store %arg13[%swap3A_290, %swap3A_291], %swap3A_294 {strides = array<i32>} : memref<4x4096xf32, #tpu.memory_space<vmem>>, vector<1x16xf32>,
        %add3A_295 = arith.constant 16 : i32
        %add3A_296 = arith.addi %mul3A_274, %add3A_295 : i32
        %get3A_297 = arith.constant 3 : i32
        %get3A_298 = arith.index_cast %get3A_297 : i32 to index
        %get3A_299 = arith.index_cast %add3A_296 : i32 to index
        %get3A_300 = tpu.vector_load %arg10[%get3A_298, %get3A_299] {strides = array<i32>} : memref<4x4096xf32, #tpu.memory_space<vmem>>, vector<1x16xf32>,
        %get3A_301 = vector.shape_cast %get3A_300 : vector<1x16xf32> to vector<16xf32>
        %get3A_302 = arith.constant 3 : i32
        %get3A_303 = arith.index_cast %get3A_302 : i32 to index
        %get3A_304 = arith.index_cast %add3A_296 : i32 to index
        %get3A_305 = tpu.vector_load %arg11[%get3A_303, %get3A_304] {strides = array<i32>} : memref<4x4096xf32, #tpu.memory_space<vmem>>, vector<1x16xf32>,
        %get3A_306 = vector.shape_cast %get3A_305 : vector<1x16xf32> to vector<16xf32>
        %sub3A_307 = arith.subf %get3A_301, %get3A_306 : vector<16xf32>
        %mul3A_308 = arith.mulf %sub3A_307, %sub3A_307 : vector<16xf32>
        %mul3A_309 = arith.mulf %mul3A_308, %neg3A_249 : vector<16xf32>
        %exp3A_310 = math.exp %mul3A_309 : vector<16xf32>
        %mul3A_311 = arith.mulf %exp3A_310, %mul3A_252 : vector<16xf32>
        %le3A_312 = arith.cmpf ole, %mul3A_308, %div3A_256 : vector<16xf32>
        %jit3A_313 = arith.constant 0.000000e+00 : f32
        %broadcast_in_dim3A_314 = vector.broadcast %jit3A_313 : f32 to vector<16xf32>
        %select_n3A_315 = arith.select %le3A_312, %mul3A_311, %broadcast_in_dim3A_314 : vector<16xi1>, vector<16xf32>
        %swap3A_316 = arith.constant 3 : i32
        %swap3A_317 = arith.index_cast %swap3A_316 : i32 to index
        %swap3A_318 = arith.index_cast %add3A_296 : i32 to index
        %swap3A_319 = tpu.vector_load %arg13[%swap3A_317, %swap3A_318] {strides = array<i32>} : memref<4x4096xf32, #tpu.memory_space<vmem>>, vector<1x16xf32>,
        %swap3A_320 = vector.shape_cast %swap3A_319 : vector<1x16xf32> to vector<16xf32>
        %swap3A_321 = vector.shape_cast %select_n3A_315 : vector<16xf32> to vector<1x16xf32>
        tpu.vector_store %arg13[%swap3A_317, %swap3A_318], %swap3A_321 {strides = array<i32>} : memref<4x4096xf32, #tpu.memory_space<vmem>>, vector<1x16xf32>,
        %add3A_322 = arith.constant 32 : i32
        %add3A_323 = arith.addi %mul3A_274, %add3A_322 : i32
        %get3A_324 = arith.constant 3 : i32
        %get3A_325 = arith.index_cast %get3A_324 : i32 to index
        %get3A_326 = arith.index_cast %add3A_323 : i32 to index
        %get3A_327 = tpu.vector_load %arg10[%get3A_325, %get3A_326] {strides = array<i32>} : memref<4x4096xf32, #tpu.memory_space<vmem>>, vector<1x16xf32>,
        %get3A_328 = vector.shape_cast %get3A_327 : vector<1x16xf32> to vector<16xf32>
        %get3A_329 = arith.constant 3 : i32
        %get3A_330 = arith.index_cast %get3A_329 : i32 to index
        %get3A_331 = arith.index_cast %add3A_323 : i32 to index
        %get3A_332 = tpu.vector_load %arg11[%get3A_330, %get3A_331] {strides = array<i32>} : memref<4x4096xf32, #tpu.memory_space<vmem>>, vector<1x16xf32>,
        %get3A_333 = vector.shape_cast %get3A_332 : vector<1x16xf32> to vector<16xf32>
        %sub3A_334 = arith.subf %get3A_328, %get3A_333 : vector<16xf32>
        %mul3A_335 = arith.mulf %sub3A_334, %sub3A_334 : vector<16xf32>
        %mul3A_336 = arith.mulf %mul3A_335, %neg3A_249 : vector<16xf32>
        %exp3A_337 = math.exp %mul3A_336 : vector<16xf32>
        %mul3A_338 = arith.mulf %exp3A_337, %mul3A_252 : vector<16xf32>
        %le3A_339 = arith.cmpf ole, %mul3A_335, %div3A_256 : vector<16xf32>
        %jit3A_340 = arith.constant 0.000000e+00 : f32
        %broadcast_in_dim3A_341 = vector.broadcast %jit3A_340 : f32 to vector<16xf32>
        %select_n3A_342 = arith.select %le3A_339, %mul3A_338, %broadcast_in_dim3A_341 : vector<16xi1>, vector<16xf32>
        %swap3A_343 = arith.constant 3 : i32
        %swap3A_344 = arith.index_cast %swap3A_343 : i32 to index
        %swap3A_345 = arith.index_cast %add3A_323 : i32 to index
        %swap3A_346 = tpu.vector_load %arg13[%swap3A_344, %swap3A_345] {strides = array<i32>} : memref<4x4096xf32, #tpu.memory_space<vmem>>, vector<1x16xf32>,
        %swap3A_347 = vector.shape_cast %swap3A_346 : vector<1x16xf32> to vector<16xf32>
        %swap3A_348 = vector.shape_cast %select_n3A_342 : vector<16xf32> to vector<1x16xf32>
        tpu.vector_store %arg13[%swap3A_344, %swap3A_345], %swap3A_348 {strides = array<i32>} : memref<4x4096xf32, #tpu.memory_space<vmem>>, vector<1x16xf32>,
        %add3A_349 = arith.constant 48 : i32
        %add3A_350 = arith.addi %mul3A_274, %add3A_349 : i32
        %get3A_351 = arith.constant 3 : i32
        %get3A_352 = arith.index_cast %get3A_351 : i32 to index
        %get3A_353 = arith.index_cast %add3A_350 : i32 to index
        %get3A_354 = tpu.vector_load %arg10[%get3A_352, %get3A_353] {strides = array<i32>} : memref<4x4096xf32, #tpu.memory_space<vmem>>, vector<1x16xf32>,
        %get3A_355 = vector.shape_cast %get3A_354 : vector<1x16xf32> to vector<16xf32>
        %get3A_356 = arith.constant 3 : i32
        %get3A_357 = arith.index_cast %get3A_356 : i32 to index
        %get3A_358 = arith.index_cast %add3A_350 : i32 to index
        %get3A_359 = tpu.vector_load %arg11[%get3A_357, %get3A_358] {strides = array<i32>} : memref<4x4096xf32, #tpu.memory_space<vmem>>, vector<1x16xf32>,
        %get3A_360 = vector.shape_cast %get3A_359 : vector<1x16xf32> to vector<16xf32>
        %sub3A_361 = arith.subf %get3A_355, %get3A_360 : vector<16xf32>
        %mul3A_362 = arith.mulf %sub3A_361, %sub3A_361 : vector<16xf32>
        %mul3A_363 = arith.mulf %mul3A_362, %neg3A_249 : vector<16xf32>
        %exp3A_364 = math.exp %mul3A_363 : vector<16xf32>
        %mul3A_365 = arith.mulf %exp3A_364, %mul3A_252 : vector<16xf32>
        %le3A_366 = arith.cmpf ole, %mul3A_362, %div3A_256 : vector<16xf32>
        %jit3A_367 = arith.constant 0.000000e+00 : f32
        %broadcast_in_dim3A_368 = vector.broadcast %jit3A_367 : f32 to vector<16xf32>
        %select_n3A_369 = arith.select %le3A_366, %mul3A_365, %broadcast_in_dim3A_368 : vector<16xi1>, vector<16xf32>
        %swap3A_370 = arith.constant 3 : i32
        %swap3A_371 = arith.index_cast %swap3A_370 : i32 to index
        %swap3A_372 = arith.index_cast %add3A_350 : i32 to index
        %swap3A_373 = tpu.vector_load %arg13[%swap3A_371, %swap3A_372] {strides = array<i32>} : memref<4x4096xf32, #tpu.memory_space<vmem>>, vector<1x16xf32>,
        %swap3A_374 = vector.shape_cast %swap3A_373 : vector<1x16xf32> to vector<16xf32>
        %swap3A_375 = vector.shape_cast %select_n3A_369 : vector<16xf32> to vector<1x16xf32>
        tpu.vector_store %arg13[%swap3A_371, %swap3A_372], %swap3A_375 {strides = array<i32>} : memref<4x4096xf32, #tpu.memory_space<vmem>>, vector<1x16xf32>,
        %add3A_376 = arith.constant 64 : i32
        %add3A_377 = arith.addi %mul3A_274, %add3A_376 : i32
        %get3A_378 = arith.constant 3 : i32
        %get3A_379 = arith.index_cast %get3A_378 : i32 to index
        %get3A_380 = arith.index_cast %add3A_377 : i32 to index
        %get3A_381 = tpu.vector_load %arg10[%get3A_379, %get3A_380] {strides = array<i32>} : memref<4x4096xf32, #tpu.memory_space<vmem>>, vector<1x16xf32>,
        %get3A_382 = vector.shape_cast %get3A_381 : vector<1x16xf32> to vector<16xf32>
        %get3A_383 = arith.constant 3 : i32
        %get3A_384 = arith.index_cast %get3A_383 : i32 to index
        %get3A_385 = arith.index_cast %add3A_377 : i32 to index
        %get3A_386 = tpu.vector_load %arg11[%get3A_384, %get3A_385] {strides = array<i32>} : memref<4x4096xf32, #tpu.memory_space<vmem>>, vector<1x16xf32>,
        %get3A_387 = vector.shape_cast %get3A_386 : vector<1x16xf32> to vector<16xf32>
        %sub3A_388 = arith.subf %get3A_382, %get3A_387 : vector<16xf32>
        %mul3A_389 = arith.mulf %sub3A_388, %sub3A_388 : vector<16xf32>
        %mul3A_390 = arith.mulf %mul3A_389, %neg3A_249 : vector<16xf32>
        %exp3A_391 = math.exp %mul3A_390 : vector<16xf32>
        %mul3A_392 = arith.mulf %exp3A_391, %mul3A_252 : vector<16xf32>
        %le3A_393 = arith.cmpf ole, %mul3A_389, %div3A_256 : vector<16xf32>
        %jit3A_394 = arith.constant 0.000000e+00 : f32
        %broadcast_in_dim3A_395 = vector.broadcast %jit3A_394 : f32 to vector<16xf32>
        %select_n3A_396 = arith.select %le3A_393, %mul3A_392, %broadcast_in_dim3A_395 : vector<16xi1>, vector<16xf32>
        %swap3A_397 = arith.constant 3 : i32
        %swap3A_398 = arith.index_cast %swap3A_397 : i32 to index
        %swap3A_399 = arith.index_cast %add3A_377 : i32 to index
        %swap3A_400 = tpu.vector_load %arg13[%swap3A_398, %swap3A_399] {strides = array<i32>} : memref<4x4096xf32, #tpu.memory_space<vmem>>, vector<1x16xf32>,
        %swap3A_401 = vector.shape_cast %swap3A_400 : vector<1x16xf32> to vector<16xf32>
        %swap3A_402 = vector.shape_cast %select_n3A_396 : vector<16xf32> to vector<1x16xf32>
        tpu.vector_store %arg13[%swap3A_398, %swap3A_399], %swap3A_402 {strides = array<i32>} : memref<4x4096xf32, #tpu.memory_space<vmem>>, vector<1x16xf32>,
        %add3A_403 = arith.constant 80 : i32
        %add3A_404 = arith.addi %mul3A_274, %add3A_403 : i32
        %get3A_405 = arith.constant 3 : i32
        %get3A_406 = arith.index_cast %get3A_405 : i32 to index
        %get3A_407 = arith.index_cast %add3A_404 : i32 to index
        %get3A_408 = tpu.vector_load %arg10[%get3A_406, %get3A_407] {strides = array<i32>} : memref<4x4096xf32, #tpu.memory_space<vmem>>, vector<1x16xf32>,
        %get3A_409 = vector.shape_cast %get3A_408 : vector<1x16xf32> to vector<16xf32>
        %get3A_410 = arith.constant 3 : i32
        %get3A_411 = arith.index_cast %get3A_410 : i32 to index
        %get3A_412 = arith.index_cast %add3A_404 : i32 to index
        %get3A_413 = tpu.vector_load %arg11[%get3A_411, %get3A_412] {strides = array<i32>} : memref<4x4096xf32, #tpu.memory_space<vmem>>, vector<1x16xf32>,
        %get3A_414 = vector.shape_cast %get3A_413 : vector<1x16xf32> to vector<16xf32>
        %sub3A_415 = arith.subf %get3A_409, %get3A_414 : vector<16xf32>
        %mul3A_416 = arith.mulf %sub3A_415, %sub3A_415 : vector<16xf32>
        %mul3A_417 = arith.mulf %mul3A_416, %neg3A_249 : vector<16xf32>
        %exp3A_418 = math.exp %mul3A_417 : vector<16xf32>
        %mul3A_419 = arith.mulf %exp3A_418, %mul3A_252 : vector<16xf32>
        %le3A_420 = arith.cmpf ole, %mul3A_416, %div3A_256 : vector<16xf32>
        %jit3A_421 = arith.constant 0.000000e+00 : f32
        %broadcast_in_dim3A_422 = vector.broadcast %jit3A_421 : f32 to vector<16xf32>
        %select_n3A_423 = arith.select %le3A_420, %mul3A_419, %broadcast_in_dim3A_422 : vector<16xi1>, vector<16xf32>
        %swap3A_424 = arith.constant 3 : i32
        %swap3A_425 = arith.index_cast %swap3A_424 : i32 to index
        %swap3A_426 = arith.index_cast %add3A_404 : i32 to index
        %swap3A_427 = tpu.vector_load %arg13[%swap3A_425, %swap3A_426] {strides = array<i32>} : memref<4x4096xf32, #tpu.memory_space<vmem>>, vector<1x16xf32>,
        %swap3A_428 = vector.shape_cast %swap3A_427 : vector<1x16xf32> to vector<16xf32>
        %swap3A_429 = vector.shape_cast %select_n3A_423 : vector<16xf32> to vector<1x16xf32>
        tpu.vector_store %arg13[%swap3A_425, %swap3A_426], %swap3A_429 {strides = array<i32>} : memref<4x4096xf32, #tpu.memory_space<vmem>>, vector<1x16xf32>,
        %add3A_430 = arith.constant 96 : i32
        %add3A_431 = arith.addi %mul3A_274, %add3A_430 : i32
        %get3A_432 = arith.constant 3 : i32
        %get3A_433 = arith.index_cast %get3A_432 : i32 to index
        %get3A_434 = arith.index_cast %add3A_431 : i32 to index
        %get3A_435 = tpu.vector_load %arg10[%get3A_433, %get3A_434] {strides = array<i32>} : memref<4x4096xf32, #tpu.memory_space<vmem>>, vector<1x16xf32>,
        %get3A_436 = vector.shape_cast %get3A_435 : vector<1x16xf32> to vector<16xf32>
        %get3A_437 = arith.constant 3 : i32
        %get3A_438 = arith.index_cast %get3A_437 : i32 to index
        %get3A_439 = arith.index_cast %add3A_431 : i32 to index
        %get3A_440 = tpu.vector_load %arg11[%get3A_438, %get3A_439] {strides = array<i32>} : memref<4x4096xf32, #tpu.memory_space<vmem>>, vector<1x16xf32>,
        %get3A_441 = vector.shape_cast %get3A_440 : vector<1x16xf32> to vector<16xf32>
        %sub3A_442 = arith.subf %get3A_436, %get3A_441 : vector<16xf32>
        %mul3A_443 = arith.mulf %sub3A_442, %sub3A_442 : vector<16xf32>
        %mul3A_444 = arith.mulf %mul3A_443, %neg3A_249 : vector<16xf32>
        %exp3A_445 = math.exp %mul3A_444 : vector<16xf32>
        %mul3A_446 = arith.mulf %exp3A_445, %mul3A_252 : vector<16xf32>
        %le3A_447 = arith.cmpf ole, %mul3A_443, %div3A_256 : vector<16xf32>
        %jit3A_448 = arith.constant 0.000000e+00 : f32
        %broadcast_in_dim3A_449 = vector.broadcast %jit3A_448 : f32 to vector<16xf32>
        %select_n3A_450 = arith.select %le3A_447, %mul3A_446, %broadcast_in_dim3A_449 : vector<16xi1>, vector<16xf32>
        %swap3A_451 = arith.constant 3 : i32
        %swap3A_452 = arith.index_cast %swap3A_451 : i32 to index
        %swap3A_453 = arith.index_cast %add3A_431 : i32 to index
        %swap3A_454 = tpu.vector_load %arg13[%swap3A_452, %swap3A_453] {strides = array<i32>} : memref<4x4096xf32, #tpu.memory_space<vmem>>, vector<1x16xf32>,
        %swap3A_455 = vector.shape_cast %swap3A_454 : vector<1x16xf32> to vector<16xf32>
        %swap3A_456 = vector.shape_cast %select_n3A_450 : vector<16xf32> to vector<1x16xf32>
        tpu.vector_store %arg13[%swap3A_452, %swap3A_453], %swap3A_456 {strides = array<i32>} : memref<4x4096xf32, #tpu.memory_space<vmem>>, vector<1x16xf32>,
        %add3A_457 = arith.constant 112 : i32
        %add3A_458 = arith.addi %mul3A_274, %add3A_457 : i32
        %get3A_459 = arith.constant 3 : i32
        %get3A_460 = arith.index_cast %get3A_459 : i32 to index
        %get3A_461 = arith.index_cast %add3A_458 : i32 to index
        %get3A_462 = tpu.vector_load %arg10[%get3A_460, %get3A_461] {strides = array<i32>} : memref<4x4096xf32, #tpu.memory_space<vmem>>, vector<1x16xf32>,
        %get3A_463 = vector.shape_cast %get3A_462 : vector<1x16xf32> to vector<16xf32>
        %get3A_464 = arith.constant 3 : i32
        %get3A_465 = arith.index_cast %get3A_464 : i32 to index
        %get3A_466 = arith.index_cast %add3A_458 : i32 to index
        %get3A_467 = tpu.vector_load %arg11[%get3A_465, %get3A_466] {strides = array<i32>} : memref<4x4096xf32, #tpu.memory_space<vmem>>, vector<1x16xf32>,
        %get3A_468 = vector.shape_cast %get3A_467 : vector<1x16xf32> to vector<16xf32>
        %sub3A_469 = arith.subf %get3A_463, %get3A_468 : vector<16xf32>
        %mul3A_470 = arith.mulf %sub3A_469, %sub3A_469 : vector<16xf32>
        %mul3A_471 = arith.mulf %mul3A_470, %neg3A_249 : vector<16xf32>
        %exp3A_472 = math.exp %mul3A_471 : vector<16xf32>
        %mul3A_473 = arith.mulf %exp3A_472, %mul3A_252 : vector<16xf32>
        %le3A_474 = arith.cmpf ole, %mul3A_470, %div3A_256 : vector<16xf32>
        %jit3A_475 = arith.constant 0.000000e+00 : f32
        %broadcast_in_dim3A_476 = vector.broadcast %jit3A_475 : f32 to vector<16xf32>
        %select_n3A_477 = arith.select %le3A_474, %mul3A_473, %broadcast_in_dim3A_476 : vector<16xi1>, vector<16xf32>
        %swap3A_478 = arith.constant 3 : i32
        %swap3A_479 = arith.index_cast %swap3A_478 : i32 to index
        %swap3A_480 = arith.index_cast %add3A_458 : i32 to index
        %swap3A_481 = tpu.vector_load %arg13[%swap3A_479, %swap3A_480] {strides = array<i32>} : memref<4x4096xf32, #tpu.memory_space<vmem>>, vector<1x16xf32>,
        %swap3A_482 = vector.shape_cast %swap3A_481 : vector<1x16xf32> to vector<16xf32>
        %swap3A_483 = vector.shape_cast %select_n3A_477 : vector<16xf32> to vector<1x16xf32>
        tpu.vector_store %arg13[%swap3A_479, %swap3A_480], %swap3A_483 {strides = array<i32>} : memref<4x4096xf32, #tpu.memory_space<vmem>>, vector<1x16xf32>,
      }
      %scan3A_262 = arith.constant 32 : i32
      %add3A_263 = arith.constant 1 : i32
      %add3A_264 = arith.addi %mul3A_30, %add3A_263 : i32
      %mul3A_265 = arith.constant 4 : i32
      %mul3A_266 = arith.muli %add3A_264, %mul3A_265 : i32
      %add3A_267 = arith.addi %mul3A_2, %mul3A_266 : i32
      %dma_start3A_268 = arith.constant 0 : i32
      %dma_start3A_269 = tpu.memref_slice %arg5[%add3A_267, %dma_start3A_268] : memref<512x4096xf32, #tpu.memory_space<hbm>> -> memref<4x4096xf32, #tpu.memory_space<hbm>>
      %dma_start3A_270 = arith.constant 0 : i32
      %dma_start3A_271 = tpu.memref_slice %arg5[%add3A_267, %dma_start3A_270] : memref<512x4096xf32, #tpu.memory_space<hbm>> -> memref<4x4096xf32, #tpu.memory_space<hbm>>
      tpu.enqueue_dma source(%arg13 : memref<4x4096xf32, #tpu.memory_space<vmem>>) target(%dma_start3A_271 : memref<4x4096xf32, #tpu.memory_space<hbm>>) target_semaphore(%arg17 : memref<!tpu.dma_semaphore, #tpu.memory_space<semaphore_mem>>)
    }
    %scan3A_20 = arith.constant 2 : i32
    %dma_wait3A = arith.constant 0 : i32
    %dma_wait3A_21 = tpu.memref_slice %arg5[%mul3A_2, %dma_wait3A] : memref<512x4096xf32, #tpu.memory_space<hbm>> -> memref<4x4096xf32, #tpu.memory_space<hbm>>
    %dma_wait3A_22 = arith.constant 0 : i32
    %dma_wait3A_23 = tpu.memref_slice %arg5[%mul3A_2, %dma_wait3A_22] : memref<512x4096xf32, #tpu.memory_space<hbm>> -> memref<4x4096xf32, #tpu.memory_space<hbm>>
    tpu.wait_dma2 semaphore(%arg16 : memref<!tpu.dma_semaphore, #tpu.memory_space<semaphore_mem>>) src(%arg9 : memref<4x4096xf32, #tpu.memory_space<vmem>>) dst(%dma_wait3A_23 : memref<4x4096xf32, #tpu.memory_space<hbm>>)
    %dma_wait3A_24 = arith.constant 0 : i32
    %dma_wait3A_25 = tpu.memref_slice %arg5[%mul3A_2, %dma_wait3A_24] : memref<512x4096xf32, #tpu.memory_space<hbm>> -> memref<4x4096xf32, #tpu.memory_space<hbm>>
    %dma_wait3A_26 = arith.constant 0 : i32
    %dma_wait3A_27 = tpu.memref_slice %arg5[%mul3A_2, %dma_wait3A_26] : memref<512x4096xf32, #tpu.memory_space<hbm>> -> memref<4x4096xf32, #tpu.memory_space<hbm>>
    tpu.wait_dma2 semaphore(%arg17 : memref<!tpu.dma_semaphore, #tpu.memory_space<semaphore_mem>>) src(%arg13 : memref<4x4096xf32, #tpu.memory_space<vmem>>) dst(%dma_wait3A_27 : memref<4x4096xf32, #tpu.memory_space<hbm>>)
    return
  }
}

module attributes {stable_mosaic.version = 14 : i64} {
  func.func @_tc_manual_body(%arg0: memref<8192x4096xf32, #tpu.memory_space<hbm>>, %arg1: memref<8192x1xf32, #tpu.memory_space<hbm>>, %arg2: memref<8192x4096xf32, #tpu.memory_space<hbm>>, %arg3: memref<8192x4096xf32, #tpu.memory_space<hbm>>, %arg4: memref<8192x1xf32, #tpu.memory_space<vmem>>, %arg5: memref<64x4096xf32, #tpu.memory_space<vmem>>, %arg6: memref<64x4096xf32, #tpu.memory_space<vmem>>, %arg7: memref<64x4096xf32, #tpu.memory_space<vmem>>, %arg8: memref<64x4096xf32, #tpu.memory_space<vmem>>, %arg9: memref<64x4096xf32, #tpu.memory_space<vmem>>, %arg10: memref<64x4096xf32, #tpu.memory_space<vmem>>, %arg11: memref<64x4096xf32, #tpu.memory_space<vmem>>, %arg12: memref<64x4096xf32, #tpu.memory_space<vmem>>, %arg13: memref<64x4096xf32, #tpu.memory_space<vmem>>, %arg14: memref<64x4096xf32, #tpu.memory_space<vmem>>, %arg15: memref<64x4096xf32, #tpu.memory_space<vmem>>, %arg16: memref<64x4096xf32, #tpu.memory_space<vmem>>, %arg17: memref<64x4096xf32, #tpu.memory_space<vmem>>, %arg18: memref<64x4096xf32, #tpu.memory_space<vmem>>, %arg19: memref<64x4096xf32, #tpu.memory_space<vmem>>, %arg20: memref<64x4096xf32, #tpu.memory_space<vmem>>, %arg21: memref<64x4096xf32, #tpu.memory_space<vmem>>, %arg22: memref<64x4096xf32, #tpu.memory_space<vmem>>, %arg23: memref<64x4096xf32, #tpu.memory_space<vmem>>, %arg24: memref<64x4096xf32, #tpu.memory_space<vmem>>, %arg25: memref<64x4096xf32, #tpu.memory_space<vmem>>, %arg26: memref<64x4096xf32, #tpu.memory_space<vmem>>, %arg27: memref<64x4096xf32, #tpu.memory_space<vmem>>, %arg28: memref<64x4096xf32, #tpu.memory_space<vmem>>, %arg29: memref<!tpu.dma_semaphore, #tpu.memory_space<semaphore_mem>>, %arg30: memref<!tpu.dma_semaphore, #tpu.memory_space<semaphore_mem>>, %arg31: memref<!tpu.dma_semaphore, #tpu.memory_space<semaphore_mem>>, %arg32: memref<!tpu.dma_semaphore, #tpu.memory_space<semaphore_mem>>, %arg33: memref<!tpu.dma_semaphore, #tpu.memory_space<semaphore_mem>>, %arg34: memref<!tpu.dma_semaphore, #tpu.memory_space<semaphore_mem>>, %arg35: memref<!tpu.dma_semaphore, #tpu.memory_space<semaphore_mem>>, %arg36: memref<!tpu.dma_semaphore, #tpu.memory_space<semaphore_mem>>, %arg37: memref<!tpu.dma_semaphore, #tpu.memory_space<semaphore_mem>>, %arg38: memref<!tpu.dma_semaphore, #tpu.memory_space<semaphore_mem>>, %arg39: memref<!tpu.dma_semaphore, #tpu.memory_space<semaphore_mem>>, %arg40: memref<!tpu.dma_semaphore, #tpu.memory_space<semaphore_mem>>, %arg41: memref<!tpu.dma_semaphore, #tpu.memory_space<semaphore_mem>>, %arg42: memref<!tpu.dma_semaphore, #tpu.memory_space<semaphore_mem>>, %arg43: memref<!tpu.dma_semaphore, #tpu.memory_space<semaphore_mem>>, %arg44: memref<!tpu.dma_semaphore, #tpu.memory_space<semaphore_mem>>, %arg45: memref<!tpu.dma_semaphore, #tpu.memory_space<semaphore_mem>>) attributes {dimension_semantics = [], scalar_prefetch = 0 : i64, scratch_operands = 42 : i64, tpu.core_type = #tpu.core_type<tc>} {
    tpu.enqueue_dma source(%arg1 : memref<8192x1xf32, #tpu.memory_space<hbm>>) target(%arg4 : memref<8192x1xf32, #tpu.memory_space<vmem>>) target_semaphore(%arg29 : memref<!tpu.dma_semaphore, #tpu.memory_space<semaphore_mem>>)
    %dma_start3A = arith.constant 512 : i32
    %dma_start3A_0 = arith.constant 0 : i32
    %dma_start3A_1 = tpu.memref_slice %arg0[%dma_start3A, %dma_start3A_0] : memref<8192x4096xf32, #tpu.memory_space<hbm>> -> memref<64x4096xf32, #tpu.memory_space<hbm>>
    tpu.enqueue_dma source(%dma_start3A_1 : memref<64x4096xf32, #tpu.memory_space<hbm>>) target(%arg5 : memref<64x4096xf32, #tpu.memory_space<vmem>>) target_semaphore(%arg30 : memref<!tpu.dma_semaphore, #tpu.memory_space<semaphore_mem>>)
    %dma_start3A_2 = arith.constant 512 : i32
    %dma_start3A_3 = arith.constant 0 : i32
    %dma_start3A_4 = tpu.memref_slice %arg2[%dma_start3A_2, %dma_start3A_3] : memref<8192x4096xf32, #tpu.memory_space<hbm>> -> memref<64x4096xf32, #tpu.memory_space<hbm>>
    tpu.enqueue_dma source(%dma_start3A_4 : memref<64x4096xf32, #tpu.memory_space<hbm>>) target(%arg6 : memref<64x4096xf32, #tpu.memory_space<vmem>>) target_semaphore(%arg30 : memref<!tpu.dma_semaphore, #tpu.memory_space<semaphore_mem>>)
    %dma_start3A_5 = arith.constant 576 : i32
    %dma_start3A_6 = arith.constant 0 : i32
    %dma_start3A_7 = tpu.memref_slice %arg0[%dma_start3A_5, %dma_start3A_6] : memref<8192x4096xf32, #tpu.memory_space<hbm>> -> memref<64x4096xf32, #tpu.memory_space<hbm>>
    tpu.enqueue_dma source(%dma_start3A_7 : memref<64x4096xf32, #tpu.memory_space<hbm>>) target(%arg8 : memref<64x4096xf32, #tpu.memory_space<vmem>>) target_semaphore(%arg31 : memref<!tpu.dma_semaphore, #tpu.memory_space<semaphore_mem>>)
    %dma_start3A_8 = arith.constant 576 : i32
    %dma_start3A_9 = arith.constant 0 : i32
    %dma_start3A_10 = tpu.memref_slice %arg2[%dma_start3A_8, %dma_start3A_9] : memref<8192x4096xf32, #tpu.memory_space<hbm>> -> memref<64x4096xf32, #tpu.memory_space<hbm>>
    tpu.enqueue_dma source(%dma_start3A_10 : memref<64x4096xf32, #tpu.memory_space<hbm>>) target(%arg9 : memref<64x4096xf32, #tpu.memory_space<vmem>>) target_semaphore(%arg31 : memref<!tpu.dma_semaphore, #tpu.memory_space<semaphore_mem>>)
    %dma_start3A_11 = arith.constant 640 : i32
    %dma_start3A_12 = arith.constant 0 : i32
    %dma_start3A_13 = tpu.memref_slice %arg0[%dma_start3A_11, %dma_start3A_12] : memref<8192x4096xf32, #tpu.memory_space<hbm>> -> memref<64x4096xf32, #tpu.memory_space<hbm>>
    tpu.enqueue_dma source(%dma_start3A_13 : memref<64x4096xf32, #tpu.memory_space<hbm>>) target(%arg11 : memref<64x4096xf32, #tpu.memory_space<vmem>>) target_semaphore(%arg32 : memref<!tpu.dma_semaphore, #tpu.memory_space<semaphore_mem>>)
    %dma_start3A_14 = arith.constant 640 : i32
    %dma_start3A_15 = arith.constant 0 : i32
    %dma_start3A_16 = tpu.memref_slice %arg2[%dma_start3A_14, %dma_start3A_15] : memref<8192x4096xf32, #tpu.memory_space<hbm>> -> memref<64x4096xf32, #tpu.memory_space<hbm>>
    tpu.enqueue_dma source(%dma_start3A_16 : memref<64x4096xf32, #tpu.memory_space<hbm>>) target(%arg12 : memref<64x4096xf32, #tpu.memory_space<vmem>>) target_semaphore(%arg32 : memref<!tpu.dma_semaphore, #tpu.memory_space<semaphore_mem>>)
    %dma_start3A_17 = arith.constant 704 : i32
    %dma_start3A_18 = arith.constant 0 : i32
    %dma_start3A_19 = tpu.memref_slice %arg0[%dma_start3A_17, %dma_start3A_18] : memref<8192x4096xf32, #tpu.memory_space<hbm>> -> memref<64x4096xf32, #tpu.memory_space<hbm>>
    tpu.enqueue_dma source(%dma_start3A_19 : memref<64x4096xf32, #tpu.memory_space<hbm>>) target(%arg14 : memref<64x4096xf32, #tpu.memory_space<vmem>>) target_semaphore(%arg33 : memref<!tpu.dma_semaphore, #tpu.memory_space<semaphore_mem>>)
    %dma_start3A_20 = arith.constant 704 : i32
    %dma_start3A_21 = arith.constant 0 : i32
    %dma_start3A_22 = tpu.memref_slice %arg2[%dma_start3A_20, %dma_start3A_21] : memref<8192x4096xf32, #tpu.memory_space<hbm>> -> memref<64x4096xf32, #tpu.memory_space<hbm>>
    tpu.enqueue_dma source(%dma_start3A_22 : memref<64x4096xf32, #tpu.memory_space<hbm>>) target(%arg15 : memref<64x4096xf32, #tpu.memory_space<vmem>>) target_semaphore(%arg33 : memref<!tpu.dma_semaphore, #tpu.memory_space<semaphore_mem>>)
    %dma_start3A_23 = arith.constant 768 : i32
    %dma_start3A_24 = arith.constant 0 : i32
    %dma_start3A_25 = tpu.memref_slice %arg0[%dma_start3A_23, %dma_start3A_24] : memref<8192x4096xf32, #tpu.memory_space<hbm>> -> memref<64x4096xf32, #tpu.memory_space<hbm>>
    tpu.enqueue_dma source(%dma_start3A_25 : memref<64x4096xf32, #tpu.memory_space<hbm>>) target(%arg17 : memref<64x4096xf32, #tpu.memory_space<vmem>>) target_semaphore(%arg34 : memref<!tpu.dma_semaphore, #tpu.memory_space<semaphore_mem>>)
    %dma_start3A_26 = arith.constant 768 : i32
    %dma_start3A_27 = arith.constant 0 : i32
    %dma_start3A_28 = tpu.memref_slice %arg2[%dma_start3A_26, %dma_start3A_27] : memref<8192x4096xf32, #tpu.memory_space<hbm>> -> memref<64x4096xf32, #tpu.memory_space<hbm>>
    tpu.enqueue_dma source(%dma_start3A_28 : memref<64x4096xf32, #tpu.memory_space<hbm>>) target(%arg18 : memref<64x4096xf32, #tpu.memory_space<vmem>>) target_semaphore(%arg34 : memref<!tpu.dma_semaphore, #tpu.memory_space<semaphore_mem>>)
    %dma_start3A_29 = arith.constant 832 : i32
    %dma_start3A_30 = arith.constant 0 : i32
    %dma_start3A_31 = tpu.memref_slice %arg0[%dma_start3A_29, %dma_start3A_30] : memref<8192x4096xf32, #tpu.memory_space<hbm>> -> memref<64x4096xf32, #tpu.memory_space<hbm>>
    tpu.enqueue_dma source(%dma_start3A_31 : memref<64x4096xf32, #tpu.memory_space<hbm>>) target(%arg20 : memref<64x4096xf32, #tpu.memory_space<vmem>>) target_semaphore(%arg35 : memref<!tpu.dma_semaphore, #tpu.memory_space<semaphore_mem>>)
    %dma_start3A_32 = arith.constant 832 : i32
    %dma_start3A_33 = arith.constant 0 : i32
    %dma_start3A_34 = tpu.memref_slice %arg2[%dma_start3A_32, %dma_start3A_33] : memref<8192x4096xf32, #tpu.memory_space<hbm>> -> memref<64x4096xf32, #tpu.memory_space<hbm>>
    tpu.enqueue_dma source(%dma_start3A_34 : memref<64x4096xf32, #tpu.memory_space<hbm>>) target(%arg21 : memref<64x4096xf32, #tpu.memory_space<vmem>>) target_semaphore(%arg35 : memref<!tpu.dma_semaphore, #tpu.memory_space<semaphore_mem>>)
    %dma_start3A_35 = arith.constant 896 : i32
    %dma_start3A_36 = arith.constant 0 : i32
    %dma_start3A_37 = tpu.memref_slice %arg0[%dma_start3A_35, %dma_start3A_36] : memref<8192x4096xf32, #tpu.memory_space<hbm>> -> memref<64x4096xf32, #tpu.memory_space<hbm>>
    tpu.enqueue_dma source(%dma_start3A_37 : memref<64x4096xf32, #tpu.memory_space<hbm>>) target(%arg23 : memref<64x4096xf32, #tpu.memory_space<vmem>>) target_semaphore(%arg36 : memref<!tpu.dma_semaphore, #tpu.memory_space<semaphore_mem>>)
    %dma_start3A_38 = arith.constant 896 : i32
    %dma_start3A_39 = arith.constant 0 : i32
    %dma_start3A_40 = tpu.memref_slice %arg2[%dma_start3A_38, %dma_start3A_39] : memref<8192x4096xf32, #tpu.memory_space<hbm>> -> memref<64x4096xf32, #tpu.memory_space<hbm>>
    tpu.enqueue_dma source(%dma_start3A_40 : memref<64x4096xf32, #tpu.memory_space<hbm>>) target(%arg24 : memref<64x4096xf32, #tpu.memory_space<vmem>>) target_semaphore(%arg36 : memref<!tpu.dma_semaphore, #tpu.memory_space<semaphore_mem>>)
    tpu.wait_dma2 semaphore(%arg29 : memref<!tpu.dma_semaphore, #tpu.memory_space<semaphore_mem>>) src(%arg1 : memref<8192x1xf32, #tpu.memory_space<hbm>>) dst(%arg4 : memref<8192x1xf32, #tpu.memory_space<vmem>>)
    %scan3A = arith.constant 0 : i32
    %scan3A_41 = arith.constant 15 : i32
    %scan3A_42 = arith.addi %scan3A, %scan3A_41 : i32
    %scan3A_43 = arith.constant 1 : i32
    scf.for %scan3A_68 = %scan3A to %scan3A_42 step %scan3A_43  : i32 {
      %mul3A = arith.constant 8 : i32
      %mul3A_69 = arith.muli %scan3A_68, %mul3A : i32
      %add3A = arith.constant 0 : i32
      %add3A_70 = arith.addi %mul3A_69, %add3A : i32
      %add3A_71 = arith.constant 8 : i32
      %add3A_72 = arith.addi %add3A_70, %add3A_71 : i32
      %sub3A = arith.constant 1 : i32
      %sub3A_73 = arith.subi %add3A_72, %sub3A : i32
      %lt3A = arith.constant 120 : i32
      %lt3A_74 = arith.cmpi slt, %sub3A_73, %lt3A : i32
      %convert_element_type3A = arith.extui %lt3A_74 : i1 to i32
      %cond3A = arith.constant 0 : i32
      %cond3A_75 = arith.cmpi ne, %convert_element_type3A, %cond3A : i32
      scf.if %cond3A_75 {
        %add3A_567 = arith.constant 8 : i32
        %add3A_568 = arith.addi %add3A_70, %add3A_567 : i32
        %sub3A_569 = arith.constant 1 : i32
        %sub3A_570 = arith.subi %add3A_568, %sub3A_569 : i32
        %mul3A_571 = arith.constant 64 : i32
        %mul3A_572 = arith.muli %sub3A_570, %mul3A_571 : i32
        %add3A_573 = arith.constant 512 : i32
        %add3A_574 = arith.addi %add3A_573, %mul3A_572 : i32
        %dma_start3A_575 = arith.constant 0 : i32
        %dma_start3A_576 = tpu.memref_slice %arg0[%add3A_574, %dma_start3A_575] : memref<8192x4096xf32, #tpu.memory_space<hbm>> -> memref<64x4096xf32, #tpu.memory_space<hbm>>
        tpu.enqueue_dma source(%dma_start3A_576 : memref<64x4096xf32, #tpu.memory_space<hbm>>) target(%arg26 : memref<64x4096xf32, #tpu.memory_space<vmem>>) target_semaphore(%arg37 : memref<!tpu.dma_semaphore, #tpu.memory_space<semaphore_mem>>)
        %dma_start3A_577 = arith.constant 0 : i32
        %dma_start3A_578 = tpu.memref_slice %arg2[%add3A_574, %dma_start3A_577] : memref<8192x4096xf32, #tpu.memory_space<hbm>> -> memref<64x4096xf32, #tpu.memory_space<hbm>>
        tpu.enqueue_dma source(%dma_start3A_578 : memref<64x4096xf32, #tpu.memory_space<hbm>>) target(%arg27 : memref<64x4096xf32, #tpu.memory_space<vmem>>) target_semaphore(%arg37 : memref<!tpu.dma_semaphore, #tpu.memory_space<semaphore_mem>>)
      } else {
      }
      %dma_wait3A_76 = arith.constant 0 : i32
      %dma_wait3A_77 = arith.constant 0 : i32
      %dma_wait3A_78 = tpu.memref_slice %arg0[%dma_wait3A_76, %dma_wait3A_77] : memref<8192x4096xf32, #tpu.memory_space<hbm>> -> memref<64x4096xf32, #tpu.memory_space<hbm>>
      tpu.wait_dma2 semaphore(%arg30 : memref<!tpu.dma_semaphore, #tpu.memory_space<semaphore_mem>>) src(%dma_wait3A_78 : memref<64x4096xf32, #tpu.memory_space<hbm>>) dst(%arg5 : memref<64x4096xf32, #tpu.memory_space<vmem>>)
      %dma_wait3A_79 = arith.constant 0 : i32
      %dma_wait3A_80 = arith.constant 0 : i32
      %dma_wait3A_81 = tpu.memref_slice %arg2[%dma_wait3A_79, %dma_wait3A_80] : memref<8192x4096xf32, #tpu.memory_space<hbm>> -> memref<64x4096xf32, #tpu.memory_space<hbm>>
      tpu.wait_dma2 semaphore(%arg30 : memref<!tpu.dma_semaphore, #tpu.memory_space<semaphore_mem>>) src(%dma_wait3A_81 : memref<64x4096xf32, #tpu.memory_space<hbm>>) dst(%arg6 : memref<64x4096xf32, #tpu.memory_space<vmem>>)
      %gt3A = arith.constant 0 : i32
      %gt3A_82 = arith.cmpi sgt, %scan3A_68, %gt3A : i32
      %convert_element_type3A_83 = arith.extui %gt3A_82 : i1 to i32
      %cond3A_84 = arith.constant 0 : i32
      %cond3A_85 = arith.cmpi ne, %convert_element_type3A_83, %cond3A_84 : i32
      scf.if %cond3A_85 {
        %dma_wait3A_567 = arith.constant 0 : i32
        %dma_wait3A_568 = arith.constant 0 : i32
        %dma_wait3A_569 = tpu.memref_slice %arg3[%dma_wait3A_567, %dma_wait3A_568] : memref<8192x4096xf32, #tpu.memory_space<hbm>> -> memref<64x4096xf32, #tpu.memory_space<hbm>>
        tpu.wait_dma2 semaphore(%arg38 : memref<!tpu.dma_semaphore, #tpu.memory_space<semaphore_mem>>) src(%arg7 : memref<64x4096xf32, #tpu.memory_space<vmem>>) dst(%dma_wait3A_569 : memref<64x4096xf32, #tpu.memory_space<hbm>>)
      } else {
      }
      %mul3A_86 = arith.constant 64 : i32
      %mul3A_87 = arith.muli %add3A_70, %mul3A_86 : i32
      %add3A_88 = arith.constant 512 : i32
      %add3A_89 = arith.addi %add3A_88, %mul3A_87 : i32
      %get3A = arith.index_cast %add3A_89 : i32 to index
      %get3A_90 = arith.constant 0 : index
      %get3A_91 = vector.load %arg4[%get3A, %get3A_90] : memref<8192x1xf32, #tpu.memory_space<vmem>>, vector<64x1xf32>
      %get3A_92 = arith.constant 0 : index
      %get3A_93 = arith.constant 0 : index
      %get3A_94 = vector.load %arg5[%get3A_92, %get3A_93] : memref<64x4096xf32, #tpu.memory_space<vmem>>, vector<64x4096xf32>
      %get3A_95 = arith.constant 0 : index
      %get3A_96 = arith.constant 0 : index
      %get3A_97 = vector.load %arg6[%get3A_95, %get3A_96] : memref<64x4096xf32, #tpu.memory_space<vmem>>, vector<64x4096xf32>
      %sub3A_98 = arith.subf %get3A_94, %get3A_97 : vector<64x4096xf32>
      %mul3A_99 = vector.broadcast %get3A_91 : vector<64x1xf32> to vector<64x4096xf32>
      %mul3A_100 = arith.mulf %sub3A_98, %mul3A_99 : vector<64x4096xf32>
      %mul3A_101 = arith.mulf %mul3A_100, %mul3A_100 : vector<64x4096xf32>
      %neg3A = arith.constant 0.000000e+00 : f32
      %neg3A_102 = vector.broadcast %neg3A : f32 to vector<64x4096xf32>
      %neg3A_103 = arith.subf %neg3A_102, %mul3A_101 : vector<64x4096xf32>
      %exp3A = math.exp %neg3A_103 : vector<64x4096xf32>
      %mul3A_104 = arith.constant 0.564189613 : f32
      %mul3A_105 = vector.broadcast %mul3A_104 : f32 to vector<64x1xf32>
      %mul3A_106 = arith.mulf %get3A_91, %mul3A_105 : vector<64x1xf32>
      %mul3A_107 = vector.broadcast %mul3A_106 : vector<64x1xf32> to vector<64x4096xf32>
      %mul3A_108 = arith.mulf %exp3A, %mul3A_107 : vector<64x4096xf32>
      %abs3A = math.absf %mul3A_100 : vector<64x4096xf32>
      %le3A = arith.constant 3.000000e+00 : f32
      %le3A_109 = vector.broadcast %le3A : f32 to vector<64x4096xf32>
      %le3A_110 = arith.cmpf ole, %abs3A, %le3A_109 : vector<64x4096xf32>
      %jit3A = arith.constant 0.000000e+00 : f32
      %broadcast_in_dim3A = vector.broadcast %jit3A : f32 to vector<64x4096xf32>
      %select_n3A = arith.select %le3A_110, %mul3A_108, %broadcast_in_dim3A : vector<64x4096xi1>, vector<64x4096xf32>
      %swap3A = arith.constant 0 : index
      %swap3A_111 = arith.constant 0 : index
      %swap3A_112 = vector.load %arg7[%swap3A, %swap3A_111] : memref<64x4096xf32, #tpu.memory_space<vmem>>, vector<64x4096xf32>
      tpu.vector_store %arg7[%swap3A, %swap3A_111], %select_n3A {strides = array<i32>} : memref<64x4096xf32, #tpu.memory_space<vmem>>, vector<64x4096xf32>,
      %mul3A_113 = arith.constant 64 : i32
      %mul3A_114 = arith.muli %add3A_70, %mul3A_113 : i32
      %add3A_115 = arith.constant 512 : i32
      %add3A_116 = arith.addi %add3A_115, %mul3A_114 : i32
      %dma_start3A_117 = arith.constant 0 : i32
      %dma_start3A_118 = tpu.memref_slice %arg3[%add3A_116, %dma_start3A_117] : memref<8192x4096xf32, #tpu.memory_space<hbm>> -> memref<64x4096xf32, #tpu.memory_space<hbm>>
      tpu.enqueue_dma source(%arg7 : memref<64x4096xf32, #tpu.memory_space<vmem>>) target(%dma_start3A_118 : memref<64x4096xf32, #tpu.memory_space<hbm>>) target_semaphore(%arg38 : memref<!tpu.dma_semaphore, #tpu.memory_space<semaphore_mem>>)
      %add3A_119 = arith.constant 1 : i32
      %add3A_120 = arith.addi %mul3A_69, %add3A_119 : i32
      %add3A_121 = arith.constant 8 : i32
      %add3A_122 = arith.addi %add3A_120, %add3A_121 : i32
      %sub3A_123 = arith.constant 1 : i32
      %sub3A_124 = arith.subi %add3A_122, %sub3A_123 : i32
      %lt3A_125 = arith.constant 120 : i32
      %lt3A_126 = arith.cmpi slt, %sub3A_124, %lt3A_125 : i32
      %convert_element_type3A_127 = arith.extui %lt3A_126 : i1 to i32
      %cond3A_128 = arith.constant 0 : i32
      %cond3A_129 = arith.cmpi ne, %convert_element_type3A_127, %cond3A_128 : i32
      scf.if %cond3A_129 {
        %add3A_567 = arith.constant 8 : i32
        %add3A_568 = arith.addi %add3A_120, %add3A_567 : i32
        %sub3A_569 = arith.constant 1 : i32
        %sub3A_570 = arith.subi %add3A_568, %sub3A_569 : i32
        %mul3A_571 = arith.constant 64 : i32
        %mul3A_572 = arith.muli %sub3A_570, %mul3A_571 : i32
        %add3A_573 = arith.constant 512 : i32
        %add3A_574 = arith.addi %add3A_573, %mul3A_572 : i32
        %dma_start3A_575 = arith.constant 0 : i32
        %dma_start3A_576 = tpu.memref_slice %arg0[%add3A_574, %dma_start3A_575] : memref<8192x4096xf32, #tpu.memory_space<hbm>> -> memref<64x4096xf32, #tpu.memory_space<hbm>>
        tpu.enqueue_dma source(%dma_start3A_576 : memref<64x4096xf32, #tpu.memory_space<hbm>>) target(%arg5 : memref<64x4096xf32, #tpu.memory_space<vmem>>) target_semaphore(%arg30 : memref<!tpu.dma_semaphore, #tpu.memory_space<semaphore_mem>>)
        %dma_start3A_577 = arith.constant 0 : i32
        %dma_start3A_578 = tpu.memref_slice %arg2[%add3A_574, %dma_start3A_577] : memref<8192x4096xf32, #tpu.memory_space<hbm>> -> memref<64x4096xf32, #tpu.memory_space<hbm>>
        tpu.enqueue_dma source(%dma_start3A_578 : memref<64x4096xf32, #tpu.memory_space<hbm>>) target(%arg6 : memref<64x4096xf32, #tpu.memory_space<vmem>>) target_semaphore(%arg30 : memref<!tpu.dma_semaphore, #tpu.memory_space<semaphore_mem>>)
      } else {
      }
      %dma_wait3A_130 = arith.constant 0 : i32
      %dma_wait3A_131 = arith.constant 0 : i32
      %dma_wait3A_132 = tpu.memref_slice %arg0[%dma_wait3A_130, %dma_wait3A_131] : memref<8192x4096xf32, #tpu.memory_space<hbm>> -> memref<64x4096xf32, #tpu.memory_space<hbm>>
      tpu.wait_dma2 semaphore(%arg31 : memref<!tpu.dma_semaphore, #tpu.memory_space<semaphore_mem>>) src(%dma_wait3A_132 : memref<64x4096xf32, #tpu.memory_space<hbm>>) dst(%arg8 : memref<64x4096xf32, #tpu.memory_space<vmem>>)
      %dma_wait3A_133 = arith.constant 0 : i32
      %dma_wait3A_134 = arith.constant 0 : i32
      %dma_wait3A_135 = tpu.memref_slice %arg2[%dma_wait3A_133, %dma_wait3A_134] : memref<8192x4096xf32, #tpu.memory_space<hbm>> -> memref<64x4096xf32, #tpu.memory_space<hbm>>
      tpu.wait_dma2 semaphore(%arg31 : memref<!tpu.dma_semaphore, #tpu.memory_space<semaphore_mem>>) src(%dma_wait3A_135 : memref<64x4096xf32, #tpu.memory_space<hbm>>) dst(%arg9 : memref<64x4096xf32, #tpu.memory_space<vmem>>)
      %gt3A_136 = arith.constant 0 : i32
      %gt3A_137 = arith.cmpi sgt, %scan3A_68, %gt3A_136 : i32
      %convert_element_type3A_138 = arith.extui %gt3A_137 : i1 to i32
      %cond3A_139 = arith.constant 0 : i32
      %cond3A_140 = arith.cmpi ne, %convert_element_type3A_138, %cond3A_139 : i32
      scf.if %cond3A_140 {
        %dma_wait3A_567 = arith.constant 0 : i32
        %dma_wait3A_568 = arith.constant 0 : i32
        %dma_wait3A_569 = tpu.memref_slice %arg3[%dma_wait3A_567, %dma_wait3A_568] : memref<8192x4096xf32, #tpu.memory_space<hbm>> -> memref<64x4096xf32, #tpu.memory_space<hbm>>
        tpu.wait_dma2 semaphore(%arg39 : memref<!tpu.dma_semaphore, #tpu.memory_space<semaphore_mem>>) src(%arg10 : memref<64x4096xf32, #tpu.memory_space<vmem>>) dst(%dma_wait3A_569 : memref<64x4096xf32, #tpu.memory_space<hbm>>)
      } else {
      }
      %mul3A_141 = arith.constant 64 : i32
      %mul3A_142 = arith.muli %add3A_120, %mul3A_141 : i32
      %add3A_143 = arith.constant 512 : i32
      %add3A_144 = arith.addi %add3A_143, %mul3A_142 : i32
      %get3A_145 = arith.index_cast %add3A_144 : i32 to index
      %get3A_146 = arith.constant 0 : index
      %get3A_147 = vector.load %arg4[%get3A_145, %get3A_146] : memref<8192x1xf32, #tpu.memory_space<vmem>>, vector<64x1xf32>
      %get3A_148 = arith.constant 0 : index
      %get3A_149 = arith.constant 0 : index
      %get3A_150 = vector.load %arg8[%get3A_148, %get3A_149] : memref<64x4096xf32, #tpu.memory_space<vmem>>, vector<64x4096xf32>
      %get3A_151 = arith.constant 0 : index
      %get3A_152 = arith.constant 0 : index
      %get3A_153 = vector.load %arg9[%get3A_151, %get3A_152] : memref<64x4096xf32, #tpu.memory_space<vmem>>, vector<64x4096xf32>
      %sub3A_154 = arith.subf %get3A_150, %get3A_153 : vector<64x4096xf32>
      %mul3A_155 = vector.broadcast %get3A_147 : vector<64x1xf32> to vector<64x4096xf32>
      %mul3A_156 = arith.mulf %sub3A_154, %mul3A_155 : vector<64x4096xf32>
      %mul3A_157 = arith.mulf %mul3A_156, %mul3A_156 : vector<64x4096xf32>
      %neg3A_158 = arith.constant 0.000000e+00 : f32
      %neg3A_159 = vector.broadcast %neg3A_158 : f32 to vector<64x4096xf32>
      %neg3A_160 = arith.subf %neg3A_159, %mul3A_157 : vector<64x4096xf32>
      %exp3A_161 = math.exp %neg3A_160 : vector<64x4096xf32>
      %mul3A_162 = arith.constant 0.564189613 : f32
      %mul3A_163 = vector.broadcast %mul3A_162 : f32 to vector<64x1xf32>
      %mul3A_164 = arith.mulf %get3A_147, %mul3A_163 : vector<64x1xf32>
      %mul3A_165 = vector.broadcast %mul3A_164 : vector<64x1xf32> to vector<64x4096xf32>
      %mul3A_166 = arith.mulf %exp3A_161, %mul3A_165 : vector<64x4096xf32>
      %abs3A_167 = math.absf %mul3A_156 : vector<64x4096xf32>
      %le3A_168 = arith.constant 3.000000e+00 : f32
      %le3A_169 = vector.broadcast %le3A_168 : f32 to vector<64x4096xf32>
      %le3A_170 = arith.cmpf ole, %abs3A_167, %le3A_169 : vector<64x4096xf32>
      %jit3A_171 = arith.constant 0.000000e+00 : f32
      %broadcast_in_dim3A_172 = vector.broadcast %jit3A_171 : f32 to vector<64x4096xf32>
      %select_n3A_173 = arith.select %le3A_170, %mul3A_166, %broadcast_in_dim3A_172 : vector<64x4096xi1>, vector<64x4096xf32>
      %swap3A_174 = arith.constant 0 : index
      %swap3A_175 = arith.constant 0 : index
      %swap3A_176 = vector.load %arg10[%swap3A_174, %swap3A_175] : memref<64x4096xf32, #tpu.memory_space<vmem>>, vector<64x4096xf32>
      tpu.vector_store %arg10[%swap3A_174, %swap3A_175], %select_n3A_173 {strides = array<i32>} : memref<64x4096xf32, #tpu.memory_space<vmem>>, vector<64x4096xf32>,
      %mul3A_177 = arith.constant 64 : i32
      %mul3A_178 = arith.muli %add3A_120, %mul3A_177 : i32
      %add3A_179 = arith.constant 512 : i32
      %add3A_180 = arith.addi %add3A_179, %mul3A_178 : i32
      %dma_start3A_181 = arith.constant 0 : i32
      %dma_start3A_182 = tpu.memref_slice %arg3[%add3A_180, %dma_start3A_181] : memref<8192x4096xf32, #tpu.memory_space<hbm>> -> memref<64x4096xf32, #tpu.memory_space<hbm>>
      tpu.enqueue_dma source(%arg10 : memref<64x4096xf32, #tpu.memory_space<vmem>>) target(%dma_start3A_182 : memref<64x4096xf32, #tpu.memory_space<hbm>>) target_semaphore(%arg39 : memref<!tpu.dma_semaphore, #tpu.memory_space<semaphore_mem>>)
      %add3A_183 = arith.constant 2 : i32
      %add3A_184 = arith.addi %mul3A_69, %add3A_183 : i32
      %add3A_185 = arith.constant 8 : i32
      %add3A_186 = arith.addi %add3A_184, %add3A_185 : i32
      %sub3A_187 = arith.constant 1 : i32
      %sub3A_188 = arith.subi %add3A_186, %sub3A_187 : i32
      %lt3A_189 = arith.constant 120 : i32
      %lt3A_190 = arith.cmpi slt, %sub3A_188, %lt3A_189 : i32
      %convert_element_type3A_191 = arith.extui %lt3A_190 : i1 to i32
      %cond3A_192 = arith.constant 0 : i32
      %cond3A_193 = arith.cmpi ne, %convert_element_type3A_191, %cond3A_192 : i32
      scf.if %cond3A_193 {
        %add3A_567 = arith.constant 8 : i32
        %add3A_568 = arith.addi %add3A_184, %add3A_567 : i32
        %sub3A_569 = arith.constant 1 : i32
        %sub3A_570 = arith.subi %add3A_568, %sub3A_569 : i32
        %mul3A_571 = arith.constant 64 : i32
        %mul3A_572 = arith.muli %sub3A_570, %mul3A_571 : i32
        %add3A_573 = arith.constant 512 : i32
        %add3A_574 = arith.addi %add3A_573, %mul3A_572 : i32
        %dma_start3A_575 = arith.constant 0 : i32
        %dma_start3A_576 = tpu.memref_slice %arg0[%add3A_574, %dma_start3A_575] : memref<8192x4096xf32, #tpu.memory_space<hbm>> -> memref<64x4096xf32, #tpu.memory_space<hbm>>
        tpu.enqueue_dma source(%dma_start3A_576 : memref<64x4096xf32, #tpu.memory_space<hbm>>) target(%arg8 : memref<64x4096xf32, #tpu.memory_space<vmem>>) target_semaphore(%arg31 : memref<!tpu.dma_semaphore, #tpu.memory_space<semaphore_mem>>)
        %dma_start3A_577 = arith.constant 0 : i32
        %dma_start3A_578 = tpu.memref_slice %arg2[%add3A_574, %dma_start3A_577] : memref<8192x4096xf32, #tpu.memory_space<hbm>> -> memref<64x4096xf32, #tpu.memory_space<hbm>>
        tpu.enqueue_dma source(%dma_start3A_578 : memref<64x4096xf32, #tpu.memory_space<hbm>>) target(%arg9 : memref<64x4096xf32, #tpu.memory_space<vmem>>) target_semaphore(%arg31 : memref<!tpu.dma_semaphore, #tpu.memory_space<semaphore_mem>>)
      } else {
      }
      %dma_wait3A_194 = arith.constant 0 : i32
      %dma_wait3A_195 = arith.constant 0 : i32
      %dma_wait3A_196 = tpu.memref_slice %arg0[%dma_wait3A_194, %dma_wait3A_195] : memref<8192x4096xf32, #tpu.memory_space<hbm>> -> memref<64x4096xf32, #tpu.memory_space<hbm>>
      tpu.wait_dma2 semaphore(%arg32 : memref<!tpu.dma_semaphore, #tpu.memory_space<semaphore_mem>>) src(%dma_wait3A_196 : memref<64x4096xf32, #tpu.memory_space<hbm>>) dst(%arg11 : memref<64x4096xf32, #tpu.memory_space<vmem>>)
      %dma_wait3A_197 = arith.constant 0 : i32
      %dma_wait3A_198 = arith.constant 0 : i32
      %dma_wait3A_199 = tpu.memref_slice %arg2[%dma_wait3A_197, %dma_wait3A_198] : memref<8192x4096xf32, #tpu.memory_space<hbm>> -> memref<64x4096xf32, #tpu.memory_space<hbm>>
      tpu.wait_dma2 semaphore(%arg32 : memref<!tpu.dma_semaphore, #tpu.memory_space<semaphore_mem>>) src(%dma_wait3A_199 : memref<64x4096xf32, #tpu.memory_space<hbm>>) dst(%arg12 : memref<64x4096xf32, #tpu.memory_space<vmem>>)
      %gt3A_200 = arith.constant 0 : i32
      %gt3A_201 = arith.cmpi sgt, %scan3A_68, %gt3A_200 : i32
      %convert_element_type3A_202 = arith.extui %gt3A_201 : i1 to i32
      %cond3A_203 = arith.constant 0 : i32
      %cond3A_204 = arith.cmpi ne, %convert_element_type3A_202, %cond3A_203 : i32
      scf.if %cond3A_204 {
        %dma_wait3A_567 = arith.constant 0 : i32
        %dma_wait3A_568 = arith.constant 0 : i32
        %dma_wait3A_569 = tpu.memref_slice %arg3[%dma_wait3A_567, %dma_wait3A_568] : memref<8192x4096xf32, #tpu.memory_space<hbm>> -> memref<64x4096xf32, #tpu.memory_space<hbm>>
        tpu.wait_dma2 semaphore(%arg40 : memref<!tpu.dma_semaphore, #tpu.memory_space<semaphore_mem>>) src(%arg13 : memref<64x4096xf32, #tpu.memory_space<vmem>>) dst(%dma_wait3A_569 : memref<64x4096xf32, #tpu.memory_space<hbm>>)
      } else {
      }
      %mul3A_205 = arith.constant 64 : i32
      %mul3A_206 = arith.muli %add3A_184, %mul3A_205 : i32
      %add3A_207 = arith.constant 512 : i32
      %add3A_208 = arith.addi %add3A_207, %mul3A_206 : i32
      %get3A_209 = arith.index_cast %add3A_208 : i32 to index
      %get3A_210 = arith.constant 0 : index
      %get3A_211 = vector.load %arg4[%get3A_209, %get3A_210] : memref<8192x1xf32, #tpu.memory_space<vmem>>, vector<64x1xf32>
      %get3A_212 = arith.constant 0 : index
      %get3A_213 = arith.constant 0 : index
      %get3A_214 = vector.load %arg11[%get3A_212, %get3A_213] : memref<64x4096xf32, #tpu.memory_space<vmem>>, vector<64x4096xf32>
      %get3A_215 = arith.constant 0 : index
      %get3A_216 = arith.constant 0 : index
      %get3A_217 = vector.load %arg12[%get3A_215, %get3A_216] : memref<64x4096xf32, #tpu.memory_space<vmem>>, vector<64x4096xf32>
      %sub3A_218 = arith.subf %get3A_214, %get3A_217 : vector<64x4096xf32>
      %mul3A_219 = vector.broadcast %get3A_211 : vector<64x1xf32> to vector<64x4096xf32>
      %mul3A_220 = arith.mulf %sub3A_218, %mul3A_219 : vector<64x4096xf32>
      %mul3A_221 = arith.mulf %mul3A_220, %mul3A_220 : vector<64x4096xf32>
      %neg3A_222 = arith.constant 0.000000e+00 : f32
      %neg3A_223 = vector.broadcast %neg3A_222 : f32 to vector<64x4096xf32>
      %neg3A_224 = arith.subf %neg3A_223, %mul3A_221 : vector<64x4096xf32>
      %exp3A_225 = math.exp %neg3A_224 : vector<64x4096xf32>
      %mul3A_226 = arith.constant 0.564189613 : f32
      %mul3A_227 = vector.broadcast %mul3A_226 : f32 to vector<64x1xf32>
      %mul3A_228 = arith.mulf %get3A_211, %mul3A_227 : vector<64x1xf32>
      %mul3A_229 = vector.broadcast %mul3A_228 : vector<64x1xf32> to vector<64x4096xf32>
      %mul3A_230 = arith.mulf %exp3A_225, %mul3A_229 : vector<64x4096xf32>
      %abs3A_231 = math.absf %mul3A_220 : vector<64x4096xf32>
      %le3A_232 = arith.constant 3.000000e+00 : f32
      %le3A_233 = vector.broadcast %le3A_232 : f32 to vector<64x4096xf32>
      %le3A_234 = arith.cmpf ole, %abs3A_231, %le3A_233 : vector<64x4096xf32>
      %jit3A_235 = arith.constant 0.000000e+00 : f32
      %broadcast_in_dim3A_236 = vector.broadcast %jit3A_235 : f32 to vector<64x4096xf32>
      %select_n3A_237 = arith.select %le3A_234, %mul3A_230, %broadcast_in_dim3A_236 : vector<64x4096xi1>, vector<64x4096xf32>
      %swap3A_238 = arith.constant 0 : index
      %swap3A_239 = arith.constant 0 : index
      %swap3A_240 = vector.load %arg13[%swap3A_238, %swap3A_239] : memref<64x4096xf32, #tpu.memory_space<vmem>>, vector<64x4096xf32>
      tpu.vector_store %arg13[%swap3A_238, %swap3A_239], %select_n3A_237 {strides = array<i32>} : memref<64x4096xf32, #tpu.memory_space<vmem>>, vector<64x4096xf32>,
      %mul3A_241 = arith.constant 64 : i32
      %mul3A_242 = arith.muli %add3A_184, %mul3A_241 : i32
      %add3A_243 = arith.constant 512 : i32
      %add3A_244 = arith.addi %add3A_243, %mul3A_242 : i32
      %dma_start3A_245 = arith.constant 0 : i32
      %dma_start3A_246 = tpu.memref_slice %arg3[%add3A_244, %dma_start3A_245] : memref<8192x4096xf32, #tpu.memory_space<hbm>> -> memref<64x4096xf32, #tpu.memory_space<hbm>>
      tpu.enqueue_dma source(%arg13 : memref<64x4096xf32, #tpu.memory_space<vmem>>) target(%dma_start3A_246 : memref<64x4096xf32, #tpu.memory_space<hbm>>) target_semaphore(%arg40 : memref<!tpu.dma_semaphore, #tpu.memory_space<semaphore_mem>>)
      %add3A_247 = arith.constant 3 : i32
      %add3A_248 = arith.addi %mul3A_69, %add3A_247 : i32
      %add3A_249 = arith.constant 8 : i32
      %add3A_250 = arith.addi %add3A_248, %add3A_249 : i32
      %sub3A_251 = arith.constant 1 : i32
      %sub3A_252 = arith.subi %add3A_250, %sub3A_251 : i32
      %lt3A_253 = arith.constant 120 : i32
      %lt3A_254 = arith.cmpi slt, %sub3A_252, %lt3A_253 : i32
      %convert_element_type3A_255 = arith.extui %lt3A_254 : i1 to i32
      %cond3A_256 = arith.constant 0 : i32
      %cond3A_257 = arith.cmpi ne, %convert_element_type3A_255, %cond3A_256 : i32
      scf.if %cond3A_257 {
        %add3A_567 = arith.constant 8 : i32
        %add3A_568 = arith.addi %add3A_248, %add3A_567 : i32
        %sub3A_569 = arith.constant 1 : i32
        %sub3A_570 = arith.subi %add3A_568, %sub3A_569 : i32
        %mul3A_571 = arith.constant 64 : i32
        %mul3A_572 = arith.muli %sub3A_570, %mul3A_571 : i32
        %add3A_573 = arith.constant 512 : i32
        %add3A_574 = arith.addi %add3A_573, %mul3A_572 : i32
        %dma_start3A_575 = arith.constant 0 : i32
        %dma_start3A_576 = tpu.memref_slice %arg0[%add3A_574, %dma_start3A_575] : memref<8192x4096xf32, #tpu.memory_space<hbm>> -> memref<64x4096xf32, #tpu.memory_space<hbm>>
        tpu.enqueue_dma source(%dma_start3A_576 : memref<64x4096xf32, #tpu.memory_space<hbm>>) target(%arg11 : memref<64x4096xf32, #tpu.memory_space<vmem>>) target_semaphore(%arg32 : memref<!tpu.dma_semaphore, #tpu.memory_space<semaphore_mem>>)
        %dma_start3A_577 = arith.constant 0 : i32
        %dma_start3A_578 = tpu.memref_slice %arg2[%add3A_574, %dma_start3A_577] : memref<8192x4096xf32, #tpu.memory_space<hbm>> -> memref<64x4096xf32, #tpu.memory_space<hbm>>
        tpu.enqueue_dma source(%dma_start3A_578 : memref<64x4096xf32, #tpu.memory_space<hbm>>) target(%arg12 : memref<64x4096xf32, #tpu.memory_space<vmem>>) target_semaphore(%arg32 : memref<!tpu.dma_semaphore, #tpu.memory_space<semaphore_mem>>)
      } else {
      }
      %dma_wait3A_258 = arith.constant 0 : i32
      %dma_wait3A_259 = arith.constant 0 : i32
      %dma_wait3A_260 = tpu.memref_slice %arg0[%dma_wait3A_258, %dma_wait3A_259] : memref<8192x4096xf32, #tpu.memory_space<hbm>> -> memref<64x4096xf32, #tpu.memory_space<hbm>>
      tpu.wait_dma2 semaphore(%arg33 : memref<!tpu.dma_semaphore, #tpu.memory_space<semaphore_mem>>) src(%dma_wait3A_260 : memref<64x4096xf32, #tpu.memory_space<hbm>>) dst(%arg14 : memref<64x4096xf32, #tpu.memory_space<vmem>>)
      %dma_wait3A_261 = arith.constant 0 : i32
      %dma_wait3A_262 = arith.constant 0 : i32
      %dma_wait3A_263 = tpu.memref_slice %arg2[%dma_wait3A_261, %dma_wait3A_262] : memref<8192x4096xf32, #tpu.memory_space<hbm>> -> memref<64x4096xf32, #tpu.memory_space<hbm>>
      tpu.wait_dma2 semaphore(%arg33 : memref<!tpu.dma_semaphore, #tpu.memory_space<semaphore_mem>>) src(%dma_wait3A_263 : memref<64x4096xf32, #tpu.memory_space<hbm>>) dst(%arg15 : memref<64x4096xf32, #tpu.memory_space<vmem>>)
      %gt3A_264 = arith.constant 0 : i32
      %gt3A_265 = arith.cmpi sgt, %scan3A_68, %gt3A_264 : i32
      %convert_element_type3A_266 = arith.extui %gt3A_265 : i1 to i32
      %cond3A_267 = arith.constant 0 : i32
      %cond3A_268 = arith.cmpi ne, %convert_element_type3A_266, %cond3A_267 : i32
      scf.if %cond3A_268 {
        %dma_wait3A_567 = arith.constant 0 : i32
        %dma_wait3A_568 = arith.constant 0 : i32
        %dma_wait3A_569 = tpu.memref_slice %arg3[%dma_wait3A_567, %dma_wait3A_568] : memref<8192x4096xf32, #tpu.memory_space<hbm>> -> memref<64x4096xf32, #tpu.memory_space<hbm>>
        tpu.wait_dma2 semaphore(%arg41 : memref<!tpu.dma_semaphore, #tpu.memory_space<semaphore_mem>>) src(%arg16 : memref<64x4096xf32, #tpu.memory_space<vmem>>) dst(%dma_wait3A_569 : memref<64x4096xf32, #tpu.memory_space<hbm>>)
      } else {
      }
      %mul3A_269 = arith.constant 64 : i32
      %mul3A_270 = arith.muli %add3A_248, %mul3A_269 : i32
      %add3A_271 = arith.constant 512 : i32
      %add3A_272 = arith.addi %add3A_271, %mul3A_270 : i32
      %get3A_273 = arith.index_cast %add3A_272 : i32 to index
      %get3A_274 = arith.constant 0 : index
      %get3A_275 = vector.load %arg4[%get3A_273, %get3A_274] : memref<8192x1xf32, #tpu.memory_space<vmem>>, vector<64x1xf32>
      %get3A_276 = arith.constant 0 : index
      %get3A_277 = arith.constant 0 : index
      %get3A_278 = vector.load %arg14[%get3A_276, %get3A_277] : memref<64x4096xf32, #tpu.memory_space<vmem>>, vector<64x4096xf32>
      %get3A_279 = arith.constant 0 : index
      %get3A_280 = arith.constant 0 : index
      %get3A_281 = vector.load %arg15[%get3A_279, %get3A_280] : memref<64x4096xf32, #tpu.memory_space<vmem>>, vector<64x4096xf32>
      %sub3A_282 = arith.subf %get3A_278, %get3A_281 : vector<64x4096xf32>
      %mul3A_283 = vector.broadcast %get3A_275 : vector<64x1xf32> to vector<64x4096xf32>
      %mul3A_284 = arith.mulf %sub3A_282, %mul3A_283 : vector<64x4096xf32>
      %mul3A_285 = arith.mulf %mul3A_284, %mul3A_284 : vector<64x4096xf32>
      %neg3A_286 = arith.constant 0.000000e+00 : f32
      %neg3A_287 = vector.broadcast %neg3A_286 : f32 to vector<64x4096xf32>
      %neg3A_288 = arith.subf %neg3A_287, %mul3A_285 : vector<64x4096xf32>
      %exp3A_289 = math.exp %neg3A_288 : vector<64x4096xf32>
      %mul3A_290 = arith.constant 0.564189613 : f32
      %mul3A_291 = vector.broadcast %mul3A_290 : f32 to vector<64x1xf32>
      %mul3A_292 = arith.mulf %get3A_275, %mul3A_291 : vector<64x1xf32>
      %mul3A_293 = vector.broadcast %mul3A_292 : vector<64x1xf32> to vector<64x4096xf32>
      %mul3A_294 = arith.mulf %exp3A_289, %mul3A_293 : vector<64x4096xf32>
      %abs3A_295 = math.absf %mul3A_284 : vector<64x4096xf32>
      %le3A_296 = arith.constant 3.000000e+00 : f32
      %le3A_297 = vector.broadcast %le3A_296 : f32 to vector<64x4096xf32>
      %le3A_298 = arith.cmpf ole, %abs3A_295, %le3A_297 : vector<64x4096xf32>
      %jit3A_299 = arith.constant 0.000000e+00 : f32
      %broadcast_in_dim3A_300 = vector.broadcast %jit3A_299 : f32 to vector<64x4096xf32>
      %select_n3A_301 = arith.select %le3A_298, %mul3A_294, %broadcast_in_dim3A_300 : vector<64x4096xi1>, vector<64x4096xf32>
      %swap3A_302 = arith.constant 0 : index
      %swap3A_303 = arith.constant 0 : index
      %swap3A_304 = vector.load %arg16[%swap3A_302, %swap3A_303] : memref<64x4096xf32, #tpu.memory_space<vmem>>, vector<64x4096xf32>
      tpu.vector_store %arg16[%swap3A_302, %swap3A_303], %select_n3A_301 {strides = array<i32>} : memref<64x4096xf32, #tpu.memory_space<vmem>>, vector<64x4096xf32>,
      %mul3A_305 = arith.constant 64 : i32
      %mul3A_306 = arith.muli %add3A_248, %mul3A_305 : i32
      %add3A_307 = arith.constant 512 : i32
      %add3A_308 = arith.addi %add3A_307, %mul3A_306 : i32
      %dma_start3A_309 = arith.constant 0 : i32
      %dma_start3A_310 = tpu.memref_slice %arg3[%add3A_308, %dma_start3A_309] : memref<8192x4096xf32, #tpu.memory_space<hbm>> -> memref<64x4096xf32, #tpu.memory_space<hbm>>
      tpu.enqueue_dma source(%arg16 : memref<64x4096xf32, #tpu.memory_space<vmem>>) target(%dma_start3A_310 : memref<64x4096xf32, #tpu.memory_space<hbm>>) target_semaphore(%arg41 : memref<!tpu.dma_semaphore, #tpu.memory_space<semaphore_mem>>)
      %add3A_311 = arith.constant 4 : i32
      %add3A_312 = arith.addi %mul3A_69, %add3A_311 : i32
      %add3A_313 = arith.constant 8 : i32
      %add3A_314 = arith.addi %add3A_312, %add3A_313 : i32
      %sub3A_315 = arith.constant 1 : i32
      %sub3A_316 = arith.subi %add3A_314, %sub3A_315 : i32
      %lt3A_317 = arith.constant 120 : i32
      %lt3A_318 = arith.cmpi slt, %sub3A_316, %lt3A_317 : i32
      %convert_element_type3A_319 = arith.extui %lt3A_318 : i1 to i32
      %cond3A_320 = arith.constant 0 : i32
      %cond3A_321 = arith.cmpi ne, %convert_element_type3A_319, %cond3A_320 : i32
      scf.if %cond3A_321 {
        %add3A_567 = arith.constant 8 : i32
        %add3A_568 = arith.addi %add3A_312, %add3A_567 : i32
        %sub3A_569 = arith.constant 1 : i32
        %sub3A_570 = arith.subi %add3A_568, %sub3A_569 : i32
        %mul3A_571 = arith.constant 64 : i32
        %mul3A_572 = arith.muli %sub3A_570, %mul3A_571 : i32
        %add3A_573 = arith.constant 512 : i32
        %add3A_574 = arith.addi %add3A_573, %mul3A_572 : i32
        %dma_start3A_575 = arith.constant 0 : i32
        %dma_start3A_576 = tpu.memref_slice %arg0[%add3A_574, %dma_start3A_575] : memref<8192x4096xf32, #tpu.memory_space<hbm>> -> memref<64x4096xf32, #tpu.memory_space<hbm>>
        tpu.enqueue_dma source(%dma_start3A_576 : memref<64x4096xf32, #tpu.memory_space<hbm>>) target(%arg14 : memref<64x4096xf32, #tpu.memory_space<vmem>>) target_semaphore(%arg33 : memref<!tpu.dma_semaphore, #tpu.memory_space<semaphore_mem>>)
        %dma_start3A_577 = arith.constant 0 : i32
        %dma_start3A_578 = tpu.memref_slice %arg2[%add3A_574, %dma_start3A_577] : memref<8192x4096xf32, #tpu.memory_space<hbm>> -> memref<64x4096xf32, #tpu.memory_space<hbm>>
        tpu.enqueue_dma source(%dma_start3A_578 : memref<64x4096xf32, #tpu.memory_space<hbm>>) target(%arg15 : memref<64x4096xf32, #tpu.memory_space<vmem>>) target_semaphore(%arg33 : memref<!tpu.dma_semaphore, #tpu.memory_space<semaphore_mem>>)
      } else {
      }
      %dma_wait3A_322 = arith.constant 0 : i32
      %dma_wait3A_323 = arith.constant 0 : i32
      %dma_wait3A_324 = tpu.memref_slice %arg0[%dma_wait3A_322, %dma_wait3A_323] : memref<8192x4096xf32, #tpu.memory_space<hbm>> -> memref<64x4096xf32, #tpu.memory_space<hbm>>
      tpu.wait_dma2 semaphore(%arg34 : memref<!tpu.dma_semaphore, #tpu.memory_space<semaphore_mem>>) src(%dma_wait3A_324 : memref<64x4096xf32, #tpu.memory_space<hbm>>) dst(%arg17 : memref<64x4096xf32, #tpu.memory_space<vmem>>)
      %dma_wait3A_325 = arith.constant 0 : i32
      %dma_wait3A_326 = arith.constant 0 : i32
      %dma_wait3A_327 = tpu.memref_slice %arg2[%dma_wait3A_325, %dma_wait3A_326] : memref<8192x4096xf32, #tpu.memory_space<hbm>> -> memref<64x4096xf32, #tpu.memory_space<hbm>>
      tpu.wait_dma2 semaphore(%arg34 : memref<!tpu.dma_semaphore, #tpu.memory_space<semaphore_mem>>) src(%dma_wait3A_327 : memref<64x4096xf32, #tpu.memory_space<hbm>>) dst(%arg18 : memref<64x4096xf32, #tpu.memory_space<vmem>>)
      %gt3A_328 = arith.constant 0 : i32
      %gt3A_329 = arith.cmpi sgt, %scan3A_68, %gt3A_328 : i32
      %convert_element_type3A_330 = arith.extui %gt3A_329 : i1 to i32
      %cond3A_331 = arith.constant 0 : i32
      %cond3A_332 = arith.cmpi ne, %convert_element_type3A_330, %cond3A_331 : i32
      scf.if %cond3A_332 {
        %dma_wait3A_567 = arith.constant 0 : i32
        %dma_wait3A_568 = arith.constant 0 : i32
        %dma_wait3A_569 = tpu.memref_slice %arg3[%dma_wait3A_567, %dma_wait3A_568] : memref<8192x4096xf32, #tpu.memory_space<hbm>> -> memref<64x4096xf32, #tpu.memory_space<hbm>>
        tpu.wait_dma2 semaphore(%arg42 : memref<!tpu.dma_semaphore, #tpu.memory_space<semaphore_mem>>) src(%arg19 : memref<64x4096xf32, #tpu.memory_space<vmem>>) dst(%dma_wait3A_569 : memref<64x4096xf32, #tpu.memory_space<hbm>>)
      } else {
      }
      %mul3A_333 = arith.constant 64 : i32
      %mul3A_334 = arith.muli %add3A_312, %mul3A_333 : i32
      %add3A_335 = arith.constant 512 : i32
      %add3A_336 = arith.addi %add3A_335, %mul3A_334 : i32
      %get3A_337 = arith.index_cast %add3A_336 : i32 to index
      %get3A_338 = arith.constant 0 : index
      %get3A_339 = vector.load %arg4[%get3A_337, %get3A_338] : memref<8192x1xf32, #tpu.memory_space<vmem>>, vector<64x1xf32>
      %get3A_340 = arith.constant 0 : index
      %get3A_341 = arith.constant 0 : index
      %get3A_342 = vector.load %arg17[%get3A_340, %get3A_341] : memref<64x4096xf32, #tpu.memory_space<vmem>>, vector<64x4096xf32>
      %get3A_343 = arith.constant 0 : index
      %get3A_344 = arith.constant 0 : index
      %get3A_345 = vector.load %arg18[%get3A_343, %get3A_344] : memref<64x4096xf32, #tpu.memory_space<vmem>>, vector<64x4096xf32>
      %sub3A_346 = arith.subf %get3A_342, %get3A_345 : vector<64x4096xf32>
      %mul3A_347 = vector.broadcast %get3A_339 : vector<64x1xf32> to vector<64x4096xf32>
      %mul3A_348 = arith.mulf %sub3A_346, %mul3A_347 : vector<64x4096xf32>
      %mul3A_349 = arith.mulf %mul3A_348, %mul3A_348 : vector<64x4096xf32>
      %neg3A_350 = arith.constant 0.000000e+00 : f32
      %neg3A_351 = vector.broadcast %neg3A_350 : f32 to vector<64x4096xf32>
      %neg3A_352 = arith.subf %neg3A_351, %mul3A_349 : vector<64x4096xf32>
      %exp3A_353 = math.exp %neg3A_352 : vector<64x4096xf32>
      %mul3A_354 = arith.constant 0.564189613 : f32
      %mul3A_355 = vector.broadcast %mul3A_354 : f32 to vector<64x1xf32>
      %mul3A_356 = arith.mulf %get3A_339, %mul3A_355 : vector<64x1xf32>
      %mul3A_357 = vector.broadcast %mul3A_356 : vector<64x1xf32> to vector<64x4096xf32>
      %mul3A_358 = arith.mulf %exp3A_353, %mul3A_357 : vector<64x4096xf32>
      %abs3A_359 = math.absf %mul3A_348 : vector<64x4096xf32>
      %le3A_360 = arith.constant 3.000000e+00 : f32
      %le3A_361 = vector.broadcast %le3A_360 : f32 to vector<64x4096xf32>
      %le3A_362 = arith.cmpf ole, %abs3A_359, %le3A_361 : vector<64x4096xf32>
      %jit3A_363 = arith.constant 0.000000e+00 : f32
      %broadcast_in_dim3A_364 = vector.broadcast %jit3A_363 : f32 to vector<64x4096xf32>
      %select_n3A_365 = arith.select %le3A_362, %mul3A_358, %broadcast_in_dim3A_364 : vector<64x4096xi1>, vector<64x4096xf32>
      %swap3A_366 = arith.constant 0 : index
      %swap3A_367 = arith.constant 0 : index
      %swap3A_368 = vector.load %arg19[%swap3A_366, %swap3A_367] : memref<64x4096xf32, #tpu.memory_space<vmem>>, vector<64x4096xf32>
      tpu.vector_store %arg19[%swap3A_366, %swap3A_367], %select_n3A_365 {strides = array<i32>} : memref<64x4096xf32, #tpu.memory_space<vmem>>, vector<64x4096xf32>,
      %mul3A_369 = arith.constant 64 : i32
      %mul3A_370 = arith.muli %add3A_312, %mul3A_369 : i32
      %add3A_371 = arith.constant 512 : i32
      %add3A_372 = arith.addi %add3A_371, %mul3A_370 : i32
      %dma_start3A_373 = arith.constant 0 : i32
      %dma_start3A_374 = tpu.memref_slice %arg3[%add3A_372, %dma_start3A_373] : memref<8192x4096xf32, #tpu.memory_space<hbm>> -> memref<64x4096xf32, #tpu.memory_space<hbm>>
      tpu.enqueue_dma source(%arg19 : memref<64x4096xf32, #tpu.memory_space<vmem>>) target(%dma_start3A_374 : memref<64x4096xf32, #tpu.memory_space<hbm>>) target_semaphore(%arg42 : memref<!tpu.dma_semaphore, #tpu.memory_space<semaphore_mem>>)
      %add3A_375 = arith.constant 5 : i32
      %add3A_376 = arith.addi %mul3A_69, %add3A_375 : i32
      %add3A_377 = arith.constant 8 : i32
      %add3A_378 = arith.addi %add3A_376, %add3A_377 : i32
      %sub3A_379 = arith.constant 1 : i32
      %sub3A_380 = arith.subi %add3A_378, %sub3A_379 : i32
      %lt3A_381 = arith.constant 120 : i32
      %lt3A_382 = arith.cmpi slt, %sub3A_380, %lt3A_381 : i32
      %convert_element_type3A_383 = arith.extui %lt3A_382 : i1 to i32
      %cond3A_384 = arith.constant 0 : i32
      %cond3A_385 = arith.cmpi ne, %convert_element_type3A_383, %cond3A_384 : i32
      scf.if %cond3A_385 {
        %add3A_567 = arith.constant 8 : i32
        %add3A_568 = arith.addi %add3A_376, %add3A_567 : i32
        %sub3A_569 = arith.constant 1 : i32
        %sub3A_570 = arith.subi %add3A_568, %sub3A_569 : i32
        %mul3A_571 = arith.constant 64 : i32
        %mul3A_572 = arith.muli %sub3A_570, %mul3A_571 : i32
        %add3A_573 = arith.constant 512 : i32
        %add3A_574 = arith.addi %add3A_573, %mul3A_572 : i32
        %dma_start3A_575 = arith.constant 0 : i32
        %dma_start3A_576 = tpu.memref_slice %arg0[%add3A_574, %dma_start3A_575] : memref<8192x4096xf32, #tpu.memory_space<hbm>> -> memref<64x4096xf32, #tpu.memory_space<hbm>>
        tpu.enqueue_dma source(%dma_start3A_576 : memref<64x4096xf32, #tpu.memory_space<hbm>>) target(%arg17 : memref<64x4096xf32, #tpu.memory_space<vmem>>) target_semaphore(%arg34 : memref<!tpu.dma_semaphore, #tpu.memory_space<semaphore_mem>>)
        %dma_start3A_577 = arith.constant 0 : i32
        %dma_start3A_578 = tpu.memref_slice %arg2[%add3A_574, %dma_start3A_577] : memref<8192x4096xf32, #tpu.memory_space<hbm>> -> memref<64x4096xf32, #tpu.memory_space<hbm>>
        tpu.enqueue_dma source(%dma_start3A_578 : memref<64x4096xf32, #tpu.memory_space<hbm>>) target(%arg18 : memref<64x4096xf32, #tpu.memory_space<vmem>>) target_semaphore(%arg34 : memref<!tpu.dma_semaphore, #tpu.memory_space<semaphore_mem>>)
      } else {
      }
      %dma_wait3A_386 = arith.constant 0 : i32
      %dma_wait3A_387 = arith.constant 0 : i32
      %dma_wait3A_388 = tpu.memref_slice %arg0[%dma_wait3A_386, %dma_wait3A_387] : memref<8192x4096xf32, #tpu.memory_space<hbm>> -> memref<64x4096xf32, #tpu.memory_space<hbm>>
      tpu.wait_dma2 semaphore(%arg35 : memref<!tpu.dma_semaphore, #tpu.memory_space<semaphore_mem>>) src(%dma_wait3A_388 : memref<64x4096xf32, #tpu.memory_space<hbm>>) dst(%arg20 : memref<64x4096xf32, #tpu.memory_space<vmem>>)
      %dma_wait3A_389 = arith.constant 0 : i32
      %dma_wait3A_390 = arith.constant 0 : i32
      %dma_wait3A_391 = tpu.memref_slice %arg2[%dma_wait3A_389, %dma_wait3A_390] : memref<8192x4096xf32, #tpu.memory_space<hbm>> -> memref<64x4096xf32, #tpu.memory_space<hbm>>
      tpu.wait_dma2 semaphore(%arg35 : memref<!tpu.dma_semaphore, #tpu.memory_space<semaphore_mem>>) src(%dma_wait3A_391 : memref<64x4096xf32, #tpu.memory_space<hbm>>) dst(%arg21 : memref<64x4096xf32, #tpu.memory_space<vmem>>)
      %gt3A_392 = arith.constant 0 : i32
      %gt3A_393 = arith.cmpi sgt, %scan3A_68, %gt3A_392 : i32
      %convert_element_type3A_394 = arith.extui %gt3A_393 : i1 to i32
      %cond3A_395 = arith.constant 0 : i32
      %cond3A_396 = arith.cmpi ne, %convert_element_type3A_394, %cond3A_395 : i32
      scf.if %cond3A_396 {
        %dma_wait3A_567 = arith.constant 0 : i32
        %dma_wait3A_568 = arith.constant 0 : i32
        %dma_wait3A_569 = tpu.memref_slice %arg3[%dma_wait3A_567, %dma_wait3A_568] : memref<8192x4096xf32, #tpu.memory_space<hbm>> -> memref<64x4096xf32, #tpu.memory_space<hbm>>
        tpu.wait_dma2 semaphore(%arg43 : memref<!tpu.dma_semaphore, #tpu.memory_space<semaphore_mem>>) src(%arg22 : memref<64x4096xf32, #tpu.memory_space<vmem>>) dst(%dma_wait3A_569 : memref<64x4096xf32, #tpu.memory_space<hbm>>)
      } else {
      }
      %mul3A_397 = arith.constant 64 : i32
      %mul3A_398 = arith.muli %add3A_376, %mul3A_397 : i32
      %add3A_399 = arith.constant 512 : i32
      %add3A_400 = arith.addi %add3A_399, %mul3A_398 : i32
      %get3A_401 = arith.index_cast %add3A_400 : i32 to index
      %get3A_402 = arith.constant 0 : index
      %get3A_403 = vector.load %arg4[%get3A_401, %get3A_402] : memref<8192x1xf32, #tpu.memory_space<vmem>>, vector<64x1xf32>
      %get3A_404 = arith.constant 0 : index
      %get3A_405 = arith.constant 0 : index
      %get3A_406 = vector.load %arg20[%get3A_404, %get3A_405] : memref<64x4096xf32, #tpu.memory_space<vmem>>, vector<64x4096xf32>
      %get3A_407 = arith.constant 0 : index
      %get3A_408 = arith.constant 0 : index
      %get3A_409 = vector.load %arg21[%get3A_407, %get3A_408] : memref<64x4096xf32, #tpu.memory_space<vmem>>, vector<64x4096xf32>
      %sub3A_410 = arith.subf %get3A_406, %get3A_409 : vector<64x4096xf32>
      %mul3A_411 = vector.broadcast %get3A_403 : vector<64x1xf32> to vector<64x4096xf32>
      %mul3A_412 = arith.mulf %sub3A_410, %mul3A_411 : vector<64x4096xf32>
      %mul3A_413 = arith.mulf %mul3A_412, %mul3A_412 : vector<64x4096xf32>
      %neg3A_414 = arith.constant 0.000000e+00 : f32
      %neg3A_415 = vector.broadcast %neg3A_414 : f32 to vector<64x4096xf32>
      %neg3A_416 = arith.subf %neg3A_415, %mul3A_413 : vector<64x4096xf32>
      %exp3A_417 = math.exp %neg3A_416 : vector<64x4096xf32>
      %mul3A_418 = arith.constant 0.564189613 : f32
      %mul3A_419 = vector.broadcast %mul3A_418 : f32 to vector<64x1xf32>
      %mul3A_420 = arith.mulf %get3A_403, %mul3A_419 : vector<64x1xf32>
      %mul3A_421 = vector.broadcast %mul3A_420 : vector<64x1xf32> to vector<64x4096xf32>
      %mul3A_422 = arith.mulf %exp3A_417, %mul3A_421 : vector<64x4096xf32>
      %abs3A_423 = math.absf %mul3A_412 : vector<64x4096xf32>
      %le3A_424 = arith.constant 3.000000e+00 : f32
      %le3A_425 = vector.broadcast %le3A_424 : f32 to vector<64x4096xf32>
      %le3A_426 = arith.cmpf ole, %abs3A_423, %le3A_425 : vector<64x4096xf32>
      %jit3A_427 = arith.constant 0.000000e+00 : f32
      %broadcast_in_dim3A_428 = vector.broadcast %jit3A_427 : f32 to vector<64x4096xf32>
      %select_n3A_429 = arith.select %le3A_426, %mul3A_422, %broadcast_in_dim3A_428 : vector<64x4096xi1>, vector<64x4096xf32>
      %swap3A_430 = arith.constant 0 : index
      %swap3A_431 = arith.constant 0 : index
      %swap3A_432 = vector.load %arg22[%swap3A_430, %swap3A_431] : memref<64x4096xf32, #tpu.memory_space<vmem>>, vector<64x4096xf32>
      tpu.vector_store %arg22[%swap3A_430, %swap3A_431], %select_n3A_429 {strides = array<i32>} : memref<64x4096xf32, #tpu.memory_space<vmem>>, vector<64x4096xf32>,
      %mul3A_433 = arith.constant 64 : i32
      %mul3A_434 = arith.muli %add3A_376, %mul3A_433 : i32
      %add3A_435 = arith.constant 512 : i32
      %add3A_436 = arith.addi %add3A_435, %mul3A_434 : i32
      %dma_start3A_437 = arith.constant 0 : i32
      %dma_start3A_438 = tpu.memref_slice %arg3[%add3A_436, %dma_start3A_437] : memref<8192x4096xf32, #tpu.memory_space<hbm>> -> memref<64x4096xf32, #tpu.memory_space<hbm>>
      tpu.enqueue_dma source(%arg22 : memref<64x4096xf32, #tpu.memory_space<vmem>>) target(%dma_start3A_438 : memref<64x4096xf32, #tpu.memory_space<hbm>>) target_semaphore(%arg43 : memref<!tpu.dma_semaphore, #tpu.memory_space<semaphore_mem>>)
      %add3A_439 = arith.constant 6 : i32
      %add3A_440 = arith.addi %mul3A_69, %add3A_439 : i32
      %add3A_441 = arith.constant 8 : i32
      %add3A_442 = arith.addi %add3A_440, %add3A_441 : i32
      %sub3A_443 = arith.constant 1 : i32
      %sub3A_444 = arith.subi %add3A_442, %sub3A_443 : i32
      %lt3A_445 = arith.constant 120 : i32
      %lt3A_446 = arith.cmpi slt, %sub3A_444, %lt3A_445 : i32
      %convert_element_type3A_447 = arith.extui %lt3A_446 : i1 to i32
      %cond3A_448 = arith.constant 0 : i32
      %cond3A_449 = arith.cmpi ne, %convert_element_type3A_447, %cond3A_448 : i32
      scf.if %cond3A_449 {
        %add3A_567 = arith.constant 8 : i32
        %add3A_568 = arith.addi %add3A_440, %add3A_567 : i32
        %sub3A_569 = arith.constant 1 : i32
        %sub3A_570 = arith.subi %add3A_568, %sub3A_569 : i32
        %mul3A_571 = arith.constant 64 : i32
        %mul3A_572 = arith.muli %sub3A_570, %mul3A_571 : i32
        %add3A_573 = arith.constant 512 : i32
        %add3A_574 = arith.addi %add3A_573, %mul3A_572 : i32
        %dma_start3A_575 = arith.constant 0 : i32
        %dma_start3A_576 = tpu.memref_slice %arg0[%add3A_574, %dma_start3A_575] : memref<8192x4096xf32, #tpu.memory_space<hbm>> -> memref<64x4096xf32, #tpu.memory_space<hbm>>
        tpu.enqueue_dma source(%dma_start3A_576 : memref<64x4096xf32, #tpu.memory_space<hbm>>) target(%arg20 : memref<64x4096xf32, #tpu.memory_space<vmem>>) target_semaphore(%arg35 : memref<!tpu.dma_semaphore, #tpu.memory_space<semaphore_mem>>)
        %dma_start3A_577 = arith.constant 0 : i32
        %dma_start3A_578 = tpu.memref_slice %arg2[%add3A_574, %dma_start3A_577] : memref<8192x4096xf32, #tpu.memory_space<hbm>> -> memref<64x4096xf32, #tpu.memory_space<hbm>>
        tpu.enqueue_dma source(%dma_start3A_578 : memref<64x4096xf32, #tpu.memory_space<hbm>>) target(%arg21 : memref<64x4096xf32, #tpu.memory_space<vmem>>) target_semaphore(%arg35 : memref<!tpu.dma_semaphore, #tpu.memory_space<semaphore_mem>>)
      } else {
      }
      %dma_wait3A_450 = arith.constant 0 : i32
      %dma_wait3A_451 = arith.constant 0 : i32
      %dma_wait3A_452 = tpu.memref_slice %arg0[%dma_wait3A_450, %dma_wait3A_451] : memref<8192x4096xf32, #tpu.memory_space<hbm>> -> memref<64x4096xf32, #tpu.memory_space<hbm>>
      tpu.wait_dma2 semaphore(%arg36 : memref<!tpu.dma_semaphore, #tpu.memory_space<semaphore_mem>>) src(%dma_wait3A_452 : memref<64x4096xf32, #tpu.memory_space<hbm>>) dst(%arg23 : memref<64x4096xf32, #tpu.memory_space<vmem>>)
      %dma_wait3A_453 = arith.constant 0 : i32
      %dma_wait3A_454 = arith.constant 0 : i32
      %dma_wait3A_455 = tpu.memref_slice %arg2[%dma_wait3A_453, %dma_wait3A_454] : memref<8192x4096xf32, #tpu.memory_space<hbm>> -> memref<64x4096xf32, #tpu.memory_space<hbm>>
      tpu.wait_dma2 semaphore(%arg36 : memref<!tpu.dma_semaphore, #tpu.memory_space<semaphore_mem>>) src(%dma_wait3A_455 : memref<64x4096xf32, #tpu.memory_space<hbm>>) dst(%arg24 : memref<64x4096xf32, #tpu.memory_space<vmem>>)
      %gt3A_456 = arith.constant 0 : i32
      %gt3A_457 = arith.cmpi sgt, %scan3A_68, %gt3A_456 : i32
      %convert_element_type3A_458 = arith.extui %gt3A_457 : i1 to i32
      %cond3A_459 = arith.constant 0 : i32
      %cond3A_460 = arith.cmpi ne, %convert_element_type3A_458, %cond3A_459 : i32
      scf.if %cond3A_460 {
        %dma_wait3A_567 = arith.constant 0 : i32
        %dma_wait3A_568 = arith.constant 0 : i32
        %dma_wait3A_569 = tpu.memref_slice %arg3[%dma_wait3A_567, %dma_wait3A_568] : memref<8192x4096xf32, #tpu.memory_space<hbm>> -> memref<64x4096xf32, #tpu.memory_space<hbm>>
        tpu.wait_dma2 semaphore(%arg44 : memref<!tpu.dma_semaphore, #tpu.memory_space<semaphore_mem>>) src(%arg25 : memref<64x4096xf32, #tpu.memory_space<vmem>>) dst(%dma_wait3A_569 : memref<64x4096xf32, #tpu.memory_space<hbm>>)
      } else {
      }
      %mul3A_461 = arith.constant 64 : i32
      %mul3A_462 = arith.muli %add3A_440, %mul3A_461 : i32
      %add3A_463 = arith.constant 512 : i32
      %add3A_464 = arith.addi %add3A_463, %mul3A_462 : i32
      %get3A_465 = arith.index_cast %add3A_464 : i32 to index
      %get3A_466 = arith.constant 0 : index
      %get3A_467 = vector.load %arg4[%get3A_465, %get3A_466] : memref<8192x1xf32, #tpu.memory_space<vmem>>, vector<64x1xf32>
      %get3A_468 = arith.constant 0 : index
      %get3A_469 = arith.constant 0 : index
      %get3A_470 = vector.load %arg23[%get3A_468, %get3A_469] : memref<64x4096xf32, #tpu.memory_space<vmem>>, vector<64x4096xf32>
      %get3A_471 = arith.constant 0 : index
      %get3A_472 = arith.constant 0 : index
      %get3A_473 = vector.load %arg24[%get3A_471, %get3A_472] : memref<64x4096xf32, #tpu.memory_space<vmem>>, vector<64x4096xf32>
      %sub3A_474 = arith.subf %get3A_470, %get3A_473 : vector<64x4096xf32>
      %mul3A_475 = vector.broadcast %get3A_467 : vector<64x1xf32> to vector<64x4096xf32>
      %mul3A_476 = arith.mulf %sub3A_474, %mul3A_475 : vector<64x4096xf32>
      %mul3A_477 = arith.mulf %mul3A_476, %mul3A_476 : vector<64x4096xf32>
      %neg3A_478 = arith.constant 0.000000e+00 : f32
      %neg3A_479 = vector.broadcast %neg3A_478 : f32 to vector<64x4096xf32>
      %neg3A_480 = arith.subf %neg3A_479, %mul3A_477 : vector<64x4096xf32>
      %exp3A_481 = math.exp %neg3A_480 : vector<64x4096xf32>
      %mul3A_482 = arith.constant 0.564189613 : f32
      %mul3A_483 = vector.broadcast %mul3A_482 : f32 to vector<64x1xf32>
      %mul3A_484 = arith.mulf %get3A_467, %mul3A_483 : vector<64x1xf32>
      %mul3A_485 = vector.broadcast %mul3A_484 : vector<64x1xf32> to vector<64x4096xf32>
      %mul3A_486 = arith.mulf %exp3A_481, %mul3A_485 : vector<64x4096xf32>
      %abs3A_487 = math.absf %mul3A_476 : vector<64x4096xf32>
      %le3A_488 = arith.constant 3.000000e+00 : f32
      %le3A_489 = vector.broadcast %le3A_488 : f32 to vector<64x4096xf32>
      %le3A_490 = arith.cmpf ole, %abs3A_487, %le3A_489 : vector<64x4096xf32>
      %jit3A_491 = arith.constant 0.000000e+00 : f32
      %broadcast_in_dim3A_492 = vector.broadcast %jit3A_491 : f32 to vector<64x4096xf32>
      %select_n3A_493 = arith.select %le3A_490, %mul3A_486, %broadcast_in_dim3A_492 : vector<64x4096xi1>, vector<64x4096xf32>
      %swap3A_494 = arith.constant 0 : index
      %swap3A_495 = arith.constant 0 : index
      %swap3A_496 = vector.load %arg25[%swap3A_494, %swap3A_495] : memref<64x4096xf32, #tpu.memory_space<vmem>>, vector<64x4096xf32>
      tpu.vector_store %arg25[%swap3A_494, %swap3A_495], %select_n3A_493 {strides = array<i32>} : memref<64x4096xf32, #tpu.memory_space<vmem>>, vector<64x4096xf32>,
      %mul3A_497 = arith.constant 64 : i32
      %mul3A_498 = arith.muli %add3A_440, %mul3A_497 : i32
      %add3A_499 = arith.constant 512 : i32
      %add3A_500 = arith.addi %add3A_499, %mul3A_498 : i32
      %dma_start3A_501 = arith.constant 0 : i32
      %dma_start3A_502 = tpu.memref_slice %arg3[%add3A_500, %dma_start3A_501] : memref<8192x4096xf32, #tpu.memory_space<hbm>> -> memref<64x4096xf32, #tpu.memory_space<hbm>>
      tpu.enqueue_dma source(%arg25 : memref<64x4096xf32, #tpu.memory_space<vmem>>) target(%dma_start3A_502 : memref<64x4096xf32, #tpu.memory_space<hbm>>) target_semaphore(%arg44 : memref<!tpu.dma_semaphore, #tpu.memory_space<semaphore_mem>>)
      %add3A_503 = arith.constant 7 : i32
      %add3A_504 = arith.addi %mul3A_69, %add3A_503 : i32
      %add3A_505 = arith.constant 8 : i32
      %add3A_506 = arith.addi %add3A_504, %add3A_505 : i32
      %sub3A_507 = arith.constant 1 : i32
      %sub3A_508 = arith.subi %add3A_506, %sub3A_507 : i32
      %lt3A_509 = arith.constant 120 : i32
      %lt3A_510 = arith.cmpi slt, %sub3A_508, %lt3A_509 : i32
      %convert_element_type3A_511 = arith.extui %lt3A_510 : i1 to i32
      %cond3A_512 = arith.constant 0 : i32
      %cond3A_513 = arith.cmpi ne, %convert_element_type3A_511, %cond3A_512 : i32
      scf.if %cond3A_513 {
        %add3A_567 = arith.constant 8 : i32
        %add3A_568 = arith.addi %add3A_504, %add3A_567 : i32
        %sub3A_569 = arith.constant 1 : i32
        %sub3A_570 = arith.subi %add3A_568, %sub3A_569 : i32
        %mul3A_571 = arith.constant 64 : i32
        %mul3A_572 = arith.muli %sub3A_570, %mul3A_571 : i32
        %add3A_573 = arith.constant 512 : i32
        %add3A_574 = arith.addi %add3A_573, %mul3A_572 : i32
        %dma_start3A_575 = arith.constant 0 : i32
        %dma_start3A_576 = tpu.memref_slice %arg0[%add3A_574, %dma_start3A_575] : memref<8192x4096xf32, #tpu.memory_space<hbm>> -> memref<64x4096xf32, #tpu.memory_space<hbm>>
        tpu.enqueue_dma source(%dma_start3A_576 : memref<64x4096xf32, #tpu.memory_space<hbm>>) target(%arg23 : memref<64x4096xf32, #tpu.memory_space<vmem>>) target_semaphore(%arg36 : memref<!tpu.dma_semaphore, #tpu.memory_space<semaphore_mem>>)
        %dma_start3A_577 = arith.constant 0 : i32
        %dma_start3A_578 = tpu.memref_slice %arg2[%add3A_574, %dma_start3A_577] : memref<8192x4096xf32, #tpu.memory_space<hbm>> -> memref<64x4096xf32, #tpu.memory_space<hbm>>
        tpu.enqueue_dma source(%dma_start3A_578 : memref<64x4096xf32, #tpu.memory_space<hbm>>) target(%arg24 : memref<64x4096xf32, #tpu.memory_space<vmem>>) target_semaphore(%arg36 : memref<!tpu.dma_semaphore, #tpu.memory_space<semaphore_mem>>)
      } else {
      }
      %dma_wait3A_514 = arith.constant 0 : i32
      %dma_wait3A_515 = arith.constant 0 : i32
      %dma_wait3A_516 = tpu.memref_slice %arg0[%dma_wait3A_514, %dma_wait3A_515] : memref<8192x4096xf32, #tpu.memory_space<hbm>> -> memref<64x4096xf32, #tpu.memory_space<hbm>>
      tpu.wait_dma2 semaphore(%arg37 : memref<!tpu.dma_semaphore, #tpu.memory_space<semaphore_mem>>) src(%dma_wait3A_516 : memref<64x4096xf32, #tpu.memory_space<hbm>>) dst(%arg26 : memref<64x4096xf32, #tpu.memory_space<vmem>>)
      %dma_wait3A_517 = arith.constant 0 : i32
      %dma_wait3A_518 = arith.constant 0 : i32
      %dma_wait3A_519 = tpu.memref_slice %arg2[%dma_wait3A_517, %dma_wait3A_518] : memref<8192x4096xf32, #tpu.memory_space<hbm>> -> memref<64x4096xf32, #tpu.memory_space<hbm>>
      tpu.wait_dma2 semaphore(%arg37 : memref<!tpu.dma_semaphore, #tpu.memory_space<semaphore_mem>>) src(%dma_wait3A_519 : memref<64x4096xf32, #tpu.memory_space<hbm>>) dst(%arg27 : memref<64x4096xf32, #tpu.memory_space<vmem>>)
      %gt3A_520 = arith.constant 0 : i32
      %gt3A_521 = arith.cmpi sgt, %scan3A_68, %gt3A_520 : i32
      %convert_element_type3A_522 = arith.extui %gt3A_521 : i1 to i32
      %cond3A_523 = arith.constant 0 : i32
      %cond3A_524 = arith.cmpi ne, %convert_element_type3A_522, %cond3A_523 : i32
      scf.if %cond3A_524 {
        %dma_wait3A_567 = arith.constant 0 : i32
        %dma_wait3A_568 = arith.constant 0 : i32
        %dma_wait3A_569 = tpu.memref_slice %arg3[%dma_wait3A_567, %dma_wait3A_568] : memref<8192x4096xf32, #tpu.memory_space<hbm>> -> memref<64x4096xf32, #tpu.memory_space<hbm>>
        tpu.wait_dma2 semaphore(%arg45 : memref<!tpu.dma_semaphore, #tpu.memory_space<semaphore_mem>>) src(%arg28 : memref<64x4096xf32, #tpu.memory_space<vmem>>) dst(%dma_wait3A_569 : memref<64x4096xf32, #tpu.memory_space<hbm>>)
      } else {
      }
      %mul3A_525 = arith.constant 64 : i32
      %mul3A_526 = arith.muli %add3A_504, %mul3A_525 : i32
      %add3A_527 = arith.constant 512 : i32
      %add3A_528 = arith.addi %add3A_527, %mul3A_526 : i32
      %get3A_529 = arith.index_cast %add3A_528 : i32 to index
      %get3A_530 = arith.constant 0 : index
      %get3A_531 = vector.load %arg4[%get3A_529, %get3A_530] : memref<8192x1xf32, #tpu.memory_space<vmem>>, vector<64x1xf32>
      %get3A_532 = arith.constant 0 : index
      %get3A_533 = arith.constant 0 : index
      %get3A_534 = vector.load %arg26[%get3A_532, %get3A_533] : memref<64x4096xf32, #tpu.memory_space<vmem>>, vector<64x4096xf32>
      %get3A_535 = arith.constant 0 : index
      %get3A_536 = arith.constant 0 : index
      %get3A_537 = vector.load %arg27[%get3A_535, %get3A_536] : memref<64x4096xf32, #tpu.memory_space<vmem>>, vector<64x4096xf32>
      %sub3A_538 = arith.subf %get3A_534, %get3A_537 : vector<64x4096xf32>
      %mul3A_539 = vector.broadcast %get3A_531 : vector<64x1xf32> to vector<64x4096xf32>
      %mul3A_540 = arith.mulf %sub3A_538, %mul3A_539 : vector<64x4096xf32>
      %mul3A_541 = arith.mulf %mul3A_540, %mul3A_540 : vector<64x4096xf32>
      %neg3A_542 = arith.constant 0.000000e+00 : f32
      %neg3A_543 = vector.broadcast %neg3A_542 : f32 to vector<64x4096xf32>
      %neg3A_544 = arith.subf %neg3A_543, %mul3A_541 : vector<64x4096xf32>
      %exp3A_545 = math.exp %neg3A_544 : vector<64x4096xf32>
      %mul3A_546 = arith.constant 0.564189613 : f32
      %mul3A_547 = vector.broadcast %mul3A_546 : f32 to vector<64x1xf32>
      %mul3A_548 = arith.mulf %get3A_531, %mul3A_547 : vector<64x1xf32>
      %mul3A_549 = vector.broadcast %mul3A_548 : vector<64x1xf32> to vector<64x4096xf32>
      %mul3A_550 = arith.mulf %exp3A_545, %mul3A_549 : vector<64x4096xf32>
      %abs3A_551 = math.absf %mul3A_540 : vector<64x4096xf32>
      %le3A_552 = arith.constant 3.000000e+00 : f32
      %le3A_553 = vector.broadcast %le3A_552 : f32 to vector<64x4096xf32>
      %le3A_554 = arith.cmpf ole, %abs3A_551, %le3A_553 : vector<64x4096xf32>
      %jit3A_555 = arith.constant 0.000000e+00 : f32
      %broadcast_in_dim3A_556 = vector.broadcast %jit3A_555 : f32 to vector<64x4096xf32>
      %select_n3A_557 = arith.select %le3A_554, %mul3A_550, %broadcast_in_dim3A_556 : vector<64x4096xi1>, vector<64x4096xf32>
      %swap3A_558 = arith.constant 0 : index
      %swap3A_559 = arith.constant 0 : index
      %swap3A_560 = vector.load %arg28[%swap3A_558, %swap3A_559] : memref<64x4096xf32, #tpu.memory_space<vmem>>, vector<64x4096xf32>
      tpu.vector_store %arg28[%swap3A_558, %swap3A_559], %select_n3A_557 {strides = array<i32>} : memref<64x4096xf32, #tpu.memory_space<vmem>>, vector<64x4096xf32>,
      %mul3A_561 = arith.constant 64 : i32
      %mul3A_562 = arith.muli %add3A_504, %mul3A_561 : i32
      %add3A_563 = arith.constant 512 : i32
      %add3A_564 = arith.addi %add3A_563, %mul3A_562 : i32
      %dma_start3A_565 = arith.constant 0 : i32
      %dma_start3A_566 = tpu.memref_slice %arg3[%add3A_564, %dma_start3A_565] : memref<8192x4096xf32, #tpu.memory_space<hbm>> -> memref<64x4096xf32, #tpu.memory_space<hbm>>
      tpu.enqueue_dma source(%arg28 : memref<64x4096xf32, #tpu.memory_space<vmem>>) target(%dma_start3A_566 : memref<64x4096xf32, #tpu.memory_space<hbm>>) target_semaphore(%arg45 : memref<!tpu.dma_semaphore, #tpu.memory_space<semaphore_mem>>)
    }
    %scan3A_44 = arith.constant 15 : i32
    %dma_wait3A = arith.constant 0 : i32
    %dma_wait3A_45 = arith.constant 0 : i32
    %dma_wait3A_46 = tpu.memref_slice %arg3[%dma_wait3A, %dma_wait3A_45] : memref<8192x4096xf32, #tpu.memory_space<hbm>> -> memref<64x4096xf32, #tpu.memory_space<hbm>>
    tpu.wait_dma2 semaphore(%arg38 : memref<!tpu.dma_semaphore, #tpu.memory_space<semaphore_mem>>) src(%arg7 : memref<64x4096xf32, #tpu.memory_space<vmem>>) dst(%dma_wait3A_46 : memref<64x4096xf32, #tpu.memory_space<hbm>>)
    %dma_wait3A_47 = arith.constant 0 : i32
    %dma_wait3A_48 = arith.constant 0 : i32
    %dma_wait3A_49 = tpu.memref_slice %arg3[%dma_wait3A_47, %dma_wait3A_48] : memref<8192x4096xf32, #tpu.memory_space<hbm>> -> memref<64x4096xf32, #tpu.memory_space<hbm>>
    tpu.wait_dma2 semaphore(%arg39 : memref<!tpu.dma_semaphore, #tpu.memory_space<semaphore_mem>>) src(%arg10 : memref<64x4096xf32, #tpu.memory_space<vmem>>) dst(%dma_wait3A_49 : memref<64x4096xf32, #tpu.memory_space<hbm>>)
    %dma_wait3A_50 = arith.constant 0 : i32
    %dma_wait3A_51 = arith.constant 0 : i32
    %dma_wait3A_52 = tpu.memref_slice %arg3[%dma_wait3A_50, %dma_wait3A_51] : memref<8192x4096xf32, #tpu.memory_space<hbm>> -> memref<64x4096xf32, #tpu.memory_space<hbm>>
    tpu.wait_dma2 semaphore(%arg40 : memref<!tpu.dma_semaphore, #tpu.memory_space<semaphore_mem>>) src(%arg13 : memref<64x4096xf32, #tpu.memory_space<vmem>>) dst(%dma_wait3A_52 : memref<64x4096xf32, #tpu.memory_space<hbm>>)
    %dma_wait3A_53 = arith.constant 0 : i32
    %dma_wait3A_54 = arith.constant 0 : i32
    %dma_wait3A_55 = tpu.memref_slice %arg3[%dma_wait3A_53, %dma_wait3A_54] : memref<8192x4096xf32, #tpu.memory_space<hbm>> -> memref<64x4096xf32, #tpu.memory_space<hbm>>
    tpu.wait_dma2 semaphore(%arg41 : memref<!tpu.dma_semaphore, #tpu.memory_space<semaphore_mem>>) src(%arg16 : memref<64x4096xf32, #tpu.memory_space<vmem>>) dst(%dma_wait3A_55 : memref<64x4096xf32, #tpu.memory_space<hbm>>)
    %dma_wait3A_56 = arith.constant 0 : i32
    %dma_wait3A_57 = arith.constant 0 : i32
    %dma_wait3A_58 = tpu.memref_slice %arg3[%dma_wait3A_56, %dma_wait3A_57] : memref<8192x4096xf32, #tpu.memory_space<hbm>> -> memref<64x4096xf32, #tpu.memory_space<hbm>>
    tpu.wait_dma2 semaphore(%arg42 : memref<!tpu.dma_semaphore, #tpu.memory_space<semaphore_mem>>) src(%arg19 : memref<64x4096xf32, #tpu.memory_space<vmem>>) dst(%dma_wait3A_58 : memref<64x4096xf32, #tpu.memory_space<hbm>>)
    %dma_wait3A_59 = arith.constant 0 : i32
    %dma_wait3A_60 = arith.constant 0 : i32
    %dma_wait3A_61 = tpu.memref_slice %arg3[%dma_wait3A_59, %dma_wait3A_60] : memref<8192x4096xf32, #tpu.memory_space<hbm>> -> memref<64x4096xf32, #tpu.memory_space<hbm>>
    tpu.wait_dma2 semaphore(%arg43 : memref<!tpu.dma_semaphore, #tpu.memory_space<semaphore_mem>>) src(%arg22 : memref<64x4096xf32, #tpu.memory_space<vmem>>) dst(%dma_wait3A_61 : memref<64x4096xf32, #tpu.memory_space<hbm>>)
    %dma_wait3A_62 = arith.constant 0 : i32
    %dma_wait3A_63 = arith.constant 0 : i32
    %dma_wait3A_64 = tpu.memref_slice %arg3[%dma_wait3A_62, %dma_wait3A_63] : memref<8192x4096xf32, #tpu.memory_space<hbm>> -> memref<64x4096xf32, #tpu.memory_space<hbm>>
    tpu.wait_dma2 semaphore(%arg44 : memref<!tpu.dma_semaphore, #tpu.memory_space<semaphore_mem>>) src(%arg25 : memref<64x4096xf32, #tpu.memory_space<vmem>>) dst(%dma_wait3A_64 : memref<64x4096xf32, #tpu.memory_space<hbm>>)
    %dma_wait3A_65 = arith.constant 0 : i32
    %dma_wait3A_66 = arith.constant 0 : i32
    %dma_wait3A_67 = tpu.memref_slice %arg3[%dma_wait3A_65, %dma_wait3A_66] : memref<8192x4096xf32, #tpu.memory_space<hbm>> -> memref<64x4096xf32, #tpu.memory_space<hbm>>
    tpu.wait_dma2 semaphore(%arg45 : memref<!tpu.dma_semaphore, #tpu.memory_space<semaphore_mem>>) src(%arg28 : memref<64x4096xf32, #tpu.memory_space<vmem>>) dst(%dma_wait3A_67 : memref<64x4096xf32, #tpu.memory_space<hbm>>)
    return
  }
}

</mosaic_0001>

<sc_bundles>
// kernel: kernel.4.cloned.1.call-start
scs
__scs_entry_jumppad:
0x0: {  	(pc) =	sbr.rel $0x88, $3  }
0x1: {  	(tag) =	ssettag $0x0;
	lr =	simm.s32 $0x1  }
0x2: {  	[smem:$0x3F9E] =	sst lr;
	_ =	strace $0xD0000000  }
0x3: {  	_ = 	snop  }
0x4: {  	_ = 	snop  }
0x5: {  	_ = 	snop  }
0x6: {  	_ = 	snop  }
0x7: {  	_ = 	snop  }
__scs_overlays_trampoline_lowered:
0x8: {  	[smem:$0x3FAD] =	sst s0  }
0x9: {  	[smem:$0x3FAE] =	sst s1  }
0xa: {  	[smem:$0x3FAF] =	sst s2  }
0xb: {  	[smem:$0x3FB0] =	sst s3  }
0xc: {  	[smem:$0x3FB1] =	sst s4  }
0xd: {  	[smem:$0x3FB2] =	sst s5  }
0xe: {  	[smem:$0x3FB3] =	sst s6  }
0xf: {  	[smem:$0x3FB4] =	sst s7  }
0x10: {  	[smem:$0x3FB5] =	sst s8  }
0x11: {  	[smem:$0x3FB6] =	sst s9;
	s0 =	simm.s32 @!p0 $0x0  }
0x12: {  	s1 =	sld [smem:$0x3F9C];
	s0 =	simm.s32 @p0 $0x1  }
0x13: {  	[smem:$0x3FB7] =	sst s0;
	s0 =	simm.s32 @!p1 $0x0  }
0x14: {  	s2 =	sld [smem:$0x3F9B];
	s0 =	simm.s32 @p1 $0x1  }
0x15: {  	[smem:$0x3FB8] =	sst s0;
	s0 =	simm.s32 @!p2 $0x0  }
0x16: {  	s3 =	sld [smem:$0x3FDB];
	s0 =	simm.s32 @p2 $0x1  }
0x17: {  	s4 =	simm.s32 $0x1BF5;
	[smem:$0x3FBA] =	sst s0  }
0x18: {  	s0 =	sld [smem:$0x3F9D];
	_ =	swait.ge [sflag:s4], $0x0  }
0x19: {  	s7 =	sld [smem:$0x3F9E]  }
0x1a: {  	s8 =	sadd.s32 $0xFFFFE003, lr  }
0x1b: {  	s9 =	sadd.s32 $0xFFFFFEF7, lr;
	s5 =	simm.s32 $0xFFFFFFFF;
	p2 =	slt.u32 s8, $0xFFFFF086  }
0x1c: {  	p1 =	slt.u32 s9, $0xF7A;
	s5 =	simm.s32 @!p2 $0x0  }
0x1d: {  	s5 =	simm.s32 @p1 $0x1;
	p0 =	seq.s32 s7, s2  }
0x1e: {  	s7 =	smul.u32 @!p0 $0xF7A, s2;
	p2 =	seq.s32 @!p0 s5, $0x0  }
0x1f: {  	s9 =	smul.u32 $0xF7A, s1;
	s8 =	simm.s32 @!p0 $0x1BF5;
	p2 =	por !p2, p0  }
0x20: {  	[sflag:s8] =	ssyncset.s32 @!p0 $0xFFFFF086;
	s6 =	sadd.s32 @!p0 s3, s7;
	s7 =	simm.s32 @!p0 $0x108  }
0x21: {  	s3 =	sadd.s32 s3, s9;
	s6 =	sadd.s32 @!p0 $0x88, s6;
	s7 =	simm.s32 @p2 $0x1082  }
0x22: {  	[simem:s7], [sflag:s8] =	dma.local @!p0 [hbm:s6], $0xF7A  }
0x23: {  	s9 =	sor.u32 $0xD0000000, s2;
	s6 =	simm.s32 $0x108;
	_ =	swait.ge @!p0 [sflag:s8], $0x0  }
0x24: {  	s3 =	sadd.s32 $0x88, s3;
	s6 =	simm.s32 @!p1 $0x1082;
	[sflag:s4] =	ssyncset.s32 $0xFFFFF086  }
0x25: {  	[simem:s6], [sflag:s4] =	dma.local [hbm:s3], $0xF7A  }
0x26: {  	[smem:$0x3F9E] =	sst s1;
	(tag) =	ssettag s2;
	_ =	strace s9  }
0x27: {  	s1 =	sld [smem:$0x3FAE]  }
0x28: {  	s2 =	sld [smem:$0x3FAF]  }
0x29: {  	s4 =	sld [smem:$0x3FB1]  }
0x2a: {  	p0 =	seq.s32 s5, $0x0;
	s5 =	sld [smem:$0x3FB2]  }
0x2b: {  	s6 =	sld [smem:$0x3FB3]  }
0x2c: {  	s7 =	sld [smem:$0x3FB4]  }
0x2d: {  	s3 =	simm.s32 $0x108;
	s8 =	sld [smem:$0x3FB5]  }
0x2e: {  	s3 =	simm.s32 @!p0 $0x1082;
	s9 =	sld [smem:$0x3FB6]  }
0x2f: {  	lr =	sadd.s32 s0, s3;
	s0 =	sld [smem:$0x3FAD]  }
0x30: {  	s3 =	sld [smem:$0x3FB0]  }
0x31: {  	[smem:$0x3FB9] =	sst s10  }
0x32: {  	s10 =	sld [smem:$0x3FB7];
	_ =	sdelay $0x3  }
0x33: {  	p0 =	seq.s32 s10, $0x1;
	s10 =	sld [smem:$0x3FB9];
	_ =	sdelay $0x3  }
0x34: {  	[smem:$0x3FB9] =	sst s10  }
0x35: {  	s10 =	sld [smem:$0x3FB8];
	_ =	sdelay $0x3  }
0x36: {  	p1 =	seq.s32 s10, $0x1;
	s10 =	sld [smem:$0x3FB9];
	_ =	sdelay $0x3  }
0x37: {  	[smem:$0x3FB9] =	sst s10  }
0x38: {  	s10 =	sld [smem:$0x3FBA]  }
0x39: {  	_ = 	snop;
	(pc) =	sbr.ind lr, $3  }
0x3a: {  	_ = 	snop  }
0x3b: {  	_ = 	snop  }
0x3c: {  	p2 =	seq.s32 s10, $0x1;
	s10 =	sld [smem:$0x3FB9]  }
0x3d: {  	_ =	shalt  }
0x3e: {  	_ =	shalt  }
0x3f: {  	_ =	shalt  }
0x40: {  	_ =	shalt  }
0x41: {  	_ =	shalt  }
0x42: {  	_ =	shalt  }
0x43: {  	_ =	shalt  }
0x44: {  	_ =	shalt  }
0x45: {  	_ =	shalt  }
0x46: {  	_ =	shalt  }
0x47: {  	_ =	shalt  }
0x48: {  	_ =	shalt  }
0x49: {  	_ =	shalt  }
0x4a: {  	_ =	shalt  }
0x4b: {  	_ =	shalt  }
0x4c: {  	_ =	shalt  }
0x4d: {  	_ =	shalt  }
0x4e: {  	_ =	shalt  }
0x4f: {  	_ =	shalt  }
0x50: {  	_ =	shalt  }
0x51: {  	_ =	shalt  }
0x52: {  	_ =	shalt  }
0x53: {  	_ =	shalt  }
0x54: {  	_ =	shalt  }
0x55: {  	_ =	shalt  }
0x56: {  	_ =	shalt  }
0x57: {  	_ =	shalt  }
0x58: {  	_ =	shalt  }
0x59: {  	_ =	shalt  }
0x5a: {  	_ =	shalt  }
0x5b: {  	_ =	shalt  }
0x5c: {  	_ =	shalt  }
0x5d: {  	_ =	shalt  }
0x5e: {  	_ =	shalt  }
0x5f: {  	_ =	shalt  }
0x60: {  	_ =	shalt  }
0x61: {  	_ =	shalt  }
0x62: {  	_ =	shalt  }
0x63: {  	_ =	shalt  }
0x64: {  	_ =	shalt  }
0x65: {  	_ =	shalt  }
0x66: {  	_ =	shalt  }
0x67: {  	_ =	shalt  }
0x68: {  	_ =	shalt  }
0x69: {  	_ =	shalt  }
0x6a: {  	_ =	shalt  }
0x6b: {  	_ =	shalt  }
0x6c: {  	_ =	shalt  }
0x6d: {  	_ =	shalt  }
0x6e: {  	_ =	shalt  }
0x6f: {  	_ =	shalt  }
0x70: {  	_ =	shalt  }
0x71: {  	_ =	shalt  }
0x72: {  	_ =	shalt  }
0x73: {  	_ =	shalt  }
0x74: {  	_ =	shalt  }
0x75: {  	_ =	shalt  }
0x76: {  	_ =	shalt  }
0x77: {  	_ =	shalt  }
0x78: {  	_ =	shalt  }
0x79: {  	_ =	shalt  }
0x7a: {  	_ =	shalt  }
0x7b: {  	_ =	shalt  }
0x7c: {  	_ =	shalt  }
0x7d: {  	_ =	shalt  }
0x7e: {  	_ =	shalt  }
0x7f: {  	_ =	shalt  }
0x80: {  	_ =	shalt  }
0x81: {  	_ =	shalt  }
0x82: {  	_ =	shalt  }
0x83: {  	_ =	shalt  }
0x84: {  	_ =	shalt  }
0x85: {  	_ =	shalt  }
0x86: {  	_ =	shalt  }
0x87: {  	_ =	shalt  }
.Lfunc_end0:
.L_simem_size_0:
called_computation_lowered:
.L_overlay_start_0:
0x88: {  	s2 =	sld [smem:$0x3FD9]  }
0x89: {  	s3 =	sld [smem:$0x3FFE];
	_ =	sdelay $0x1  }
0x8a: {  	s1 =	srdreg.scid  }
0x8b: {  	s0 =	sand.u32 $0x1, s1  }
0x8c: {  	s17 =	sshll.u32 s0, $0xA;
	s2 =	sadd.s32 s3, s2  }
0x8d: {  	s2 =	sadd.s32 s2, s17  }
0x8e: {  	[smem:$0x3FC5] =	sst s2  }
0x8f: {  	_ = 	snop  }
0x90: {  	s2 =	sld [smem:$0x3FC9]  }
0x91: {  	s18 =	sld [smem:$0x3FC7];
	(tm) =	ssettm $0x1  }
0x92: {  	s4 =	sld [smem:$0x3FFB];
	_ =	sdelay $0x3  }
0x93: {  	_ =	strace s4  }
0x94: {  	s4 =	sld [smem:$0x3FFC];
	_ =	sdelay $0x3  }
0x95: {  	_ =	strace s4  }
0x96: {  	s4 =	sld [smem:$0x3FFD];
	_ =	sdelay $0x3  }
0x97: {  	_ =	strace s4  }
0x98: {  	_ =	strace $0x8FFFFFFF  }
0x99: {  	s19 =	sld [smem:$0x3FDB];
	_ =	sdelay $0x1  }
0x9a: {  	s5 =	simm.s32 $_scs_section_size  }
0x9b: {  	s6 =	simm.s32 $_size__tile_overlayer_lowered;
	s7 =	simm.s32 $_tile_overlayer_lowered  }
0x9c: {  	s22 =	simm.s32 $0x1BFF;
	s21 =	sshll.u32 s7, $0x1;
	s4 =	sadd.s32 s5, s19  }
0x9d: {  	s8 =	simm.s32 $0x0;
	s20 =	sshll.u32 s6, $0x1;
	s6 =	sadd.s32 s21, s4  }
0x9e: {  	[timem:s8], [sflag:s22] =	dma.local [hbm:s6], s20  }
0x9f: {  	_ =	swait.ge [sflag:s22], s20  }
0xa0: {  	s5 =	ssub.s32 $0x0, s20;
	[sflag:s22] =	ssyncset.done $0x0  }
0xa1: {  	[sflag:s22] =	ssyncadd.s32 s5;
	_ =	sdelay $0x1  }
0xa2: {  	s23 =	simm.s32 $0x1B8B  }
0xa3: {  	_ =	swait.ge [sflag:s23], $0x1  }
0xa4: {  	[sflag:s23] =	ssyncset.done $0x0  }
0xa5: {  	s25 =	simm.s32 $0x1B8E;
	s24 =	sld [smem:$0x3FFE];
	[sflag:s23] =	ssyncadd.s32 $0xFFFFFFFF  }
0xa6: {  	s26 =	simm.s32 $execute0_lowered;
	[smem:$0x3FD2] =	sst s25  }
0xa7: {  	s6 =	sshll.u32 s26, $0x1;
	_ =	strace $0x80000046;
	[dreg:$0x1] =	wrdreg $0xFFFFFFFF  }
0xa8: {  	s28 =	simm.s32 $_size_execute0_lowered;
	s4 =	sadd.s32 s4, s6;
	[dreg:$0x0] =	wrdreg $0x0  }
0xa9: {  	s6 =	sshll.u32 s28, $0x1;
	[dreg:$0x2] =	wrdreg s4  }
0xaa: {  	[dreg:$0x3] =	wrdreg s6  }
0xab: {  	[dreg:$0x4] =	wrdreg $0xC0  }
0xac: {  	_ =	task [dreg:s8], $0x5FFFF  }
0xad: {  	[dreg:$0x1] =	wrdreg $0xFFFFFFFF  }
0xae: {  	[dreg:$0x0] =	wrdreg $0x60  }
0xaf: {  	[dreg:$0x2] =	wrdreg s2  }
0xb0: {  	[dreg:$0x3] =	wrdreg s24  }
0xb1: {  	[dreg:$0x4] =	wrdreg s18  }
0xb2: {  	[dreg:$0x5] =	wrdreg $0x9  }
0xb3: {  	_ =	task.clear_ibuf [dreg:s8], $0x6FFFF;
	_ =	strace $0x90000046  }
0xb4: {  	s29 =	simm.s32 $0x9;
	_ =	strace $0x80000048  }
0xb5: {  	_ =	swait.ge [sflag:s29], $0x1  }
0xb6: {  	[sflag:s29] =	ssyncadd.s32 $0xFFFFFFFF  }
0xb7: {  	_ =	strace $0x90000048  }
0xb8: {  	_ =	sfence  }
0xb9: {  	s30 =	sld [smem:$0x0];
	_ =	sdelay $0x2  }
0xba: {  	s31 =	sshll.u32 s1, $0xD;
	s1 =	sshrl.u32 s1, $0x2  }
0xbb: {  	s3 =	sand.u32 $0x4000, s31;
	s1 =	sadd.s32 s1, s30  }
0xbc: {  	s0 =	sor.u32 s3, s0;
	s1 =	sshll.u32 s1, $0x11  }
0xbd: {  	s0 =	sor.u32 s1, s0  }
0xbe: {  	s0 =	sadd.s32 $0x8F2B, s0  }
0xbf: {  	[sflag:s0] =	ssyncadd.remote.s32 $0x1  }
0xc0: {  	_ =	sfence.sel $0xFFFF  }
0xc1: {  	[dreg:$0x0] =	wrdreg $0xFFFFFFFF;
	(pc) =	sbr.abs _section_cstart, $3  }
0xc2: {  	[dreg:$0x1] =	wrdreg $0xFFFFFFFF  }
0xc3: {  	_ =	task.clear_ibuf [dreg:s8], $0x2FFFF;
	_ =	strace $0x9FFFFFFF  }
0xc4: {  	(tm) =	ssettm $0x7FFFFFFF  }
0xc5: {  	_ =	shalt  }
tec
execute0_lowered:
.L_overlay_start_1:
0x0: {  	(tag) =	ssettag $0x1  }
0x1: {  	s1 =	rddreg [dreg:$0x0]  }
0x2: {  	s0 =	rddreg [dreg:$0x1]  }
0x3: {  	s2 =	rddreg [dreg:$0x2];
	s4 =	simm.s32 $0x0;
	s3 =	srdreg.scid  }
0x4: {  	s5 =	stileid.u32;
	s14 =	simm.s32 $0x200;
	s15 =	simm.s32 $0x400  }
0x5: {  	s17 =	simm.s32 $0x8000;
	s18 =	simm.s32 $0xC200;
	s19 =	simm.s32 $0x10200  }
0x6: {  	s20 =	simm.s32 $0x14200;
	s21 =	simm.s32 $0x1;
	s22 =	simm.s32 $0x8200  }
0x7: {  	s23 =	simm.s32 $0x14400;
	s24 =	simm.s32 $0x3;
	s25 =	simm.s32 $0x4  }
0x8: {  	s26 =	simm.s32 $0x0;
	[smem:$0x7FF] =	sst s4;
	s3 =	sand.u32 $0x1, s3  }
0x9: {  	s6 =	sshll.u32 s5, $0x5;
	s5 =	sadd.s32 $0x600, s0;
	s11 =	sadd.s32 $0x640, s0  }
0xa: {  	_ =	strace $0x80000047;
	s7 =	ssub.s32 $0x2, s3;
	s3 =	sshll.u32 s3, $0x4  }
0xb: {  	s8 =	sshrl.u32 s7, $0x1;
	s3 =	sor.u32 s3, s6;
	s6 =	sadd.s32 $0x20600, s0  }
0xc: {  	s13 =	ssub.s32 s7, s8;
	s31 =	sshll.u32 s3, $0x9;
	s9 =	sshll.u32 s3, $0x4  }
0xd: {  	s10 =	sshrl.u32 s3, $0x3;
	s12 =	sor.u32 $0x8, s3;
	s7 =	sadd.s32 s1, s31  }
0xe: {  	s8 =	sadd.s32 s2, s31;
	s9 =	sadd.s32 s5, s9;
	s13 =	smax.u32 s13, $0x1  }
.LBB2_1:
0xf: {  	[tilespmem:s4], [sflag:$0x1] =	stream.strided.gather [hbm4b:s7+s14], $0x4000, s15, s14, $0x38;
	[tilespmem:$0x18400] =	vst v63  }
0x10: {  	s0 =	simm.s32 $0x4000  }
0x11: {  	[tilespmem:s0], [sflag:$0x1] =	stream.strided.gather [hbm4b:s8+s14], $0x4000, s15, s14, $0x38;
	[tilespmem:$0x18400] =	vst v63  }
0x12: {  	p2 =	por $0x1, $0x1;
	p1 =	por $0x0, $0x0;
	s30 =	simm.s32 $0x0  }
0x13: {  	[tilespmem:s17], [sflag:$0x1] =	stream.linear.gather [hbm4b:s9+s4], $0x200, $0x38;
	[tilespmem:$0x18400] =	vst v63  }
.LBB2_2:
0x14: {  	s0 =	sor.u32 s10, s30  }
0x15: {  	s29 =	sshll.u32 s0, $0xC  }
0x16: {  	s28 =	sor.u32 $0x40, s29  }
0x17: {  	s3 =	sadd.s32 s1, s28  }
0x18: {  	[tilespmem:s18], [sflag:$0x2] =	stream.strided.gather [hbm4b:s3+s14], $0x4000, s15, s14, $0x38;
	[tilespmem:$0x18400] =	vst v63  }
0x19: {  	s0 =	sshll.u32 s0, $0x7;
	s16 =	sadd.s32 s2, s28  }
0x1a: {  	[tilespmem:s19], [sflag:$0x2] =	stream.strided.gather [hbm4b:s16+s14], $0x4000, s15, s14, $0x38;
	[tilespmem:$0x18400] =	vst v63  }
0x1b: {  	s0 =	sadd.s32 s0, s11  }
0x1c: {  	[tilespmem:s20], [sflag:$0x2] =	stream.linear.gather [hbm4b:s0+s4], $0x200, $0x38;
	[tilespmem:$0x18400] =	vst v63  }
0x1d: {  	_ =	swait.ge [sflag:s21], $0x4000  }
0x1e: {  	[sflag:s21] =	ssyncset.done $0x0  }
0x1f: {  	[sflag:s21] =	ssyncadd.s32 $0xFFFFC000  }
0x20: {  	_ =	swait.ge [sflag:s21], $0x4000  }
0x21: {  	[sflag:s21] =	ssyncset.done $0x0  }
0x22: {  	[sflag:s21] =	ssyncadd.s32 $0xFFFFC000  }
0x23: {  	_ =	swait.ge [sflag:s21], $0x200  }
0x24: {  	[sflag:s21] =	ssyncset.done $0x0  }
0x25: {  	s0 =	simm.s32 @p1 $0x3;
	[sflag:s21] =	ssyncadd.s32 $0xFFFFFE00  }
0x26: {  	_ =	swait.ge @p1 [sflag:s0], $0x4000  }
0x27: {  	[sflag:s0] =	ssyncset.done @p1 $0x0  }
0x28: {  	[sflag:s0] =	ssyncadd.s32 @p1 $0xFFFFC000  }
0x29: {  	s0 =	simm.s32 $0x0;
	v0 =	vld [tilespmem:$0x8000]  }
0x2a: {  	v1 =	vld [tilespmem:s0+$0x70]  }
0x2b: {  	v2 =	vld [tilespmem:s0+$0x4070]  }
0x2c: {  	v3 =	vld [tilespmem:s0+$0x0]  }
0x2d: {  	v4 =	vld [tilespmem:s0+$0x4000]  }
0x2e: {  	v6 =	vld [tilespmem:s0+$0x10]  }
0x2f: {  	v7 =	vld [tilespmem:s0+$0x4010]  }
0x30: {  	v8 =	vld [tilespmem:s0+$0x20];
	v5 =	vmul.f32 v0, v0;
	v1 =	vsub.f32 v1, v2  }
0x31: {  	v10 =	vld [tilespmem:s0+$0x4030]  }
0x32: {  	v2 =	vsub.f32 $0.0e+00, v5;
	v9 =	vmul.f32 v1, v1;
	(erf) = vrcp.f32 v5;
	v1 =	vld [tilespmem:s0+$0x4020]  }
0x33: {  	v3 =	vsub.f32 v3, v4;
	v4 =	vld [tilespmem:s0+$0x30]  }
0x34: {  	v5 =	vmul.f32 v9, v2  }
0x35: {  	v11 =	vld [tilespmem:s0+$0x4040];
	v3 =	vmul.f32 v3, v3  }
0x36: {  	v6 =	vsub.f32 v6, v7;
	v7 =	vld [tilespmem:s0+$0x40];
	v5 =	vmul.f32 $1.442695020e+00, v5  }
0x37: {  	v13 =	vld [tilespmem:s0+$0x4050];
	v0 =	vmul.f32 $5.641896130e-01, v0;
	v12 =	vmul.f32 v3, v2;
	v1 =	vsub.f32 v8, v1  }
0x38: {  	v4 =	vsub.f32 v4, v10;
	v8 =	vld [tilespmem:s0+$0x50];
	(erf) = vpow2.f32 v5;
	v5 =	vmul.f32 v6, v6  }
0x39: {  	v6 =	vmul.f32 $1.442695020e+00, v12;
	v10 =	vmul.f32 v1, v1  }
0x3a: {  	v4 =	vmul.f32 v4, v4;
	v12 =	vmul.f32 v5, v2  }
0x3b: {  	v7 =	vsub.f32 v7, v11;
	(erf) = vpow2.f32 v6;
	v1 =	vpop (erf);
	v14 =	vmul.f32 v10, v2  }
0x3c: {  	v6 =	vld [tilespmem:s0+$0x60];
	v1 =	vmul.f32 $9.000000000e+00, v1;
	v11 =	vmul.f32 $1.442695020e+00, v12  }
0x3d: {  	s31 =	simm.s32 $0x200;
	v7 =	vmul.f32 v7, v7;
	v15 =	vmul.f32 v4, v2;
	v12 =	vld [tilespmem:s0+$0x4060];
	v8 =	vsub.f32 v8, v13  }
0x3e: {  	v17 =	vld [tilespmem:s31+$0x0];
	(erf) = vpow2.f32 v11;
	vm0 =	vle.f32 v3, v1;
	v3 =	vmul.f32 $1.442695020e+00, v14  }
0x3f: {  	v15 =	vmul.f32 $1.442695020e+00, v15;
	v13 =	vmul.f32 v7, v2;
	v11 =	vld [tilespmem:s31+$0x70]  }
0x40: {  	v14 =	vld [tilespmem:s31+$0x4070];
	vm1 =	vle.f32 v5, v1;
	v8 =	vmul.f32 v8, v8;
	(erf) = vpow2.f32 v3  }
0x41: {  	v5 =	vld [tilespmem:s31+$0x4000];
	vm2 =	vle.f32 v9, v1;
	vm3 =	vle.f32 v10, v1;
	vm4 =	vle.f32 v7, v1;
	v16 =	vpop (erf)  }
0x42: {  	v10 =	vmul.f32 v8, v2;
	v6 =	vsub.f32 v6, v12;
	v3 =	vmul.f32 v16, v0  }
0x43: {  	v9 =	vld [tilespmem:s31+$0x10];
	vm5 =	vle.f32 v8, v1;
	v12 =	vmul.f32 $1.442695020e+00, v13;
	(erf) = vpow2.f32 v15  }
0x44: {  	v13 =	vld [tilespmem:s31+$0x4010];
	v10 =	vmul.f32 $1.442695020e+00, v10;
	v6 =	vmul.f32 v6, v6;
	v15 =	vpop (erf);
	v3 =	vnsel vm2, $0x0, v3  }
0x45: {  	(erf) = vpow2.f32 v12;
	v11 =	vsub.f32 v11, v14;
	[tilespmem:s0+$0x8270] =	vst v3;
	v3 =	vmul.f32 v15, v0  }
0x46: {  	v5 =	vsub.f32 v17, v5;
	vm2 =	vle.f32 v4, v1;
	v8 =	vmul.f32 v6, v2;
	v4 =	vld [tilespmem:s31+$0x20]  }
0x47: {  	(erf) = vpow2.f32 v10;
	v7 =	vld [tilespmem:s31+$0x4020];
	v12 =	vpop (erf);
	v3 =	vnsel vm0, $0x0, v3;
	vm0 =	vmmov vm5  }
0x48: {  	vm5 =	vle.f32 v6, v1;
	v6 =	vmul.f32 $1.442695020e+00, v8;
	v12 =	vmul.f32 v12, v0  }
0x49: {  	vm2 =	vmmov vm2;
	v15 =	vld [tilespmem:s31+$0x30];
	v9 =	vsub.f32 v9, v13;
	[tilespmem:s0+$0x8200] =	vst v3;
	v3 =	vmul.f32 v11, v11;
	v10 =	vpop (erf)  }
0x4a: {  	v8 =	vld [tilespmem:s31+$0x4030];
	(erf) = vpow2.f32 v6;
	v11 =	vnsel vm1, $0x0, v12;
	v6 =	vmul.f32 v10, v0  }
0x4b: {  	v9 =	vmul.f32 v9, v9;
	v12 =	vld [tilespmem:s31+$0x40];
	vm1 =	vmmov vm5;
	[tilespmem:s0+$0x8210] =	vst v11;
	v11 =	vmul.f32 v3, v2  }
0x4c: {  	v10 =	vmul.f32 v5, v5;
	v5 =	vpop (erf);
	v7 =	vsub.f32 v4, v7;
	v13 =	vld [tilespmem:s31+$0x4040];
	v6 =	vnsel vm3, $0x0, v6  }
0x4d: {  	vm5 =	vmmov vm4;
	v5 =	vmul.f32 v5, v0;
	v14 =	vld [tilespmem:s31+$0x50];
	v11 =	vmul.f32 $1.442695020e+00, v11;
	[tilespmem:s0+$0x8220] =	vst v6  }
0x4e: {  	vm7 =	vle.f32 v10, v1;
	v6 =	vmul.f32 v10, v2;
	v7 =	vmul.f32 v7, v7;
	v10 =	vld [tilespmem:s31+$0x4050]  }
0x4f: {  	v8 =	vsub.f32 v15, v8;
	v15 =	vld [tilespmem:s31+$0x60];
	(erf) = vpow2.f32 v11;
	v11 =	vmul.f32 v9, v2  }
0x50: {  	vm6 =	vle.f32 v9, v1;
	v6 =	vmul.f32 $1.442695020e+00, v6;
	v9 =	vld [tilespmem:s31+$0x4060];
	v63 =	vmul.f32 v7, v2  }
0x51: {  	v8 =	vmul.f32 v8, v8;
	v12 =	vsub.f32 v12, v13;
	v11 =	vmul.f32 $1.442695020e+00, v11  }
0x52: {  	vm4 =	vle.f32 v7, v1;
	(erf) = vpow2.f32 v6;
	v13 =	vmul.f32 $1.442695020e+00, v63  }
0x53: {  	v4 =	vpop (erf);
	v6 =	vmul.f32 v8, v2;
	v7 =	vmul.f32 v12, v12;
	v12 =	vsub.f32 v14, v10  }
0x54: {  	v4 =	vmul.f32 v4, v0;
	vm8 =	vle.f32 v8, v1;
	(erf) = vpow2.f32 v11  }
0x55: {  	v15 =	vsub.f32 v15, v9;
	v8 =	vpop (erf);
	(erf) = vpow2.f32 v13;
	v14 =	vmul.f32 v12, v12  }
0x56: {  	s3 =	simm.s32 $0x400;
	v10 =	vmul.f32 v7, v2;
	v12 =	vmul.f32 $1.442695020e+00, v6;
	vm3 =	vle.f32 v7, v1  }
0x57: {  	p0 =	por p2, p2;
	s30 =	sshll.u32 s30, $0x3;
	s16 =	simm.s32 $0x1800;
	v9 =	vld [tilespmem:s3+$0x70];
	v6 =	vpop (erf);
	v7 =	vmul.f32 v15, v15;
	v11 =	vmul.f32 v14, v2;
	vm9 =	vle.f32 v14, v1  }
.LBB2_3:
0x58: {  	v10 =	vmul.f32 $1.442695020e+00, v10;
	(erf) = vpow2.f32 v12;
	v5 =	vnsel vm2, $0x0, v5  }
0x59: {  	p2 =	sne.s32 s16, $0xF800;
	v13 =	vld [tilespmem:s3+$0x4070];
	v12 =	vpop (erf);
	vm2 =	vmmov vm8;
	vm10 =	vmmov vm0;
	vm0 =	vmmov vm9  }
0x5a: {  	v14 =	vld [tilespmem:s3+$0x0];
	v15 =	vmul.f32 v7, v2;
	vm8 =	vle.f32 v7, v1;
	v7 =	vmul.f32 v12, v0;
	[tilespmem:s0+$0x8230] =	vst v5  }
0x5b: {  	vm9 =	vle.f32 v3, v1;
	v16 =	vmul.f32 $1.442695020e+00, v11;
	v5 =	vld [tilespmem:s3+$0x4000];
	(erf) = vpow2.f32 v10  }
0x5c: {  	v8 =	vmul.f32 v8, v0;
	v10 =	vld [tilespmem:s3+$0x10];
	v3 =	vmul.f32 $1.442695020e+00, v15;
	v7 =	vnsel vm9, $0x0, v7;
	v12 =	vpop (erf)  }
0x5d: {  	v4 =	vnsel vm5, $0x0, v4;
	v15 =	vld [tilespmem:s3+$0x4010];
	v12 =	vmul.f32 v12, v0;
	[tilespmem:s31+$0x8270] =	vst v7;
	(erf) = vpow2.f32 v16  }
0x5e: {  	v7 =	vld [tilespmem:s3+$0x20];
	v16 =	vsub.f32 v9, v13;
	v11 =	vpop (erf);
	(erf) = vpow2.f32 v3;
	[tilespmem:s0+$0x8240] =	vst v4;
	v4 =	vmul.f32 v6, v0  }
0x5f: {  	v8 =	vnsel vm10, $0x0, v8;
	v6 =	vld [tilespmem:s3+$0x4020];
	v12 =	vnsel vm7, $0x0, v12;
	v11 =	vmul.f32 v11, v0  }
0x60: {  	v17 =	vsub.f32 v14, v5;
	v13 =	vld [tilespmem:s3+$0x30];
	v3 =	vmul.f32 v16, v16;
	[tilespmem:s31+$0x8200] =	vst v12;
	v9 =	vpop (erf);
	v4 =	vnsel vm1, $0x0, v4  }
0x61: {  	vm1 =	vmmov vm8;
	v12 =	vld [tilespmem:s3+$0x4030];
	v11 =	vnsel vm6, $0x0, v11;
	v9 =	vmul.f32 v9, v0;
	[tilespmem:s0+$0x8250] =	vst v8  }
0x62: {  	v8 =	vmul.f32 v17, v17;
	v10 =	vsub.f32 v10, v15;
	v14 =	vld [tilespmem:s3+$0x40];
	v15 =	vmul.f32 v3, v2;
	[tilespmem:s31+$0x8210] =	vst v11;
	v5 =	vpop (erf)  }
0x63: {  	vm5 =	vmmov vm3;
	v11 =	vld [tilespmem:s3+$0x4040];
	v9 =	vnsel vm4, $0x0, v9;
	v5 =	vmul.f32 v5, v0;
	[tilespmem:s0+$0x8260] =	vst v4;
	s0 =	smov.u32 s31;
	s31 =	smov.u32 s3  }
0x64: {  	v10 =	vmul.f32 v10, v10;
	v19 =	vsub.f32 v7, v6;
	v7 =	vld [tilespmem:s31+$0x50];
	v15 =	vmul.f32 $1.442695020e+00, v15;
	[tilespmem:s0+$0x8220] =	vst v9;
	v4 =	vpop (erf)  }
0x65: {  	v9 =	vmul.f32 v8, v2;
	vm7 =	vle.f32 v8, v1;
	v16 =	vld [tilespmem:s31+$0x4050];
	v4 =	vmul.f32 v4, v0  }
0x66: {  	v17 =	vmul.f32 v19, v19;
	v12 =	vsub.f32 v13, v12;
	v13 =	vld [tilespmem:s31+$0x60];
	(erf) = vpow2.f32 v15;
	v8 =	vpop (erf)  }
0x67: {  	v9 =	vmul.f32 $1.442695020e+00, v9;
	v15 =	vmul.f32 v10, v2;
	vm6 =	vle.f32 v10, v1;
	v18 =	vld [tilespmem:s31+$0x4060];
	v6 =	vpop (erf)  }
0x68: {  	v10 =	vmul.f32 v17, v2;
	v12 =	vmul.f32 v12, v12;
	v11 =	vsub.f32 v14, v11  }
0x69: {  	v14 =	vmul.f32 $1.442695020e+00, v15;
	vm4 =	vle.f32 v17, v1;
	(erf) = vpow2.f32 v9  }
.Ltmp0:
0x6a: {  	v9 =	vmul.f32 v12, v2;
	v11 =	vmul.f32 v11, v11;
	v7 =	vsub.f32 v7, v16;
	(pc) =	sbr.rel @p2 .LBB2_3-.Ltmp0, $4  }
0x6b: {  	v15 =	vmul.f32 $1.442695020e+00, v10;
	vm8 =	vle.f32 v12, v1;
	(erf) = vpow2.f32 v14  }
0x6c: {  	v10 =	vmul.f32 v11, v2;
	v7 =	vmul.f32 v7, v7;
	v13 =	vsub.f32 v13, v18  }
0x6d: {  	s3 =	sshra.s32 s16, $0x2;
	v12 =	vmul.f32 $1.442695020e+00, v9;
	vm3 =	vle.f32 v11, v1;
	(erf) = vpow2.f32 v15  }
0x6e: {  	s16 =	sadd.s32 $0x800, s16;
	v9 =	vld [tilespmem:s3+$0x70];
	v11 =	vmul.f32 v7, v2;
	vm9 =	vle.f32 v7, v1;
	v7 =	vmul.f32 v13, v13  }
0x6f: {  	v13 =	vld [tilespmem:s3+$0x4070];
	v5 =	vnsel vm2, $0x0, v5;
	v15 =	vpop (erf)  }
0x70: {  	v14 =	vld [tilespmem:s3+$0x0];
	[tilespmem:s0+$0x8230] =	vst v5;
	v5 =	vmul.f32 v15, v0  }
0x71: {  	vm2 =	vle.f32 v3, v1  }
0x72: {  	v5 =	vnsel vm2, $0x0, v5  }
0x73: {  	v15 =	vld [tilespmem:s3+$0x4000]  }
0x74: {  	v3 =	vld [tilespmem:s3+$0x10]  }
0x75: {  	v16 =	vld [tilespmem:s3+$0x4010];
	[tilespmem:s31+$0x8270] =	vst v5;
	v5 =	vpop (erf)  }
0x76: {  	v4 =	vnsel vm5, $0x0, v4;
	v5 =	vmul.f32 v5, v0  }
0x77: {  	v8 =	vmul.f32 v8, v0;
	v17 =	vld [tilespmem:s3+$0x20];
	[tilespmem:s0+$0x8240] =	vst v4  }
0x78: {  	(erf) = vpow2.f32 v12;
	vm0 =	vmmov vm0;
	v4 =	vld [tilespmem:s3+$0x4020];
	v18 =	vpop (erf);
	v5 =	vnsel vm7, $0x0, v5  }
0x79: {  	v8 =	vnsel vm0, $0x0, v8;
	v12 =	vld [tilespmem:s3+$0x30];
	[tilespmem:s31+$0x8200] =	vst v5;
	v5 =	vmul.f32 v18, v0  }
0x7a: {  	v10 =	vmul.f32 $1.442695020e+00, v10;
	v6 =	vmul.f32 v6, v0;
	v56 =	vld [tilespmem:s3+$0x4030];
	[tilespmem:s0+$0x8250] =	vst v8;
	v8 =	vsub.f32 v9, v13  }
0x7b: {  	v11 =	vmul.f32 $1.442695020e+00, v11;
	v13 =	vmul.f32 v7, v2;
	v5 =	vnsel vm6, $0x0, v5  }
0x7c: {  	v19 =	vpop (erf);
	(erf) = vpow2.f32 v10;
	v9 =	vld [tilespmem:s3+$0x40];
	[tilespmem:s31+$0x8210] =	vst v5;
	v5 =	vmul.f32 v8, v8  }
0x7d: {  	v8 =	vmul.f32 v19, v0;
	v10 =	vmul.f32 $1.442695020e+00, v13;
	v13 =	vsub.f32 v14, v15  }
0x7e: {  	v6 =	vnsel vm1, $0x0, v6;
	v3 =	vsub.f32 v3, v16  }
0x7f: {  	(erf) = vpow2.f32 v11;
	v57 =	vld [tilespmem:s3+$0x4040];
	[tilespmem:s0+$0x8260] =	vst v6;
	v6 =	vmul.f32 v5, v2;
	v8 =	vnsel vm4, $0x0, v8  }
0x80: {  	v11 =	vld [tilespmem:s3+$0x50];
	(erf) = vpow2.f32 v10;
	v10 =	vmul.f32 v13, v13;
	[tilespmem:s31+$0x8220] =	vst v8  }
0x81: {  	v3 =	vmul.f32 v3, v3;
	v13 =	vpop (erf);
	v6 =	vmul.f32 $1.442695020e+00, v6;
	v15 =	vld [tilespmem:s3+$0x60]  }
0x82: {  	v4 =	vsub.f32 v17, v4;
	v14 =	vmul.f32 v10, v2;
	v8 =	vmul.f32 v13, v0;
	v13 =	vld [tilespmem:s3+$0x4050]  }
0x83: {  	v58 =	vmul.f32 v3, v2;
	v12 =	vsub.f32 v12, v56;
	(erf) = vpow2.f32 v6;
	v6 =	vld [tilespmem:s3+$0x4060]  }
0x84: {  	v4 =	vmul.f32 v4, v4;
	v14 =	vmul.f32 $1.442695020e+00, v14  }
0x85: {  	v16 =	vmul.f32 $1.442695020e+00, v58;
	v12 =	vmul.f32 v12, v12;
	v9 =	vsub.f32 v9, v57  }
0x86: {  	v59 =	vmul.f32 v4, v2;
	(erf) = vpow2.f32 v14  }
0x87: {  	v14 =	vmul.f32 v12, v2;
	v9 =	vmul.f32 v9, v9  }
0x88: {  	(erf) = vpow2.f32 v16;
	v11 =	vsub.f32 v11, v13;
	v6 =	vsub.f32 v15, v6  }
0x89: {  	v13 =	vmul.f32 $1.442695020e+00, v59;
	v14 =	vmul.f32 $1.442695020e+00, v14  }
0x8a: {  	v11 =	vmul.f32 v11, v11;
	v6 =	vmul.f32 v6, v6  }
0x8b: {  	v15 =	vmul.f32 v9, v2;
	(erf) = vpow2.f32 v13  }
0x8c: {  	v13 =	vmul.f32 v11, v2;
	v2 =	vmul.f32 v6, v2;
	_ =	sdelay $0x1  }
0x8d: {  	vm0 =	vle.f32 v7, v1;
	v7 =	vpop (erf);
	v15 =	vmul.f32 $1.442695020e+00, v15;
	v2 =	vmul.f32 $1.442695020e+00, v2  }
0x8e: {  	v60 =	vpop (erf);
	(erf) = vpow2.f32 v14;
	v13 =	vmul.f32 $1.442695020e+00, v13  }
0x8f: {  	v14 =	vpop (erf);
	(erf) = vpow2.f32 v15  }
0x90: {  	vm4 =	vle.f32 v10, v1;
	v10 =	vpop (erf);
	(erf) = vpow2.f32 v13  }
0x91: {  	vm2 =	vmmov vm8;
	vm5 =	vle.f32 v3, v1;
	(erf) = vpow2.f32 v2;
	v2 =	vpop (erf)  }
0x92: {  	vm6 =	vle.f32 v4, v1;
	v3 =	vmul.f32 v10, v0;
	v2 =	vmul.f32 v2, v0  }
0x93: {  	v7 =	vmul.f32 v7, v0;
	v4 =	vnsel vm2, $0x0, v8;
	vm2 =	vle.f32 v5, v1  }
0x94: {  	vm3 =	vmmov vm3;
	[tilespmem:s31+$0x8230] =	vst v4;
	v3 =	vnsel vm2, $0x0, v3;
	v2 =	vnsel vm4, $0x0, v2  }
0x95: {  	vm1 =	vmmov vm9;
	v5 =	vmul.f32 v60, v0;
	[tilespmem:s3+$0x8270] =	vst v3;
	v3 =	vnsel vm3, $0x0, v7  }
0x96: {  	vm1 =	vmmov vm1;
	[tilespmem:s31+$0x8240] =	vst v3;
	v4 =	vpop (erf)  }
0x97: {  	v5 =	vnsel vm1, $0x0, v5;
	v3 =	vmul.f32 v4, v0;
	v4 =	vmul.f32 v14, v0;
	[tilespmem:s3+$0x8200] =	vst v2;
	v2 =	vpop (erf)  }
0x98: {  	vm0 =	vmmov vm0;
	vm7 =	vle.f32 v12, v1;
	v2 =	vmul.f32 v2, v0  }
0x99: {  	vm2 =	vle.f32 v9, v1;
	vm3 =	vle.f32 v11, v1;
	v4 =	vnsel vm0, $0x0, v4  }
0x9a: {  	v3 =	vnsel vm5, $0x0, v3;
	vm0 =	vle.f32 v6, v1;
	[tilespmem:s31+$0x8250] =	vst v5;
	v5 =	vpop (erf);
	v1 =	vnsel vm6, $0x0, v2  }
0x9b: {  	[tilespmem:s3+$0x8210] =	vst v3;
	v3 =	vmul.f32 v5, v0;
	v5 =	vpop (erf)  }
0x9c: {  	vm1 =	vmmov vm7;
	vm2 =	vmmov vm2;
	[tilespmem:s31+$0x8260] =	vst v4;
	v2 =	vmul.f32 v5, v0;
	v4 =	vpop (erf)  }
0x9d: {  	vm3 =	vmmov vm3;
	[tilespmem:s3+$0x8220] =	vst v1;
	v3 =	vnsel vm1, $0x0, v3;
	v4 =	vmul.f32 v4, v0;
	v1 =	vpop (erf)  }
0x9e: {  	vm1 =	vmmov vm3;
	[tilespmem:s3+$0x8230] =	vst v3;
	v2 =	vnsel vm2, $0x0, v2;
	v0 =	vmul.f32 v1, v0  }
0x9f: {  	vm0 =	vmmov vm0;
	[tilespmem:s3+$0x8240] =	vst v2;
	v1 =	vnsel vm1, $0x0, v4  }
0xa0: {  	[tilespmem:s3+$0x8250] =	vst v1;
	v0 =	vnsel vm0, $0x0, v0  }
0xa1: {  	[tilespmem:s3+$0x8260] =	vst v0  }
0xa2: {  	s0 =	simm.s32 $0x0;
	v0 =	vld [tilespmem:$0x8080]  }
0xa3: {  	v1 =	vld [tilespmem:s0+$0xF0]  }
0xa4: {  	v2 =	vld [tilespmem:s0+$0x40F0]  }
0xa5: {  	v3 =	vld [tilespmem:s0+$0x80]  }
0xa6: {  	v4 =	vld [tilespmem:s0+$0x4080]  }
0xa7: {  	v6 =	vld [tilespmem:s0+$0x90]  }
0xa8: {  	v7 =	vld [tilespmem:s0+$0x4090]  }
0xa9: {  	v8 =	vld [tilespmem:s0+$0xA0];
	v5 =	vmul.f32 v0, v0;
	v1 =	vsub.f32 v1, v2  }
0xaa: {  	v10 =	vld [tilespmem:s0+$0x40B0]  }
0xab: {  	v2 =	vsub.f32 $0.0e+00, v5;
	v9 =	vmul.f32 v1, v1;
	(erf) = vrcp.f32 v5;
	v1 =	vld [tilespmem:s0+$0x40A0]  }
0xac: {  	v3 =	vsub.f32 v3, v4;
	v4 =	vld [tilespmem:s0+$0xB0]  }
0xad: {  	v5 =	vmul.f32 v9, v2  }
0xae: {  	v11 =	vld [tilespmem:s0+$0x40C0];
	v3 =	vmul.f32 v3, v3  }
0xaf: {  	v6 =	vsub.f32 v6, v7;
	v7 =	vld [tilespmem:s0+$0xC0];
	v5 =	vmul.f32 $1.442695020e+00, v5  }
0xb0: {  	v13 =	vld [tilespmem:s0+$0x40D0];
	v0 =	vmul.f32 $5.641896130e-01, v0;
	v12 =	vmul.f32 v3, v2;
	v1 =	vsub.f32 v8, v1  }
0xb1: {  	v4 =	vsub.f32 v4, v10;
	v8 =	vld [tilespmem:s0+$0xD0];
	(erf) = vpow2.f32 v5;
	v5 =	vmul.f32 v6, v6  }
0xb2: {  	v6 =	vmul.f32 $1.442695020e+00, v12;
	v10 =	vmul.f32 v1, v1  }
0xb3: {  	v4 =	vmul.f32 v4, v4;
	v12 =	vmul.f32 v5, v2  }
0xb4: {  	v7 =	vsub.f32 v7, v11;
	(erf) = vpow2.f32 v6;
	v1 =	vpop (erf);
	v14 =	vmul.f32 v10, v2  }
0xb5: {  	v6 =	vld [tilespmem:s0+$0xE0];
	v1 =	vmul.f32 $9.000000000e+00, v1;
	v11 =	vmul.f32 $1.442695020e+00, v12  }
0xb6: {  	s31 =	simm.s32 $0x200;
	v7 =	vmul.f32 v7, v7;
	v15 =	vmul.f32 v4, v2;
	v12 =	vld [tilespmem:s0+$0x40E0];
	v8 =	vsub.f32 v8, v13  }
0xb7: {  	v62 =	vld [tilespmem:s31+$0x80];
	(erf) = vpow2.f32 v11;
	vm0 =	vle.f32 v3, v1;
	v3 =	vmul.f32 $1.442695020e+00, v14  }
0xb8: {  	v15 =	vmul.f32 $1.442695020e+00, v15;
	v13 =	vmul.f32 v7, v2;
	v11 =	vld [tilespmem:s31+$0xF0]  }
0xb9: {  	v14 =	vld [tilespmem:s31+$0x40F0];
	vm1 =	vle.f32 v5, v1;
	v8 =	vmul.f32 v8, v8;
	(erf) = vpow2.f32 v3  }
0xba: {  	v5 =	vld [tilespmem:s31+$0x4080];
	vm2 =	vle.f32 v9, v1;
	vm3 =	vle.f32 v10, v1;
	vm4 =	vle.f32 v7, v1;
	v61 =	vpop (erf)  }
0xbb: {  	v10 =	vmul.f32 v8, v2;
	v6 =	vsub.f32 v6, v12;
	v3 =	vmul.f32 v61, v0  }
0xbc: {  	v9 =	vld [tilespmem:s31+$0x90];
	vm5 =	vle.f32 v8, v1;
	v12 =	vmul.f32 $1.442695020e+00, v13;
	(erf) = vpow2.f32 v15  }
0xbd: {  	v13 =	vld [tilespmem:s31+$0x4090];
	v10 =	vmul.f32 $1.442695020e+00, v10;
	v6 =	vmul.f32 v6, v6;
	v15 =	vpop (erf);
	v3 =	vnsel vm2, $0x0, v3  }
0xbe: {  	(erf) = vpow2.f32 v12;
	v11 =	vsub.f32 v11, v14;
	[tilespmem:s0+$0x82F0] =	vst v3;
	v3 =	vmul.f32 v15, v0  }
0xbf: {  	v5 =	vsub.f32 v62, v5;
	vm2 =	vle.f32 v4, v1;
	v8 =	vmul.f32 v6, v2;
	v4 =	vld [tilespmem:s31+$0xA0]  }
0xc0: {  	(erf) = vpow2.f32 v10;
	v7 =	vld [tilespmem:s31+$0x40A0];
	v12 =	vpop (erf);
	v3 =	vnsel vm0, $0x0, v3;
	vm0 =	vmmov vm5  }
0xc1: {  	vm5 =	vle.f32 v6, v1;
	v6 =	vmul.f32 $1.442695020e+00, v8;
	v12 =	vmul.f32 v12, v0  }
0xc2: {  	vm2 =	vmmov vm2;
	v15 =	vld [tilespmem:s31+$0xB0];
	v9 =	vsub.f32 v9, v13;
	[tilespmem:s0+$0x8280] =	vst v3;
	v3 =	vmul.f32 v11, v11;
	v10 =	vpop (erf)  }
0xc3: {  	v8 =	vld [tilespmem:s31+$0x40B0];
	(erf) = vpow2.f32 v6;
	v11 =	vnsel vm1, $0x0, v12;
	v6 =	vmul.f32 v10, v0  }
0xc4: {  	v9 =	vmul.f32 v9, v9;
	v12 =	vld [tilespmem:s31+$0xC0];
	vm1 =	vmmov vm5;
	[tilespmem:s0+$0x8290] =	vst v11;
	v11 =	vmul.f32 v3, v2  }
0xc5: {  	v10 =	vmul.f32 v5, v5;
	v5 =	vpop (erf);
	v7 =	vsub.f32 v4, v7;
	v13 =	vld [tilespmem:s31+$0x40C0];
	v6 =	vnsel vm3, $0x0, v6  }
0xc6: {  	vm5 =	vmmov vm4;
	v5 =	vmul.f32 v5, v0;
	v14 =	vld [tilespmem:s31+$0xD0];
	v11 =	vmul.f32 $1.442695020e+00, v11;
	[tilespmem:s0+$0x82A0] =	vst v6  }
0xc7: {  	vm7 =	vle.f32 v10, v1;
	v6 =	vmul.f32 v10, v2;
	v7 =	vmul.f32 v7, v7;
	v10 =	vld [tilespmem:s31+$0x40D0]  }
0xc8: {  	v8 =	vsub.f32 v15, v8;
	v15 =	vld [tilespmem:s31+$0xE0];
	(erf) = vpow2.f32 v11;
	v11 =	vmul.f32 v9, v2  }
0xc9: {  	vm6 =	vle.f32 v9, v1;
	v6 =	vmul.f32 $1.442695020e+00, v6;
	v9 =	vld [tilespmem:s31+$0x40E0];
	v63 =	vmul.f32 v7, v2  }
0xca: {  	v8 =	vmul.f32 v8, v8;
	v12 =	vsub.f32 v12, v13;
	v11 =	vmul.f32 $1.442695020e+00, v11  }
0xcb: {  	vm4 =	vle.f32 v7, v1;
	(erf) = vpow2.f32 v6;
	v13 =	vmul.f32 $1.442695020e+00, v63  }
0xcc: {  	v4 =	vpop (erf);
	v6 =	vmul.f32 v8, v2;
	v7 =	vmul.f32 v12, v12;
	v12 =	vsub.f32 v14, v10  }
0xcd: {  	v4 =	vmul.f32 v4, v0;
	vm8 =	vle.f32 v8, v1;
	(erf) = vpow2.f32 v11  }
0xce: {  	v15 =	vsub.f32 v15, v9;
	v8 =	vpop (erf);
	(erf) = vpow2.f32 v13;
	v14 =	vmul.f32 v12, v12  }
0xcf: {  	s3 =	simm.s32 $0x400;
	v10 =	vmul.f32 v7, v2;
	v12 =	vmul.f32 $1.442695020e+00, v6;
	vm3 =	vle.f32 v7, v1  }
0xd0: {  	s16 =	simm.s32 $0x1800;
	v9 =	vld [tilespmem:s3+$0xF0];
	v6 =	vpop (erf);
	v7 =	vmul.f32 v15, v15;
	v11 =	vmul.f32 v14, v2;
	vm9 =	vle.f32 v14, v1  }
.LBB2_5:
0xd1: {  	v10 =	vmul.f32 $1.442695020e+00, v10;
	(erf) = vpow2.f32 v12;
	v5 =	vnsel vm2, $0x0, v5  }
0xd2: {  	p2 =	sne.s32 s16, $0xF800;
	v13 =	vld [tilespmem:s3+$0x40F0];
	v12 =	vpop (erf);
	vm2 =	vmmov vm8;
	vm10 =	vmmov vm0;
	vm0 =	vmmov vm9  }
0xd3: {  	v14 =	vld [tilespmem:s3+$0x80];
	v15 =	vmul.f32 v7, v2;
	vm8 =	vle.f32 v7, v1;
	v7 =	vmul.f32 v12, v0;
	[tilespmem:s0+$0x82B0] =	vst v5  }
0xd4: {  	vm9 =	vle.f32 v3, v1;
	v16 =	vmul.f32 $1.442695020e+00, v11;
	v5 =	vld [tilespmem:s3+$0x4080];
	(erf) = vpow2.f32 v10  }
0xd5: {  	v8 =	vmul.f32 v8, v0;
	v10 =	vld [tilespmem:s3+$0x90];
	v3 =	vmul.f32 $1.442695020e+00, v15;
	v7 =	vnsel vm9, $0x0, v7;
	v12 =	vpop (erf)  }
0xd6: {  	v4 =	vnsel vm5, $0x0, v4;
	v15 =	vld [tilespmem:s3+$0x4090];
	v12 =	vmul.f32 v12, v0;
	[tilespmem:s31+$0x82F0] =	vst v7;
	(erf) = vpow2.f32 v16  }
0xd7: {  	v7 =	vld [tilespmem:s3+$0xA0];
	v16 =	vsub.f32 v9, v13;
	v11 =	vpop (erf);
	(erf) = vpow2.f32 v3;
	[tilespmem:s0+$0x82C0] =	vst v4;
	v4 =	vmul.f32 v6, v0  }
0xd8: {  	v8 =	vnsel vm10, $0x0, v8;
	v6 =	vld [tilespmem:s3+$0x40A0];
	v12 =	vnsel vm7, $0x0, v12;
	v11 =	vmul.f32 v11, v0  }
0xd9: {  	v17 =	vsub.f32 v14, v5;
	v13 =	vld [tilespmem:s3+$0xB0];
	v3 =	vmul.f32 v16, v16;
	[tilespmem:s31+$0x8280] =	vst v12;
	v9 =	vpop (erf);
	v4 =	vnsel vm1, $0x0, v4  }
0xda: {  	vm1 =	vmmov vm8;
	v12 =	vld [tilespmem:s3+$0x40B0];
	v11 =	vnsel vm6, $0x0, v11;
	v9 =	vmul.f32 v9, v0;
	[tilespmem:s0+$0x82D0] =	vst v8  }
0xdb: {  	v8 =	vmul.f32 v17, v17;
	v10 =	vsub.f32 v10, v15;
	v14 =	vld [tilespmem:s3+$0xC0];
	v15 =	vmul.f32 v3, v2;
	[tilespmem:s31+$0x8290] =	vst v11;
	v5 =	vpop (erf)  }
0xdc: {  	vm5 =	vmmov vm3;
	v11 =	vld [tilespmem:s3+$0x40C0];
	v9 =	vnsel vm4, $0x0, v9;
	v5 =	vmul.f32 v5, v0;
	[tilespmem:s0+$0x82E0] =	vst v4;
	s0 =	smov.u32 s31;
	s31 =	smov.u32 s3  }
0xdd: {  	v10 =	vmul.f32 v10, v10;
	v19 =	vsub.f32 v7, v6;
	v7 =	vld [tilespmem:s31+$0xD0];
	v15 =	vmul.f32 $1.442695020e+00, v15;
	[tilespmem:s0+$0x82A0] =	vst v9;
	v4 =	vpop (erf)  }
0xde: {  	v9 =	vmul.f32 v8, v2;
	vm7 =	vle.f32 v8, v1;
	v16 =	vld [tilespmem:s31+$0x40D0];
	v4 =	vmul.f32 v4, v0  }
0xdf: {  	v17 =	vmul.f32 v19, v19;
	v12 =	vsub.f32 v13, v12;
	v13 =	vld [tilespmem:s31+$0xE0];
	(erf) = vpow2.f32 v15;
	v8 =	vpop (erf)  }
0xe0: {  	v9 =	vmul.f32 $1.442695020e+00, v9;
	v15 =	vmul.f32 v10, v2;
	vm6 =	vle.f32 v10, v1;
	v18 =	vld [tilespmem:s31+$0x40E0];
	v6 =	vpop (erf)  }
0xe1: {  	v10 =	vmul.f32 v17, v2;
	v12 =	vmul.f32 v12, v12;
	v11 =	vsub.f32 v14, v11  }
0xe2: {  	v14 =	vmul.f32 $1.442695020e+00, v15;
	vm4 =	vle.f32 v17, v1;
	(erf) = vpow2.f32 v9  }
.Ltmp1:
0xe3: {  	v9 =	vmul.f32 v12, v2;
	v11 =	vmul.f32 v11, v11;
	v7 =	vsub.f32 v7, v16;
	(pc) =	sbr.rel @p2 .LBB2_5-.Ltmp1, $4  }
0xe4: {  	v15 =	vmul.f32 $1.442695020e+00, v10;
	vm8 =	vle.f32 v12, v1;
	(erf) = vpow2.f32 v14  }
0xe5: {  	v10 =	vmul.f32 v11, v2;
	v7 =	vmul.f32 v7, v7;
	v13 =	vsub.f32 v13, v18  }
0xe6: {  	s3 =	sshra.s32 s16, $0x2;
	v12 =	vmul.f32 $1.442695020e+00, v9;
	vm3 =	vle.f32 v11, v1;
	(erf) = vpow2.f32 v15  }
0xe7: {  	s16 =	sadd.s32 $0x800, s16;
	v9 =	vld [tilespmem:s3+$0xF0];
	v11 =	vmul.f32 v7, v2;
	vm9 =	vle.f32 v7, v1;
	v7 =	vmul.f32 v13, v13  }
0xe8: {  	v13 =	vld [tilespmem:s3+$0x40F0];
	v5 =	vnsel vm2, $0x0, v5;
	v15 =	vpop (erf)  }
0xe9: {  	v14 =	vld [tilespmem:s3+$0x80];
	[tilespmem:s0+$0x82B0] =	vst v5;
	v5 =	vmul.f32 v15, v0  }
0xea: {  	vm2 =	vle.f32 v3, v1  }
0xeb: {  	v5 =	vnsel vm2, $0x0, v5  }
0xec: {  	v15 =	vld [tilespmem:s3+$0x4080]  }
0xed: {  	v3 =	vld [tilespmem:s3+$0x90]  }
0xee: {  	v16 =	vld [tilespmem:s3+$0x4090];
	[tilespmem:s31+$0x82F0] =	vst v5;
	v5 =	vpop (erf)  }
0xef: {  	v4 =	vnsel vm5, $0x0, v4;
	v5 =	vmul.f32 v5, v0  }
0xf0: {  	v8 =	vmul.f32 v8, v0;
	v17 =	vld [tilespmem:s3+$0xA0];
	[tilespmem:s0+$0x82C0] =	vst v4  }
0xf1: {  	(erf) = vpow2.f32 v12;
	vm0 =	vmmov vm0;
	v4 =	vld [tilespmem:s3+$0x40A0];
	v18 =	vpop (erf);
	v5 =	vnsel vm7, $0x0, v5  }
0xf2: {  	v8 =	vnsel vm0, $0x0, v8;
	v12 =	vld [tilespmem:s3+$0xB0];
	[tilespmem:s31+$0x8280] =	vst v5;
	v5 =	vmul.f32 v18, v0  }
0xf3: {  	v10 =	vmul.f32 $1.442695020e+00, v10;
	v6 =	vmul.f32 v6, v0;
	v56 =	vld [tilespmem:s3+$0x40B0];
	[tilespmem:s0+$0x82D0] =	vst v8;
	v8 =	vsub.f32 v9, v13  }
0xf4: {  	v11 =	vmul.f32 $1.442695020e+00, v11;
	v13 =	vmul.f32 v7, v2;
	v5 =	vnsel vm6, $0x0, v5  }
0xf5: {  	v19 =	vpop (erf);
	(erf) = vpow2.f32 v10;
	v9 =	vld [tilespmem:s3+$0xC0];
	[tilespmem:s31+$0x8290] =	vst v5;
	v5 =	vmul.f32 v8, v8  }
0xf6: {  	v8 =	vmul.f32 v19, v0;
	v10 =	vmul.f32 $1.442695020e+00, v13;
	v13 =	vsub.f32 v14, v15  }
0xf7: {  	v6 =	vnsel vm1, $0x0, v6;
	v3 =	vsub.f32 v3, v16  }
0xf8: {  	(erf) = vpow2.f32 v11;
	v57 =	vld [tilespmem:s3+$0x40C0];
	[tilespmem:s0+$0x82E0] =	vst v6;
	v6 =	vmul.f32 v5, v2;
	v8 =	vnsel vm4, $0x0, v8  }
0xf9: {  	v11 =	vld [tilespmem:s3+$0xD0];
	(erf) = vpow2.f32 v10;
	v10 =	vmul.f32 v13, v13;
	[tilespmem:s31+$0x82A0] =	vst v8  }
0xfa: {  	v3 =	vmul.f32 v3, v3;
	v13 =	vpop (erf);
	v6 =	vmul.f32 $1.442695020e+00, v6;
	v15 =	vld [tilespmem:s3+$0xE0]  }
0xfb: {  	v4 =	vsub.f32 v17, v4;
	v14 =	vmul.f32 v10, v2;
	v8 =	vmul.f32 v13, v0;
	v13 =	vld [tilespmem:s3+$0x40D0]  }
0xfc: {  	v58 =	vmul.f32 v3, v2;
	v12 =	vsub.f32 v12, v56;
	(erf) = vpow2.f32 v6;
	v6 =	vld [tilespmem:s3+$0x40E0]  }
0xfd: {  	v4 =	vmul.f32 v4, v4;
	v14 =	vmul.f32 $1.442695020e+00, v14  }
0xfe: {  	v16 =	vmul.f32 $1.442695020e+00, v58;
	v12 =	vmul.f32 v12, v12;
	v9 =	vsub.f32 v9, v57  }
0xff: {  	v59 =	vmul.f32 v4, v2;
	(erf) = vpow2.f32 v14  }
0x100: {  	v14 =	vmul.f32 v12, v2;
	v9 =	vmul.f32 v9, v9  }
0x101: {  	(erf) = vpow2.f32 v16;
	v11 =	vsub.f32 v11, v13;
	v6 =	vsub.f32 v15, v6  }
0x102: {  	v13 =	vmul.f32 $1.442695020e+00, v59;
	v14 =	vmul.f32 $1.442695020e+00, v14  }
0x103: {  	v11 =	vmul.f32 v11, v11;
	v6 =	vmul.f32 v6, v6  }
0x104: {  	v15 =	vmul.f32 v9, v2;
	(erf) = vpow2.f32 v13  }
0x105: {  	v13 =	vmul.f32 v11, v2;
	v2 =	vmul.f32 v6, v2;
	_ =	sdelay $0x1  }
0x106: {  	vm0 =	vle.f32 v7, v1;
	v7 =	vpop (erf);
	v15 =	vmul.f32 $1.442695020e+00, v15;
	v2 =	vmul.f32 $1.442695020e+00, v2  }
0x107: {  	v60 =	vpop (erf);
	(erf) = vpow2.f32 v14;
	v13 =	vmul.f32 $1.442695020e+00, v13  }
0x108: {  	v14 =	vpop (erf);
	(erf) = vpow2.f32 v15  }
0x109: {  	vm4 =	vle.f32 v10, v1;
	v10 =	vpop (erf);
	(erf) = vpow2.f32 v13  }
0x10a: {  	vm2 =	vmmov vm8;
	vm5 =	vle.f32 v3, v1;
	(erf) = vpow2.f32 v2;
	v2 =	vpop (erf)  }
0x10b: {  	vm6 =	vle.f32 v4, v1;
	v3 =	vmul.f32 v10, v0;
	v2 =	vmul.f32 v2, v0  }
0x10c: {  	v7 =	vmul.f32 v7, v0;
	v4 =	vnsel vm2, $0x0, v8;
	vm2 =	vle.f32 v5, v1  }
0x10d: {  	vm3 =	vmmov vm3;
	[tilespmem:s31+$0x82B0] =	vst v4;
	v3 =	vnsel vm2, $0x0, v3;
	v2 =	vnsel vm4, $0x0, v2  }
0x10e: {  	vm1 =	vmmov vm9;
	v5 =	vmul.f32 v60, v0;
	[tilespmem:s3+$0x82F0] =	vst v3;
	v3 =	vnsel vm3, $0x0, v7  }
0x10f: {  	vm1 =	vmmov vm1;
	[tilespmem:s31+$0x82C0] =	vst v3;
	v4 =	vpop (erf)  }
0x110: {  	v5 =	vnsel vm1, $0x0, v5;
	v3 =	vmul.f32 v4, v0;
	v4 =	vmul.f32 v14, v0;
	[tilespmem:s3+$0x8280] =	vst v2;
	v2 =	vpop (erf)  }
0x111: {  	vm0 =	vmmov vm0;
	vm7 =	vle.f32 v12, v1;
	v2 =	vmul.f32 v2, v0  }
0x112: {  	vm2 =	vle.f32 v9, v1;
	vm3 =	vle.f32 v11, v1;
	v4 =	vnsel vm0, $0x0, v4  }
0x113: {  	v3 =	vnsel vm5, $0x0, v3;
	vm0 =	vle.f32 v6, v1;
	[tilespmem:s31+$0x82D0] =	vst v5;
	v5 =	vpop (erf);
	v1 =	vnsel vm6, $0x0, v2  }
0x114: {  	[tilespmem:s3+$0x8290] =	vst v3;
	v3 =	vmul.f32 v5, v0;
	v5 =	vpop (erf)  }
0x115: {  	vm1 =	vmmov vm7;
	vm2 =	vmmov vm2;
	[tilespmem:s31+$0x82E0] =	vst v4;
	v2 =	vmul.f32 v5, v0;
	v4 =	vpop (erf)  }
0x116: {  	vm3 =	vmmov vm3;
	[tilespmem:s3+$0x82A0] =	vst v1;
	v3 =	vnsel vm1, $0x0, v3;
	v4 =	vmul.f32 v4, v0;
	v1 =	vpop (erf)  }
0x117: {  	vm1 =	vmmov vm3;
	[tilespmem:s3+$0x82B0] =	vst v3;
	v2 =	vnsel vm2, $0x0, v2;
	v0 =	vmul.f32 v1, v0  }
0x118: {  	vm0 =	vmmov vm0;
	[tilespmem:s3+$0x82C0] =	vst v2;
	v1 =	vnsel vm1, $0x0, v4  }
0x119: {  	[tilespmem:s3+$0x82D0] =	vst v1;
	v0 =	vnsel vm0, $0x0, v0  }
0x11a: {  	[tilespmem:s3+$0x82E0] =	vst v0  }
0x11b: {  	s0 =	simm.s32 $0x0;
	v0 =	vld [tilespmem:$0x8100]  }
0x11c: {  	v1 =	vld [tilespmem:s0+$0x170]  }
0x11d: {  	v2 =	vld [tilespmem:s0+$0x4170]  }
0x11e: {  	v3 =	vld [tilespmem:s0+$0x100]  }
0x11f: {  	v4 =	vld [tilespmem:s0+$0x4100]  }
0x120: {  	v6 =	vld [tilespmem:s0+$0x110]  }
0x121: {  	v7 =	vld [tilespmem:s0+$0x4110]  }
0x122: {  	v8 =	vld [tilespmem:s0+$0x120];
	v5 =	vmul.f32 v0, v0;
	v1 =	vsub.f32 v1, v2  }
0x123: {  	v10 =	vld [tilespmem:s0+$0x4130]  }
0x124: {  	v2 =	vsub.f32 $0.0e+00, v5;
	v9 =	vmul.f32 v1, v1;
	(erf) = vrcp.f32 v5;
	v1 =	vld [tilespmem:s0+$0x4120]  }
0x125: {  	v3 =	vsub.f32 v3, v4;
	v4 =	vld [tilespmem:s0+$0x130]  }
0x126: {  	v5 =	vmul.f32 v9, v2  }
0x127: {  	v11 =	vld [tilespmem:s0+$0x4140];
	v3 =	vmul.f32 v3, v3  }
0x128: {  	v6 =	vsub.f32 v6, v7;
	v7 =	vld [tilespmem:s0+$0x140];
	v5 =	vmul.f32 $1.442695020e+00, v5  }
0x129: {  	v13 =	vld [tilespmem:s0+$0x4150];
	v0 =	vmul.f32 $5.641896130e-01, v0;
	v12 =	vmul.f32 v3, v2;
	v1 =	vsub.f32 v8, v1  }
0x12a: {  	v4 =	vsub.f32 v4, v10;
	v8 =	vld [tilespmem:s0+$0x150];
	(erf) = vpow2.f32 v5;
	v5 =	vmul.f32 v6, v6  }
0x12b: {  	v6 =	vmul.f32 $1.442695020e+00, v12;
	v10 =	vmul.f32 v1, v1  }
0x12c: {  	v4 =	vmul.f32 v4, v4;
	v12 =	vmul.f32 v5, v2  }
0x12d: {  	v7 =	vsub.f32 v7, v11;
	(erf) = vpow2.f32 v6;
	v1 =	vpop (erf);
	v14 =	vmul.f32 v10, v2  }
0x12e: {  	v6 =	vld [tilespmem:s0+$0x160];
	v1 =	vmul.f32 $9.000000000e+00, v1;
	v11 =	vmul.f32 $1.442695020e+00, v12  }
0x12f: {  	s31 =	simm.s32 $0x200;
	v7 =	vmul.f32 v7, v7;
	v15 =	vmul.f32 v4, v2;
	v12 =	vld [tilespmem:s0+$0x4160];
	v8 =	vsub.f32 v8, v13  }
0x130: {  	v62 =	vld [tilespmem:s31+$0x100];
	(erf) = vpow2.f32 v11;
	vm0 =	vle.f32 v3, v1;
	v3 =	vmul.f32 $1.442695020e+00, v14  }
0x131: {  	v15 =	vmul.f32 $1.442695020e+00, v15;
	v13 =	vmul.f32 v7, v2;
	v11 =	vld [tilespmem:s31+$0x170]  }
0x132: {  	v14 =	vld [tilespmem:s31+$0x4170];
	vm1 =	vle.f32 v5, v1;
	v8 =	vmul.f32 v8, v8;
	(erf) = vpow2.f32 v3  }
0x133: {  	v5 =	vld [tilespmem:s31+$0x4100];
	vm2 =	vle.f32 v9, v1;
	vm3 =	vle.f32 v10, v1;
	vm4 =	vle.f32 v7, v1;
	v61 =	vpop (erf)  }
0x134: {  	v10 =	vmul.f32 v8, v2;
	v6 =	vsub.f32 v6, v12;
	v3 =	vmul.f32 v61, v0  }
0x135: {  	v9 =	vld [tilespmem:s31+$0x110];
	vm5 =	vle.f32 v8, v1;
	v12 =	vmul.f32 $1.442695020e+00, v13;
	(erf) = vpow2.f32 v15  }
0x136: {  	v13 =	vld [tilespmem:s31+$0x4110];
	v10 =	vmul.f32 $1.442695020e+00, v10;
	v6 =	vmul.f32 v6, v6;
	v15 =	vpop (erf);
	v3 =	vnsel vm2, $0x0, v3  }
0x137: {  	(erf) = vpow2.f32 v12;
	v11 =	vsub.f32 v11, v14;
	[tilespmem:s0+$0x8370] =	vst v3;
	v3 =	vmul.f32 v15, v0  }
0x138: {  	v5 =	vsub.f32 v62, v5;
	vm2 =	vle.f32 v4, v1;
	v8 =	vmul.f32 v6, v2;
	v4 =	vld [tilespmem:s31+$0x120]  }
0x139: {  	(erf) = vpow2.f32 v10;
	v7 =	vld [tilespmem:s31+$0x4120];
	v12 =	vpop (erf);
	v3 =	vnsel vm0, $0x0, v3;
	vm0 =	vmmov vm5  }
0x13a: {  	vm5 =	vle.f32 v6, v1;
	v6 =	vmul.f32 $1.442695020e+00, v8;
	v12 =	vmul.f32 v12, v0  }
0x13b: {  	vm2 =	vmmov vm2;
	v15 =	vld [tilespmem:s31+$0x130];
	v9 =	vsub.f32 v9, v13;
	[tilespmem:s0+$0x8300] =	vst v3;
	v3 =	vmul.f32 v11, v11;
	v10 =	vpop (erf)  }
0x13c: {  	v8 =	vld [tilespmem:s31+$0x4130];
	(erf) = vpow2.f32 v6;
	v11 =	vnsel vm1, $0x0, v12;
	v6 =	vmul.f32 v10, v0  }
0x13d: {  	v9 =	vmul.f32 v9, v9;
	v12 =	vld [tilespmem:s31+$0x140];
	vm1 =	vmmov vm5;
	[tilespmem:s0+$0x8310] =	vst v11;
	v11 =	vmul.f32 v3, v2  }
0x13e: {  	v10 =	vmul.f32 v5, v5;
	v5 =	vpop (erf);
	v7 =	vsub.f32 v4, v7;
	v13 =	vld [tilespmem:s31+$0x4140];
	v6 =	vnsel vm3, $0x0, v6  }
0x13f: {  	vm5 =	vmmov vm4;
	v5 =	vmul.f32 v5, v0;
	v14 =	vld [tilespmem:s31+$0x150];
	v11 =	vmul.f32 $1.442695020e+00, v11;
	[tilespmem:s0+$0x8320] =	vst v6  }
0x140: {  	vm7 =	vle.f32 v10, v1;
	v6 =	vmul.f32 v10, v2;
	v7 =	vmul.f32 v7, v7;
	v10 =	vld [tilespmem:s31+$0x4150]  }
0x141: {  	v8 =	vsub.f32 v15, v8;
	v15 =	vld [tilespmem:s31+$0x160];
	(erf) = vpow2.f32 v11;
	v11 =	vmul.f32 v9, v2  }
0x142: {  	vm6 =	vle.f32 v9, v1;
	v6 =	vmul.f32 $1.442695020e+00, v6;
	v9 =	vld [tilespmem:s31+$0x4160];
	v63 =	vmul.f32 v7, v2  }
0x143: {  	v8 =	vmul.f32 v8, v8;
	v12 =	vsub.f32 v12, v13;
	v11 =	vmul.f32 $1.442695020e+00, v11  }
0x144: {  	vm4 =	vle.f32 v7, v1;
	(erf) = vpow2.f32 v6;
	v13 =	vmul.f32 $1.442695020e+00, v63  }
0x145: {  	v4 =	vpop (erf);
	v6 =	vmul.f32 v8, v2;
	v7 =	vmul.f32 v12, v12;
	v12 =	vsub.f32 v14, v10  }
0x146: {  	v4 =	vmul.f32 v4, v0;
	vm8 =	vle.f32 v8, v1;
	(erf) = vpow2.f32 v11  }
0x147: {  	v15 =	vsub.f32 v15, v9;
	v8 =	vpop (erf);
	(erf) = vpow2.f32 v13;
	v14 =	vmul.f32 v12, v12  }
0x148: {  	s3 =	simm.s32 $0x400;
	v10 =	vmul.f32 v7, v2;
	v12 =	vmul.f32 $1.442695020e+00, v6;
	vm3 =	vle.f32 v7, v1  }
0x149: {  	s16 =	simm.s32 $0x1800;
	v9 =	vld [tilespmem:s3+$0x170];
	v6 =	vpop (erf);
	v7 =	vmul.f32 v15, v15;
	v11 =	vmul.f32 v14, v2;
	vm9 =	vle.f32 v14, v1  }
.LBB2_7:
0x14a: {  	v10 =	vmul.f32 $1.442695020e+00, v10;
	(erf) = vpow2.f32 v12;
	v5 =	vnsel vm2, $0x0, v5  }
0x14b: {  	p2 =	sne.s32 s16, $0xF800;
	v13 =	vld [tilespmem:s3+$0x4170];
	v12 =	vpop (erf);
	vm2 =	vmmov vm8;
	vm10 =	vmmov vm0;
	vm0 =	vmmov vm9  }
0x14c: {  	v14 =	vld [tilespmem:s3+$0x100];
	v15 =	vmul.f32 v7, v2;
	vm8 =	vle.f32 v7, v1;
	v7 =	vmul.f32 v12, v0;
	[tilespmem:s0+$0x8330] =	vst v5  }
0x14d: {  	vm9 =	vle.f32 v3, v1;
	v16 =	vmul.f32 $1.442695020e+00, v11;
	v5 =	vld [tilespmem:s3+$0x4100];
	(erf) = vpow2.f32 v10  }
0x14e: {  	v8 =	vmul.f32 v8, v0;
	v10 =	vld [tilespmem:s3+$0x110];
	v3 =	vmul.f32 $1.442695020e+00, v15;
	v7 =	vnsel vm9, $0x0, v7;
	v12 =	vpop (erf)  }
0x14f: {  	v4 =	vnsel vm5, $0x0, v4;
	v15 =	vld [tilespmem:s3+$0x4110];
	v12 =	vmul.f32 v12, v0;
	[tilespmem:s31+$0x8370] =	vst v7;
	(erf) = vpow2.f32 v16  }
0x150: {  	v7 =	vld [tilespmem:s3+$0x120];
	v16 =	vsub.f32 v9, v13;
	v11 =	vpop (erf);
	(erf) = vpow2.f32 v3;
	[tilespmem:s0+$0x8340] =	vst v4;
	v4 =	vmul.f32 v6, v0  }
0x151: {  	v8 =	vnsel vm10, $0x0, v8;
	v6 =	vld [tilespmem:s3+$0x4120];
	v12 =	vnsel vm7, $0x0, v12;
	v11 =	vmul.f32 v11, v0  }
0x152: {  	v17 =	vsub.f32 v14, v5;
	v13 =	vld [tilespmem:s3+$0x130];
	v3 =	vmul.f32 v16, v16;
	[tilespmem:s31+$0x8300] =	vst v12;
	v9 =	vpop (erf);
	v4 =	vnsel vm1, $0x0, v4  }
0x153: {  	vm1 =	vmmov vm8;
	v12 =	vld [tilespmem:s3+$0x4130];
	v11 =	vnsel vm6, $0x0, v11;
	v9 =	vmul.f32 v9, v0;
	[tilespmem:s0+$0x8350] =	vst v8  }
0x154: {  	v8 =	vmul.f32 v17, v17;
	v10 =	vsub.f32 v10, v15;
	v14 =	vld [tilespmem:s3+$0x140];
	v15 =	vmul.f32 v3, v2;
	[tilespmem:s31+$0x8310] =	vst v11;
	v5 =	vpop (erf)  }
0x155: {  	vm5 =	vmmov vm3;
	v11 =	vld [tilespmem:s3+$0x4140];
	v9 =	vnsel vm4, $0x0, v9;
	v5 =	vmul.f32 v5, v0;
	[tilespmem:s0+$0x8360] =	vst v4;
	s0 =	smov.u32 s31;
	s31 =	smov.u32 s3  }
0x156: {  	v10 =	vmul.f32 v10, v10;
	v19 =	vsub.f32 v7, v6;
	v7 =	vld [tilespmem:s31+$0x150];
	v15 =	vmul.f32 $1.442695020e+00, v15;
	[tilespmem:s0+$0x8320] =	vst v9;
	v4 =	vpop (erf)  }
0x157: {  	v9 =	vmul.f32 v8, v2;
	vm7 =	vle.f32 v8, v1;
	v16 =	vld [tilespmem:s31+$0x4150];
	v4 =	vmul.f32 v4, v0  }
0x158: {  	v17 =	vmul.f32 v19, v19;
	v12 =	vsub.f32 v13, v12;
	v13 =	vld [tilespmem:s31+$0x160];
	(erf) = vpow2.f32 v15;
	v8 =	vpop (erf)  }
0x159: {  	v9 =	vmul.f32 $1.442695020e+00, v9;
	v15 =	vmul.f32 v10, v2;
	vm6 =	vle.f32 v10, v1;
	v18 =	vld [tilespmem:s31+$0x4160];
	v6 =	vpop (erf)  }
0x15a: {  	v10 =	vmul.f32 v17, v2;
	v12 =	vmul.f32 v12, v12;
	v11 =	vsub.f32 v14, v11  }
0x15b: {  	v14 =	vmul.f32 $1.442695020e+00, v15;
	vm4 =	vle.f32 v17, v1;
	(erf) = vpow2.f32 v9  }
.Ltmp2:
0x15c: {  	v9 =	vmul.f32 v12, v2;
	v11 =	vmul.f32 v11, v11;
	v7 =	vsub.f32 v7, v16;
	(pc) =	sbr.rel @p2 .LBB2_7-.Ltmp2, $4  }
0x15d: {  	v15 =	vmul.f32 $1.442695020e+00, v10;
	vm8 =	vle.f32 v12, v1;
	(erf) = vpow2.f32 v14  }
0x15e: {  	v10 =	vmul.f32 v11, v2;
	v7 =	vmul.f32 v7, v7;
	v13 =	vsub.f32 v13, v18  }
0x15f: {  	s3 =	sshra.s32 s16, $0x2;
	v12 =	vmul.f32 $1.442695020e+00, v9;
	vm3 =	vle.f32 v11, v1;
	(erf) = vpow2.f32 v15  }
0x160: {  	s16 =	sadd.s32 $0x800, s16;
	v9 =	vld [tilespmem:s3+$0x170];
	v11 =	vmul.f32 v7, v2;
	vm9 =	vle.f32 v7, v1;
	v7 =	vmul.f32 v13, v13  }
0x161: {  	v13 =	vld [tilespmem:s3+$0x4170];
	v5 =	vnsel vm2, $0x0, v5;
	v15 =	vpop (erf)  }
0x162: {  	v14 =	vld [tilespmem:s3+$0x100];
	[tilespmem:s0+$0x8330] =	vst v5;
	v5 =	vmul.f32 v15, v0  }
0x163: {  	vm2 =	vle.f32 v3, v1  }
0x164: {  	v5 =	vnsel vm2, $0x0, v5  }
0x165: {  	v15 =	vld [tilespmem:s3+$0x4100]  }
0x166: {  	v3 =	vld [tilespmem:s3+$0x110]  }
0x167: {  	v16 =	vld [tilespmem:s3+$0x4110];
	[tilespmem:s31+$0x8370] =	vst v5;
	v5 =	vpop (erf)  }
0x168: {  	v4 =	vnsel vm5, $0x0, v4;
	v5 =	vmul.f32 v5, v0  }
0x169: {  	v8 =	vmul.f32 v8, v0;
	v17 =	vld [tilespmem:s3+$0x120];
	[tilespmem:s0+$0x8340] =	vst v4  }
0x16a: {  	(erf) = vpow2.f32 v12;
	vm0 =	vmmov vm0;
	v4 =	vld [tilespmem:s3+$0x4120];
	v18 =	vpop (erf);
	v5 =	vnsel vm7, $0x0, v5  }
0x16b: {  	v8 =	vnsel vm0, $0x0, v8;
	v12 =	vld [tilespmem:s3+$0x130];
	[tilespmem:s31+$0x8300] =	vst v5;
	v5 =	vmul.f32 v18, v0  }
0x16c: {  	v10 =	vmul.f32 $1.442695020e+00, v10;
	v6 =	vmul.f32 v6, v0;
	v56 =	vld [tilespmem:s3+$0x4130];
	[tilespmem:s0+$0x8350] =	vst v8;
	v8 =	vsub.f32 v9, v13  }
0x16d: {  	v11 =	vmul.f32 $1.442695020e+00, v11;
	v13 =	vmul.f32 v7, v2;
	v5 =	vnsel vm6, $0x0, v5  }
0x16e: {  	v19 =	vpop (erf);
	(erf) = vpow2.f32 v10;
	v9 =	vld [tilespmem:s3+$0x140];
	[tilespmem:s31+$0x8310] =	vst v5;
	v5 =	vmul.f32 v8, v8  }
0x16f: {  	v8 =	vmul.f32 v19, v0;
	v10 =	vmul.f32 $1.442695020e+00, v13;
	v13 =	vsub.f32 v14, v15  }
0x170: {  	v6 =	vnsel vm1, $0x0, v6;
	v3 =	vsub.f32 v3, v16  }
0x171: {  	(erf) = vpow2.f32 v11;
	v57 =	vld [tilespmem:s3+$0x4140];
	[tilespmem:s0+$0x8360] =	vst v6;
	v6 =	vmul.f32 v5, v2;
	v8 =	vnsel vm4, $0x0, v8  }
0x172: {  	v11 =	vld [tilespmem:s3+$0x150];
	(erf) = vpow2.f32 v10;
	v10 =	vmul.f32 v13, v13;
	[tilespmem:s31+$0x8320] =	vst v8  }
0x173: {  	v3 =	vmul.f32 v3, v3;
	v13 =	vpop (erf);
	v6 =	vmul.f32 $1.442695020e+00, v6;
	v15 =	vld [tilespmem:s3+$0x160]  }
0x174: {  	v4 =	vsub.f32 v17, v4;
	v14 =	vmul.f32 v10, v2;
	v8 =	vmul.f32 v13, v0;
	v13 =	vld [tilespmem:s3+$0x4150]  }
0x175: {  	v58 =	vmul.f32 v3, v2;
	v12 =	vsub.f32 v12, v56;
	(erf) = vpow2.f32 v6;
	v6 =	vld [tilespmem:s3+$0x4160]  }
0x176: {  	v4 =	vmul.f32 v4, v4;
	v14 =	vmul.f32 $1.442695020e+00, v14  }
0x177: {  	v16 =	vmul.f32 $1.442695020e+00, v58;
	v12 =	vmul.f32 v12, v12;
	v9 =	vsub.f32 v9, v57  }
0x178: {  	v59 =	vmul.f32 v4, v2;
	(erf) = vpow2.f32 v14  }
0x179: {  	v14 =	vmul.f32 v12, v2;
	v9 =	vmul.f32 v9, v9  }
0x17a: {  	(erf) = vpow2.f32 v16;
	v11 =	vsub.f32 v11, v13;
	v6 =	vsub.f32 v15, v6  }
0x17b: {  	v13 =	vmul.f32 $1.442695020e+00, v59;
	v14 =	vmul.f32 $1.442695020e+00, v14  }
0x17c: {  	v11 =	vmul.f32 v11, v11;
	v6 =	vmul.f32 v6, v6  }
0x17d: {  	v15 =	vmul.f32 v9, v2;
	(erf) = vpow2.f32 v13  }
0x17e: {  	v13 =	vmul.f32 v11, v2;
	v2 =	vmul.f32 v6, v2;
	_ =	sdelay $0x1  }
0x17f: {  	vm0 =	vle.f32 v7, v1;
	v7 =	vpop (erf);
	v15 =	vmul.f32 $1.442695020e+00, v15;
	v2 =	vmul.f32 $1.442695020e+00, v2  }
0x180: {  	v60 =	vpop (erf);
	(erf) = vpow2.f32 v14;
	v13 =	vmul.f32 $1.442695020e+00, v13  }
0x181: {  	v14 =	vpop (erf);
	(erf) = vpow2.f32 v15  }
0x182: {  	vm4 =	vle.f32 v10, v1;
	v10 =	vpop (erf);
	(erf) = vpow2.f32 v13  }
0x183: {  	vm2 =	vmmov vm8;
	vm5 =	vle.f32 v3, v1;
	(erf) = vpow2.f32 v2;
	v2 =	vpop (erf)  }
0x184: {  	vm6 =	vle.f32 v4, v1;
	v3 =	vmul.f32 v10, v0;
	v2 =	vmul.f32 v2, v0  }
0x185: {  	v7 =	vmul.f32 v7, v0;
	v4 =	vnsel vm2, $0x0, v8;
	vm2 =	vle.f32 v5, v1  }
0x186: {  	vm3 =	vmmov vm3;
	[tilespmem:s31+$0x8330] =	vst v4;
	v3 =	vnsel vm2, $0x0, v3;
	v2 =	vnsel vm4, $0x0, v2  }
0x187: {  	vm1 =	vmmov vm9;
	v5 =	vmul.f32 v60, v0;
	[tilespmem:s3+$0x8370] =	vst v3;
	v3 =	vnsel vm3, $0x0, v7  }
0x188: {  	vm1 =	vmmov vm1;
	[tilespmem:s31+$0x8340] =	vst v3;
	v4 =	vpop (erf)  }
0x189: {  	v5 =	vnsel vm1, $0x0, v5;
	v3 =	vmul.f32 v4, v0;
	v4 =	vmul.f32 v14, v0;
	[tilespmem:s3+$0x8300] =	vst v2;
	v2 =	vpop (erf)  }
0x18a: {  	vm0 =	vmmov vm0;
	vm7 =	vle.f32 v12, v1;
	v2 =	vmul.f32 v2, v0  }
0x18b: {  	vm2 =	vle.f32 v9, v1;
	vm3 =	vle.f32 v11, v1;
	v4 =	vnsel vm0, $0x0, v4  }
0x18c: {  	v3 =	vnsel vm5, $0x0, v3;
	vm0 =	vle.f32 v6, v1;
	[tilespmem:s31+$0x8350] =	vst v5;
	v5 =	vpop (erf);
	v1 =	vnsel vm6, $0x0, v2  }
0x18d: {  	[tilespmem:s3+$0x8310] =	vst v3;
	v3 =	vmul.f32 v5, v0;
	v5 =	vpop (erf)  }
0x18e: {  	vm1 =	vmmov vm7;
	vm2 =	vmmov vm2;
	[tilespmem:s31+$0x8360] =	vst v4;
	v2 =	vmul.f32 v5, v0;
	v4 =	vpop (erf)  }
0x18f: {  	vm3 =	vmmov vm3;
	[tilespmem:s3+$0x8320] =	vst v1;
	v3 =	vnsel vm1, $0x0, v3;
	v4 =	vmul.f32 v4, v0;
	v1 =	vpop (erf)  }
0x190: {  	vm1 =	vmmov vm3;
	[tilespmem:s3+$0x8330] =	vst v3;
	v2 =	vnsel vm2, $0x0, v2;
	v0 =	vmul.f32 v1, v0  }
0x191: {  	vm0 =	vmmov vm0;
	[tilespmem:s3+$0x8340] =	vst v2;
	v1 =	vnsel vm1, $0x0, v4  }
0x192: {  	[tilespmem:s3+$0x8350] =	vst v1;
	v0 =	vnsel vm0, $0x0, v0  }
0x193: {  	[tilespmem:s3+$0x8360] =	vst v0  }
0x194: {  	s0 =	simm.s32 $0x0;
	v0 =	vld [tilespmem:$0x8180]  }
0x195: {  	v1 =	vld [tilespmem:s0+$0x1F0]  }
0x196: {  	v2 =	vld [tilespmem:s0+$0x41F0]  }
0x197: {  	v3 =	vld [tilespmem:s0+$0x180]  }
0x198: {  	v4 =	vld [tilespmem:s0+$0x4180]  }
0x199: {  	v6 =	vld [tilespmem:s0+$0x190]  }
0x19a: {  	v7 =	vld [tilespmem:s0+$0x4190]  }
0x19b: {  	v8 =	vld [tilespmem:s0+$0x1A0];
	v5 =	vmul.f32 v0, v0;
	v1 =	vsub.f32 v1, v2  }
0x19c: {  	v10 =	vld [tilespmem:s0+$0x41B0]  }
0x19d: {  	v2 =	vsub.f32 $0.0e+00, v5;
	v9 =	vmul.f32 v1, v1;
	(erf) = vrcp.f32 v5;
	v1 =	vld [tilespmem:s0+$0x41A0]  }
0x19e: {  	v3 =	vsub.f32 v3, v4;
	v4 =	vld [tilespmem:s0+$0x1B0]  }
0x19f: {  	v5 =	vmul.f32 v9, v2  }
0x1a0: {  	v11 =	vld [tilespmem:s0+$0x41C0];
	v3 =	vmul.f32 v3, v3  }
0x1a1: {  	v6 =	vsub.f32 v6, v7;
	v7 =	vld [tilespmem:s0+$0x1C0];
	v5 =	vmul.f32 $1.442695020e+00, v5  }
0x1a2: {  	v13 =	vld [tilespmem:s0+$0x41D0];
	v0 =	vmul.f32 $5.641896130e-01, v0;
	v12 =	vmul.f32 v3, v2;
	v1 =	vsub.f32 v8, v1  }
0x1a3: {  	v4 =	vsub.f32 v4, v10;
	v8 =	vld [tilespmem:s0+$0x1D0];
	(erf) = vpow2.f32 v5;
	v5 =	vmul.f32 v6, v6  }
0x1a4: {  	v6 =	vmul.f32 $1.442695020e+00, v12;
	v10 =	vmul.f32 v1, v1  }
0x1a5: {  	v4 =	vmul.f32 v4, v4;
	v12 =	vmul.f32 v5, v2  }
0x1a6: {  	v7 =	vsub.f32 v7, v11;
	(erf) = vpow2.f32 v6;
	v1 =	vpop (erf);
	v14 =	vmul.f32 v10, v2  }
0x1a7: {  	v6 =	vld [tilespmem:s0+$0x1E0];
	v1 =	vmul.f32 $9.000000000e+00, v1;
	v11 =	vmul.f32 $1.442695020e+00, v12  }
0x1a8: {  	s31 =	simm.s32 $0x200;
	v7 =	vmul.f32 v7, v7;
	v15 =	vmul.f32 v4, v2;
	v12 =	vld [tilespmem:s0+$0x41E0];
	v8 =	vsub.f32 v8, v13  }
0x1a9: {  	v62 =	vld [tilespmem:s31+$0x180];
	(erf) = vpow2.f32 v11;
	vm0 =	vle.f32 v3, v1;
	v3 =	vmul.f32 $1.442695020e+00, v14  }
0x1aa: {  	v15 =	vmul.f32 $1.442695020e+00, v15;
	v13 =	vmul.f32 v7, v2;
	v11 =	vld [tilespmem:s31+$0x1F0]  }
0x1ab: {  	v14 =	vld [tilespmem:s31+$0x41F0];
	vm1 =	vle.f32 v5, v1;
	v8 =	vmul.f32 v8, v8;
	(erf) = vpow2.f32 v3  }
0x1ac: {  	v5 =	vld [tilespmem:s31+$0x4180];
	vm2 =	vle.f32 v9, v1;
	vm3 =	vle.f32 v10, v1;
	vm4 =	vle.f32 v7, v1;
	v61 =	vpop (erf)  }
0x1ad: {  	v10 =	vmul.f32 v8, v2;
	v6 =	vsub.f32 v6, v12;
	v3 =	vmul.f32 v61, v0  }
0x1ae: {  	v9 =	vld [tilespmem:s31+$0x190];
	vm5 =	vle.f32 v8, v1;
	v12 =	vmul.f32 $1.442695020e+00, v13;
	(erf) = vpow2.f32 v15  }
0x1af: {  	v13 =	vld [tilespmem:s31+$0x4190];
	v10 =	vmul.f32 $1.442695020e+00, v10;
	v6 =	vmul.f32 v6, v6;
	v15 =	vpop (erf);
	v3 =	vnsel vm2, $0x0, v3  }
0x1b0: {  	(erf) = vpow2.f32 v12;
	v11 =	vsub.f32 v11, v14;
	[tilespmem:s0+$0x83F0] =	vst v3;
	v3 =	vmul.f32 v15, v0  }
0x1b1: {  	v5 =	vsub.f32 v62, v5;
	vm2 =	vle.f32 v4, v1;
	v8 =	vmul.f32 v6, v2;
	v4 =	vld [tilespmem:s31+$0x1A0]  }
0x1b2: {  	(erf) = vpow2.f32 v10;
	v7 =	vld [tilespmem:s31+$0x41A0];
	v12 =	vpop (erf);
	v3 =	vnsel vm0, $0x0, v3;
	vm0 =	vmmov vm5  }
0x1b3: {  	vm5 =	vle.f32 v6, v1;
	v6 =	vmul.f32 $1.442695020e+00, v8;
	v12 =	vmul.f32 v12, v0  }
0x1b4: {  	vm2 =	vmmov vm2;
	v15 =	vld [tilespmem:s31+$0x1B0];
	v9 =	vsub.f32 v9, v13;
	[tilespmem:s0+$0x8380] =	vst v3;
	v3 =	vmul.f32 v11, v11;
	v10 =	vpop (erf)  }
0x1b5: {  	v8 =	vld [tilespmem:s31+$0x41B0];
	(erf) = vpow2.f32 v6;
	v11 =	vnsel vm1, $0x0, v12;
	v6 =	vmul.f32 v10, v0  }
0x1b6: {  	v9 =	vmul.f32 v9, v9;
	v12 =	vld [tilespmem:s31+$0x1C0];
	vm1 =	vmmov vm5;
	[tilespmem:s0+$0x8390] =	vst v11;
	v11 =	vmul.f32 v3, v2  }
0x1b7: {  	v10 =	vmul.f32 v5, v5;
	v5 =	vpop (erf);
	v7 =	vsub.f32 v4, v7;
	v13 =	vld [tilespmem:s31+$0x41C0];
	v6 =	vnsel vm3, $0x0, v6  }
0x1b8: {  	vm5 =	vmmov vm4;
	v5 =	vmul.f32 v5, v0;
	v14 =	vld [tilespmem:s31+$0x1D0];
	v11 =	vmul.f32 $1.442695020e+00, v11;
	[tilespmem:s0+$0x83A0] =	vst v6  }
0x1b9: {  	vm7 =	vle.f32 v10, v1;
	v6 =	vmul.f32 v10, v2;
	v7 =	vmul.f32 v7, v7;
	v10 =	vld [tilespmem:s31+$0x41D0]  }
0x1ba: {  	v8 =	vsub.f32 v15, v8;
	v15 =	vld [tilespmem:s31+$0x1E0];
	(erf) = vpow2.f32 v11;
	v11 =	vmul.f32 v9, v2  }
0x1bb: {  	vm6 =	vle.f32 v9, v1;
	v6 =	vmul.f32 $1.442695020e+00, v6;
	v9 =	vld [tilespmem:s31+$0x41E0];
	v63 =	vmul.f32 v7, v2  }
0x1bc: {  	v8 =	vmul.f32 v8, v8;
	v12 =	vsub.f32 v12, v13;
	v11 =	vmul.f32 $1.442695020e+00, v11  }
0x1bd: {  	vm4 =	vle.f32 v7, v1;
	(erf) = vpow2.f32 v6;
	v13 =	vmul.f32 $1.442695020e+00, v63  }
0x1be: {  	v4 =	vpop (erf);
	v6 =	vmul.f32 v8, v2;
	v7 =	vmul.f32 v12, v12;
	v12 =	vsub.f32 v14, v10  }
0x1bf: {  	v4 =	vmul.f32 v4, v0;
	vm8 =	vle.f32 v8, v1;
	(erf) = vpow2.f32 v11  }
0x1c0: {  	v15 =	vsub.f32 v15, v9;
	v8 =	vpop (erf);
	(erf) = vpow2.f32 v13;
	v14 =	vmul.f32 v12, v12  }
0x1c1: {  	s3 =	simm.s32 $0x400;
	v10 =	vmul.f32 v7, v2;
	v12 =	vmul.f32 $1.442695020e+00, v6;
	vm3 =	vle.f32 v7, v1  }
0x1c2: {  	s16 =	simm.s32 $0x1800;
	v9 =	vld [tilespmem:s3+$0x1F0];
	v6 =	vpop (erf);
	v7 =	vmul.f32 v15, v15;
	v11 =	vmul.f32 v14, v2;
	vm9 =	vle.f32 v14, v1  }
.LBB2_9:
0x1c3: {  	v10 =	vmul.f32 $1.442695020e+00, v10;
	(erf) = vpow2.f32 v12;
	v5 =	vnsel vm2, $0x0, v5  }
0x1c4: {  	p2 =	sne.s32 s16, $0xF800;
	v13 =	vld [tilespmem:s3+$0x41F0];
	v12 =	vpop (erf);
	vm2 =	vmmov vm8;
	vm10 =	vmmov vm0;
	vm0 =	vmmov vm9  }
0x1c5: {  	v14 =	vld [tilespmem:s3+$0x180];
	v15 =	vmul.f32 v7, v2;
	vm8 =	vle.f32 v7, v1;
	v7 =	vmul.f32 v12, v0;
	[tilespmem:s0+$0x83B0] =	vst v5  }
0x1c6: {  	vm9 =	vle.f32 v3, v1;
	v16 =	vmul.f32 $1.442695020e+00, v11;
	v5 =	vld [tilespmem:s3+$0x4180];
	(erf) = vpow2.f32 v10  }
0x1c7: {  	v8 =	vmul.f32 v8, v0;
	v10 =	vld [tilespmem:s3+$0x190];
	v3 =	vmul.f32 $1.442695020e+00, v15;
	v7 =	vnsel vm9, $0x0, v7;
	v12 =	vpop (erf)  }
0x1c8: {  	v4 =	vnsel vm5, $0x0, v4;
	v15 =	vld [tilespmem:s3+$0x4190];
	v12 =	vmul.f32 v12, v0;
	[tilespmem:s31+$0x83F0] =	vst v7;
	(erf) = vpow2.f32 v16  }
0x1c9: {  	v7 =	vld [tilespmem:s3+$0x1A0];
	v16 =	vsub.f32 v9, v13;
	v11 =	vpop (erf);
	(erf) = vpow2.f32 v3;
	[tilespmem:s0+$0x83C0] =	vst v4;
	v4 =	vmul.f32 v6, v0  }
0x1ca: {  	v8 =	vnsel vm10, $0x0, v8;
	v6 =	vld [tilespmem:s3+$0x41A0];
	v12 =	vnsel vm7, $0x0, v12;
	v11 =	vmul.f32 v11, v0  }
0x1cb: {  	v17 =	vsub.f32 v14, v5;
	v13 =	vld [tilespmem:s3+$0x1B0];
	v3 =	vmul.f32 v16, v16;
	[tilespmem:s31+$0x8380] =	vst v12;
	v9 =	vpop (erf);
	v4 =	vnsel vm1, $0x0, v4  }
0x1cc: {  	vm1 =	vmmov vm8;
	v12 =	vld [tilespmem:s3+$0x41B0];
	v11 =	vnsel vm6, $0x0, v11;
	v9 =	vmul.f32 v9, v0;
	[tilespmem:s0+$0x83D0] =	vst v8  }
0x1cd: {  	v8 =	vmul.f32 v17, v17;
	v10 =	vsub.f32 v10, v15;
	v14 =	vld [tilespmem:s3+$0x1C0];
	v15 =	vmul.f32 v3, v2;
	[tilespmem:s31+$0x8390] =	vst v11;
	v5 =	vpop (erf)  }
0x1ce: {  	vm5 =	vmmov vm3;
	v11 =	vld [tilespmem:s3+$0x41C0];
	v9 =	vnsel vm4, $0x0, v9;
	v5 =	vmul.f32 v5, v0;
	[tilespmem:s0+$0x83E0] =	vst v4;
	s0 =	smov.u32 s31;
	s31 =	smov.u32 s3  }
0x1cf: {  	v10 =	vmul.f32 v10, v10;
	v19 =	vsub.f32 v7, v6;
	v7 =	vld [tilespmem:s31+$0x1D0];
	v15 =	vmul.f32 $1.442695020e+00, v15;
	[tilespmem:s0+$0x83A0] =	vst v9;
	v4 =	vpop (erf)  }
0x1d0: {  	v9 =	vmul.f32 v8, v2;
	vm7 =	vle.f32 v8, v1;
	v16 =	vld [tilespmem:s31+$0x41D0];
	v4 =	vmul.f32 v4, v0  }
0x1d1: {  	v17 =	vmul.f32 v19, v19;
	v12 =	vsub.f32 v13, v12;
	v13 =	vld [tilespmem:s31+$0x1E0];
	(erf) = vpow2.f32 v15;
	v8 =	vpop (erf)  }
0x1d2: {  	v9 =	vmul.f32 $1.442695020e+00, v9;
	v15 =	vmul.f32 v10, v2;
	vm6 =	vle.f32 v10, v1;
	v18 =	vld [tilespmem:s31+$0x41E0];
	v6 =	vpop (erf)  }
0x1d3: {  	v10 =	vmul.f32 v17, v2;
	v12 =	vmul.f32 v12, v12;
	v11 =	vsub.f32 v14, v11  }
0x1d4: {  	v14 =	vmul.f32 $1.442695020e+00, v15;
	vm4 =	vle.f32 v17, v1;
	(erf) = vpow2.f32 v9  }
.Ltmp3:
0x1d5: {  	v9 =	vmul.f32 v12, v2;
	v11 =	vmul.f32 v11, v11;
	v7 =	vsub.f32 v7, v16;
	(pc) =	sbr.rel @p2 .LBB2_9-.Ltmp3, $4  }
0x1d6: {  	v15 =	vmul.f32 $1.442695020e+00, v10;
	vm8 =	vle.f32 v12, v1;
	(erf) = vpow2.f32 v14  }
0x1d7: {  	v10 =	vmul.f32 v11, v2;
	v7 =	vmul.f32 v7, v7;
	v13 =	vsub.f32 v13, v18  }
0x1d8: {  	s3 =	sshra.s32 s16, $0x2;
	v12 =	vmul.f32 $1.442695020e+00, v9;
	vm3 =	vle.f32 v11, v1;
	(erf) = vpow2.f32 v15  }
0x1d9: {  	s16 =	sadd.s32 $0x800, s16;
	v9 =	vld [tilespmem:s3+$0x1F0];
	v11 =	vmul.f32 v7, v2;
	vm9 =	vle.f32 v7, v1;
	v7 =	vmul.f32 v13, v13  }
0x1da: {  	v13 =	vld [tilespmem:s3+$0x41F0];
	v5 =	vnsel vm2, $0x0, v5;
	v15 =	vpop (erf)  }
0x1db: {  	v14 =	vld [tilespmem:s3+$0x180];
	[tilespmem:s0+$0x83B0] =	vst v5;
	v5 =	vmul.f32 v15, v0  }
0x1dc: {  	vm2 =	vle.f32 v3, v1  }
0x1dd: {  	v5 =	vnsel vm2, $0x0, v5  }
0x1de: {  	v15 =	vld [tilespmem:s3+$0x4180]  }
0x1df: {  	v3 =	vld [tilespmem:s3+$0x190]  }
0x1e0: {  	v16 =	vld [tilespmem:s3+$0x4190];
	[tilespmem:s31+$0x83F0] =	vst v5;
	v5 =	vpop (erf)  }
0x1e1: {  	v4 =	vnsel vm5, $0x0, v4;
	v5 =	vmul.f32 v5, v0  }
0x1e2: {  	v8 =	vmul.f32 v8, v0;
	v17 =	vld [tilespmem:s3+$0x1A0];
	[tilespmem:s0+$0x83C0] =	vst v4  }
0x1e3: {  	(erf) = vpow2.f32 v12;
	vm0 =	vmmov vm0;
	v4 =	vld [tilespmem:s3+$0x41A0];
	v18 =	vpop (erf);
	v5 =	vnsel vm7, $0x0, v5  }
0x1e4: {  	v8 =	vnsel vm0, $0x0, v8;
	v12 =	vld [tilespmem:s3+$0x1B0];
	[tilespmem:s31+$0x8380] =	vst v5;
	v5 =	vmul.f32 v18, v0  }
0x1e5: {  	v10 =	vmul.f32 $1.442695020e+00, v10;
	v6 =	vmul.f32 v6, v0;
	v56 =	vld [tilespmem:s3+$0x41B0];
	[tilespmem:s0+$0x83D0] =	vst v8;
	v8 =	vsub.f32 v9, v13  }
0x1e6: {  	v11 =	vmul.f32 $1.442695020e+00, v11;
	v13 =	vmul.f32 v7, v2;
	v5 =	vnsel vm6, $0x0, v5  }
0x1e7: {  	v19 =	vpop (erf);
	(erf) = vpow2.f32 v10;
	v9 =	vld [tilespmem:s3+$0x1C0];
	[tilespmem:s31+$0x8390] =	vst v5;
	v5 =	vmul.f32 v8, v8  }
0x1e8: {  	v8 =	vmul.f32 v19, v0;
	v10 =	vmul.f32 $1.442695020e+00, v13;
	v13 =	vsub.f32 v14, v15  }
0x1e9: {  	v6 =	vnsel vm1, $0x0, v6;
	v3 =	vsub.f32 v3, v16  }
0x1ea: {  	(erf) = vpow2.f32 v11;
	v57 =	vld [tilespmem:s3+$0x41C0];
	[tilespmem:s0+$0x83E0] =	vst v6;
	v6 =	vmul.f32 v5, v2;
	v8 =	vnsel vm4, $0x0, v8  }
0x1eb: {  	v11 =	vld [tilespmem:s3+$0x1D0];
	(erf) = vpow2.f32 v10;
	v10 =	vmul.f32 v13, v13;
	[tilespmem:s31+$0x83A0] =	vst v8  }
0x1ec: {  	v3 =	vmul.f32 v3, v3;
	v13 =	vpop (erf);
	v6 =	vmul.f32 $1.442695020e+00, v6;
	v15 =	vld [tilespmem:s3+$0x1E0]  }
0x1ed: {  	v4 =	vsub.f32 v17, v4;
	v14 =	vmul.f32 v10, v2;
	v8 =	vmul.f32 v13, v0;
	v13 =	vld [tilespmem:s3+$0x41D0]  }
0x1ee: {  	v58 =	vmul.f32 v3, v2;
	v12 =	vsub.f32 v12, v56;
	(erf) = vpow2.f32 v6;
	v6 =	vld [tilespmem:s3+$0x41E0]  }
0x1ef: {  	v4 =	vmul.f32 v4, v4;
	v14 =	vmul.f32 $1.442695020e+00, v14  }
0x1f0: {  	v16 =	vmul.f32 $1.442695020e+00, v58;
	v12 =	vmul.f32 v12, v12;
	v9 =	vsub.f32 v9, v57  }
0x1f1: {  	v59 =	vmul.f32 v4, v2;
	(erf) = vpow2.f32 v14  }
0x1f2: {  	v14 =	vmul.f32 v12, v2;
	v9 =	vmul.f32 v9, v9  }
0x1f3: {  	(erf) = vpow2.f32 v16;
	v11 =	vsub.f32 v11, v13;
	v6 =	vsub.f32 v15, v6  }
0x1f4: {  	v13 =	vmul.f32 $1.442695020e+00, v59;
	v14 =	vmul.f32 $1.442695020e+00, v14  }
0x1f5: {  	v11 =	vmul.f32 v11, v11;
	v6 =	vmul.f32 v6, v6  }
0x1f6: {  	v15 =	vmul.f32 v9, v2;
	(erf) = vpow2.f32 v13  }
0x1f7: {  	v13 =	vmul.f32 v11, v2;
	v2 =	vmul.f32 v6, v2;
	_ =	sdelay $0x1  }
0x1f8: {  	vm0 =	vle.f32 v7, v1;
	v7 =	vpop (erf);
	v15 =	vmul.f32 $1.442695020e+00, v15;
	v2 =	vmul.f32 $1.442695020e+00, v2  }
0x1f9: {  	v60 =	vpop (erf);
	(erf) = vpow2.f32 v14;
	v13 =	vmul.f32 $1.442695020e+00, v13  }
0x1fa: {  	v14 =	vpop (erf);
	(erf) = vpow2.f32 v15  }
0x1fb: {  	vm4 =	vle.f32 v10, v1;
	v10 =	vpop (erf);
	(erf) = vpow2.f32 v13  }
0x1fc: {  	vm2 =	vmmov vm8;
	vm5 =	vle.f32 v3, v1;
	(erf) = vpow2.f32 v2;
	v2 =	vpop (erf)  }
0x1fd: {  	vm6 =	vle.f32 v4, v1;
	v3 =	vmul.f32 v10, v0;
	v2 =	vmul.f32 v2, v0  }
0x1fe: {  	v7 =	vmul.f32 v7, v0;
	v4 =	vnsel vm2, $0x0, v8;
	vm2 =	vle.f32 v5, v1  }
0x1ff: {  	vm3 =	vmmov vm3;
	[tilespmem:s31+$0x83B0] =	vst v4;
	v3 =	vnsel vm2, $0x0, v3;
	v2 =	vnsel vm4, $0x0, v2  }
0x200: {  	vm1 =	vmmov vm9;
	v5 =	vmul.f32 v60, v0;
	[tilespmem:s3+$0x83F0] =	vst v3;
	v3 =	vnsel vm3, $0x0, v7  }
0x201: {  	vm1 =	vmmov vm1;
	[tilespmem:s31+$0x83C0] =	vst v3;
	v4 =	vpop (erf)  }
0x202: {  	v5 =	vnsel vm1, $0x0, v5;
	v3 =	vmul.f32 v4, v0;
	v4 =	vmul.f32 v14, v0;
	[tilespmem:s3+$0x8380] =	vst v2;
	v2 =	vpop (erf)  }
0x203: {  	vm0 =	vmmov vm0;
	vm7 =	vle.f32 v12, v1;
	v2 =	vmul.f32 v2, v0  }
0x204: {  	vm2 =	vle.f32 v9, v1;
	vm3 =	vle.f32 v11, v1;
	v4 =	vnsel vm0, $0x0, v4  }
0x205: {  	v3 =	vnsel vm5, $0x0, v3;
	vm0 =	vle.f32 v6, v1;
	[tilespmem:s31+$0x83D0] =	vst v5;
	v5 =	vpop (erf);
	v1 =	vnsel vm6, $0x0, v2  }
0x206: {  	[tilespmem:s3+$0x8390] =	vst v3;
	v3 =	vmul.f32 v5, v0;
	v5 =	vpop (erf)  }
0x207: {  	vm1 =	vmmov vm7;
	vm2 =	vmmov vm2;
	[tilespmem:s31+$0x83E0] =	vst v4;
	v2 =	vmul.f32 v5, v0;
	v4 =	vpop (erf)  }
0x208: {  	vm3 =	vmmov vm3;
	[tilespmem:s3+$0x83A0] =	vst v1;
	v3 =	vnsel vm1, $0x0, v3;
	v4 =	vmul.f32 v4, v0;
	v1 =	vpop (erf)  }
0x209: {  	vm1 =	vmmov vm3;
	[tilespmem:s3+$0x83B0] =	vst v3;
	v2 =	vnsel vm2, $0x0, v2;
	v0 =	vmul.f32 v1, v0  }
0x20a: {  	vm0 =	vmmov vm0;
	[tilespmem:s3+$0x83C0] =	vst v2;
	v1 =	vnsel vm1, $0x0, v4  }
0x20b: {  	[tilespmem:s3+$0x83D0] =	vst v1;
	v0 =	vnsel vm0, $0x0, v0  }
0x20c: {  	s0 =	simm.s32 @p1 $0x2;
	s31 =	sadd.s32 s6, s29;
	[tilespmem:s3+$0x83E0] =	vst v0  }
0x20d: {  	[hbm4b:s31+s14] =	stream.strided.scatter [tilespmem:s22], [sflag:$0x3], $0x4000, s15, s14, $0x38;
	[tilespmem:$0x18400] =	vst v63  }
0x20e: {  	_ =	swait.ge @p1 [sflag:s0], $0x4000  }
0x20f: {  	[sflag:s0] =	ssyncset.done @p1 $0x0  }
0x210: {  	[sflag:s0] =	ssyncadd.s32 @p1 $0xFFFFC000  }
0x211: {  	_ =	swait.ge @p1 [sflag:s0], $0x4000  }
0x212: {  	[sflag:s0] =	ssyncset.done @p1 $0x0  }
0x213: {  	[sflag:s0] =	ssyncadd.s32 @p1 $0xFFFFC000  }
0x214: {  	_ =	swait.ge @p1 [sflag:s0], $0x200  }
0x215: {  	[sflag:s0] =	ssyncset.done @p1 $0x0  }
0x216: {  	[sflag:s0] =	ssyncadd.s32 @p1 $0xFFFFFE00;
	s0 =	simm.s32 @p1 $0x4  }
0x217: {  	s29 =	simm.s32 @!p1 $0x200;
	s3 =	sadd.s32 @!p1 s30, s12;
	_ =	swait.ge @p1 [sflag:s0], $0x4000  }
0x218: {  	s30 =	simm.s32 @!p1 $0x400;
	s16 =	sshll.u32 @!p1 s3, $0x9;
	[sflag:s0] =	ssyncset.done @p1 $0x0  }
0x219: {  	s31 =	simm.s32 @!p1 $0x0;
	[sflag:s0] =	ssyncadd.s32 @p1 $0xFFFFC000;
	s0 =	sadd.s32 @!p1 s1, s16  }
0x21a: {  	[tilespmem:s31], [sflag:$0x1] =	stream.strided.gather @!p1 [hbm4b:s0+s29], $0x4000, s30, s29, $0x38;
	[tilespmem:$0x18400] =	vst v63  }
0x21b: {  	s0 =	sadd.s32 @!p1 s2, s16;
	s16 =	simm.s32 @!p1 $0x4000  }
0x21c: {  	[tilespmem:s16], [sflag:$0x1] =	stream.strided.gather @!p1 [hbm4b:s0+s29], $0x4000, s30, s29, $0x38;
	[tilespmem:$0x18400] =	vst v63  }
0x21d: {  	s0 =	sshll.u32 @!p1 s3, $0x4  }
0x21e: {  	s3 =	simm.s32 @!p1 $0x8000;
	s0 =	sadd.s32 @!p1 s5, s0  }
0x21f: {  	[tilespmem:s3], [sflag:$0x1] =	stream.linear.gather @!p1 [hbm4b:s0+s31], $0x200, $0x38;
	[tilespmem:$0x18400] =	vst v63  }
0x220: {  	s0 =	simm.s32 @!p1 $0x2  }
0x221: {  	_ =	swait.ge @!p1 [sflag:s0], $0x4000  }
0x222: {  	[sflag:s0] =	ssyncset.done @!p1 $0x0  }
0x223: {  	[sflag:s0] =	ssyncadd.s32 @!p1 $0xFFFFC000  }
0x224: {  	_ =	swait.ge @!p1 [sflag:s0], $0x4000  }
0x225: {  	[sflag:s0] =	ssyncset.done @!p1 $0x0  }
0x226: {  	[sflag:s0] =	ssyncadd.s32 @!p1 $0xFFFFC000  }
0x227: {  	_ =	swait.ge @!p1 [sflag:s0], $0x200  }
0x228: {  	[sflag:s0] =	ssyncset.done @!p1 $0x0  }
0x229: {  	[sflag:s0] =	ssyncadd.s32 @!p1 $0xFFFFFE00  }
0x22a: {  	s0 =	simm.s32 $0x0;
	v0 =	vld [tilespmem:$0x14200]  }
0x22b: {  	v1 =	vld [tilespmem:s0+$0xC270]  }
0x22c: {  	v2 =	vld [tilespmem:s0+$0x10270]  }
0x22d: {  	v3 =	vld [tilespmem:s0+$0xC200]  }
0x22e: {  	v4 =	vld [tilespmem:s0+$0x10200]  }
0x22f: {  	v6 =	vld [tilespmem:s0+$0xC210]  }
0x230: {  	v7 =	vld [tilespmem:s0+$0x10210]  }
0x231: {  	v8 =	vld [tilespmem:s0+$0xC220];
	v5 =	vmul.f32 v0, v0;
	v1 =	vsub.f32 v1, v2  }
0x232: {  	v10 =	vld [tilespmem:s0+$0x10230]  }
0x233: {  	v2 =	vsub.f32 $0.0e+00, v5;
	v9 =	vmul.f32 v1, v1;
	(erf) = vrcp.f32 v5;
	v1 =	vld [tilespmem:s0+$0x10220]  }
0x234: {  	v3 =	vsub.f32 v3, v4;
	v4 =	vld [tilespmem:s0+$0xC230]  }
0x235: {  	v5 =	vmul.f32 v9, v2  }
0x236: {  	v11 =	vld [tilespmem:s0+$0x10240];
	v3 =	vmul.f32 v3, v3  }
0x237: {  	v6 =	vsub.f32 v6, v7;
	v7 =	vld [tilespmem:s0+$0xC240];
	v5 =	vmul.f32 $1.442695020e+00, v5  }
0x238: {  	v13 =	vld [tilespmem:s0+$0x10250];
	v0 =	vmul.f32 $5.641896130e-01, v0;
	v12 =	vmul.f32 v3, v2;
	v1 =	vsub.f32 v8, v1  }
0x239: {  	v4 =	vsub.f32 v4, v10;
	v8 =	vld [tilespmem:s0+$0xC250];
	(erf) = vpow2.f32 v5;
	v5 =	vmul.f32 v6, v6  }
0x23a: {  	v6 =	vmul.f32 $1.442695020e+00, v12;
	v10 =	vmul.f32 v1, v1  }
0x23b: {  	v4 =	vmul.f32 v4, v4;
	v12 =	vmul.f32 v5, v2  }
0x23c: {  	v7 =	vsub.f32 v7, v11;
	(erf) = vpow2.f32 v6;
	v1 =	vpop (erf);
	v14 =	vmul.f32 v10, v2  }
0x23d: {  	v6 =	vld [tilespmem:s0+$0xC260];
	v1 =	vmul.f32 $9.000000000e+00, v1;
	v11 =	vmul.f32 $1.442695020e+00, v12  }
0x23e: {  	s29 =	simm.s32 $0x200;
	v7 =	vmul.f32 v7, v7;
	v15 =	vmul.f32 v4, v2;
	v12 =	vld [tilespmem:s0+$0x10260];
	v8 =	vsub.f32 v8, v13  }
0x23f: {  	v62 =	vld [tilespmem:s29+$0xC200];
	(erf) = vpow2.f32 v11;
	vm0 =	vle.f32 v3, v1;
	v3 =	vmul.f32 $1.442695020e+00, v14  }
0x240: {  	v15 =	vmul.f32 $1.442695020e+00, v15;
	v13 =	vmul.f32 v7, v2;
	v11 =	vld [tilespmem:s29+$0xC270]  }
0x241: {  	v14 =	vld [tilespmem:s29+$0x10270];
	vm1 =	vle.f32 v5, v1;
	v8 =	vmul.f32 v8, v8;
	(erf) = vpow2.f32 v3  }
0x242: {  	v5 =	vld [tilespmem:s29+$0x10200];
	vm2 =	vle.f32 v9, v1;
	vm3 =	vle.f32 v10, v1;
	vm4 =	vle.f32 v7, v1;
	v61 =	vpop (erf)  }
0x243: {  	v10 =	vmul.f32 v8, v2;
	v6 =	vsub.f32 v6, v12;
	v3 =	vmul.f32 v61, v0  }
0x244: {  	v9 =	vld [tilespmem:s29+$0xC210];
	vm5 =	vle.f32 v8, v1;
	v12 =	vmul.f32 $1.442695020e+00, v13;
	(erf) = vpow2.f32 v15  }
0x245: {  	v13 =	vld [tilespmem:s29+$0x10210];
	v10 =	vmul.f32 $1.442695020e+00, v10;
	v6 =	vmul.f32 v6, v6;
	v15 =	vpop (erf);
	v3 =	vnsel vm2, $0x0, v3  }
0x246: {  	(erf) = vpow2.f32 v12;
	v11 =	vsub.f32 v11, v14;
	[tilespmem:s0+$0x14470] =	vst v3;
	v3 =	vmul.f32 v15, v0  }
0x247: {  	v5 =	vsub.f32 v62, v5;
	vm2 =	vle.f32 v4, v1;
	v8 =	vmul.f32 v6, v2;
	v4 =	vld [tilespmem:s29+$0xC220]  }
0x248: {  	(erf) = vpow2.f32 v10;
	v7 =	vld [tilespmem:s29+$0x10220];
	v12 =	vpop (erf);
	v3 =	vnsel vm0, $0x0, v3;
	vm0 =	vmmov vm5  }
0x249: {  	vm5 =	vle.f32 v6, v1;
	v6 =	vmul.f32 $1.442695020e+00, v8;
	v12 =	vmul.f32 v12, v0  }
0x24a: {  	vm2 =	vmmov vm2;
	v15 =	vld [tilespmem:s29+$0xC230];
	v9 =	vsub.f32 v9, v13;
	[tilespmem:s0+$0x14400] =	vst v3;
	v3 =	vmul.f32 v11, v11;
	v10 =	vpop (erf)  }
0x24b: {  	v8 =	vld [tilespmem:s29+$0x10230];
	(erf) = vpow2.f32 v6;
	v11 =	vnsel vm1, $0x0, v12;
	v6 =	vmul.f32 v10, v0  }
0x24c: {  	v9 =	vmul.f32 v9, v9;
	v12 =	vld [tilespmem:s29+$0xC240];
	vm1 =	vmmov vm5;
	[tilespmem:s0+$0x14410] =	vst v11;
	v11 =	vmul.f32 v3, v2  }
0x24d: {  	v10 =	vmul.f32 v5, v5;
	v5 =	vpop (erf);
	v7 =	vsub.f32 v4, v7;
	v13 =	vld [tilespmem:s29+$0x10240];
	v6 =	vnsel vm3, $0x0, v6  }
0x24e: {  	vm5 =	vmmov vm4;
	v5 =	vmul.f32 v5, v0;
	v14 =	vld [tilespmem:s29+$0xC250];
	v11 =	vmul.f32 $1.442695020e+00, v11;
	[tilespmem:s0+$0x14420] =	vst v6  }
0x24f: {  	vm7 =	vle.f32 v10, v1;
	v6 =	vmul.f32 v10, v2;
	v7 =	vmul.f32 v7, v7;
	v10 =	vld [tilespmem:s29+$0x10250]  }
0x250: {  	v8 =	vsub.f32 v15, v8;
	v15 =	vld [tilespmem:s29+$0xC260];
	(erf) = vpow2.f32 v11;
	v11 =	vmul.f32 v9, v2  }
0x251: {  	vm6 =	vle.f32 v9, v1;
	v6 =	vmul.f32 $1.442695020e+00, v6;
	v9 =	vld [tilespmem:s29+$0x10260];
	v63 =	vmul.f32 v7, v2  }
0x252: {  	v8 =	vmul.f32 v8, v8;
	v12 =	vsub.f32 v12, v13;
	v11 =	vmul.f32 $1.442695020e+00, v11  }
0x253: {  	vm4 =	vle.f32 v7, v1;
	(erf) = vpow2.f32 v6;
	v13 =	vmul.f32 $1.442695020e+00, v63  }
0x254: {  	v4 =	vpop (erf);
	v6 =	vmul.f32 v8, v2;
	v7 =	vmul.f32 v12, v12;
	v12 =	vsub.f32 v14, v10  }
0x255: {  	v4 =	vmul.f32 v4, v0;
	vm8 =	vle.f32 v8, v1;
	(erf) = vpow2.f32 v11  }
0x256: {  	v15 =	vsub.f32 v15, v9;
	v8 =	vpop (erf);
	(erf) = vpow2.f32 v13;
	v14 =	vmul.f32 v12, v12  }
0x257: {  	s3 =	simm.s32 $0x400;
	v10 =	vmul.f32 v7, v2;
	v12 =	vmul.f32 $1.442695020e+00, v6;
	vm3 =	vle.f32 v7, v1  }
0x258: {  	s16 =	simm.s32 $0x1800;
	v9 =	vld [tilespmem:s3+$0xC270];
	v6 =	vpop (erf);
	v7 =	vmul.f32 v15, v15;
	v11 =	vmul.f32 v14, v2;
	vm9 =	vle.f32 v14, v1  }
.LBB2_11:
0x259: {  	v10 =	vmul.f32 $1.442695020e+00, v10;
	(erf) = vpow2.f32 v12;
	v5 =	vnsel vm2, $0x0, v5  }
0x25a: {  	p1 =	sne.s32 s16, $0xF800;
	v13 =	vld [tilespmem:s3+$0x10270];
	v12 =	vpop (erf);
	vm2 =	vmmov vm8;
	vm10 =	vmmov vm0;
	vm0 =	vmmov vm9  }
0x25b: {  	v14 =	vld [tilespmem:s3+$0xC200];
	v15 =	vmul.f32 v7, v2;
	vm8 =	vle.f32 v7, v1;
	v7 =	vmul.f32 v12, v0;
	[tilespmem:s0+$0x14430] =	vst v5  }
0x25c: {  	vm9 =	vle.f32 v3, v1;
	v16 =	vmul.f32 $1.442695020e+00, v11;
	v5 =	vld [tilespmem:s3+$0x10200];
	(erf) = vpow2.f32 v10  }
0x25d: {  	v8 =	vmul.f32 v8, v0;
	v10 =	vld [tilespmem:s3+$0xC210];
	v3 =	vmul.f32 $1.442695020e+00, v15;
	v7 =	vnsel vm9, $0x0, v7;
	v12 =	vpop (erf)  }
0x25e: {  	v4 =	vnsel vm5, $0x0, v4;
	v15 =	vld [tilespmem:s3+$0x10210];
	v12 =	vmul.f32 v12, v0;
	[tilespmem:s29+$0x14470] =	vst v7;
	(erf) = vpow2.f32 v16  }
0x25f: {  	v7 =	vld [tilespmem:s3+$0xC220];
	v16 =	vsub.f32 v9, v13;
	v11 =	vpop (erf);
	(erf) = vpow2.f32 v3;
	[tilespmem:s0+$0x14440] =	vst v4;
	v4 =	vmul.f32 v6, v0  }
0x260: {  	v8 =	vnsel vm10, $0x0, v8;
	v6 =	vld [tilespmem:s3+$0x10220];
	v12 =	vnsel vm7, $0x0, v12;
	v11 =	vmul.f32 v11, v0  }
0x261: {  	v17 =	vsub.f32 v14, v5;
	v13 =	vld [tilespmem:s3+$0xC230];
	v3 =	vmul.f32 v16, v16;
	[tilespmem:s29+$0x14400] =	vst v12;
	v9 =	vpop (erf);
	v4 =	vnsel vm1, $0x0, v4  }
0x262: {  	vm1 =	vmmov vm8;
	v12 =	vld [tilespmem:s3+$0x10230];
	v11 =	vnsel vm6, $0x0, v11;
	v9 =	vmul.f32 v9, v0;
	[tilespmem:s0+$0x14450] =	vst v8  }
0x263: {  	v8 =	vmul.f32 v17, v17;
	v10 =	vsub.f32 v10, v15;
	v14 =	vld [tilespmem:s3+$0xC240];
	v15 =	vmul.f32 v3, v2;
	[tilespmem:s29+$0x14410] =	vst v11;
	v5 =	vpop (erf)  }
0x264: {  	vm5 =	vmmov vm3;
	v11 =	vld [tilespmem:s3+$0x10240];
	v9 =	vnsel vm4, $0x0, v9;
	v5 =	vmul.f32 v5, v0;
	[tilespmem:s0+$0x14460] =	vst v4;
	s0 =	smov.u32 s29;
	s29 =	smov.u32 s3  }
0x265: {  	v10 =	vmul.f32 v10, v10;
	v19 =	vsub.f32 v7, v6;
	v7 =	vld [tilespmem:s29+$0xC250];
	v15 =	vmul.f32 $1.442695020e+00, v15;
	[tilespmem:s0+$0x14420] =	vst v9;
	v4 =	vpop (erf)  }
0x266: {  	v9 =	vmul.f32 v8, v2;
	vm7 =	vle.f32 v8, v1;
	v16 =	vld [tilespmem:s29+$0x10250];
	v4 =	vmul.f32 v4, v0  }
0x267: {  	v17 =	vmul.f32 v19, v19;
	v12 =	vsub.f32 v13, v12;
	v13 =	vld [tilespmem:s29+$0xC260];
	(erf) = vpow2.f32 v15;
	v8 =	vpop (erf)  }
0x268: {  	v9 =	vmul.f32 $1.442695020e+00, v9;
	v15 =	vmul.f32 v10, v2;
	vm6 =	vle.f32 v10, v1;
	v18 =	vld [tilespmem:s29+$0x10260];
	v6 =	vpop (erf)  }
0x269: {  	v10 =	vmul.f32 v17, v2;
	v12 =	vmul.f32 v12, v12;
	v11 =	vsub.f32 v14, v11  }
0x26a: {  	v14 =	vmul.f32 $1.442695020e+00, v15;
	vm4 =	vle.f32 v17, v1;
	(erf) = vpow2.f32 v9  }
.Ltmp4:
0x26b: {  	v9 =	vmul.f32 v12, v2;
	v11 =	vmul.f32 v11, v11;
	v7 =	vsub.f32 v7, v16;
	(pc) =	sbr.rel @p1 .LBB2_11-.Ltmp4, $4  }
0x26c: {  	v15 =	vmul.f32 $1.442695020e+00, v10;
	vm8 =	vle.f32 v12, v1;
	(erf) = vpow2.f32 v14  }
0x26d: {  	v10 =	vmul.f32 v11, v2;
	v7 =	vmul.f32 v7, v7;
	v13 =	vsub.f32 v13, v18  }
0x26e: {  	s3 =	sshra.s32 s16, $0x2;
	v12 =	vmul.f32 $1.442695020e+00, v9;
	vm3 =	vle.f32 v11, v1;
	(erf) = vpow2.f32 v15  }
0x26f: {  	s16 =	sadd.s32 $0x800, s16;
	v9 =	vld [tilespmem:s3+$0xC270];
	v11 =	vmul.f32 v7, v2;
	vm9 =	vle.f32 v7, v1;
	v7 =	vmul.f32 v13, v13  }
0x270: {  	v13 =	vld [tilespmem:s3+$0x10270];
	v5 =	vnsel vm2, $0x0, v5;
	v15 =	vpop (erf)  }
0x271: {  	v14 =	vld [tilespmem:s3+$0xC200];
	[tilespmem:s0+$0x14430] =	vst v5;
	v5 =	vmul.f32 v15, v0  }
0x272: {  	vm2 =	vle.f32 v3, v1  }
0x273: {  	v5 =	vnsel vm2, $0x0, v5  }
0x274: {  	v15 =	vld [tilespmem:s3+$0x10200]  }
0x275: {  	v3 =	vld [tilespmem:s3+$0xC210]  }
0x276: {  	v16 =	vld [tilespmem:s3+$0x10210];
	[tilespmem:s29+$0x14470] =	vst v5;
	v5 =	vpop (erf)  }
0x277: {  	v4 =	vnsel vm5, $0x0, v4;
	v5 =	vmul.f32 v5, v0  }
0x278: {  	v8 =	vmul.f32 v8, v0;
	v17 =	vld [tilespmem:s3+$0xC220];
	[tilespmem:s0+$0x14440] =	vst v4  }
0x279: {  	(erf) = vpow2.f32 v12;
	vm0 =	vmmov vm0;
	v4 =	vld [tilespmem:s3+$0x10220];
	v18 =	vpop (erf);
	v5 =	vnsel vm7, $0x0, v5  }
0x27a: {  	v8 =	vnsel vm0, $0x0, v8;
	v12 =	vld [tilespmem:s3+$0xC230];
	[tilespmem:s29+$0x14400] =	vst v5;
	v5 =	vmul.f32 v18, v0  }
0x27b: {  	v10 =	vmul.f32 $1.442695020e+00, v10;
	v6 =	vmul.f32 v6, v0;
	v56 =	vld [tilespmem:s3+$0x10230];
	[tilespmem:s0+$0x14450] =	vst v8;
	v8 =	vsub.f32 v9, v13  }
0x27c: {  	v11 =	vmul.f32 $1.442695020e+00, v11;
	v13 =	vmul.f32 v7, v2;
	v5 =	vnsel vm6, $0x0, v5  }
0x27d: {  	v19 =	vpop (erf);
	(erf) = vpow2.f32 v10;
	v9 =	vld [tilespmem:s3+$0xC240];
	[tilespmem:s29+$0x14410] =	vst v5;
	v5 =	vmul.f32 v8, v8  }
0x27e: {  	v8 =	vmul.f32 v19, v0;
	v10 =	vmul.f32 $1.442695020e+00, v13;
	v13 =	vsub.f32 v14, v15  }
0x27f: {  	v6 =	vnsel vm1, $0x0, v6;
	v3 =	vsub.f32 v3, v16  }
0x280: {  	(erf) = vpow2.f32 v11;
	v57 =	vld [tilespmem:s3+$0x10240];
	[tilespmem:s0+$0x14460] =	vst v6;
	v6 =	vmul.f32 v5, v2;
	v8 =	vnsel vm4, $0x0, v8  }
0x281: {  	v11 =	vld [tilespmem:s3+$0xC250];
	(erf) = vpow2.f32 v10;
	v10 =	vmul.f32 v13, v13;
	[tilespmem:s29+$0x14420] =	vst v8  }
0x282: {  	v3 =	vmul.f32 v3, v3;
	v13 =	vpop (erf);
	v6 =	vmul.f32 $1.442695020e+00, v6;
	v15 =	vld [tilespmem:s3+$0xC260]  }
0x283: {  	v4 =	vsub.f32 v17, v4;
	v14 =	vmul.f32 v10, v2;
	v8 =	vmul.f32 v13, v0;
	v13 =	vld [tilespmem:s3+$0x10250]  }
0x284: {  	v58 =	vmul.f32 v3, v2;
	v12 =	vsub.f32 v12, v56;
	(erf) = vpow2.f32 v6;
	v6 =	vld [tilespmem:s3+$0x10260]  }
0x285: {  	v4 =	vmul.f32 v4, v4;
	v14 =	vmul.f32 $1.442695020e+00, v14  }
0x286: {  	v16 =	vmul.f32 $1.442695020e+00, v58;
	v12 =	vmul.f32 v12, v12;
	v9 =	vsub.f32 v9, v57  }
0x287: {  	v59 =	vmul.f32 v4, v2;
	(erf) = vpow2.f32 v14  }
0x288: {  	v14 =	vmul.f32 v12, v2;
	v9 =	vmul.f32 v9, v9  }
0x289: {  	(erf) = vpow2.f32 v16;
	v11 =	vsub.f32 v11, v13;
	v6 =	vsub.f32 v15, v6  }
0x28a: {  	v13 =	vmul.f32 $1.442695020e+00, v59;
	v14 =	vmul.f32 $1.442695020e+00, v14  }
0x28b: {  	v11 =	vmul.f32 v11, v11;
	v6 =	vmul.f32 v6, v6  }
0x28c: {  	v15 =	vmul.f32 v9, v2;
	(erf) = vpow2.f32 v13  }
0x28d: {  	v13 =	vmul.f32 v11, v2;
	v2 =	vmul.f32 v6, v2;
	_ =	sdelay $0x1  }
0x28e: {  	vm0 =	vle.f32 v7, v1;
	v7 =	vpop (erf);
	v15 =	vmul.f32 $1.442695020e+00, v15;
	v2 =	vmul.f32 $1.442695020e+00, v2  }
0x28f: {  	v60 =	vpop (erf);
	(erf) = vpow2.f32 v14;
	v13 =	vmul.f32 $1.442695020e+00, v13  }
0x290: {  	v14 =	vpop (erf);
	(erf) = vpow2.f32 v15  }
0x291: {  	vm4 =	vle.f32 v10, v1;
	v10 =	vpop (erf);
	(erf) = vpow2.f32 v13  }
0x292: {  	vm2 =	vmmov vm8;
	vm5 =	vle.f32 v3, v1;
	(erf) = vpow2.f32 v2;
	v2 =	vpop (erf)  }
0x293: {  	vm6 =	vle.f32 v4, v1;
	v3 =	vmul.f32 v10, v0;
	v2 =	vmul.f32 v2, v0  }
0x294: {  	v7 =	vmul.f32 v7, v0;
	v4 =	vnsel vm2, $0x0, v8;
	vm2 =	vle.f32 v5, v1  }
0x295: {  	vm3 =	vmmov vm3;
	[tilespmem:s29+$0x14430] =	vst v4;
	v3 =	vnsel vm2, $0x0, v3;
	v2 =	vnsel vm4, $0x0, v2  }
0x296: {  	vm1 =	vmmov vm9;
	v5 =	vmul.f32 v60, v0;
	[tilespmem:s3+$0x14470] =	vst v3;
	v3 =	vnsel vm3, $0x0, v7  }
0x297: {  	vm1 =	vmmov vm1;
	[tilespmem:s29+$0x14440] =	vst v3;
	v4 =	vpop (erf)  }
0x298: {  	v5 =	vnsel vm1, $0x0, v5;
	v3 =	vmul.f32 v4, v0;
	v4 =	vmul.f32 v14, v0;
	[tilespmem:s3+$0x14400] =	vst v2;
	v2 =	vpop (erf)  }
0x299: {  	vm0 =	vmmov vm0;
	vm7 =	vle.f32 v12, v1;
	v2 =	vmul.f32 v2, v0  }
0x29a: {  	vm2 =	vle.f32 v9, v1;
	vm3 =	vle.f32 v11, v1;
	v4 =	vnsel vm0, $0x0, v4  }
0x29b: {  	v3 =	vnsel vm5, $0x0, v3;
	vm0 =	vle.f32 v6, v1;
	[tilespmem:s29+$0x14450] =	vst v5;
	v5 =	vpop (erf);
	v1 =	vnsel vm6, $0x0, v2  }
0x29c: {  	[tilespmem:s3+$0x14410] =	vst v3;
	v3 =	vmul.f32 v5, v0;
	v5 =	vpop (erf)  }
0x29d: {  	vm1 =	vmmov vm7;
	vm2 =	vmmov vm2;
	[tilespmem:s29+$0x14460] =	vst v4;
	v2 =	vmul.f32 v5, v0;
	v4 =	vpop (erf)  }
0x29e: {  	vm3 =	vmmov vm3;
	[tilespmem:s3+$0x14420] =	vst v1;
	v3 =	vnsel vm1, $0x0, v3;
	v4 =	vmul.f32 v4, v0;
	v1 =	vpop (erf)  }
0x29f: {  	vm1 =	vmmov vm3;
	[tilespmem:s3+$0x14430] =	vst v3;
	v2 =	vnsel vm2, $0x0, v2;
	v0 =	vmul.f32 v1, v0  }
0x2a0: {  	vm0 =	vmmov vm0;
	[tilespmem:s3+$0x14440] =	vst v2;
	v1 =	vnsel vm1, $0x0, v4  }
0x2a1: {  	[tilespmem:s3+$0x14450] =	vst v1;
	v0 =	vnsel vm0, $0x0, v0  }
0x2a2: {  	[tilespmem:s3+$0x14460] =	vst v0  }
0x2a3: {  	s0 =	simm.s32 $0x0;
	v0 =	vld [tilespmem:$0x14280]  }
0x2a4: {  	v1 =	vld [tilespmem:s0+$0xC2F0]  }
0x2a5: {  	v2 =	vld [tilespmem:s0+$0x102F0]  }
0x2a6: {  	v3 =	vld [tilespmem:s0+$0xC280]  }
0x2a7: {  	v4 =	vld [tilespmem:s0+$0x10280]  }
0x2a8: {  	v6 =	vld [tilespmem:s0+$0xC290]  }
0x2a9: {  	v7 =	vld [tilespmem:s0+$0x10290]  }
0x2aa: {  	v8 =	vld [tilespmem:s0+$0xC2A0];
	v5 =	vmul.f32 v0, v0;
	v1 =	vsub.f32 v1, v2  }
0x2ab: {  	v10 =	vld [tilespmem:s0+$0x102B0]  }
0x2ac: {  	v2 =	vsub.f32 $0.0e+00, v5;
	v9 =	vmul.f32 v1, v1;
	(erf) = vrcp.f32 v5;
	v1 =	vld [tilespmem:s0+$0x102A0]  }
0x2ad: {  	v3 =	vsub.f32 v3, v4;
	v4 =	vld [tilespmem:s0+$0xC2B0]  }
0x2ae: {  	v5 =	vmul.f32 v9, v2  }
0x2af: {  	v11 =	vld [tilespmem:s0+$0x102C0];
	v3 =	vmul.f32 v3, v3  }
0x2b0: {  	v6 =	vsub.f32 v6, v7;
	v7 =	vld [tilespmem:s0+$0xC2C0];
	v5 =	vmul.f32 $1.442695020e+00, v5  }
0x2b1: {  	v13 =	vld [tilespmem:s0+$0x102D0];
	v0 =	vmul.f32 $5.641896130e-01, v0;
	v12 =	vmul.f32 v3, v2;
	v1 =	vsub.f32 v8, v1  }
0x2b2: {  	v4 =	vsub.f32 v4, v10;
	v8 =	vld [tilespmem:s0+$0xC2D0];
	(erf) = vpow2.f32 v5;
	v5 =	vmul.f32 v6, v6  }
0x2b3: {  	v6 =	vmul.f32 $1.442695020e+00, v12;
	v10 =	vmul.f32 v1, v1  }
0x2b4: {  	v4 =	vmul.f32 v4, v4;
	v12 =	vmul.f32 v5, v2  }
0x2b5: {  	v7 =	vsub.f32 v7, v11;
	(erf) = vpow2.f32 v6;
	v1 =	vpop (erf);
	v14 =	vmul.f32 v10, v2  }
0x2b6: {  	v6 =	vld [tilespmem:s0+$0xC2E0];
	v1 =	vmul.f32 $9.000000000e+00, v1;
	v11 =	vmul.f32 $1.442695020e+00, v12  }
0x2b7: {  	s29 =	simm.s32 $0x200;
	v7 =	vmul.f32 v7, v7;
	v15 =	vmul.f32 v4, v2;
	v12 =	vld [tilespmem:s0+$0x102E0];
	v8 =	vsub.f32 v8, v13  }
0x2b8: {  	v62 =	vld [tilespmem:s29+$0xC280];
	(erf) = vpow2.f32 v11;
	vm0 =	vle.f32 v3, v1;
	v3 =	vmul.f32 $1.442695020e+00, v14  }
0x2b9: {  	v15 =	vmul.f32 $1.442695020e+00, v15;
	v13 =	vmul.f32 v7, v2;
	v11 =	vld [tilespmem:s29+$0xC2F0]  }
0x2ba: {  	v14 =	vld [tilespmem:s29+$0x102F0];
	vm1 =	vle.f32 v5, v1;
	v8 =	vmul.f32 v8, v8;
	(erf) = vpow2.f32 v3  }
0x2bb: {  	v5 =	vld [tilespmem:s29+$0x10280];
	vm2 =	vle.f32 v9, v1;
	vm3 =	vle.f32 v10, v1;
	vm4 =	vle.f32 v7, v1;
	v61 =	vpop (erf)  }
0x2bc: {  	v10 =	vmul.f32 v8, v2;
	v6 =	vsub.f32 v6, v12;
	v3 =	vmul.f32 v61, v0  }
0x2bd: {  	v9 =	vld [tilespmem:s29+$0xC290];
	vm5 =	vle.f32 v8, v1;
	v12 =	vmul.f32 $1.442695020e+00, v13;
	(erf) = vpow2.f32 v15  }
0x2be: {  	v13 =	vld [tilespmem:s29+$0x10290];
	v10 =	vmul.f32 $1.442695020e+00, v10;
	v6 =	vmul.f32 v6, v6;
	v15 =	vpop (erf);
	v3 =	vnsel vm2, $0x0, v3  }
0x2bf: {  	(erf) = vpow2.f32 v12;
	v11 =	vsub.f32 v11, v14;
	[tilespmem:s0+$0x144F0] =	vst v3;
	v3 =	vmul.f32 v15, v0  }
0x2c0: {  	v5 =	vsub.f32 v62, v5;
	vm2 =	vle.f32 v4, v1;
	v8 =	vmul.f32 v6, v2;
	v4 =	vld [tilespmem:s29+$0xC2A0]  }
0x2c1: {  	(erf) = vpow2.f32 v10;
	v7 =	vld [tilespmem:s29+$0x102A0];
	v12 =	vpop (erf);
	v3 =	vnsel vm0, $0x0, v3;
	vm0 =	vmmov vm5  }
0x2c2: {  	vm5 =	vle.f32 v6, v1;
	v6 =	vmul.f32 $1.442695020e+00, v8;
	v12 =	vmul.f32 v12, v0  }
0x2c3: {  	vm2 =	vmmov vm2;
	v15 =	vld [tilespmem:s29+$0xC2B0];
	v9 =	vsub.f32 v9, v13;
	[tilespmem:s0+$0x14480] =	vst v3;
	v3 =	vmul.f32 v11, v11;
	v10 =	vpop (erf)  }
0x2c4: {  	v8 =	vld [tilespmem:s29+$0x102B0];
	(erf) = vpow2.f32 v6;
	v11 =	vnsel vm1, $0x0, v12;
	v6 =	vmul.f32 v10, v0  }
0x2c5: {  	v9 =	vmul.f32 v9, v9;
	v12 =	vld [tilespmem:s29+$0xC2C0];
	vm1 =	vmmov vm5;
	[tilespmem:s0+$0x14490] =	vst v11;
	v11 =	vmul.f32 v3, v2  }
0x2c6: {  	v10 =	vmul.f32 v5, v5;
	v5 =	vpop (erf);
	v7 =	vsub.f32 v4, v7;
	v13 =	vld [tilespmem:s29+$0x102C0];
	v6 =	vnsel vm3, $0x0, v6  }
0x2c7: {  	vm5 =	vmmov vm4;
	v5 =	vmul.f32 v5, v0;
	v14 =	vld [tilespmem:s29+$0xC2D0];
	v11 =	vmul.f32 $1.442695020e+00, v11;
	[tilespmem:s0+$0x144A0] =	vst v6  }
0x2c8: {  	vm7 =	vle.f32 v10, v1;
	v6 =	vmul.f32 v10, v2;
	v7 =	vmul.f32 v7, v7;
	v10 =	vld [tilespmem:s29+$0x102D0]  }
0x2c9: {  	v8 =	vsub.f32 v15, v8;
	v15 =	vld [tilespmem:s29+$0xC2E0];
	(erf) = vpow2.f32 v11;
	v11 =	vmul.f32 v9, v2  }
0x2ca: {  	vm6 =	vle.f32 v9, v1;
	v6 =	vmul.f32 $1.442695020e+00, v6;
	v9 =	vld [tilespmem:s29+$0x102E0];
	v63 =	vmul.f32 v7, v2  }
0x2cb: {  	v8 =	vmul.f32 v8, v8;
	v12 =	vsub.f32 v12, v13;
	v11 =	vmul.f32 $1.442695020e+00, v11  }
0x2cc: {  	vm4 =	vle.f32 v7, v1;
	(erf) = vpow2.f32 v6;
	v13 =	vmul.f32 $1.442695020e+00, v63  }
0x2cd: {  	v4 =	vpop (erf);
	v6 =	vmul.f32 v8, v2;
	v7 =	vmul.f32 v12, v12;
	v12 =	vsub.f32 v14, v10  }
0x2ce: {  	v4 =	vmul.f32 v4, v0;
	vm8 =	vle.f32 v8, v1;
	(erf) = vpow2.f32 v11  }
0x2cf: {  	v15 =	vsub.f32 v15, v9;
	v8 =	vpop (erf);
	(erf) = vpow2.f32 v13;
	v14 =	vmul.f32 v12, v12  }
0x2d0: {  	s3 =	simm.s32 $0x400;
	v10 =	vmul.f32 v7, v2;
	v12 =	vmul.f32 $1.442695020e+00, v6;
	vm3 =	vle.f32 v7, v1  }
0x2d1: {  	s16 =	simm.s32 $0x1800;
	v9 =	vld [tilespmem:s3+$0xC2F0];
	v6 =	vpop (erf);
	v7 =	vmul.f32 v15, v15;
	v11 =	vmul.f32 v14, v2;
	vm9 =	vle.f32 v14, v1  }
.LBB2_13:
0x2d2: {  	v10 =	vmul.f32 $1.442695020e+00, v10;
	(erf) = vpow2.f32 v12;
	v5 =	vnsel vm2, $0x0, v5  }
0x2d3: {  	p1 =	sne.s32 s16, $0xF800;
	v13 =	vld [tilespmem:s3+$0x102F0];
	v12 =	vpop (erf);
	vm2 =	vmmov vm8;
	vm10 =	vmmov vm0;
	vm0 =	vmmov vm9  }
0x2d4: {  	v14 =	vld [tilespmem:s3+$0xC280];
	v15 =	vmul.f32 v7, v2;
	vm8 =	vle.f32 v7, v1;
	v7 =	vmul.f32 v12, v0;
	[tilespmem:s0+$0x144B0] =	vst v5  }
0x2d5: {  	vm9 =	vle.f32 v3, v1;
	v16 =	vmul.f32 $1.442695020e+00, v11;
	v5 =	vld [tilespmem:s3+$0x10280];
	(erf) = vpow2.f32 v10  }
0x2d6: {  	v8 =	vmul.f32 v8, v0;
	v10 =	vld [tilespmem:s3+$0xC290];
	v3 =	vmul.f32 $1.442695020e+00, v15;
	v7 =	vnsel vm9, $0x0, v7;
	v12 =	vpop (erf)  }
0x2d7: {  	v4 =	vnsel vm5, $0x0, v4;
	v15 =	vld [tilespmem:s3+$0x10290];
	v12 =	vmul.f32 v12, v0;
	[tilespmem:s29+$0x144F0] =	vst v7;
	(erf) = vpow2.f32 v16  }
0x2d8: {  	v7 =	vld [tilespmem:s3+$0xC2A0];
	v16 =	vsub.f32 v9, v13;
	v11 =	vpop (erf);
	(erf) = vpow2.f32 v3;
	[tilespmem:s0+$0x144C0] =	vst v4;
	v4 =	vmul.f32 v6, v0  }
0x2d9: {  	v8 =	vnsel vm10, $0x0, v8;
	v6 =	vld [tilespmem:s3+$0x102A0];
	v12 =	vnsel vm7, $0x0, v12;
	v11 =	vmul.f32 v11, v0  }
0x2da: {  	v17 =	vsub.f32 v14, v5;
	v13 =	vld [tilespmem:s3+$0xC2B0];
	v3 =	vmul.f32 v16, v16;
	[tilespmem:s29+$0x14480] =	vst v12;
	v9 =	vpop (erf);
	v4 =	vnsel vm1, $0x0, v4  }
0x2db: {  	vm1 =	vmmov vm8;
	v12 =	vld [tilespmem:s3+$0x102B0];
	v11 =	vnsel vm6, $0x0, v11;
	v9 =	vmul.f32 v9, v0;
	[tilespmem:s0+$0x144D0] =	vst v8  }
0x2dc: {  	v8 =	vmul.f32 v17, v17;
	v10 =	vsub.f32 v10, v15;
	v14 =	vld [tilespmem:s3+$0xC2C0];
	v15 =	vmul.f32 v3, v2;
	[tilespmem:s29+$0x14490] =	vst v11;
	v5 =	vpop (erf)  }
0x2dd: {  	vm5 =	vmmov vm3;
	v11 =	vld [tilespmem:s3+$0x102C0];
	v9 =	vnsel vm4, $0x0, v9;
	v5 =	vmul.f32 v5, v0;
	[tilespmem:s0+$0x144E0] =	vst v4;
	s0 =	smov.u32 s29;
	s29 =	smov.u32 s3  }
0x2de: {  	v10 =	vmul.f32 v10, v10;
	v19 =	vsub.f32 v7, v6;
	v7 =	vld [tilespmem:s29+$0xC2D0];
	v15 =	vmul.f32 $1.442695020e+00, v15;
	[tilespmem:s0+$0x144A0] =	vst v9;
	v4 =	vpop (erf)  }
0x2df: {  	v9 =	vmul.f32 v8, v2;
	vm7 =	vle.f32 v8, v1;
	v16 =	vld [tilespmem:s29+$0x102D0];
	v4 =	vmul.f32 v4, v0  }
0x2e0: {  	v17 =	vmul.f32 v19, v19;
	v12 =	vsub.f32 v13, v12;
	v13 =	vld [tilespmem:s29+$0xC2E0];
	(erf) = vpow2.f32 v15;
	v8 =	vpop (erf)  }
0x2e1: {  	v9 =	vmul.f32 $1.442695020e+00, v9;
	v15 =	vmul.f32 v10, v2;
	vm6 =	vle.f32 v10, v1;
	v18 =	vld [tilespmem:s29+$0x102E0];
	v6 =	vpop (erf)  }
0x2e2: {  	v10 =	vmul.f32 v17, v2;
	v12 =	vmul.f32 v12, v12;
	v11 =	vsub.f32 v14, v11  }
0x2e3: {  	v14 =	vmul.f32 $1.442695020e+00, v15;
	vm4 =	vle.f32 v17, v1;
	(erf) = vpow2.f32 v9  }
.Ltmp5:
0x2e4: {  	v9 =	vmul.f32 v12, v2;
	v11 =	vmul.f32 v11, v11;
	v7 =	vsub.f32 v7, v16;
	(pc) =	sbr.rel @p1 .LBB2_13-.Ltmp5, $4  }
0x2e5: {  	v15 =	vmul.f32 $1.442695020e+00, v10;
	vm8 =	vle.f32 v12, v1;
	(erf) = vpow2.f32 v14  }
0x2e6: {  	v10 =	vmul.f32 v11, v2;
	v7 =	vmul.f32 v7, v7;
	v13 =	vsub.f32 v13, v18  }
0x2e7: {  	s3 =	sshra.s32 s16, $0x2;
	v12 =	vmul.f32 $1.442695020e+00, v9;
	vm3 =	vle.f32 v11, v1;
	(erf) = vpow2.f32 v15  }
0x2e8: {  	s16 =	sadd.s32 $0x800, s16;
	v9 =	vld [tilespmem:s3+$0xC2F0];
	v11 =	vmul.f32 v7, v2;
	vm9 =	vle.f32 v7, v1;
	v7 =	vmul.f32 v13, v13  }
0x2e9: {  	v13 =	vld [tilespmem:s3+$0x102F0];
	v5 =	vnsel vm2, $0x0, v5;
	v15 =	vpop (erf)  }
0x2ea: {  	v14 =	vld [tilespmem:s3+$0xC280];
	[tilespmem:s0+$0x144B0] =	vst v5;
	v5 =	vmul.f32 v15, v0  }
0x2eb: {  	vm2 =	vle.f32 v3, v1  }
0x2ec: {  	v5 =	vnsel vm2, $0x0, v5  }
0x2ed: {  	v15 =	vld [tilespmem:s3+$0x10280]  }
0x2ee: {  	v3 =	vld [tilespmem:s3+$0xC290]  }
0x2ef: {  	v16 =	vld [tilespmem:s3+$0x10290];
	[tilespmem:s29+$0x144F0] =	vst v5;
	v5 =	vpop (erf)  }
0x2f0: {  	v4 =	vnsel vm5, $0x0, v4;
	v5 =	vmul.f32 v5, v0  }
0x2f1: {  	v8 =	vmul.f32 v8, v0;
	v17 =	vld [tilespmem:s3+$0xC2A0];
	[tilespmem:s0+$0x144C0] =	vst v4  }
0x2f2: {  	(erf) = vpow2.f32 v12;
	vm0 =	vmmov vm0;
	v4 =	vld [tilespmem:s3+$0x102A0];
	v18 =	vpop (erf);
	v5 =	vnsel vm7, $0x0, v5  }
0x2f3: {  	v8 =	vnsel vm0, $0x0, v8;
	v12 =	vld [tilespmem:s3+$0xC2B0];
	[tilespmem:s29+$0x14480] =	vst v5;
	v5 =	vmul.f32 v18, v0  }
0x2f4: {  	v10 =	vmul.f32 $1.442695020e+00, v10;
	v6 =	vmul.f32 v6, v0;
	v56 =	vld [tilespmem:s3+$0x102B0];
	[tilespmem:s0+$0x144D0] =	vst v8;
	v8 =	vsub.f32 v9, v13  }
0x2f5: {  	v11 =	vmul.f32 $1.442695020e+00, v11;
	v13 =	vmul.f32 v7, v2;
	v5 =	vnsel vm6, $0x0, v5  }
0x2f6: {  	v19 =	vpop (erf);
	(erf) = vpow2.f32 v10;
	v9 =	vld [tilespmem:s3+$0xC2C0];
	[tilespmem:s29+$0x14490] =	vst v5;
	v5 =	vmul.f32 v8, v8  }
0x2f7: {  	v8 =	vmul.f32 v19, v0;
	v10 =	vmul.f32 $1.442695020e+00, v13;
	v13 =	vsub.f32 v14, v15  }
0x2f8: {  	v6 =	vnsel vm1, $0x0, v6;
	v3 =	vsub.f32 v3, v16  }
0x2f9: {  	(erf) = vpow2.f32 v11;
	v57 =	vld [tilespmem:s3+$0x102C0];
	[tilespmem:s0+$0x144E0] =	vst v6;
	v6 =	vmul.f32 v5, v2;
	v8 =	vnsel vm4, $0x0, v8  }
0x2fa: {  	v11 =	vld [tilespmem:s3+$0xC2D0];
	(erf) = vpow2.f32 v10;
	v10 =	vmul.f32 v13, v13;
	[tilespmem:s29+$0x144A0] =	vst v8  }
0x2fb: {  	v3 =	vmul.f32 v3, v3;
	v13 =	vpop (erf);
	v6 =	vmul.f32 $1.442695020e+00, v6;
	v15 =	vld [tilespmem:s3+$0xC2E0]  }
0x2fc: {  	v4 =	vsub.f32 v17, v4;
	v14 =	vmul.f32 v10, v2;
	v8 =	vmul.f32 v13, v0;
	v13 =	vld [tilespmem:s3+$0x102D0]  }
0x2fd: {  	v58 =	vmul.f32 v3, v2;
	v12 =	vsub.f32 v12, v56;
	(erf) = vpow2.f32 v6;
	v6 =	vld [tilespmem:s3+$0x102E0]  }
0x2fe: {  	v4 =	vmul.f32 v4, v4;
	v14 =	vmul.f32 $1.442695020e+00, v14  }
0x2ff: {  	v16 =	vmul.f32 $1.442695020e+00, v58;
	v12 =	vmul.f32 v12, v12;
	v9 =	vsub.f32 v9, v57  }
0x300: {  	v59 =	vmul.f32 v4, v2;
	(erf) = vpow2.f32 v14  }
0x301: {  	v14 =	vmul.f32 v12, v2;
	v9 =	vmul.f32 v9, v9  }
0x302: {  	(erf) = vpow2.f32 v16;
	v11 =	vsub.f32 v11, v13;
	v6 =	vsub.f32 v15, v6  }
0x303: {  	v13 =	vmul.f32 $1.442695020e+00, v59;
	v14 =	vmul.f32 $1.442695020e+00, v14  }
0x304: {  	v11 =	vmul.f32 v11, v11;
	v6 =	vmul.f32 v6, v6  }
0x305: {  	v15 =	vmul.f32 v9, v2;
	(erf) = vpow2.f32 v13  }
0x306: {  	v13 =	vmul.f32 v11, v2;
	v2 =	vmul.f32 v6, v2;
	_ =	sdelay $0x1  }
0x307: {  	vm0 =	vle.f32 v7, v1;
	v7 =	vpop (erf);
	v15 =	vmul.f32 $1.442695020e+00, v15;
	v2 =	vmul.f32 $1.442695020e+00, v2  }
0x308: {  	v60 =	vpop (erf);
	(erf) = vpow2.f32 v14;
	v13 =	vmul.f32 $1.442695020e+00, v13  }
0x309: {  	v14 =	vpop (erf);
	(erf) = vpow2.f32 v15  }
0x30a: {  	vm4 =	vle.f32 v10, v1;
	v10 =	vpop (erf);
	(erf) = vpow2.f32 v13  }
0x30b: {  	vm2 =	vmmov vm8;
	vm5 =	vle.f32 v3, v1;
	(erf) = vpow2.f32 v2;
	v2 =	vpop (erf)  }
0x30c: {  	vm6 =	vle.f32 v4, v1;
	v3 =	vmul.f32 v10, v0;
	v2 =	vmul.f32 v2, v0  }
0x30d: {  	v7 =	vmul.f32 v7, v0;
	v4 =	vnsel vm2, $0x0, v8;
	vm2 =	vle.f32 v5, v1  }
0x30e: {  	vm3 =	vmmov vm3;
	[tilespmem:s29+$0x144B0] =	vst v4;
	v3 =	vnsel vm2, $0x0, v3;
	v2 =	vnsel vm4, $0x0, v2  }
0x30f: {  	vm1 =	vmmov vm9;
	v5 =	vmul.f32 v60, v0;
	[tilespmem:s3+$0x144F0] =	vst v3;
	v3 =	vnsel vm3, $0x0, v7  }
0x310: {  	vm1 =	vmmov vm1;
	[tilespmem:s29+$0x144C0] =	vst v3;
	v4 =	vpop (erf)  }
0x311: {  	v5 =	vnsel vm1, $0x0, v5;
	v3 =	vmul.f32 v4, v0;
	v4 =	vmul.f32 v14, v0;
	[tilespmem:s3+$0x14480] =	vst v2;
	v2 =	vpop (erf)  }
0x312: {  	vm0 =	vmmov vm0;
	vm7 =	vle.f32 v12, v1;
	v2 =	vmul.f32 v2, v0  }
0x313: {  	vm2 =	vle.f32 v9, v1;
	vm3 =	vle.f32 v11, v1;
	v4 =	vnsel vm0, $0x0, v4  }
0x314: {  	v3 =	vnsel vm5, $0x0, v3;
	vm0 =	vle.f32 v6, v1;
	[tilespmem:s29+$0x144D0] =	vst v5;
	v5 =	vpop (erf);
	v1 =	vnsel vm6, $0x0, v2  }
0x315: {  	[tilespmem:s3+$0x14490] =	vst v3;
	v3 =	vmul.f32 v5, v0;
	v5 =	vpop (erf)  }
0x316: {  	vm1 =	vmmov vm7;
	vm2 =	vmmov vm2;
	[tilespmem:s29+$0x144E0] =	vst v4;
	v2 =	vmul.f32 v5, v0;
	v4 =	vpop (erf)  }
0x317: {  	vm3 =	vmmov vm3;
	[tilespmem:s3+$0x144A0] =	vst v1;
	v3 =	vnsel vm1, $0x0, v3;
	v4 =	vmul.f32 v4, v0;
	v1 =	vpop (erf)  }
0x318: {  	vm1 =	vmmov vm3;
	[tilespmem:s3+$0x144B0] =	vst v3;
	v2 =	vnsel vm2, $0x0, v2;
	v0 =	vmul.f32 v1, v0  }
0x319: {  	vm0 =	vmmov vm0;
	[tilespmem:s3+$0x144C0] =	vst v2;
	v1 =	vnsel vm1, $0x0, v4  }
0x31a: {  	[tilespmem:s3+$0x144D0] =	vst v1;
	v0 =	vnsel vm0, $0x0, v0  }
0x31b: {  	[tilespmem:s3+$0x144E0] =	vst v0  }
0x31c: {  	s0 =	simm.s32 $0x0;
	v0 =	vld [tilespmem:$0x14300]  }
0x31d: {  	v1 =	vld [tilespmem:s0+$0xC370]  }
0x31e: {  	v2 =	vld [tilespmem:s0+$0x10370]  }
0x31f: {  	v3 =	vld [tilespmem:s0+$0xC300]  }
0x320: {  	v4 =	vld [tilespmem:s0+$0x10300]  }
0x321: {  	v6 =	vld [tilespmem:s0+$0xC310]  }
0x322: {  	v7 =	vld [tilespmem:s0+$0x10310]  }
0x323: {  	v8 =	vld [tilespmem:s0+$0xC320];
	v5 =	vmul.f32 v0, v0;
	v1 =	vsub.f32 v1, v2  }
0x324: {  	v10 =	vld [tilespmem:s0+$0x10330]  }
0x325: {  	v2 =	vsub.f32 $0.0e+00, v5;
	v9 =	vmul.f32 v1, v1;
	(erf) = vrcp.f32 v5;
	v1 =	vld [tilespmem:s0+$0x10320]  }
0x326: {  	v3 =	vsub.f32 v3, v4;
	v4 =	vld [tilespmem:s0+$0xC330]  }
0x327: {  	v5 =	vmul.f32 v9, v2  }
0x328: {  	v11 =	vld [tilespmem:s0+$0x10340];
	v3 =	vmul.f32 v3, v3  }
0x329: {  	v6 =	vsub.f32 v6, v7;
	v7 =	vld [tilespmem:s0+$0xC340];
	v5 =	vmul.f32 $1.442695020e+00, v5  }
0x32a: {  	v13 =	vld [tilespmem:s0+$0x10350];
	v0 =	vmul.f32 $5.641896130e-01, v0;
	v12 =	vmul.f32 v3, v2;
	v1 =	vsub.f32 v8, v1  }
0x32b: {  	v4 =	vsub.f32 v4, v10;
	v8 =	vld [tilespmem:s0+$0xC350];
	(erf) = vpow2.f32 v5;
	v5 =	vmul.f32 v6, v6  }
0x32c: {  	v6 =	vmul.f32 $1.442695020e+00, v12;
	v10 =	vmul.f32 v1, v1  }
0x32d: {  	v4 =	vmul.f32 v4, v4;
	v12 =	vmul.f32 v5, v2  }
0x32e: {  	v7 =	vsub.f32 v7, v11;
	(erf) = vpow2.f32 v6;
	v1 =	vpop (erf);
	v14 =	vmul.f32 v10, v2  }
0x32f: {  	v6 =	vld [tilespmem:s0+$0xC360];
	v1 =	vmul.f32 $9.000000000e+00, v1;
	v11 =	vmul.f32 $1.442695020e+00, v12  }
0x330: {  	s29 =	simm.s32 $0x200;
	v7 =	vmul.f32 v7, v7;
	v15 =	vmul.f32 v4, v2;
	v12 =	vld [tilespmem:s0+$0x10360];
	v8 =	vsub.f32 v8, v13  }
0x331: {  	v62 =	vld [tilespmem:s29+$0xC300];
	(erf) = vpow2.f32 v11;
	vm0 =	vle.f32 v3, v1;
	v3 =	vmul.f32 $1.442695020e+00, v14  }
0x332: {  	v15 =	vmul.f32 $1.442695020e+00, v15;
	v13 =	vmul.f32 v7, v2;
	v11 =	vld [tilespmem:s29+$0xC370]  }
0x333: {  	v14 =	vld [tilespmem:s29+$0x10370];
	vm1 =	vle.f32 v5, v1;
	v8 =	vmul.f32 v8, v8;
	(erf) = vpow2.f32 v3  }
0x334: {  	v5 =	vld [tilespmem:s29+$0x10300];
	vm2 =	vle.f32 v9, v1;
	vm3 =	vle.f32 v10, v1;
	vm4 =	vle.f32 v7, v1;
	v61 =	vpop (erf)  }
0x335: {  	v10 =	vmul.f32 v8, v2;
	v6 =	vsub.f32 v6, v12;
	v3 =	vmul.f32 v61, v0  }
0x336: {  	v9 =	vld [tilespmem:s29+$0xC310];
	vm5 =	vle.f32 v8, v1;
	v12 =	vmul.f32 $1.442695020e+00, v13;
	(erf) = vpow2.f32 v15  }
0x337: {  	v13 =	vld [tilespmem:s29+$0x10310];
	v10 =	vmul.f32 $1.442695020e+00, v10;
	v6 =	vmul.f32 v6, v6;
	v15 =	vpop (erf);
	v3 =	vnsel vm2, $0x0, v3  }
0x338: {  	(erf) = vpow2.f32 v12;
	v11 =	vsub.f32 v11, v14;
	[tilespmem:s0+$0x14570] =	vst v3;
	v3 =	vmul.f32 v15, v0  }
0x339: {  	v5 =	vsub.f32 v62, v5;
	vm2 =	vle.f32 v4, v1;
	v8 =	vmul.f32 v6, v2;
	v4 =	vld [tilespmem:s29+$0xC320]  }
0x33a: {  	(erf) = vpow2.f32 v10;
	v7 =	vld [tilespmem:s29+$0x10320];
	v12 =	vpop (erf);
	v3 =	vnsel vm0, $0x0, v3;
	vm0 =	vmmov vm5  }
0x33b: {  	vm5 =	vle.f32 v6, v1;
	v6 =	vmul.f32 $1.442695020e+00, v8;
	v12 =	vmul.f32 v12, v0  }
0x33c: {  	vm2 =	vmmov vm2;
	v15 =	vld [tilespmem:s29+$0xC330];
	v9 =	vsub.f32 v9, v13;
	[tilespmem:s0+$0x14500] =	vst v3;
	v3 =	vmul.f32 v11, v11;
	v10 =	vpop (erf)  }
0x33d: {  	v8 =	vld [tilespmem:s29+$0x10330];
	(erf) = vpow2.f32 v6;
	v11 =	vnsel vm1, $0x0, v12;
	v6 =	vmul.f32 v10, v0  }
0x33e: {  	v9 =	vmul.f32 v9, v9;
	v12 =	vld [tilespmem:s29+$0xC340];
	vm1 =	vmmov vm5;
	[tilespmem:s0+$0x14510] =	vst v11;
	v11 =	vmul.f32 v3, v2  }
0x33f: {  	v10 =	vmul.f32 v5, v5;
	v5 =	vpop (erf);
	v7 =	vsub.f32 v4, v7;
	v13 =	vld [tilespmem:s29+$0x10340];
	v6 =	vnsel vm3, $0x0, v6  }
0x340: {  	vm5 =	vmmov vm4;
	v5 =	vmul.f32 v5, v0;
	v14 =	vld [tilespmem:s29+$0xC350];
	v11 =	vmul.f32 $1.442695020e+00, v11;
	[tilespmem:s0+$0x14520] =	vst v6  }
0x341: {  	vm7 =	vle.f32 v10, v1;
	v6 =	vmul.f32 v10, v2;
	v7 =	vmul.f32 v7, v7;
	v10 =	vld [tilespmem:s29+$0x10350]  }
0x342: {  	v8 =	vsub.f32 v15, v8;
	v15 =	vld [tilespmem:s29+$0xC360];
	(erf) = vpow2.f32 v11;
	v11 =	vmul.f32 v9, v2  }
0x343: {  	vm6 =	vle.f32 v9, v1;
	v6 =	vmul.f32 $1.442695020e+00, v6;
	v9 =	vld [tilespmem:s29+$0x10360];
	v63 =	vmul.f32 v7, v2  }
0x344: {  	v8 =	vmul.f32 v8, v8;
	v12 =	vsub.f32 v12, v13;
	v11 =	vmul.f32 $1.442695020e+00, v11  }
0x345: {  	vm4 =	vle.f32 v7, v1;
	(erf) = vpow2.f32 v6;
	v13 =	vmul.f32 $1.442695020e+00, v63  }
0x346: {  	v4 =	vpop (erf);
	v6 =	vmul.f32 v8, v2;
	v7 =	vmul.f32 v12, v12;
	v12 =	vsub.f32 v14, v10  }
0x347: {  	v4 =	vmul.f32 v4, v0;
	vm8 =	vle.f32 v8, v1;
	(erf) = vpow2.f32 v11  }
0x348: {  	v15 =	vsub.f32 v15, v9;
	v8 =	vpop (erf);
	(erf) = vpow2.f32 v13;
	v14 =	vmul.f32 v12, v12  }
0x349: {  	s3 =	simm.s32 $0x400;
	v10 =	vmul.f32 v7, v2;
	v12 =	vmul.f32 $1.442695020e+00, v6;
	vm3 =	vle.f32 v7, v1  }
0x34a: {  	s16 =	simm.s32 $0x1800;
	v9 =	vld [tilespmem:s3+$0xC370];
	v6 =	vpop (erf);
	v7 =	vmul.f32 v15, v15;
	v11 =	vmul.f32 v14, v2;
	vm9 =	vle.f32 v14, v1  }
.LBB2_15:
0x34b: {  	v10 =	vmul.f32 $1.442695020e+00, v10;
	(erf) = vpow2.f32 v12;
	v5 =	vnsel vm2, $0x0, v5  }
0x34c: {  	p1 =	sne.s32 s16, $0xF800;
	v13 =	vld [tilespmem:s3+$0x10370];
	v12 =	vpop (erf);
	vm2 =	vmmov vm8;
	vm10 =	vmmov vm0;
	vm0 =	vmmov vm9  }
0x34d: {  	v14 =	vld [tilespmem:s3+$0xC300];
	v15 =	vmul.f32 v7, v2;
	vm8 =	vle.f32 v7, v1;
	v7 =	vmul.f32 v12, v0;
	[tilespmem:s0+$0x14530] =	vst v5  }
0x34e: {  	vm9 =	vle.f32 v3, v1;
	v16 =	vmul.f32 $1.442695020e+00, v11;
	v5 =	vld [tilespmem:s3+$0x10300];
	(erf) = vpow2.f32 v10  }
0x34f: {  	v8 =	vmul.f32 v8, v0;
	v10 =	vld [tilespmem:s3+$0xC310];
	v3 =	vmul.f32 $1.442695020e+00, v15;
	v7 =	vnsel vm9, $0x0, v7;
	v12 =	vpop (erf)  }
0x350: {  	v4 =	vnsel vm5, $0x0, v4;
	v15 =	vld [tilespmem:s3+$0x10310];
	v12 =	vmul.f32 v12, v0;
	[tilespmem:s29+$0x14570] =	vst v7;
	(erf) = vpow2.f32 v16  }
0x351: {  	v7 =	vld [tilespmem:s3+$0xC320];
	v16 =	vsub.f32 v9, v13;
	v11 =	vpop (erf);
	(erf) = vpow2.f32 v3;
	[tilespmem:s0+$0x14540] =	vst v4;
	v4 =	vmul.f32 v6, v0  }
0x352: {  	v8 =	vnsel vm10, $0x0, v8;
	v6 =	vld [tilespmem:s3+$0x10320];
	v12 =	vnsel vm7, $0x0, v12;
	v11 =	vmul.f32 v11, v0  }
0x353: {  	v17 =	vsub.f32 v14, v5;
	v13 =	vld [tilespmem:s3+$0xC330];
	v3 =	vmul.f32 v16, v16;
	[tilespmem:s29+$0x14500] =	vst v12;
	v9 =	vpop (erf);
	v4 =	vnsel vm1, $0x0, v4  }
0x354: {  	vm1 =	vmmov vm8;
	v12 =	vld [tilespmem:s3+$0x10330];
	v11 =	vnsel vm6, $0x0, v11;
	v9 =	vmul.f32 v9, v0;
	[tilespmem:s0+$0x14550] =	vst v8  }
0x355: {  	v8 =	vmul.f32 v17, v17;
	v10 =	vsub.f32 v10, v15;
	v14 =	vld [tilespmem:s3+$0xC340];
	v15 =	vmul.f32 v3, v2;
	[tilespmem:s29+$0x14510] =	vst v11;
	v5 =	vpop (erf)  }
0x356: {  	vm5 =	vmmov vm3;
	v11 =	vld [tilespmem:s3+$0x10340];
	v9 =	vnsel vm4, $0x0, v9;
	v5 =	vmul.f32 v5, v0;
	[tilespmem:s0+$0x14560] =	vst v4;
	s0 =	smov.u32 s29;
	s29 =	smov.u32 s3  }
0x357: {  	v10 =	vmul.f32 v10, v10;
	v19 =	vsub.f32 v7, v6;
	v7 =	vld [tilespmem:s29+$0xC350];
	v15 =	vmul.f32 $1.442695020e+00, v15;
	[tilespmem:s0+$0x14520] =	vst v9;
	v4 =	vpop (erf)  }
0x358: {  	v9 =	vmul.f32 v8, v2;
	vm7 =	vle.f32 v8, v1;
	v16 =	vld [tilespmem:s29+$0x10350];
	v4 =	vmul.f32 v4, v0  }
0x359: {  	v17 =	vmul.f32 v19, v19;
	v12 =	vsub.f32 v13, v12;
	v13 =	vld [tilespmem:s29+$0xC360];
	(erf) = vpow2.f32 v15;
	v8 =	vpop (erf)  }
0x35a: {  	v9 =	vmul.f32 $1.442695020e+00, v9;
	v15 =	vmul.f32 v10, v2;
	vm6 =	vle.f32 v10, v1;
	v18 =	vld [tilespmem:s29+$0x10360];
	v6 =	vpop (erf)  }
0x35b: {  	v10 =	vmul.f32 v17, v2;
	v12 =	vmul.f32 v12, v12;
	v11 =	vsub.f32 v14, v11  }
0x35c: {  	v14 =	vmul.f32 $1.442695020e+00, v15;
	vm4 =	vle.f32 v17, v1;
	(erf) = vpow2.f32 v9  }
.Ltmp6:
0x35d: {  	v9 =	vmul.f32 v12, v2;
	v11 =	vmul.f32 v11, v11;
	v7 =	vsub.f32 v7, v16;
	(pc) =	sbr.rel @p1 .LBB2_15-.Ltmp6, $4  }
0x35e: {  	v15 =	vmul.f32 $1.442695020e+00, v10;
	vm8 =	vle.f32 v12, v1;
	(erf) = vpow2.f32 v14  }
0x35f: {  	v10 =	vmul.f32 v11, v2;
	v7 =	vmul.f32 v7, v7;
	v13 =	vsub.f32 v13, v18  }
0x360: {  	s3 =	sshra.s32 s16, $0x2;
	v12 =	vmul.f32 $1.442695020e+00, v9;
	vm3 =	vle.f32 v11, v1;
	(erf) = vpow2.f32 v15  }
0x361: {  	s16 =	sadd.s32 $0x800, s16;
	v9 =	vld [tilespmem:s3+$0xC370];
	v11 =	vmul.f32 v7, v2;
	vm9 =	vle.f32 v7, v1;
	v7 =	vmul.f32 v13, v13  }
0x362: {  	v13 =	vld [tilespmem:s3+$0x10370];
	v5 =	vnsel vm2, $0x0, v5;
	v15 =	vpop (erf)  }
0x363: {  	v14 =	vld [tilespmem:s3+$0xC300];
	[tilespmem:s0+$0x14530] =	vst v5;
	v5 =	vmul.f32 v15, v0  }
0x364: {  	vm2 =	vle.f32 v3, v1  }
0x365: {  	v5 =	vnsel vm2, $0x0, v5  }
0x366: {  	v15 =	vld [tilespmem:s3+$0x10300]  }
0x367: {  	v3 =	vld [tilespmem:s3+$0xC310]  }
0x368: {  	v16 =	vld [tilespmem:s3+$0x10310];
	[tilespmem:s29+$0x14570] =	vst v5;
	v5 =	vpop (erf)  }
0x369: {  	v4 =	vnsel vm5, $0x0, v4;
	v5 =	vmul.f32 v5, v0  }
0x36a: {  	v8 =	vmul.f32 v8, v0;
	v17 =	vld [tilespmem:s3+$0xC320];
	[tilespmem:s0+$0x14540] =	vst v4  }
0x36b: {  	(erf) = vpow2.f32 v12;
	vm0 =	vmmov vm0;
	v4 =	vld [tilespmem:s3+$0x10320];
	v18 =	vpop (erf);
	v5 =	vnsel vm7, $0x0, v5  }
0x36c: {  	v8 =	vnsel vm0, $0x0, v8;
	v12 =	vld [tilespmem:s3+$0xC330];
	[tilespmem:s29+$0x14500] =	vst v5;
	v5 =	vmul.f32 v18, v0  }
0x36d: {  	v10 =	vmul.f32 $1.442695020e+00, v10;
	v6 =	vmul.f32 v6, v0;
	v56 =	vld [tilespmem:s3+$0x10330];
	[tilespmem:s0+$0x14550] =	vst v8;
	v8 =	vsub.f32 v9, v13  }
0x36e: {  	v11 =	vmul.f32 $1.442695020e+00, v11;
	v13 =	vmul.f32 v7, v2;
	v5 =	vnsel vm6, $0x0, v5  }
0x36f: {  	v19 =	vpop (erf);
	(erf) = vpow2.f32 v10;
	v9 =	vld [tilespmem:s3+$0xC340];
	[tilespmem:s29+$0x14510] =	vst v5;
	v5 =	vmul.f32 v8, v8  }
0x370: {  	v8 =	vmul.f32 v19, v0;
	v10 =	vmul.f32 $1.442695020e+00, v13;
	v13 =	vsub.f32 v14, v15  }
0x371: {  	v6 =	vnsel vm1, $0x0, v6;
	v3 =	vsub.f32 v3, v16  }
0x372: {  	(erf) = vpow2.f32 v11;
	v57 =	vld [tilespmem:s3+$0x10340];
	[tilespmem:s0+$0x14560] =	vst v6;
	v6 =	vmul.f32 v5, v2;
	v8 =	vnsel vm4, $0x0, v8  }
0x373: {  	v11 =	vld [tilespmem:s3+$0xC350];
	(erf) = vpow2.f32 v10;
	v10 =	vmul.f32 v13, v13;
	[tilespmem:s29+$0x14520] =	vst v8  }
0x374: {  	v3 =	vmul.f32 v3, v3;
	v13 =	vpop (erf);
	v6 =	vmul.f32 $1.442695020e+00, v6;
	v15 =	vld [tilespmem:s3+$0xC360]  }
0x375: {  	v4 =	vsub.f32 v17, v4;
	v14 =	vmul.f32 v10, v2;
	v8 =	vmul.f32 v13, v0;
	v13 =	vld [tilespmem:s3+$0x10350]  }
0x376: {  	v58 =	vmul.f32 v3, v2;
	v12 =	vsub.f32 v12, v56;
	(erf) = vpow2.f32 v6;
	v6 =	vld [tilespmem:s3+$0x10360]  }
0x377: {  	v4 =	vmul.f32 v4, v4;
	v14 =	vmul.f32 $1.442695020e+00, v14  }
0x378: {  	v16 =	vmul.f32 $1.442695020e+00, v58;
	v12 =	vmul.f32 v12, v12;
	v9 =	vsub.f32 v9, v57  }
0x379: {  	v59 =	vmul.f32 v4, v2;
	(erf) = vpow2.f32 v14  }
0x37a: {  	v14 =	vmul.f32 v12, v2;
	v9 =	vmul.f32 v9, v9  }
0x37b: {  	(erf) = vpow2.f32 v16;
	v11 =	vsub.f32 v11, v13;
	v6 =	vsub.f32 v15, v6  }
0x37c: {  	v13 =	vmul.f32 $1.442695020e+00, v59;
	v14 =	vmul.f32 $1.442695020e+00, v14  }
0x37d: {  	v11 =	vmul.f32 v11, v11;
	v6 =	vmul.f32 v6, v6  }
0x37e: {  	v15 =	vmul.f32 v9, v2;
	(erf) = vpow2.f32 v13  }
0x37f: {  	v13 =	vmul.f32 v11, v2;
	v2 =	vmul.f32 v6, v2;
	_ =	sdelay $0x1  }
0x380: {  	vm0 =	vle.f32 v7, v1;
	v7 =	vpop (erf);
	v15 =	vmul.f32 $1.442695020e+00, v15;
	v2 =	vmul.f32 $1.442695020e+00, v2  }
0x381: {  	v60 =	vpop (erf);
	(erf) = vpow2.f32 v14;
	v13 =	vmul.f32 $1.442695020e+00, v13  }
0x382: {  	v14 =	vpop (erf);
	(erf) = vpow2.f32 v15  }
0x383: {  	vm4 =	vle.f32 v10, v1;
	v10 =	vpop (erf);
	(erf) = vpow2.f32 v13  }
0x384: {  	vm2 =	vmmov vm8;
	vm5 =	vle.f32 v3, v1;
	(erf) = vpow2.f32 v2;
	v2 =	vpop (erf)  }
0x385: {  	vm6 =	vle.f32 v4, v1;
	v3 =	vmul.f32 v10, v0;
	v2 =	vmul.f32 v2, v0  }
0x386: {  	v7 =	vmul.f32 v7, v0;
	v4 =	vnsel vm2, $0x0, v8;
	vm2 =	vle.f32 v5, v1  }
0x387: {  	vm3 =	vmmov vm3;
	[tilespmem:s29+$0x14530] =	vst v4;
	v3 =	vnsel vm2, $0x0, v3;
	v2 =	vnsel vm4, $0x0, v2  }
0x388: {  	vm1 =	vmmov vm9;
	v5 =	vmul.f32 v60, v0;
	[tilespmem:s3+$0x14570] =	vst v3;
	v3 =	vnsel vm3, $0x0, v7  }
0x389: {  	vm1 =	vmmov vm1;
	[tilespmem:s29+$0x14540] =	vst v3;
	v4 =	vpop (erf)  }
0x38a: {  	v5 =	vnsel vm1, $0x0, v5;
	v3 =	vmul.f32 v4, v0;
	v4 =	vmul.f32 v14, v0;
	[tilespmem:s3+$0x14500] =	vst v2;
	v2 =	vpop (erf)  }
0x38b: {  	vm0 =	vmmov vm0;
	vm7 =	vle.f32 v12, v1;
	v2 =	vmul.f32 v2, v0  }
0x38c: {  	vm2 =	vle.f32 v9, v1;
	vm3 =	vle.f32 v11, v1;
	v4 =	vnsel vm0, $0x0, v4  }
0x38d: {  	v3 =	vnsel vm5, $0x0, v3;
	vm0 =	vle.f32 v6, v1;
	[tilespmem:s29+$0x14550] =	vst v5;
	v5 =	vpop (erf);
	v1 =	vnsel vm6, $0x0, v2  }
0x38e: {  	[tilespmem:s3+$0x14510] =	vst v3;
	v3 =	vmul.f32 v5, v0;
	v5 =	vpop (erf)  }
0x38f: {  	vm1 =	vmmov vm7;
	vm2 =	vmmov vm2;
	[tilespmem:s29+$0x14560] =	vst v4;
	v2 =	vmul.f32 v5, v0;
	v4 =	vpop (erf)  }
0x390: {  	vm3 =	vmmov vm3;
	[tilespmem:s3+$0x14520] =	vst v1;
	v3 =	vnsel vm1, $0x0, v3;
	v4 =	vmul.f32 v4, v0;
	v1 =	vpop (erf)  }
0x391: {  	vm1 =	vmmov vm3;
	[tilespmem:s3+$0x14530] =	vst v3;
	v2 =	vnsel vm2, $0x0, v2;
	v0 =	vmul.f32 v1, v0  }
0x392: {  	vm0 =	vmmov vm0;
	[tilespmem:s3+$0x14540] =	vst v2;
	v1 =	vnsel vm1, $0x0, v4  }
0x393: {  	[tilespmem:s3+$0x14550] =	vst v1;
	v0 =	vnsel vm0, $0x0, v0  }
0x394: {  	[tilespmem:s3+$0x14560] =	vst v0  }
0x395: {  	s0 =	simm.s32 $0x0;
	v0 =	vld [tilespmem:$0x14380]  }
0x396: {  	v1 =	vld [tilespmem:s0+$0xC3F0]  }
0x397: {  	v2 =	vld [tilespmem:s0+$0x103F0]  }
0x398: {  	v3 =	vld [tilespmem:s0+$0xC380]  }
0x399: {  	v4 =	vld [tilespmem:s0+$0x10380]  }
0x39a: {  	v6 =	vld [tilespmem:s0+$0xC390]  }
0x39b: {  	v7 =	vld [tilespmem:s0+$0x10390]  }
0x39c: {  	v8 =	vld [tilespmem:s0+$0xC3A0];
	v5 =	vmul.f32 v0, v0;
	v1 =	vsub.f32 v1, v2  }
0x39d: {  	v10 =	vld [tilespmem:s0+$0x103B0]  }
0x39e: {  	v2 =	vsub.f32 $0.0e+00, v5;
	v9 =	vmul.f32 v1, v1;
	(erf) = vrcp.f32 v5;
	v1 =	vld [tilespmem:s0+$0x103A0]  }
0x39f: {  	v3 =	vsub.f32 v3, v4;
	v4 =	vld [tilespmem:s0+$0xC3B0]  }
0x3a0: {  	v5 =	vmul.f32 v9, v2  }
0x3a1: {  	v11 =	vld [tilespmem:s0+$0x103C0];
	v3 =	vmul.f32 v3, v3  }
0x3a2: {  	v6 =	vsub.f32 v6, v7;
	v7 =	vld [tilespmem:s0+$0xC3C0];
	v5 =	vmul.f32 $1.442695020e+00, v5  }
0x3a3: {  	v13 =	vld [tilespmem:s0+$0x103D0];
	v0 =	vmul.f32 $5.641896130e-01, v0;
	v12 =	vmul.f32 v3, v2;
	v1 =	vsub.f32 v8, v1  }
0x3a4: {  	v4 =	vsub.f32 v4, v10;
	v8 =	vld [tilespmem:s0+$0xC3D0];
	(erf) = vpow2.f32 v5;
	v5 =	vmul.f32 v6, v6  }
0x3a5: {  	v6 =	vmul.f32 $1.442695020e+00, v12;
	v10 =	vmul.f32 v1, v1  }
0x3a6: {  	v4 =	vmul.f32 v4, v4;
	v12 =	vmul.f32 v5, v2  }
0x3a7: {  	v7 =	vsub.f32 v7, v11;
	(erf) = vpow2.f32 v6;
	v1 =	vpop (erf);
	v14 =	vmul.f32 v10, v2  }
0x3a8: {  	v6 =	vld [tilespmem:s0+$0xC3E0];
	v1 =	vmul.f32 $9.000000000e+00, v1;
	v11 =	vmul.f32 $1.442695020e+00, v12  }
0x3a9: {  	s29 =	simm.s32 $0x200;
	v7 =	vmul.f32 v7, v7;
	v15 =	vmul.f32 v4, v2;
	v12 =	vld [tilespmem:s0+$0x103E0];
	v8 =	vsub.f32 v8, v13  }
0x3aa: {  	v62 =	vld [tilespmem:s29+$0xC380];
	(erf) = vpow2.f32 v11;
	vm0 =	vle.f32 v3, v1;
	v3 =	vmul.f32 $1.442695020e+00, v14  }
0x3ab: {  	v15 =	vmul.f32 $1.442695020e+00, v15;
	v13 =	vmul.f32 v7, v2;
	v11 =	vld [tilespmem:s29+$0xC3F0]  }
0x3ac: {  	v14 =	vld [tilespmem:s29+$0x103F0];
	vm1 =	vle.f32 v5, v1;
	v8 =	vmul.f32 v8, v8;
	(erf) = vpow2.f32 v3  }
0x3ad: {  	v5 =	vld [tilespmem:s29+$0x10380];
	vm2 =	vle.f32 v9, v1;
	vm3 =	vle.f32 v10, v1;
	vm4 =	vle.f32 v7, v1;
	v61 =	vpop (erf)  }
0x3ae: {  	v10 =	vmul.f32 v8, v2;
	v6 =	vsub.f32 v6, v12;
	v3 =	vmul.f32 v61, v0  }
0x3af: {  	v9 =	vld [tilespmem:s29+$0xC390];
	vm5 =	vle.f32 v8, v1;
	v12 =	vmul.f32 $1.442695020e+00, v13;
	(erf) = vpow2.f32 v15  }
0x3b0: {  	v13 =	vld [tilespmem:s29+$0x10390];
	v10 =	vmul.f32 $1.442695020e+00, v10;
	v6 =	vmul.f32 v6, v6;
	v15 =	vpop (erf);
	v3 =	vnsel vm2, $0x0, v3  }
0x3b1: {  	(erf) = vpow2.f32 v12;
	v11 =	vsub.f32 v11, v14;
	[tilespmem:s0+$0x145F0] =	vst v3;
	v3 =	vmul.f32 v15, v0  }
0x3b2: {  	v5 =	vsub.f32 v62, v5;
	vm2 =	vle.f32 v4, v1;
	v8 =	vmul.f32 v6, v2;
	v4 =	vld [tilespmem:s29+$0xC3A0]  }
0x3b3: {  	(erf) = vpow2.f32 v10;
	v7 =	vld [tilespmem:s29+$0x103A0];
	v12 =	vpop (erf);
	v3 =	vnsel vm0, $0x0, v3;
	vm0 =	vmmov vm5  }
0x3b4: {  	vm5 =	vle.f32 v6, v1;
	v6 =	vmul.f32 $1.442695020e+00, v8;
	v12 =	vmul.f32 v12, v0  }
0x3b5: {  	vm2 =	vmmov vm2;
	v15 =	vld [tilespmem:s29+$0xC3B0];
	v9 =	vsub.f32 v9, v13;
	[tilespmem:s0+$0x14580] =	vst v3;
	v3 =	vmul.f32 v11, v11;
	v10 =	vpop (erf)  }
0x3b6: {  	v8 =	vld [tilespmem:s29+$0x103B0];
	(erf) = vpow2.f32 v6;
	v11 =	vnsel vm1, $0x0, v12;
	v6 =	vmul.f32 v10, v0  }
0x3b7: {  	v9 =	vmul.f32 v9, v9;
	v12 =	vld [tilespmem:s29+$0xC3C0];
	vm1 =	vmmov vm5;
	[tilespmem:s0+$0x14590] =	vst v11;
	v11 =	vmul.f32 v3, v2  }
0x3b8: {  	v10 =	vmul.f32 v5, v5;
	v5 =	vpop (erf);
	v7 =	vsub.f32 v4, v7;
	v13 =	vld [tilespmem:s29+$0x103C0];
	v6 =	vnsel vm3, $0x0, v6  }
0x3b9: {  	vm5 =	vmmov vm4;
	v5 =	vmul.f32 v5, v0;
	v14 =	vld [tilespmem:s29+$0xC3D0];
	v11 =	vmul.f32 $1.442695020e+00, v11;
	[tilespmem:s0+$0x145A0] =	vst v6  }
0x3ba: {  	vm7 =	vle.f32 v10, v1;
	v6 =	vmul.f32 v10, v2;
	v7 =	vmul.f32 v7, v7;
	v10 =	vld [tilespmem:s29+$0x103D0]  }
0x3bb: {  	v8 =	vsub.f32 v15, v8;
	v15 =	vld [tilespmem:s29+$0xC3E0];
	(erf) = vpow2.f32 v11;
	v11 =	vmul.f32 v9, v2  }
0x3bc: {  	vm6 =	vle.f32 v9, v1;
	v6 =	vmul.f32 $1.442695020e+00, v6;
	v9 =	vld [tilespmem:s29+$0x103E0];
	v63 =	vmul.f32 v7, v2  }
0x3bd: {  	v8 =	vmul.f32 v8, v8;
	v12 =	vsub.f32 v12, v13;
	v11 =	vmul.f32 $1.442695020e+00, v11  }
0x3be: {  	vm4 =	vle.f32 v7, v1;
	(erf) = vpow2.f32 v6;
	v13 =	vmul.f32 $1.442695020e+00, v63  }
0x3bf: {  	v4 =	vpop (erf);
	v6 =	vmul.f32 v8, v2;
	v7 =	vmul.f32 v12, v12;
	v12 =	vsub.f32 v14, v10  }
0x3c0: {  	v4 =	vmul.f32 v4, v0;
	vm8 =	vle.f32 v8, v1;
	(erf) = vpow2.f32 v11  }
0x3c1: {  	v15 =	vsub.f32 v15, v9;
	v8 =	vpop (erf);
	(erf) = vpow2.f32 v13;
	v14 =	vmul.f32 v12, v12  }
0x3c2: {  	s3 =	simm.s32 $0x400;
	v10 =	vmul.f32 v7, v2;
	v12 =	vmul.f32 $1.442695020e+00, v6;
	vm3 =	vle.f32 v7, v1  }
0x3c3: {  	s16 =	simm.s32 $0x1800;
	v9 =	vld [tilespmem:s3+$0xC3F0];
	v6 =	vpop (erf);
	v7 =	vmul.f32 v15, v15;
	v11 =	vmul.f32 v14, v2;
	vm9 =	vle.f32 v14, v1  }
.LBB2_17:
0x3c4: {  	v10 =	vmul.f32 $1.442695020e+00, v10;
	(erf) = vpow2.f32 v12;
	v5 =	vnsel vm2, $0x0, v5  }
0x3c5: {  	p1 =	sne.s32 s16, $0xF800;
	v13 =	vld [tilespmem:s3+$0x103F0];
	v12 =	vpop (erf);
	vm2 =	vmmov vm8;
	vm10 =	vmmov vm0;
	vm0 =	vmmov vm9  }
0x3c6: {  	v14 =	vld [tilespmem:s3+$0xC380];
	v15 =	vmul.f32 v7, v2;
	vm8 =	vle.f32 v7, v1;
	v7 =	vmul.f32 v12, v0;
	[tilespmem:s0+$0x145B0] =	vst v5  }
0x3c7: {  	vm9 =	vle.f32 v3, v1;
	v16 =	vmul.f32 $1.442695020e+00, v11;
	v5 =	vld [tilespmem:s3+$0x10380];
	(erf) = vpow2.f32 v10  }
0x3c8: {  	v8 =	vmul.f32 v8, v0;
	v10 =	vld [tilespmem:s3+$0xC390];
	v3 =	vmul.f32 $1.442695020e+00, v15;
	v7 =	vnsel vm9, $0x0, v7;
	v12 =	vpop (erf)  }
0x3c9: {  	v4 =	vnsel vm5, $0x0, v4;
	v15 =	vld [tilespmem:s3+$0x10390];
	v12 =	vmul.f32 v12, v0;
	[tilespmem:s29+$0x145F0] =	vst v7;
	(erf) = vpow2.f32 v16  }
0x3ca: {  	v7 =	vld [tilespmem:s3+$0xC3A0];
	v16 =	vsub.f32 v9, v13;
	v11 =	vpop (erf);
	(erf) = vpow2.f32 v3;
	[tilespmem:s0+$0x145C0] =	vst v4;
	v4 =	vmul.f32 v6, v0  }
0x3cb: {  	v8 =	vnsel vm10, $0x0, v8;
	v6 =	vld [tilespmem:s3+$0x103A0];
	v12 =	vnsel vm7, $0x0, v12;
	v11 =	vmul.f32 v11, v0  }
0x3cc: {  	v17 =	vsub.f32 v14, v5;
	v13 =	vld [tilespmem:s3+$0xC3B0];
	v3 =	vmul.f32 v16, v16;
	[tilespmem:s29+$0x14580] =	vst v12;
	v9 =	vpop (erf);
	v4 =	vnsel vm1, $0x0, v4  }
0x3cd: {  	vm1 =	vmmov vm8;
	v12 =	vld [tilespmem:s3+$0x103B0];
	v11 =	vnsel vm6, $0x0, v11;
	v9 =	vmul.f32 v9, v0;
	[tilespmem:s0+$0x145D0] =	vst v8  }
0x3ce: {  	v8 =	vmul.f32 v17, v17;
	v10 =	vsub.f32 v10, v15;
	v14 =	vld [tilespmem:s3+$0xC3C0];
	v15 =	vmul.f32 v3, v2;
	[tilespmem:s29+$0x14590] =	vst v11;
	v5 =	vpop (erf)  }
0x3cf: {  	vm5 =	vmmov vm3;
	v11 =	vld [tilespmem:s3+$0x103C0];
	v9 =	vnsel vm4, $0x0, v9;
	v5 =	vmul.f32 v5, v0;
	[tilespmem:s0+$0x145E0] =	vst v4;
	s0 =	smov.u32 s29;
	s29 =	smov.u32 s3  }
0x3d0: {  	v10 =	vmul.f32 v10, v10;
	v19 =	vsub.f32 v7, v6;
	v7 =	vld [tilespmem:s29+$0xC3D0];
	v15 =	vmul.f32 $1.442695020e+00, v15;
	[tilespmem:s0+$0x145A0] =	vst v9;
	v4 =	vpop (erf)  }
0x3d1: {  	v9 =	vmul.f32 v8, v2;
	vm7 =	vle.f32 v8, v1;
	v16 =	vld [tilespmem:s29+$0x103D0];
	v4 =	vmul.f32 v4, v0  }
0x3d2: {  	v17 =	vmul.f32 v19, v19;
	v12 =	vsub.f32 v13, v12;
	v13 =	vld [tilespmem:s29+$0xC3E0];
	(erf) = vpow2.f32 v15;
	v8 =	vpop (erf)  }
0x3d3: {  	v9 =	vmul.f32 $1.442695020e+00, v9;
	v15 =	vmul.f32 v10, v2;
	vm6 =	vle.f32 v10, v1;
	v18 =	vld [tilespmem:s29+$0x103E0];
	v6 =	vpop (erf)  }
0x3d4: {  	v10 =	vmul.f32 v17, v2;
	v12 =	vmul.f32 v12, v12;
	v11 =	vsub.f32 v14, v11  }
0x3d5: {  	v14 =	vmul.f32 $1.442695020e+00, v15;
	vm4 =	vle.f32 v17, v1;
	(erf) = vpow2.f32 v9  }
.Ltmp7:
0x3d6: {  	v9 =	vmul.f32 v12, v2;
	v11 =	vmul.f32 v11, v11;
	v7 =	vsub.f32 v7, v16;
	(pc) =	sbr.rel @p1 .LBB2_17-.Ltmp7, $4  }
0x3d7: {  	v15 =	vmul.f32 $1.442695020e+00, v10;
	vm8 =	vle.f32 v12, v1;
	(erf) = vpow2.f32 v14  }
0x3d8: {  	v10 =	vmul.f32 v11, v2;
	v7 =	vmul.f32 v7, v7;
	v13 =	vsub.f32 v13, v18  }
0x3d9: {  	s3 =	sshra.s32 s16, $0x2;
	v12 =	vmul.f32 $1.442695020e+00, v9;
	vm3 =	vle.f32 v11, v1;
	(erf) = vpow2.f32 v15  }
0x3da: {  	s16 =	sadd.s32 $0x800, s16;
	v9 =	vld [tilespmem:s3+$0xC3F0];
	v11 =	vmul.f32 v7, v2;
	vm9 =	vle.f32 v7, v1;
	v7 =	vmul.f32 v13, v13  }
0x3db: {  	v13 =	vld [tilespmem:s3+$0x103F0];
	v5 =	vnsel vm2, $0x0, v5;
	v15 =	vpop (erf)  }
0x3dc: {  	v14 =	vld [tilespmem:s3+$0xC380];
	[tilespmem:s0+$0x145B0] =	vst v5;
	v54 =	vmul.f32 v15, v0  }
0x3dd: {  	vm10 =	vle.f32 v3, v1;
	v55 =	vld [tilespmem:s3+$0x10380]  }
0x3de: {  	(erf) = vpow2.f32 v12;
	v8 =	vmul.f32 v8, v0;
	v56 =	vld [tilespmem:s3+$0xC390];
	v5 =	vnsel vm10, $0x0, v54;
	v57 =	vpop (erf)  }
0x3df: {  	v4 =	vnsel vm5, $0x0, v4;
	v10 =	vmul.f32 $1.442695020e+00, v10;
	v16 =	vld [tilespmem:s3+$0x10390];
	[tilespmem:s29+$0x145F0] =	vst v5;
	v5 =	vmul.f32 v57, v0  }
0x3e0: {  	vm0 =	vmmov vm0;
	v6 =	vmul.f32 v6, v0;
	v63 =	vmul.f32 v7, v2;
	v17 =	vld [tilespmem:s3+$0xC3A0];
	[tilespmem:s0+$0x145C0] =	vst v4;
	v18 =	vpop (erf)  }
0x3e1: {  	v11 =	vmul.f32 $1.442695020e+00, v11;
	v4 =	vld [tilespmem:s3+$0x103A0];
	v5 =	vnsel vm7, $0x0, v5;
	v59 =	vmul.f32 v18, v0  }
0x3e2: {  	v8 =	vnsel vm0, $0x0, v8;
	v6 =	vnsel vm1, $0x0, v6;
	v61 =	vsub.f32 v9, v13;
	v58 =	vld [tilespmem:s3+$0xC3B0];
	[tilespmem:s29+$0x14580] =	vst v5;
	v19 =	vpop (erf)  }
0x3e3: {  	v24 =	vmul.f32 $1.442695020e+00, v63;
	v60 =	vld [tilespmem:s3+$0x103B0];
	[tilespmem:s0+$0x145D0] =	vst v8;
	v5 =	vnsel vm6, $0x0, v59;
	v22 =	vmul.f32 v19, v0  }
0x3e4: {  	v21 =	vmul.f32 v61, v61;
	(erf) = vpow2.f32 v10;
	v25 =	vsub.f32 v14, v55;
	v62 =	vld [tilespmem:s3+$0xC3C0];
	[tilespmem:s29+$0x14590] =	vst v5  }
0x3e5: {  	v3 =	vsub.f32 v56, v16;
	(erf) = vpow2.f32 v11;
	v23 =	vld [tilespmem:s3+$0x103C0];
	[tilespmem:s0+$0x145E0] =	vst v6;
	v8 =	vnsel vm4, $0x0, v22  }
0x3e6: {  	v26 =	vmul.f32 v21, v2;
	v28 =	vmul.f32 v25, v25;
	v27 =	vld [tilespmem:s3+$0xC3D0];
	[tilespmem:s29+$0x145A0] =	vst v8  }
0x3e7: {  	(erf) = vpow2.f32 v24;
	v3 =	vmul.f32 v3, v3;
	v4 =	vsub.f32 v17, v4;
	v31 =	vld [tilespmem:s3+$0x103D0]  }
0x3e8: {  	v6 =	vmul.f32 $1.442695020e+00, v26;
	v32 =	vmul.f32 v28, v2;
	v33 =	vld [tilespmem:s3+$0xC3E0]  }
0x3e9: {  	v35 =	vmul.f32 v3, v2;
	v34 =	vld [tilespmem:s3+$0x103E0];
	v4 =	vmul.f32 v4, v4  }
0x3ea: {  	v12 =	vsub.f32 v58, v60;
	(erf) = vpow2.f32 v6;
	v14 =	vmul.f32 $1.442695020e+00, v32  }
0x3eb: {  	v16 =	vmul.f32 $1.442695020e+00, v35;
	v36 =	vmul.f32 v4, v2;
	v9 =	vsub.f32 v62, v23  }
0x3ec: {  	v12 =	vmul.f32 v12, v12;
	(erf) = vpow2.f32 v14  }
0x3ed: {  	(erf) = vpow2.f32 v16;
	v9 =	vmul.f32 v9, v9;
	v11 =	vsub.f32 v27, v31  }
0x3ee: {  	v37 =	vmul.f32 v12, v2;
	v38 =	vmul.f32 $1.442695020e+00, v36;
	v6 =	vsub.f32 v33, v34  }
0x3ef: {  	vm11 =	vmmov vm8;
	v39 =	vmul.f32 v9, v2;
	v11 =	vmul.f32 v11, v11  }
0x3f0: {  	vm3 =	vmmov vm3;
	v14 =	vmul.f32 $1.442695020e+00, v37;
	v6 =	vmul.f32 v6, v6  }
0x3f1: {  	vm12 =	vle.f32 v7, v1;
	v29 =	vpop (erf);
	(erf) = vpow2.f32 v38;
	v40 =	vmul.f32 v11, v2  }
0x3f2: {  	vm1 =	vmmov vm9;
	v41 =	vpop (erf);
	v15 =	vmul.f32 $1.442695020e+00, v39;
	v42 =	vmul.f32 v6, v2  }
0x3f3: {  	vm0 =	vmmov vm12;
	v43 =	vpop (erf);
	(erf) = vpow2.f32 v14;
	v13 =	vmul.f32 $1.442695020e+00, v40  }
0x3f4: {  	vm1 =	vmmov vm1;
	v44 =	vpop (erf);
	(erf) = vpow2.f32 v15;
	v2 =	vmul.f32 $1.442695020e+00, v42  }
0x3f5: {  	vm9 =	vle.f32 v21, v1;
	v30 =	vmul.f32 v29, v0;
	v45 =	vpop (erf);
	(erf) = vpow2.f32 v13  }
0x3f6: {  	vm13 =	vle.f32 v28, v1;
	v46 =	vmul.f32 v45, v0;
	(erf) = vpow2.f32 v2  }
0x3f7: {  	vm14 =	vle.f32 v3, v1;
	v48 =	vnsel vm11, $0x0, v30;
	v7 =	vmul.f32 v41, v0;
	v47 =	vpop (erf)  }
0x3f8: {  	[tilespmem:s29+$0x145B0] =	vst v48;
	vm15 =	vle.f32 v4, v1;
	v3 =	vnsel vm9, $0x0, v46;
	v2 =	vmul.f32 v47, v0  }
0x3f9: {  	vm10 =	vle.f32 v12, v1;
	v50 =	vmul.f32 v43, v0;
	v51 =	vnsel vm3, $0x0, v7;
	v49 =	vpop (erf);
	[tilespmem:s3+$0x145F0] =	vst v3  }
0x3fa: {  	vm11 =	vle.f32 v9, v1;
	v52 =	vmul.f32 v49, v0;
	[tilespmem:s29+$0x145C0] =	vst v51;
	v2 =	vnsel vm13, $0x0, v2  }
0x3fb: {  	v53 =	vmul.f32 v44, v0;
	v5 =	vnsel vm1, $0x0, v50;
	vm2 =	vmmov vm11;
	v54 =	vpop (erf);
	[tilespmem:s3+$0x14580] =	vst v2  }
0x3fc: {  	vm12 =	vle.f32 v11, v1;
	v3 =	vnsel vm14, $0x0, v52;
	v2 =	vmul.f32 v54, v0;
	[tilespmem:s29+$0x145D0] =	vst v5;
	v55 =	vpop (erf)  }
0x3fd: {  	v4 =	vnsel vm0, $0x0, v53;
	vm3 =	vmmov vm12;
	[tilespmem:s3+$0x14590] =	vst v3;
	v56 =	vmul.f32 v55, v0;
	v57 =	vpop (erf)  }
0x3fe: {  	vm13 =	vmmov vm10;
	v58 =	vnsel vm15, $0x0, v2;
	[tilespmem:s29+$0x145E0] =	vst v4;
	v59 =	vmul.f32 v57, v0;
	v60 =	vpop (erf)  }
0x3ff: {  	vm14 =	vle.f32 v6, v1;
	[tilespmem:s3+$0x145A0] =	vst v58;
	v3 =	vnsel vm13, $0x0, v56;
	v61 =	vpop (erf);
	v4 =	vmul.f32 v60, v0  }
.Ltmp8:
0x400: {  	vm15 =	vmmov vm3;
	[tilespmem:s3+$0x145B0] =	vst v3;
	v2 =	vnsel vm2, $0x0, v59;
	v62 =	vmul.f32 v61, v0;
	(pc) =	sbr.rel @p0 .LBB2_2-.Ltmp8, $4  }
0x401: {  	vm0 =	vmmov vm14;
	[tilespmem:s3+$0x145C0] =	vst v2;
	v63 =	vnsel vm15, $0x0, v4  }
0x402: {  	s31 =	sadd.s32 s6, s28;
	v0 =	vnsel vm0, $0x0, v62;
	[tilespmem:s3+$0x145D0] =	vst v63  }
0x403: {  	s30 =	simm.s32 $0x1;
	p2 =	por $0x0, $0x0;
	p1 =	por $0x1, $0x1;
	[tilespmem:s3+$0x145E0] =	vst v0  }
0x404: {  	[hbm4b:s31+s14] =	stream.strided.scatter [tilespmem:s23], [sflag:$0x4], $0x4000, s15, s14, $0x38;
	[tilespmem:$0x18400] =	vst v63  }
0x405: {  	s26 =	sadd.s32 $0x1, s26  }
0x406: {  	_ =	swait.ge [sflag:s24], $0x4000;
	p0 =	sne.s32 s26, s13  }
.Ltmp9:
0x407: {  	[sflag:s24] =	ssyncset.done $0x0;
	(pc) =	sbr.rel @p0 .LBB2_1-.Ltmp9, $4  }
0x408: {  	[sflag:s24] =	ssyncadd.s32 $0xFFFFC000  }
0x409: {  	_ =	swait.ge [sflag:s25], $0x4000  }
0x40a: {  	[sflag:s25] =	ssyncset.done $0x0  }
0x40b: {  	[sflag:s25] =	ssyncadd.s32 $0xFFFFC000  }
0x40c: {  	_ =	sfence.sel $0x180000  }
0x40d: {  	[bflag:$0x0] =	sbarrier.arrive $0xFFFF  }
0x40e: {  	_ =	strace $0x90000047  }
0x40f: {  	s0 =	stileid.u32;
	[bflag:$0x2] =	sbarrier.arrive $0xFFFF  }
0x410: {  	p0 =	sne.s32 s0, $0x0;
	s0 =	rddreg [dreg:$0x3]  }
0x411: {  	s0 =	sadd.s32 @!p0 $0x100000, s0  }
0x412: {  	[sflag:s0] =	ssyncadd.tile.s32 @!p0 $0x1;
	_ =	shalt  }
.Lfunc_end2:
_tile_overlayer_lowered:
.L_overlay_start_2:
0x413: {  	(tag) =	ssettag $0x2  }
0x414: {  	s0 =	rddreg [dreg:$0x0];
	s2 =	stileid.u32  }
0x415: {  	s1 =	rddreg [dreg:$0x1];
	p0 =	sne.s32 s2, $0x0  }
0x416: {  	s3 =	rddreg [dreg:$0x2];
	[bflag:$0x3] =	sbarrier.arrive $0xFFFF;
	s2 =	simm.s32 @!p0 $0x1C05  }
0x417: {  	[timem:s3], [sflag:s2] =	dma.local @!p0 [hbm:s0], s1  }
0x418: {  	s0 =	simm.s32 @!p0 $0x5  }
0x419: {  	_ =	swait.ge @!p0 [sflag:s0], s1  }
0x41a: {  	s1 =	ssub.s32 @!p0 $0x0, s1;
	[sflag:s0] =	ssyncset.done @!p0 $0x0  }
0x41b: {  	[sflag:s0] =	ssyncadd.s32 @!p0 s1  }
0x41c: {  	[bflag:$0x3] =	sbarrier.arrive $0xFFFF  }
0x41d: {  	_ =	shalt  }

</sc_bundles>
